<compile_context>
chip_gen: v7x
topology: tpu7x:2x2x1
jax: 0.10.2.dev20260603
libtpu: 0.0.44.dev20260713+nightly
codegen_flags: <defaults>
</compile_context>

<pallas_src>
import dataclasses
import functools

import jax
import jax.numpy as jnp
from jax.experimental import pallas as pl
from jax.experimental.pallas import tpu as pltpu
from jax.experimental.pallas import tpu_sc as plsc

B = 16
NUM_JOINTS = 8
H = 128
W = 128
K = 100
THRESH = 0.1
NROWS = B + B * NUM_JOINTS
NCAND = H * W
NEG = float("-inf")
BIGI = 2**30
CAP = 256
NCHUNKG = H // 16
ONE_BITS = 0x3F800000
N_BISECT = 16


def _nms_body(x_ref, o_ref, t_ref, f_ref):
    x = jax.nn.sigmoid(x_ref[...])
    neg = jnp.full_like(x[:, :1, :], NEG)
    m = jnp.maximum(x, jnp.concatenate([x[:, 1:, :], neg], axis=1))
    m = jnp.maximum(m, jnp.concatenate([neg, x[:, :-1, :]], axis=1))
    negc = jnp.full_like(m[:, :, :1], NEG)
    m2 = jnp.maximum(m, jnp.concatenate([m[:, :, 1:], negc], axis=2))
    m2 = jnp.maximum(m2, jnp.concatenate([negc, m[:, :, :-1]], axis=2))
    keep = (m2 == x).astype(x.dtype)
    s = x * keep
    blk = s.shape[0]

    o_ref[...] = jnp.transpose(s, (0, 2, 1))
    cm = jnp.max(s.reshape(blk, NCHUNKG, 16, W), axis=2)

    def bis(_, ab):
        a, b = ab
        mid = (a + b) // 2
        v = jax.lax.bitcast_convert_type(mid, jnp.float32)
        cnt = jnp.sum((s >= v).astype(jnp.int32), axis=(1, 2), keepdims=True)
        ge = cnt >= K
        return jnp.where(ge, mid, a), jnp.where(ge, b, mid)

    a0 = jnp.zeros((blk, 1, 1), jnp.int32)
    b0 = jnp.full((blk, 1, 1), ONE_BITS, jnp.int32)
    a, _ = jax.lax.fori_loop(0, N_BISECT, bis, (a0, b0))
    t = jax.lax.bitcast_convert_type(a, jnp.float32)
    t_ref[...] = jnp.broadcast_to(t.reshape(blk, 1), (blk, 16))
    f_ref[...] = (cm >= t).astype(jnp.int32)


def _nms_pallas(x):
    n = x.shape[0]
    blk = 8
    return pl.pallas_call(
        _nms_body,
        grid=(n // blk,),
        in_specs=[pl.BlockSpec((blk, H, W), lambda i: (i, 0, 0))],
        out_specs=[pl.BlockSpec((blk, W, H), lambda i: (i, 0, 0)),
                   pl.BlockSpec((blk, 16), lambda i: (i, 0)),
                   pl.BlockSpec((blk, NCHUNKG, W), lambda i: (i, 0, 0))],
        out_shape=[jax.ShapeDtypeStruct((n, W, H), jnp.float32),
                   jax.ShapeDtypeStruct((n, 16), jnp.float32),
                   jax.ShapeDtypeStruct((n, NCHUNKG, W), jnp.int32)],
    )(x)


def _compact_sc(x, t, f):
    mesh = plsc.VectorSubcoreMesh(core_axis_name="c", subcore_axis_name="s")
    nunits = 32
    nwaves = (NROWS + nunits - 1) // nunits

    cp = pltpu.CompilerParams()
    if "needs_layout_passes" in pltpu.CompilerParams.__dataclass_fields__:
        cp = dataclasses.replace(cp, needs_layout_passes=False)

    @functools.partial(
        pl.kernel,
        out_type=[jax.ShapeDtypeStruct((NROWS, CAP), jnp.float32),
                  jax.ShapeDtypeStruct((NROWS, CAP), jnp.int32)],
        mesh=mesh,
        compiler_params=cp,
        scratch_types=[pltpu.VMEM((NCAND,), jnp.float32),
                       pltpu.VMEM((16,), jnp.float32),
                       pltpu.VMEM((CAP + 16,), jnp.float32),
                       pltpu.VMEM((CAP + 16,), jnp.int32),
                       pltpu.VMEM((NCHUNKG, W), jnp.int32),
                       pltpu.SMEM((1,), jnp.int32),
                       pltpu.SemaphoreType.DMA],
    )
    def kern(x_hbm, t_hbm, f_hbm, ov_hbm, oi_hbm, xbuf, tbuf, vbuf,
             ibuf, fbuf, cur, sem):
        cid = jax.lax.axis_index("c")
        sid = jax.lax.axis_index("s")
        unit = cid * 16 + sid
        lane = jax.lax.iota(jnp.int32, 16)

        @pl.loop(0, nwaves)
        def _w(w):
            row = unit + w * nunits

            @pl.when(row < NROWS)
            def _():
                xcopy = pltpu.make_async_copy(x_hbm.at[row], xbuf, sem)
                xcopy.start()
                pltpu.sync_copy(f_hbm.at[row], fbuf)
                pltpu.sync_copy(t_hbm.at[row], tbuf)
                tval = tbuf[...][0]
                cur[0] = 0

                @pl.loop(0, (CAP + 16) // 16)
                def _p(p):
                    vbuf[pl.ds(p * 16, 16)] = jnp.full((16,), NEG,
                                                       jnp.float32)
                    ibuf[pl.ds(p * 16, 16)] = jnp.full((16,), BIGI,
                                                       jnp.int32)

                xcopy.wait()

                @pl.loop(0, NCHUNKG)
                def _g(g):
                    @pl.loop(0, W // 16)
                    def _xg(xg):
                        fvec = fbuf[g, pl.ds(xg * 16, 16)]

                        @pl.when(jnp.max(fvec) != 0)
                        def _():
                            for l in range(16):
                                @pl.when(fvec[l] != 0)
                                def _(l=l):
                                    xc = xg * 16 + l
                                    c = xc * NCHUNKG + g
                                    vec = xbuf[pl.ds(c * 16, 16)]
                                    msk = vec >= tval
                                    ix = c * 16 + lane
                                    orig = ((ix & (H - 1)) << 7) + (ix >> 7)
                                    keys = jnp.where(msk, orig, BIGI)
                                    sk, sv = plsc.sort_key_val(keys, vec)
                                    svv = jnp.where(sk < BIGI, sv, NEG)
                                    cc = cur[0]

                                    @pl.when(cc <= CAP)
                                    def _():
                                        vbuf[pl.ds(cc, 16)] = svv
                                        ibuf[pl.ds(cc, 16)] = sk
                                    cur[0] = cc + jnp.sum(
                                        msk.astype(jnp.int32))

                pltpu.sync_copy(vbuf.at[pl.ds(0, CAP)], ov_hbm.at[row])
                pltpu.sync_copy(ibuf.at[pl.ds(0, CAP)], oi_hbm.at[row])

    return kern(x, t, f)


def _sort_body(v_ref, i_ref, vals_ref, inds_ref):
    sv0 = v_ref[...]
    si = i_ref[...]
    koto = jax.lax.broadcasted_iota(jnp.int32, (NROWS, 128), 1)

    def body(j, carry):
        sv, vacc, iacc = carry
        m = jnp.max(sv, axis=1, keepdims=True)
        idx = jnp.min(jnp.where(sv == m, si, BIGI), axis=1, keepdims=True)
        sv = jnp.where((sv == m) & (si == idx), NEG, sv)
        vacc = jnp.where(koto == j, m, vacc)
        iacc = jnp.where(koto == j, idx, iacc)
        return sv, vacc, iacc

    _, vacc, iacc = jax.lax.fori_loop(
        0, K, body,
        (sv0, jnp.zeros((NROWS, 128), jnp.float32),
         jnp.zeros((NROWS, 128), jnp.int32)))
    vals_ref[...] = vacc
    inds_ref[...] = iacc


def _sort_pallas(sval, sidx):
    return pl.pallas_call(
        _sort_body,
        out_shape=[jax.ShapeDtypeStruct((NROWS, 128), jnp.float32),
                   jax.ShapeDtypeStruct((NROWS, 128), jnp.int32)],
    )(sval, sidx)


def _decode_body(f_ref, hsc_ref, hx_ref, hy_ref, bb_ref, kf_ref, kd_ref):
    f = f_ref[0]
    hps = f[:, 0:16]
    regx = f[:, 16:17]
    regy = f[:, 17:18]
    whw = f[:, 18:19]
    whh = f[:, 19:20]
    xsi = f[:, 20:21]
    ysi = f[:, 21:22]
    xs = xsi + regx
    ys = ysi + regy
    l = xs - whw / 2
    t = ys - whh / 2
    r = xs + whw / 2
    btm = ys + whh / 2
    bbox = jnp.concatenate([l, t, r, btm], axis=1)
    bb_ref[0] = bbox[:K]

    ii = jax.lax.broadcasted_iota(jnp.int32, (128, 16), 1)
    kd = hps + jnp.where(ii % 2 == 0, xsi, ysi)
    kd_ref[0] = kd[:K]

    klane = jax.lax.broadcasted_iota(jnp.int32, (128, 128), 1)
    kf = jnp.zeros((128, 16), jnp.float32)
    for j in range(NUM_JOINTS):
        kx = hps[:, 2 * j:2 * j + 1] + xsi
        ky = hps[:, 2 * j + 1:2 * j + 2] + ysi
        hsc = hsc_ref[0, j:j + 1, :]
        msk = hsc > THRESH
        hscm = jnp.where(msk, hsc, -1.0)
        hx = jnp.where(msk, hx_ref[0, j:j + 1, :], -10000.0)
        hy = jnp.where(msk, hy_ref[0, j:j + 1, :], -10000.0)
        dx = kx - hx
        dy = ky - hy
        dist = jnp.sqrt(dx * dx + dy * dy)
        dist = jnp.where(klane < K, dist, jnp.inf)
        mind = jnp.min(dist, axis=1, keepdims=True)
        mini = jnp.min(jnp.where(dist == mind, klane, BIGI), axis=1,
                       keepdims=True)
        selm = klane == mini
        hsg = jnp.sum(jnp.where(selm, jnp.broadcast_to(hscm, (128, 128)), 0.0),
                      axis=1, keepdims=True)
        hxg = jnp.sum(jnp.where(selm, jnp.broadcast_to(hx, (128, 128)), 0.0),
                      axis=1, keepdims=True)
        hyg = jnp.sum(jnp.where(selm, jnp.broadcast_to(hy, (128, 128)), 0.0),
                      axis=1, keepdims=True)
        m6 = ((hxg < l).astype(jnp.int32) + (hxg > r).astype(jnp.int32)
              + (hyg < t).astype(jnp.int32) + (hyg > btm).astype(jnp.int32)
              + (hsg < THRESH).astype(jnp.int32)
              + (mind > jnp.maximum(btm - t, r - l) * 0.3).astype(jnp.int32))
        maskf = m6 > 0
        kfx = jnp.where(maskf, kx, hxg)
        kfy = jnp.where(maskf, ky, hyg)
        kf = jnp.where(ii == 2 * j, kfx, kf)
        kf = jnp.where(ii == 2 * j + 1, kfy, kf)
    kf_ref[0] = kf[:K]


def _decode_pallas(feats, hsc, hxr, hyr):
    return pl.pallas_call(
        _decode_body,
        grid=(B,),
        in_specs=[pl.BlockSpec((1, 128, 23), lambda i: (i, 0, 0)),
                  pl.BlockSpec((1, NUM_JOINTS, 128), lambda i: (i, 0, 0)),
                  pl.BlockSpec((1, NUM_JOINTS, 128), lambda i: (i, 0, 0)),
                  pl.BlockSpec((1, NUM_JOINTS, 128), lambda i: (i, 0, 0))],
        out_specs=[pl.BlockSpec((1, K, 4), lambda i: (i, 0, 0)),
                   pl.BlockSpec((1, K, 16), lambda i: (i, 0, 0)),
                   pl.BlockSpec((1, K, 16), lambda i: (i, 0, 0))],
        out_shape=[jax.ShapeDtypeStruct((B, K, 4), jnp.float32),
                   jax.ShapeDtypeStruct((B, K, 16), jnp.float32),
                   jax.ShapeDtypeStruct((B, K, 16), jnp.float32)],
    )(feats, hsc, hxr, hyr)


def _gather_feat(feat, ind):
    b, n, c = feat.shape
    k = ind.shape[1]
    ind_b = jnp.broadcast_to(ind[:, :, None], (b, k, c))
    return jnp.take_along_axis(feat, ind_b, axis=1)


def _tg(feat, ind):
    b, c, h, w = feat.shape
    k = ind.shape[1]
    f2 = feat.reshape(b, c, h * w)
    g = jnp.take_along_axis(
        f2, jnp.broadcast_to(ind[:, None, :], (b, c, k)), axis=2)
    return jnp.transpose(g, (0, 2, 1))


def kernel(hm, wh, hps, reg, hm_hp, hp_offset, scale):
    batch = B
    num_joints = NUM_JOINTS

    rows = jnp.concatenate(
        [hm.reshape(B, H, W), hm_hp.reshape(B * NUM_JOINTS, H, W)], axis=0)
    nmsd_t, tvec, flags = _nms_pallas(rows)
    sval, sidx = _compact_sc(nmsd_t.reshape(NROWS, NCAND), tvec, flags)
    vals, inds_all = _sort_pallas(sval, sidx)

    scores = vals[:B, :K].reshape(B, K, 1)
    inds = inds_all[:B, :K]
    clses = jnp.zeros((B, K, 1), jnp.float32)

    hm_inds = inds_all[B:, :K].reshape(B, NUM_JOINTS, K)

    hps_g = _tg(hps, inds)
    reg_g = _tg(reg, inds)
    wh_g = _tg(wh, inds)
    obj_scale = _tg(scale, inds).reshape(batch, K, 3)
    hp_off = _tg(hp_offset, hm_inds.reshape(batch, num_joints * K)).reshape(
        batch, num_joints, K, 2)

    hm_x_raw = (hm_inds % W).astype(jnp.float32) + hp_off[:, :, :, 0]
    hm_y_raw = (hm_inds // W).astype(jnp.float32) + hp_off[:, :, :, 1]
    pad_k = [(0, 0), (0, 0), (0, 128 - K)]
    hsc = jnp.pad(vals[B:].reshape(B, NUM_JOINTS, 128)[:, :, :K], pad_k)
    hxr = jnp.pad(hm_x_raw, pad_k)
    hyr = jnp.pad(hm_y_raw, pad_k)

    xs_i = (inds_all[:B] % W).astype(jnp.float32)[:, :, None]
    ys_i = (inds_all[:B] // W).astype(jnp.float32)[:, :, None]
    padr = [(0, 0), (0, 128 - K), (0, 0)]
    feats = jnp.concatenate(
        [jnp.pad(hps_g, padr), jnp.pad(reg_g, padr), jnp.pad(wh_g, padr),
         xs_i, ys_i], axis=2)
    feats = jnp.pad(feats, [(0, 0), (0, 0), (0, 1)])

    bboxes, kps_final, kps_displacement_mean = _decode_pallas(
        feats, hsc, hxr, hyr)
    kps_heatmap_mean = jnp.full((B, K, NUM_JOINTS * 2), -10000.0, jnp.float32)
    return (bboxes, scores, kps_final, clses, obj_scale,
            kps_displacement_mean, kps_heatmap_mean)

# --- scband reference (transcript-rebuilt; emitter-appended) ---
"""Pipeline reference for scband-heatmap-decoder-58858231824720 (READ-ONLY COPY).

The authoritative reference and input builder live on the scoring server;
editing this copy changes nothing except your own understanding.
"""

import jax, jax.numpy as jnp
import numpy as np

B = 16
C_HM = 1
NUM_JOINTS = 8
H = 128
W = 128
NUM_SELECT = 100
THRESH = 0.1


def setup_inputs(seed: int = 0):
    key = jax.random.key(seed)
    ks = jax.random.split(key, 7)
    return {
        "hm": jax.random.normal(ks[0], (B, C_HM, H, W), dtype=jnp.float32),
        "wh": jax.random.uniform(ks[1], (B, 2, H, W), dtype=jnp.float32),
        "hps": jax.random.normal(ks[2], (B, NUM_JOINTS * 2, H, W), dtype=jnp.float32),
        "reg": jax.random.normal(ks[3], (B, 2, H, W), dtype=jnp.float32),
        "hm_hp": jax.random.normal(ks[4], (B, NUM_JOINTS, H, W), dtype=jnp.float32),
        "hp_offset": jax.random.normal(ks[5], (B, 2, H, W), dtype=jnp.float32),
        "scale": jax.random.normal(ks[6], (B, 3, H, W), dtype=jnp.float32),
    }


def _nms(heat):
    hmax = jax.lax.reduce_window(heat, -jnp.inf, jax.lax.max, (1, 1, 3, 3), (1, 1, 1, 1), "SAME")
    keep = (hmax == heat).astype(heat.dtype)
    return heat * keep


def _gather_feat(feat, ind):
    b, n, c = feat.shape
    k = ind.shape[1]
    ind_b = jnp.broadcast_to(ind[:, :, None], (b, k, c))
    return jnp.take_along_axis(feat, ind_b, axis=1)


def _transpose_and_gather_feat(feat, ind):
    b, c, h, w = feat.shape
    feat = jnp.transpose(feat, (0, 2, 3, 1)).reshape(b, h * w, c)
    return _gather_feat(feat, ind)


def _topk(scores, K):
    b, c, h, w = scores.shape
    topk_scores, topk_inds = jax.lax.top_k(scores.reshape(b, c, h * w), K)
    topk_inds = topk_inds % (h * w)
    topk_ys = (topk_inds // w).astype(jnp.float32)
    topk_xs = (topk_inds % w).astype(jnp.float32)
    topk_score, topk_ind = jax.lax.top_k(topk_scores.reshape(b, c * K), K)
    topk_clses = (topk_ind // K).astype(jnp.float32)
    inds = _gather_feat(topk_inds.reshape(b, c * K, 1), topk_ind).reshape(b, K)
    ys = _gather_feat(topk_ys.reshape(b, c * K, 1), topk_ind).reshape(b, K)
    xs = _gather_feat(topk_xs.reshape(b, c * K, 1), topk_ind).reshape(b, K)
    return topk_score, inds, topk_clses, ys, xs


def _topk_channel(scores, K):
    b, c, h, w = scores.shape
    topk_scores, topk_inds = jax.lax.top_k(scores.reshape(b, c, h * w), K)
    topk_inds = topk_inds % (h * w)
    topk_ys = (topk_inds // w).astype(jnp.float32)
    topk_xs = (topk_inds % w).astype(jnp.float32)
    return topk_scores, topk_inds, topk_ys, topk_xs


def _decode(hm, wh, hps, reg, hm_hp, hp_offset, scale):
    K = NUM_SELECT
    heat = jax.nn.sigmoid(hm)
    hm_hp_s = jax.nn.sigmoid(hm_hp)
    batch = hm.shape[0]
    num_joints = hps.shape[1] // 2
    heat = _nms(heat)
    scores, inds, clses, ys, xs = _topk(heat, K)
    kps = _transpose_and_gather_feat(hps, inds).reshape(batch, K, num_joints * 2)
    kps = (kps.reshape(batch, K, num_joints, 2) + jnp.stack([xs, ys], axis=-1)[:, :, None, :]).reshape(batch, K, num_joints * 2)
    reg_g = _transpose_and_gather_feat(reg, inds).reshape(batch, K, 2)
    xs = xs[:, :, None] + reg_g[:, :, 0:1]
    ys = ys[:, :, None] + reg_g[:, :, 1:2]
    clses = clses.reshape(batch, K, 1)
    scores = scores.reshape(batch, K, 1)
    wh_g = _transpose_and_gather_feat(wh, inds).reshape(batch, K, 2)
    bboxes = jnp.concatenate([xs - wh_g[..., 0:1] / 2, ys - wh_g[..., 1:2] / 2, xs + wh_g[..., 0:1] / 2, ys + wh_g[..., 1:2] / 2], axis=2)
    hm_hp_n = _nms(hm_hp_s)
    thresh = THRESH
    kps4 = jnp.transpose(kps.reshape(batch, K, num_joints, 2), (0, 2, 1, 3))
    mask_temp = (jnp.ones((batch, num_joints, K, 1)) > 0).astype(jnp.float32)
    kps_displacement_mean = jnp.transpose(mask_temp * kps4, (0, 2, 1, 3)).reshape(batch, K, num_joints * 2)
    reg_kps = jnp.broadcast_to(kps4[:, :, :, None, :], (batch, num_joints, K, K, 2))
    hm_score, hm_inds, hm_ys, hm_xs = _topk_channel(hm_hp_n, K)
    hp_off = _transpose_and_gather_feat(hp_offset, hm_inds.reshape(batch, num_joints * K)).reshape(batch, num_joints, K, 2)
    hm_xs = hm_xs + hp_off[:, :, :, 0]
    hm_ys = hm_ys + hp_off[:, :, :, 1]
    mask = (hm_score > thresh).astype(jnp.float32)
    hm_score = (1 - mask) * -1 + mask * hm_score
    hm_ys = (1 - mask) * -10000 + mask * hm_ys
    hm_xs = (1 - mask) * -10000 + mask * hm_xs
    hm_kps = jnp.broadcast_to(jnp.stack([hm_xs, hm_ys], axis=-1)[:, :, None, :, :], (batch, num_joints, K, K, 2))
    dist = jnp.sqrt(jnp.sum((reg_kps - hm_kps) ** 2, axis=4))
    min_dist = jnp.min(dist, axis=3)
    min_ind = jnp.argmin(dist, axis=3)
    hm_score_g = jnp.take_along_axis(hm_score, min_ind, axis=2)[..., None]
    min_dist = min_dist[..., None]
    min_ind_e = jnp.broadcast_to(min_ind[:, :, :, None, None], (batch, num_joints, K, 1, 2))
    hm_kps_g = jnp.take_along_axis(hm_kps, min_ind_e, axis=3).reshape(batch, num_joints, K, 2)
    left = jnp.broadcast_to(bboxes[:, :, 0].reshape(batch, 1, K, 1), (batch, num_joints, K, 1))
    top = jnp.broadcast_to(bboxes[:, :, 1].reshape(batch, 1, K, 1), (batch, num_joints, K, 1))
    right = jnp.broadcast_to(bboxes[:, :, 2].reshape(batch, 1, K, 1), (batch, num_joints, K, 1))
    bottom = jnp.broadcast_to(bboxes[:, :, 3].reshape(batch, 1, K, 1), (batch, num_joints, K, 1))
    mask6 = ((hm_kps_g[..., 0:1] < left).astype(jnp.int32) + (hm_kps_g[..., 0:1] > right).astype(jnp.int32) + (hm_kps_g[..., 1:2] < top).astype(jnp.int32) + (hm_kps_g[..., 1:2] > bottom).astype(jnp.int32) + (hm_score_g < thresh).astype(jnp.int32) + (min_dist > jnp.maximum(bottom - top, right - left) * 0.3).astype(jnp.int32))
    maskf = (mask6 > 0).astype(jnp.float32)
    kps_final = (1 - maskf) * hm_kps_g + maskf * kps4
    kps_final = jnp.transpose(kps_final, (0, 2, 1, 3)).reshape(batch, K, num_joints * 2)
    scores_copy = jnp.broadcast_to(scores[:, None, :, :], (batch, num_joints, K, 1))
    mask2 = ((hm_kps_g[..., 0:1] > 0.8 * left) | (hm_kps_g[..., 0:1] < 1.2 * right) | (hm_kps_g[..., 1:2] > 0.8 * top) | (hm_kps_g[..., 1:2] < 1.2 * bottom) | (hm_score_g > thresh) | (min_dist < jnp.maximum(bottom - top, right - left) * 0.5) | (scores_copy > thresh))
    mask2f = (mask2.astype(jnp.int32) == 7).astype(jnp.float32)
    hm_kps_filtered = mask2f * hm_kps_g + (1 - mask2f) * -10000.0
    hm_xs_f = hm_kps_filtered[:, :, :, 0]
    hm_ys_f = hm_kps_filtered[:, :, :, 1]
    valid = jnp.logical_and(hm_xs_f != -10000.0, hm_ys_f != -10000.0)
    khm_x = jnp.where(valid, hm_xs_f, -10000.0)
    khm_y = jnp.where(valid, hm_ys_f, -10000.0)
    kps_heatmap_mean = jnp.transpose(jnp.stack([khm_x, khm_y], axis=-1), (0, 2, 1, 3)).reshape(batch, K, num_joints * 2)
    obj_scale = _transpose_and_gather_feat(scale, inds).reshape(batch, K, 3)
    return bboxes, scores, kps_final, clses, obj_scale, kps_displacement_mean, kps_heatmap_mean


def reference(hm, wh, hps, reg, hm_hp, hp_offset, scale):
    return _decode(hm, wh, hps, reg, hm_hp, hp_offset, scale)

if __name__ == "__main__":
    import jax
    _d = setup_inputs()
    print(jax.jit(kernel)(*tuple(_d.values())))

</pallas_src>

<mosaic_0001>
#map = affine_map<(d0, d1) -> (0, 0)>
#map1 = affine_map<(d0, d1) -> (0, 0, 0)>
module attributes {stable_mosaic.version = 14 : i64} {
  func.func @kern(%arg0: i32, %arg1: i32, %arg2: memref<144x16384xf32, #tpu.memory_space<hbm>>, %arg3: memref<144x16xf32, #tpu.memory_space<hbm>>, %arg4: memref<144x8x128xi32, #tpu.memory_space<hbm>>, %arg5: memref<144x256xf32, #tpu.memory_space<hbm>>, %arg6: memref<144x256xi32, #tpu.memory_space<hbm>>, %arg7: memref<16384xf32, #tpu.memory_space<vmem>>, %arg8: memref<16xf32, #tpu.memory_space<vmem>>, %arg9: memref<272xf32, #tpu.memory_space<vmem>>, %arg10: memref<272xi32, #tpu.memory_space<vmem>>, %arg11: memref<8x128xi32, #tpu.memory_space<vmem>>, %arg12: memref<1xi32, #tpu.memory_space<smem>>, %arg13: memref<!tpu.dma_semaphore, #tpu.memory_space<semaphore_mem>>) attributes {dimension_semantics = [#tpu.dimension_semantics<core_parallel>, #tpu.dimension_semantics<subcore_parallel>], iteration_bounds = array<i64: 2, 16>, scalar_prefetch = 0 : i64, scratch_operands = 7 : i64, tpu.core_type = #tpu.core_type<sc_vector_subcore>, window_params = [{transform_indices = #map}, {transform_indices = #map}, {transform_indices = #map1}, {transform_indices = #map}, {transform_indices = #map}]} {
    %mul3A = arith.constant 16 : i32
    %mul3A_0 = arith.muli %arg0, %mul3A : i32
    %add3A = arith.addi %mul3A_0, %arg1 : i32
    %iota3A = tpu.iota {dimensions = array<i32: 0>} : vector<16xi32>
    %scan3A = arith.constant 0 : i32
    %scan3A_1 = arith.constant 5 : i32
    %scan3A_2 = arith.addi %scan3A, %scan3A_1 : i32
    %scan3A_3 = arith.constant 1 : i32
    scf.for %scan3A_5 = %scan3A to %scan3A_2 step %scan3A_3  : i32 {
      %mul3A_6 = arith.constant 1 : i32
      %mul3A_7 = arith.muli %scan3A_5, %mul3A_6 : i32
      %add3A_8 = arith.constant 0 : i32
      %add3A_9 = arith.addi %add3A_8, %mul3A_7 : i32
      %mul3A_10 = arith.constant 32 : i32
      %mul3A_11 = arith.muli %add3A_9, %mul3A_10 : i32
      %add3A_12 = arith.addi %add3A, %mul3A_11 : i32
      %lt3A = arith.constant 144 : i32
      %lt3A_13 = arith.cmpi slt, %add3A_12, %lt3A : i32
      %convert_element_type3A = arith.extui %lt3A_13 : i1 to i32
      %cond3A = arith.constant 0 : i32
      %cond3A_14 = arith.cmpi ne, %convert_element_type3A, %cond3A : i32
      scf.if %cond3A_14 {
        %dma_start3A = arith.constant 0 : i32
        %dma_start3A_15 = tpu.memref_slice %arg2[%add3A_12, %dma_start3A] : memref<144x16384xf32, #tpu.memory_space<hbm>> -> memref<1x16384xf32, #tpu.memory_space<hbm>>
        %dma_start3A_16 = tpu.memref_squeeze %dma_start3A_15 : memref<1x16384xf32, #tpu.memory_space<hbm>> -> memref<16384xf32, #tpu.memory_space<hbm>>
        %dma_start3A_17 = arith.constant 0 : i32
        %dma_start3A_18 = tpu.memref_slice %arg2[%add3A_12, %dma_start3A_17] : memref<144x16384xf32, #tpu.memory_space<hbm>> -> memref<1x16384xf32, #tpu.memory_space<hbm>>
        %dma_start3A_19 = tpu.memref_squeeze %dma_start3A_18 : memref<1x16384xf32, #tpu.memory_space<hbm>> -> memref<16384xf32, #tpu.memory_space<hbm>>
        tpu.enqueue_dma source(%dma_start3A_19 : memref<16384xf32, #tpu.memory_space<hbm>>) target(%arg7 : memref<16384xf32, #tpu.memory_space<vmem>>) target_semaphore(%arg13 : memref<!tpu.dma_semaphore, #tpu.memory_space<semaphore_mem>>)
        "tpu.region"() ({
          %run_scoped3A = tpu.sem_alloc : memref<!tpu.dma_semaphore, #tpu.memory_space<semaphore_mem>>
          %dma_start3A_39 = arith.constant 0 : i32
          %dma_start3A_40 = arith.constant 0 : i32
          %dma_start3A_41 = tpu.memref_slice %arg4[%add3A_12, %dma_start3A_39, %dma_start3A_40] : memref<144x8x128xi32, #tpu.memory_space<hbm>> -> memref<1x8x128xi32, #tpu.memory_space<hbm>>
          %dma_start3A_42 = tpu.memref_squeeze %dma_start3A_41 : memref<1x8x128xi32, #tpu.memory_space<hbm>> -> memref<8x128xi32, #tpu.memory_space<hbm>>
          %dma_start3A_43 = arith.constant 0 : i32
          %dma_start3A_44 = arith.constant 0 : i32
          %dma_start3A_45 = tpu.memref_slice %arg4[%add3A_12, %dma_start3A_43, %dma_start3A_44] : memref<144x8x128xi32, #tpu.memory_space<hbm>> -> memref<1x8x128xi32, #tpu.memory_space<hbm>>
          %dma_start3A_46 = tpu.memref_squeeze %dma_start3A_45 : memref<1x8x128xi32, #tpu.memory_space<hbm>> -> memref<8x128xi32, #tpu.memory_space<hbm>>
          tpu.enqueue_dma source(%dma_start3A_46 : memref<8x128xi32, #tpu.memory_space<hbm>>) target(%arg11 : memref<8x128xi32, #tpu.memory_space<vmem>>) target_semaphore(%run_scoped3A : memref<!tpu.dma_semaphore, #tpu.memory_space<semaphore_mem>>)
          %dma_wait3A_47 = arith.constant 0 : i32
          %dma_wait3A_48 = arith.constant 0 : i32
          %dma_wait3A_49 = tpu.memref_slice %arg4[%add3A_12, %dma_wait3A_47, %dma_wait3A_48] : memref<144x8x128xi32, #tpu.memory_space<hbm>> -> memref<1x8x128xi32, #tpu.memory_space<hbm>>
          %dma_wait3A_50 = tpu.memref_squeeze %dma_wait3A_49 : memref<1x8x128xi32, #tpu.memory_space<hbm>> -> memref<8x128xi32, #tpu.memory_space<hbm>>
          %dma_wait3A_51 = arith.constant 0 : i32
          %dma_wait3A_52 = arith.constant 0 : i32
          %dma_wait3A_53 = tpu.memref_slice %arg4[%add3A_12, %dma_wait3A_51, %dma_wait3A_52] : memref<144x8x128xi32, #tpu.memory_space<hbm>> -> memref<1x8x128xi32, #tpu.memory_space<hbm>>
          %dma_wait3A_54 = tpu.memref_squeeze %dma_wait3A_53 : memref<1x8x128xi32, #tpu.memory_space<hbm>> -> memref<8x128xi32, #tpu.memory_space<hbm>>
          tpu.wait_dma2 semaphore(%run_scoped3A : memref<!tpu.dma_semaphore, #tpu.memory_space<semaphore_mem>>) src(%dma_wait3A_54 : memref<8x128xi32, #tpu.memory_space<hbm>>) dst(%arg11 : memref<8x128xi32, #tpu.memory_space<vmem>>)
          tpu.yield
        }) : () -> ()
        "tpu.region"() ({
          %run_scoped3A = tpu.sem_alloc : memref<!tpu.dma_semaphore, #tpu.memory_space<semaphore_mem>>
          %dma_start3A_39 = arith.constant 0 : i32
          %dma_start3A_40 = tpu.memref_slice %arg3[%add3A_12, %dma_start3A_39] : memref<144x16xf32, #tpu.memory_space<hbm>> -> memref<1x16xf32, #tpu.memory_space<hbm>>
          %dma_start3A_41 = tpu.memref_squeeze %dma_start3A_40 : memref<1x16xf32, #tpu.memory_space<hbm>> -> memref<16xf32, #tpu.memory_space<hbm>>
          %dma_start3A_42 = arith.constant 0 : i32
          %dma_start3A_43 = tpu.memref_slice %arg3[%add3A_12, %dma_start3A_42] : memref<144x16xf32, #tpu.memory_space<hbm>> -> memref<1x16xf32, #tpu.memory_space<hbm>>
          %dma_start3A_44 = tpu.memref_squeeze %dma_start3A_43 : memref<1x16xf32, #tpu.memory_space<hbm>> -> memref<16xf32, #tpu.memory_space<hbm>>
          tpu.enqueue_dma source(%dma_start3A_44 : memref<16xf32, #tpu.memory_space<hbm>>) target(%arg8 : memref<16xf32, #tpu.memory_space<vmem>>) target_semaphore(%run_scoped3A : memref<!tpu.dma_semaphore, #tpu.memory_space<semaphore_mem>>)
          %dma_wait3A_45 = arith.constant 0 : i32
          %dma_wait3A_46 = tpu.memref_slice %arg3[%add3A_12, %dma_wait3A_45] : memref<144x16xf32, #tpu.memory_space<hbm>> -> memref<1x16xf32, #tpu.memory_space<hbm>>
          %dma_wait3A_47 = tpu.memref_squeeze %dma_wait3A_46 : memref<1x16xf32, #tpu.memory_space<hbm>> -> memref<16xf32, #tpu.memory_space<hbm>>
          %dma_wait3A_48 = arith.constant 0 : i32
          %dma_wait3A_49 = tpu.memref_slice %arg3[%add3A_12, %dma_wait3A_48] : memref<144x16xf32, #tpu.memory_space<hbm>> -> memref<1x16xf32, #tpu.memory_space<hbm>>
          %dma_wait3A_50 = tpu.memref_squeeze %dma_wait3A_49 : memref<1x16xf32, #tpu.memory_space<hbm>> -> memref<16xf32, #tpu.memory_space<hbm>>
          tpu.wait_dma2 semaphore(%run_scoped3A : memref<!tpu.dma_semaphore, #tpu.memory_space<semaphore_mem>>) src(%dma_wait3A_50 : memref<16xf32, #tpu.memory_space<hbm>>) dst(%arg8 : memref<16xf32, #tpu.memory_space<vmem>>)
          tpu.yield
        }) : () -> ()
        %get3A = arith.constant 0 : index
        %get3A_20 = tpu.vector_load %arg8[%get3A] {strides = array<i32>} : memref<16xf32, #tpu.memory_space<vmem>>, vector<16xf32>,
        %slice3A = vector.extract_strided_slice %get3A_20 {offsets = [0], sizes = [1], strides = [1]} : vector<16xf32> to vector<1xf32>
        %squeeze3A = vector.extract %slice3A[0] : f32 from vector<1xf32>
        %swap3A = arith.constant 0 : i32
        %swap3A_21 = arith.constant 0 : i32
        %swap3A_22 = arith.index_cast %swap3A_21 : i32 to index
        %swap3A_23 = memref.load %arg12[%swap3A_22] : memref<1xi32, #tpu.memory_space<smem>>
        memref.store %swap3A, %arg12[%swap3A_22] : memref<1xi32, #tpu.memory_space<smem>>
        %scan3A_24 = arith.constant 0 : i32
        %scan3A_25 = arith.constant 17 : i32
        %scan3A_26 = arith.addi %scan3A_24, %scan3A_25 : i32
        %scan3A_27 = arith.constant 1 : i32
        scf.for %scan3A_39 = %scan3A_24 to %scan3A_26 step %scan3A_27  : i32 {
          %mul3A_40 = arith.constant 1 : i32
          %mul3A_41 = arith.muli %scan3A_39, %mul3A_40 : i32
          %add3A_42 = arith.constant 0 : i32
          %add3A_43 = arith.addi %add3A_42, %mul3A_41 : i32
          %broadcast_in_dim3A = arith.constant 0xFF800000 : f32
          %broadcast_in_dim3A_44 = vector.broadcast %broadcast_in_dim3A : f32 to vector<16xf32>
          %mul3A_45 = arith.constant 16 : i32
          %mul3A_46 = arith.muli %add3A_43, %mul3A_45 : i32
          %swap3A_47 = arith.index_cast %mul3A_46 : i32 to index
          %swap3A_48 = tpu.vector_load %arg9[%swap3A_47] {strides = array<i32>} : memref<272xf32, #tpu.memory_space<vmem>>, vector<16xf32>,
          tpu.vector_store %arg9[%swap3A_47], %broadcast_in_dim3A_44 {strides = array<i32>} : memref<272xf32, #tpu.memory_space<vmem>>, vector<16xf32>,
          %broadcast_in_dim3A_49 = arith.constant 1073741824 : i32
          %broadcast_in_dim3A_50 = vector.broadcast %broadcast_in_dim3A_49 : i32 to vector<16xi32>
          %mul3A_51 = arith.constant 16 : i32
          %mul3A_52 = arith.muli %add3A_43, %mul3A_51 : i32
          %swap3A_53 = arith.index_cast %mul3A_52 : i32 to index
          %swap3A_54 = tpu.vector_load %arg10[%swap3A_53] {strides = array<i32>} : memref<272xi32, #tpu.memory_space<vmem>>, vector<16xi32>,
          tpu.vector_store %arg10[%swap3A_53], %broadcast_in_dim3A_50 {strides = array<i32>} : memref<272xi32, #tpu.memory_space<vmem>>, vector<16xi32>,
        }
        %scan3A_28 = arith.constant 17 : i32
        %dma_wait3A = arith.constant 0 : i32
        %dma_wait3A_29 = tpu.memref_slice %arg2[%add3A_12, %dma_wait3A] : memref<144x16384xf32, #tpu.memory_space<hbm>> -> memref<1x16384xf32, #tpu.memory_space<hbm>>
        %dma_wait3A_30 = tpu.memref_squeeze %dma_wait3A_29 : memref<1x16384xf32, #tpu.memory_space<hbm>> -> memref<16384xf32, #tpu.memory_space<hbm>>
        %dma_wait3A_31 = arith.constant 0 : i32
        %dma_wait3A_32 = tpu.memref_slice %arg2[%add3A_12, %dma_wait3A_31] : memref<144x16384xf32, #tpu.memory_space<hbm>> -> memref<1x16384xf32, #tpu.memory_space<hbm>>
        %dma_wait3A_33 = tpu.memref_squeeze %dma_wait3A_32 : memref<1x16384xf32, #tpu.memory_space<hbm>> -> memref<16384xf32, #tpu.memory_space<hbm>>
        tpu.wait_dma2 semaphore(%arg13 : memref<!tpu.dma_semaphore, #tpu.memory_space<semaphore_mem>>) src(%dma_wait3A_33 : memref<16384xf32, #tpu.memory_space<hbm>>) dst(%arg7 : memref<16384xf32, #tpu.memory_space<vmem>>)
        %scan3A_34 = arith.constant 0 : i32
        %scan3A_35 = arith.constant 8 : i32
        %scan3A_36 = arith.addi %scan3A_34, %scan3A_35 : i32
        %scan3A_37 = arith.constant 1 : i32
        scf.for %scan3A_39 = %scan3A_34 to %scan3A_36 step %scan3A_37  : i32 {
          %mul3A_40 = arith.constant 1 : i32
          %mul3A_41 = arith.muli %scan3A_39, %mul3A_40 : i32
          %add3A_42 = arith.constant 0 : i32
          %add3A_43 = arith.addi %add3A_42, %mul3A_41 : i32
          %scan3A_44 = arith.constant 0 : i32
          %scan3A_45 = arith.constant 8 : i32
          %scan3A_46 = arith.addi %scan3A_44, %scan3A_45 : i32
          %scan3A_47 = arith.constant 1 : i32
          scf.for %scan3A_49 = %scan3A_44 to %scan3A_46 step %scan3A_47  : i32 {
            %mul3A_50 = arith.constant 1 : i32
            %mul3A_51 = arith.muli %scan3A_49, %mul3A_50 : i32
            %add3A_52 = arith.constant 0 : i32
            %add3A_53 = arith.addi %add3A_52, %mul3A_51 : i32
            %mul3A_54 = arith.constant 16 : i32
            %mul3A_55 = arith.muli %add3A_53, %mul3A_54 : i32
            %get3A_56 = arith.index_cast %add3A_43 : i32 to index
            %get3A_57 = arith.index_cast %mul3A_55 : i32 to index
            %get3A_58 = tpu.vector_load %arg11[%get3A_56, %get3A_57] {strides = array<i32>} : memref<8x128xi32, #tpu.memory_space<vmem>>, vector<16xi32>,
            %reduce_max3A = arith.constant true
            %reduce_max3A_59 = vector.broadcast %reduce_max3A : i1 to vector<16xi1>
            %reduce_max3A_60 = arith.constant -2147483648 : i32
            %reduce_max3A_61 = vector.broadcast %reduce_max3A_60 : i32 to vector<16xi32>
            %reduce_max3A_62 = arith.xori %get3A_58, %reduce_max3A_61 : vector<16xi32>
            %reduce_max3A_63 = tpu.scan <max>, %reduce_max3A_62 masked %reduce_max3A_59 : vector<16xi32>, vector<16xi1> -> vector<16xi32>
            %reduce_max3A_64 = arith.xori %reduce_max3A_63, %reduce_max3A_61 : vector<16xi32>
            %reduce_max3A_65 = vector.extract %reduce_max3A_64[15] : i32 from vector<16xi32>
            %ne3A = arith.constant 0 : i32
            %ne3A_66 = arith.cmpi ne, %reduce_max3A_65, %ne3A : i32
            %convert_element_type3A_67 = arith.extui %ne3A_66 : i1 to i32
            %cond3A_68 = arith.constant 0 : i32
            %cond3A_69 = arith.cmpi ne, %convert_element_type3A_67, %cond3A_68 : i32
            scf.if %cond3A_69 {
              %slice3A_70 = vector.extract_strided_slice %get3A_58 {offsets = [0], sizes = [1], strides = [1]} : vector<16xi32> to vector<1xi32>
              %squeeze3A_71 = vector.extract %slice3A_70[0] : i32 from vector<1xi32>
              %ne3A_72 = arith.constant 0 : i32
              %ne3A_73 = arith.cmpi ne, %squeeze3A_71, %ne3A_72 : i32
              %convert_element_type3A_74 = arith.extui %ne3A_73 : i1 to i32
              %cond3A_75 = arith.constant 0 : i32
              %cond3A_76 = arith.cmpi ne, %convert_element_type3A_74, %cond3A_75 : i32
              scf.if %cond3A_76 {
                %mul3A_182 = arith.constant 16 : i32
                %mul3A_183 = arith.muli %add3A_53, %mul3A_182 : i32
                %add3A_184 = arith.constant 0 : i32
                %add3A_185 = arith.addi %mul3A_183, %add3A_184 : i32
                %mul3A_186 = arith.constant 8 : i32
                %mul3A_187 = arith.muli %add3A_185, %mul3A_186 : i32
                %add3A_188 = arith.addi %mul3A_187, %add3A_43 : i32
                %mul3A_189 = arith.constant 16 : i32
                %mul3A_190 = arith.muli %add3A_188, %mul3A_189 : i32
                %get3A_191 = arith.index_cast %mul3A_190 : i32 to index
                %get3A_192 = tpu.vector_load %arg7[%get3A_191] {strides = array<i32>} : memref<16384xf32, #tpu.memory_space<vmem>>, vector<16xf32>,
                %ge3A = vector.broadcast %squeeze3A : f32 to vector<16xf32>
                %ge3A_193 = arith.cmpf oge, %get3A_192, %ge3A : vector<16xf32>
                %mul3A_194 = arith.constant 16 : i32
                %mul3A_195 = arith.muli %add3A_188, %mul3A_194 : i32
                %add3A_196 = vector.broadcast %mul3A_195 : i32 to vector<16xi32>
                %add3A_197 = arith.addi %add3A_196, %iota3A : vector<16xi32>
                %and3A = arith.constant 127 : i32
                %and3A_198 = vector.broadcast %and3A : i32 to vector<16xi32>
                %and3A_199 = arith.andi %add3A_197, %and3A_198 : vector<16xi32>
                %shift_left3A = arith.constant 7 : i32
                %shift_left3A_200 = vector.broadcast %shift_left3A : i32 to vector<16xi32>
                %shift_left3A_201 = arith.shli %and3A_199, %shift_left3A_200 : vector<16xi32>
                %shift_right_arithmetic3A = arith.constant 7 : i32
                %shift_right_arithmetic3A_202 = vector.broadcast %shift_right_arithmetic3A : i32 to vector<16xi32>
                %shift_right_arithmetic3A_203 = arith.shrsi %add3A_197, %shift_right_arithmetic3A_202 : vector<16xi32>
                %add3A_204 = arith.addi %shift_left3A_201, %shift_right_arithmetic3A_203 : vector<16xi32>
                %jit3A = arith.constant 1073741824 : i32
                %broadcast_in_dim3A = vector.broadcast %jit3A : i32 to vector<16xi32>
                %select_n3A = arith.select %ge3A_193, %add3A_204, %broadcast_in_dim3A : vector<16xi1>, vector<16xi32>
                %masked_sort3A = arith.constant dense<true> : vector<16xi1>
                %masked_sort3A_205 = arith.constant -2147483648 : i32
                %masked_sort3A_206 = vector.broadcast %masked_sort3A_205 : i32 to vector<16xi32>
                %masked_sort3A_207 = arith.xori %select_n3A, %masked_sort3A_206 : vector<16xi32>
                %masked_sort3A_208, %masked_sort3A_209, %masked_sort3A_210 = tpu.sort %masked_sort3A_207, %get3A_192 masked %masked_sort3A : (vector<16xi32>, vector<16xf32>, vector<16xi1>) -> (vector<16xi1>, vector<16xi32>, vector<16xf32>)
                %masked_sort3A_211 = arith.xori %masked_sort3A_209, %masked_sort3A_206 : vector<16xi32>
                %lt3A_212 = arith.constant 1073741824 : i32
                %lt3A_213 = vector.broadcast %lt3A_212 : i32 to vector<16xi32>
                %lt3A_214 = arith.cmpi slt, %masked_sort3A_211, %lt3A_213 : vector<16xi32>
                %jit3A_215 = arith.constant 0xFF800000 : f32
                %broadcast_in_dim3A_216 = vector.broadcast %jit3A_215 : f32 to vector<16xf32>
                %select_n3A_217 = arith.select %lt3A_214, %masked_sort3A_210, %broadcast_in_dim3A_216 : vector<16xi1>, vector<16xf32>
                %get3A_218 = arith.constant 0 : i32
                %get3A_219 = arith.index_cast %get3A_218 : i32 to index
                %get3A_220 = memref.load %arg12[%get3A_219] : memref<1xi32, #tpu.memory_space<smem>>
                %le3A = arith.constant 256 : i32
                %le3A_221 = arith.cmpi sle, %get3A_220, %le3A : i32
                %convert_element_type3A_222 = arith.extui %le3A_221 : i1 to i32
                %cond3A_223 = arith.constant 0 : i32
                %cond3A_224 = arith.cmpi ne, %convert_element_type3A_222, %cond3A_223 : i32
                scf.if %cond3A_224 {
                  %swap3A_233 = arith.index_cast %get3A_220 : i32 to index
                  %swap3A_234 = tpu.vector_load %arg9[%swap3A_233] {strides = array<i32>} : memref<272xf32, #tpu.memory_space<vmem>>, vector<16xf32>,
                  tpu.vector_store %arg9[%swap3A_233], %select_n3A_217 {strides = array<i32>} : memref<272xf32, #tpu.memory_space<vmem>>, vector<16xf32>,
                  %swap3A_235 = arith.index_cast %get3A_220 : i32 to index
                  %swap3A_236 = tpu.vector_load %arg10[%swap3A_235] {strides = array<i32>} : memref<272xi32, #tpu.memory_space<vmem>>, vector<16xi32>,
                  tpu.vector_store %arg10[%swap3A_235], %masked_sort3A_211 {strides = array<i32>} : memref<272xi32, #tpu.memory_space<vmem>>, vector<16xi32>,
                } else {
                }
                %convert_element_type3A_225 = arith.extui %ge3A_193 : vector<16xi1> to vector<16xi32>
                %reduce_sum3A = arith.constant true
                %reduce_sum3A_226 = vector.broadcast %reduce_sum3A : i1 to vector<16xi1>
                %reduce_sum3A_227 = tpu.scan <sum>, %convert_element_type3A_225 masked %reduce_sum3A_226 : vector<16xi32>, vector<16xi1> -> vector<16xi32>
                %reduce_sum3A_228 = vector.extract %reduce_sum3A_227[15] : i32 from vector<16xi32>
                %add3A_229 = arith.addi %get3A_220, %reduce_sum3A_228 : i32
                %swap3A_230 = arith.constant 0 : i32
                %swap3A_231 = arith.index_cast %swap3A_230 : i32 to index
                %swap3A_232 = memref.load %arg12[%swap3A_231] : memref<1xi32, #tpu.memory_space<smem>>
                memref.store %add3A_229, %arg12[%swap3A_231] : memref<1xi32, #tpu.memory_space<smem>>
              } else {
              }
              %slice3A_77 = vector.extract_strided_slice %get3A_58 {offsets = [1], sizes = [1], strides = [1]} : vector<16xi32> to vector<1xi32>
              %squeeze3A_78 = vector.extract %slice3A_77[0] : i32 from vector<1xi32>
              %ne3A_79 = arith.constant 0 : i32
              %ne3A_80 = arith.cmpi ne, %squeeze3A_78, %ne3A_79 : i32
              %convert_element_type3A_81 = arith.extui %ne3A_80 : i1 to i32
              %cond3A_82 = arith.constant 0 : i32
              %cond3A_83 = arith.cmpi ne, %convert_element_type3A_81, %cond3A_82 : i32
              scf.if %cond3A_83 {
                %mul3A_182 = arith.constant 16 : i32
                %mul3A_183 = arith.muli %add3A_53, %mul3A_182 : i32
                %add3A_184 = arith.constant 1 : i32
                %add3A_185 = arith.addi %mul3A_183, %add3A_184 : i32
                %mul3A_186 = arith.constant 8 : i32
                %mul3A_187 = arith.muli %add3A_185, %mul3A_186 : i32
                %add3A_188 = arith.addi %mul3A_187, %add3A_43 : i32
                %mul3A_189 = arith.constant 16 : i32
                %mul3A_190 = arith.muli %add3A_188, %mul3A_189 : i32
                %get3A_191 = arith.index_cast %mul3A_190 : i32 to index
                %get3A_192 = tpu.vector_load %arg7[%get3A_191] {strides = array<i32>} : memref<16384xf32, #tpu.memory_space<vmem>>, vector<16xf32>,
                %ge3A = vector.broadcast %squeeze3A : f32 to vector<16xf32>
                %ge3A_193 = arith.cmpf oge, %get3A_192, %ge3A : vector<16xf32>
                %mul3A_194 = arith.constant 16 : i32
                %mul3A_195 = arith.muli %add3A_188, %mul3A_194 : i32
                %add3A_196 = vector.broadcast %mul3A_195 : i32 to vector<16xi32>
                %add3A_197 = arith.addi %add3A_196, %iota3A : vector<16xi32>
                %and3A = arith.constant 127 : i32
                %and3A_198 = vector.broadcast %and3A : i32 to vector<16xi32>
                %and3A_199 = arith.andi %add3A_197, %and3A_198 : vector<16xi32>
                %shift_left3A = arith.constant 7 : i32
                %shift_left3A_200 = vector.broadcast %shift_left3A : i32 to vector<16xi32>
                %shift_left3A_201 = arith.shli %and3A_199, %shift_left3A_200 : vector<16xi32>
                %shift_right_arithmetic3A = arith.constant 7 : i32
                %shift_right_arithmetic3A_202 = vector.broadcast %shift_right_arithmetic3A : i32 to vector<16xi32>
                %shift_right_arithmetic3A_203 = arith.shrsi %add3A_197, %shift_right_arithmetic3A_202 : vector<16xi32>
                %add3A_204 = arith.addi %shift_left3A_201, %shift_right_arithmetic3A_203 : vector<16xi32>
                %jit3A = arith.constant 1073741824 : i32
                %broadcast_in_dim3A = vector.broadcast %jit3A : i32 to vector<16xi32>
                %select_n3A = arith.select %ge3A_193, %add3A_204, %broadcast_in_dim3A : vector<16xi1>, vector<16xi32>
                %masked_sort3A = arith.constant dense<true> : vector<16xi1>
                %masked_sort3A_205 = arith.constant -2147483648 : i32
                %masked_sort3A_206 = vector.broadcast %masked_sort3A_205 : i32 to vector<16xi32>
                %masked_sort3A_207 = arith.xori %select_n3A, %masked_sort3A_206 : vector<16xi32>
                %masked_sort3A_208, %masked_sort3A_209, %masked_sort3A_210 = tpu.sort %masked_sort3A_207, %get3A_192 masked %masked_sort3A : (vector<16xi32>, vector<16xf32>, vector<16xi1>) -> (vector<16xi1>, vector<16xi32>, vector<16xf32>)
                %masked_sort3A_211 = arith.xori %masked_sort3A_209, %masked_sort3A_206 : vector<16xi32>
                %lt3A_212 = arith.constant 1073741824 : i32
                %lt3A_213 = vector.broadcast %lt3A_212 : i32 to vector<16xi32>
                %lt3A_214 = arith.cmpi slt, %masked_sort3A_211, %lt3A_213 : vector<16xi32>
                %jit3A_215 = arith.constant 0xFF800000 : f32
                %broadcast_in_dim3A_216 = vector.broadcast %jit3A_215 : f32 to vector<16xf32>
                %select_n3A_217 = arith.select %lt3A_214, %masked_sort3A_210, %broadcast_in_dim3A_216 : vector<16xi1>, vector<16xf32>
                %get3A_218 = arith.constant 0 : i32
                %get3A_219 = arith.index_cast %get3A_218 : i32 to index
                %get3A_220 = memref.load %arg12[%get3A_219] : memref<1xi32, #tpu.memory_space<smem>>
                %le3A = arith.constant 256 : i32
                %le3A_221 = arith.cmpi sle, %get3A_220, %le3A : i32
                %convert_element_type3A_222 = arith.extui %le3A_221 : i1 to i32
                %cond3A_223 = arith.constant 0 : i32
                %cond3A_224 = arith.cmpi ne, %convert_element_type3A_222, %cond3A_223 : i32
                scf.if %cond3A_224 {
                  %swap3A_233 = arith.index_cast %get3A_220 : i32 to index
                  %swap3A_234 = tpu.vector_load %arg9[%swap3A_233] {strides = array<i32>} : memref<272xf32, #tpu.memory_space<vmem>>, vector<16xf32>,
                  tpu.vector_store %arg9[%swap3A_233], %select_n3A_217 {strides = array<i32>} : memref<272xf32, #tpu.memory_space<vmem>>, vector<16xf32>,
                  %swap3A_235 = arith.index_cast %get3A_220 : i32 to index
                  %swap3A_236 = tpu.vector_load %arg10[%swap3A_235] {strides = array<i32>} : memref<272xi32, #tpu.memory_space<vmem>>, vector<16xi32>,
                  tpu.vector_store %arg10[%swap3A_235], %masked_sort3A_211 {strides = array<i32>} : memref<272xi32, #tpu.memory_space<vmem>>, vector<16xi32>,
                } else {
                }
                %convert_element_type3A_225 = arith.extui %ge3A_193 : vector<16xi1> to vector<16xi32>
                %reduce_sum3A = arith.constant true
                %reduce_sum3A_226 = vector.broadcast %reduce_sum3A : i1 to vector<16xi1>
                %reduce_sum3A_227 = tpu.scan <sum>, %convert_element_type3A_225 masked %reduce_sum3A_226 : vector<16xi32>, vector<16xi1> -> vector<16xi32>
                %reduce_sum3A_228 = vector.extract %reduce_sum3A_227[15] : i32 from vector<16xi32>
                %add3A_229 = arith.addi %get3A_220, %reduce_sum3A_228 : i32
                %swap3A_230 = arith.constant 0 : i32
                %swap3A_231 = arith.index_cast %swap3A_230 : i32 to index
                %swap3A_232 = memref.load %arg12[%swap3A_231] : memref<1xi32, #tpu.memory_space<smem>>
                memref.store %add3A_229, %arg12[%swap3A_231] : memref<1xi32, #tpu.memory_space<smem>>
              } else {
              }
              %slice3A_84 = vector.extract_strided_slice %get3A_58 {offsets = [2], sizes = [1], strides = [1]} : vector<16xi32> to vector<1xi32>
              %squeeze3A_85 = vector.extract %slice3A_84[0] : i32 from vector<1xi32>
              %ne3A_86 = arith.constant 0 : i32
              %ne3A_87 = arith.cmpi ne, %squeeze3A_85, %ne3A_86 : i32
              %convert_element_type3A_88 = arith.extui %ne3A_87 : i1 to i32
              %cond3A_89 = arith.constant 0 : i32
              %cond3A_90 = arith.cmpi ne, %convert_element_type3A_88, %cond3A_89 : i32
              scf.if %cond3A_90 {
                %mul3A_182 = arith.constant 16 : i32
                %mul3A_183 = arith.muli %add3A_53, %mul3A_182 : i32
                %add3A_184 = arith.constant 2 : i32
                %add3A_185 = arith.addi %mul3A_183, %add3A_184 : i32
                %mul3A_186 = arith.constant 8 : i32
                %mul3A_187 = arith.muli %add3A_185, %mul3A_186 : i32
                %add3A_188 = arith.addi %mul3A_187, %add3A_43 : i32
                %mul3A_189 = arith.constant 16 : i32
                %mul3A_190 = arith.muli %add3A_188, %mul3A_189 : i32
                %get3A_191 = arith.index_cast %mul3A_190 : i32 to index
                %get3A_192 = tpu.vector_load %arg7[%get3A_191] {strides = array<i32>} : memref<16384xf32, #tpu.memory_space<vmem>>, vector<16xf32>,
                %ge3A = vector.broadcast %squeeze3A : f32 to vector<16xf32>
                %ge3A_193 = arith.cmpf oge, %get3A_192, %ge3A : vector<16xf32>
                %mul3A_194 = arith.constant 16 : i32
                %mul3A_195 = arith.muli %add3A_188, %mul3A_194 : i32
                %add3A_196 = vector.broadcast %mul3A_195 : i32 to vector<16xi32>
                %add3A_197 = arith.addi %add3A_196, %iota3A : vector<16xi32>
                %and3A = arith.constant 127 : i32
                %and3A_198 = vector.broadcast %and3A : i32 to vector<16xi32>
                %and3A_199 = arith.andi %add3A_197, %and3A_198 : vector<16xi32>
                %shift_left3A = arith.constant 7 : i32
                %shift_left3A_200 = vector.broadcast %shift_left3A : i32 to vector<16xi32>
                %shift_left3A_201 = arith.shli %and3A_199, %shift_left3A_200 : vector<16xi32>
                %shift_right_arithmetic3A = arith.constant 7 : i32
                %shift_right_arithmetic3A_202 = vector.broadcast %shift_right_arithmetic3A : i32 to vector<16xi32>
                %shift_right_arithmetic3A_203 = arith.shrsi %add3A_197, %shift_right_arithmetic3A_202 : vector<16xi32>
                %add3A_204 = arith.addi %shift_left3A_201, %shift_right_arithmetic3A_203 : vector<16xi32>
                %jit3A = arith.constant 1073741824 : i32
                %broadcast_in_dim3A = vector.broadcast %jit3A : i32 to vector<16xi32>
                %select_n3A = arith.select %ge3A_193, %add3A_204, %broadcast_in_dim3A : vector<16xi1>, vector<16xi32>
                %masked_sort3A = arith.constant dense<true> : vector<16xi1>
                %masked_sort3A_205 = arith.constant -2147483648 : i32
                %masked_sort3A_206 = vector.broadcast %masked_sort3A_205 : i32 to vector<16xi32>
                %masked_sort3A_207 = arith.xori %select_n3A, %masked_sort3A_206 : vector<16xi32>
                %masked_sort3A_208, %masked_sort3A_209, %masked_sort3A_210 = tpu.sort %masked_sort3A_207, %get3A_192 masked %masked_sort3A : (vector<16xi32>, vector<16xf32>, vector<16xi1>) -> (vector<16xi1>, vector<16xi32>, vector<16xf32>)
                %masked_sort3A_211 = arith.xori %masked_sort3A_209, %masked_sort3A_206 : vector<16xi32>
                %lt3A_212 = arith.constant 1073741824 : i32
                %lt3A_213 = vector.broadcast %lt3A_212 : i32 to vector<16xi32>
                %lt3A_214 = arith.cmpi slt, %masked_sort3A_211, %lt3A_213 : vector<16xi32>
                %jit3A_215 = arith.constant 0xFF800000 : f32
                %broadcast_in_dim3A_216 = vector.broadcast %jit3A_215 : f32 to vector<16xf32>
                %select_n3A_217 = arith.select %lt3A_214, %masked_sort3A_210, %broadcast_in_dim3A_216 : vector<16xi1>, vector<16xf32>
                %get3A_218 = arith.constant 0 : i32
                %get3A_219 = arith.index_cast %get3A_218 : i32 to index
                %get3A_220 = memref.load %arg12[%get3A_219] : memref<1xi32, #tpu.memory_space<smem>>
                %le3A = arith.constant 256 : i32
                %le3A_221 = arith.cmpi sle, %get3A_220, %le3A : i32
                %convert_element_type3A_222 = arith.extui %le3A_221 : i1 to i32
                %cond3A_223 = arith.constant 0 : i32
                %cond3A_224 = arith.cmpi ne, %convert_element_type3A_222, %cond3A_223 : i32
                scf.if %cond3A_224 {
                  %swap3A_233 = arith.index_cast %get3A_220 : i32 to index
                  %swap3A_234 = tpu.vector_load %arg9[%swap3A_233] {strides = array<i32>} : memref<272xf32, #tpu.memory_space<vmem>>, vector<16xf32>,
                  tpu.vector_store %arg9[%swap3A_233], %select_n3A_217 {strides = array<i32>} : memref<272xf32, #tpu.memory_space<vmem>>, vector<16xf32>,
                  %swap3A_235 = arith.index_cast %get3A_220 : i32 to index
                  %swap3A_236 = tpu.vector_load %arg10[%swap3A_235] {strides = array<i32>} : memref<272xi32, #tpu.memory_space<vmem>>, vector<16xi32>,
                  tpu.vector_store %arg10[%swap3A_235], %masked_sort3A_211 {strides = array<i32>} : memref<272xi32, #tpu.memory_space<vmem>>, vector<16xi32>,
                } else {
                }
                %convert_element_type3A_225 = arith.extui %ge3A_193 : vector<16xi1> to vector<16xi32>
                %reduce_sum3A = arith.constant true
                %reduce_sum3A_226 = vector.broadcast %reduce_sum3A : i1 to vector<16xi1>
                %reduce_sum3A_227 = tpu.scan <sum>, %convert_element_type3A_225 masked %reduce_sum3A_226 : vector<16xi32>, vector<16xi1> -> vector<16xi32>
                %reduce_sum3A_228 = vector.extract %reduce_sum3A_227[15] : i32 from vector<16xi32>
                %add3A_229 = arith.addi %get3A_220, %reduce_sum3A_228 : i32
                %swap3A_230 = arith.constant 0 : i32
                %swap3A_231 = arith.index_cast %swap3A_230 : i32 to index
                %swap3A_232 = memref.load %arg12[%swap3A_231] : memref<1xi32, #tpu.memory_space<smem>>
                memref.store %add3A_229, %arg12[%swap3A_231] : memref<1xi32, #tpu.memory_space<smem>>
              } else {
              }
              %slice3A_91 = vector.extract_strided_slice %get3A_58 {offsets = [3], sizes = [1], strides = [1]} : vector<16xi32> to vector<1xi32>
              %squeeze3A_92 = vector.extract %slice3A_91[0] : i32 from vector<1xi32>
              %ne3A_93 = arith.constant 0 : i32
              %ne3A_94 = arith.cmpi ne, %squeeze3A_92, %ne3A_93 : i32
              %convert_element_type3A_95 = arith.extui %ne3A_94 : i1 to i32
              %cond3A_96 = arith.constant 0 : i32
              %cond3A_97 = arith.cmpi ne, %convert_element_type3A_95, %cond3A_96 : i32
              scf.if %cond3A_97 {
                %mul3A_182 = arith.constant 16 : i32
                %mul3A_183 = arith.muli %add3A_53, %mul3A_182 : i32
                %add3A_184 = arith.constant 3 : i32
                %add3A_185 = arith.addi %mul3A_183, %add3A_184 : i32
                %mul3A_186 = arith.constant 8 : i32
                %mul3A_187 = arith.muli %add3A_185, %mul3A_186 : i32
                %add3A_188 = arith.addi %mul3A_187, %add3A_43 : i32
                %mul3A_189 = arith.constant 16 : i32
                %mul3A_190 = arith.muli %add3A_188, %mul3A_189 : i32
                %get3A_191 = arith.index_cast %mul3A_190 : i32 to index
                %get3A_192 = tpu.vector_load %arg7[%get3A_191] {strides = array<i32>} : memref<16384xf32, #tpu.memory_space<vmem>>, vector<16xf32>,
                %ge3A = vector.broadcast %squeeze3A : f32 to vector<16xf32>
                %ge3A_193 = arith.cmpf oge, %get3A_192, %ge3A : vector<16xf32>
                %mul3A_194 = arith.constant 16 : i32
                %mul3A_195 = arith.muli %add3A_188, %mul3A_194 : i32
                %add3A_196 = vector.broadcast %mul3A_195 : i32 to vector<16xi32>
                %add3A_197 = arith.addi %add3A_196, %iota3A : vector<16xi32>
                %and3A = arith.constant 127 : i32
                %and3A_198 = vector.broadcast %and3A : i32 to vector<16xi32>
                %and3A_199 = arith.andi %add3A_197, %and3A_198 : vector<16xi32>
                %shift_left3A = arith.constant 7 : i32
                %shift_left3A_200 = vector.broadcast %shift_left3A : i32 to vector<16xi32>
                %shift_left3A_201 = arith.shli %and3A_199, %shift_left3A_200 : vector<16xi32>
                %shift_right_arithmetic3A = arith.constant 7 : i32
                %shift_right_arithmetic3A_202 = vector.broadcast %shift_right_arithmetic3A : i32 to vector<16xi32>
                %shift_right_arithmetic3A_203 = arith.shrsi %add3A_197, %shift_right_arithmetic3A_202 : vector<16xi32>
                %add3A_204 = arith.addi %shift_left3A_201, %shift_right_arithmetic3A_203 : vector<16xi32>
                %jit3A = arith.constant 1073741824 : i32
                %broadcast_in_dim3A = vector.broadcast %jit3A : i32 to vector<16xi32>
                %select_n3A = arith.select %ge3A_193, %add3A_204, %broadcast_in_dim3A : vector<16xi1>, vector<16xi32>
                %masked_sort3A = arith.constant dense<true> : vector<16xi1>
                %masked_sort3A_205 = arith.constant -2147483648 : i32
                %masked_sort3A_206 = vector.broadcast %masked_sort3A_205 : i32 to vector<16xi32>
                %masked_sort3A_207 = arith.xori %select_n3A, %masked_sort3A_206 : vector<16xi32>
                %masked_sort3A_208, %masked_sort3A_209, %masked_sort3A_210 = tpu.sort %masked_sort3A_207, %get3A_192 masked %masked_sort3A : (vector<16xi32>, vector<16xf32>, vector<16xi1>) -> (vector<16xi1>, vector<16xi32>, vector<16xf32>)
                %masked_sort3A_211 = arith.xori %masked_sort3A_209, %masked_sort3A_206 : vector<16xi32>
                %lt3A_212 = arith.constant 1073741824 : i32
                %lt3A_213 = vector.broadcast %lt3A_212 : i32 to vector<16xi32>
                %lt3A_214 = arith.cmpi slt, %masked_sort3A_211, %lt3A_213 : vector<16xi32>
                %jit3A_215 = arith.constant 0xFF800000 : f32
                %broadcast_in_dim3A_216 = vector.broadcast %jit3A_215 : f32 to vector<16xf32>
                %select_n3A_217 = arith.select %lt3A_214, %masked_sort3A_210, %broadcast_in_dim3A_216 : vector<16xi1>, vector<16xf32>
                %get3A_218 = arith.constant 0 : i32
                %get3A_219 = arith.index_cast %get3A_218 : i32 to index
                %get3A_220 = memref.load %arg12[%get3A_219] : memref<1xi32, #tpu.memory_space<smem>>
                %le3A = arith.constant 256 : i32
                %le3A_221 = arith.cmpi sle, %get3A_220, %le3A : i32
                %convert_element_type3A_222 = arith.extui %le3A_221 : i1 to i32
                %cond3A_223 = arith.constant 0 : i32
                %cond3A_224 = arith.cmpi ne, %convert_element_type3A_222, %cond3A_223 : i32
                scf.if %cond3A_224 {
                  %swap3A_233 = arith.index_cast %get3A_220 : i32 to index
                  %swap3A_234 = tpu.vector_load %arg9[%swap3A_233] {strides = array<i32>} : memref<272xf32, #tpu.memory_space<vmem>>, vector<16xf32>,
                  tpu.vector_store %arg9[%swap3A_233], %select_n3A_217 {strides = array<i32>} : memref<272xf32, #tpu.memory_space<vmem>>, vector<16xf32>,
                  %swap3A_235 = arith.index_cast %get3A_220 : i32 to index
                  %swap3A_236 = tpu.vector_load %arg10[%swap3A_235] {strides = array<i32>} : memref<272xi32, #tpu.memory_space<vmem>>, vector<16xi32>,
                  tpu.vector_store %arg10[%swap3A_235], %masked_sort3A_211 {strides = array<i32>} : memref<272xi32, #tpu.memory_space<vmem>>, vector<16xi32>,
                } else {
                }
                %convert_element_type3A_225 = arith.extui %ge3A_193 : vector<16xi1> to vector<16xi32>
                %reduce_sum3A = arith.constant true
                %reduce_sum3A_226 = vector.broadcast %reduce_sum3A : i1 to vector<16xi1>
                %reduce_sum3A_227 = tpu.scan <sum>, %convert_element_type3A_225 masked %reduce_sum3A_226 : vector<16xi32>, vector<16xi1> -> vector<16xi32>
                %reduce_sum3A_228 = vector.extract %reduce_sum3A_227[15] : i32 from vector<16xi32>
                %add3A_229 = arith.addi %get3A_220, %reduce_sum3A_228 : i32
                %swap3A_230 = arith.constant 0 : i32
                %swap3A_231 = arith.index_cast %swap3A_230 : i32 to index
                %swap3A_232 = memref.load %arg12[%swap3A_231] : memref<1xi32, #tpu.memory_space<smem>>
                memref.store %add3A_229, %arg12[%swap3A_231] : memref<1xi32, #tpu.memory_space<smem>>
              } else {
              }
              %slice3A_98 = vector.extract_strided_slice %get3A_58 {offsets = [4], sizes = [1], strides = [1]} : vector<16xi32> to vector<1xi32>
              %squeeze3A_99 = vector.extract %slice3A_98[0] : i32 from vector<1xi32>
              %ne3A_100 = arith.constant 0 : i32
              %ne3A_101 = arith.cmpi ne, %squeeze3A_99, %ne3A_100 : i32
              %convert_element_type3A_102 = arith.extui %ne3A_101 : i1 to i32
              %cond3A_103 = arith.constant 0 : i32
              %cond3A_104 = arith.cmpi ne, %convert_element_type3A_102, %cond3A_103 : i32
              scf.if %cond3A_104 {
                %mul3A_182 = arith.constant 16 : i32
                %mul3A_183 = arith.muli %add3A_53, %mul3A_182 : i32
                %add3A_184 = arith.constant 4 : i32
                %add3A_185 = arith.addi %mul3A_183, %add3A_184 : i32
                %mul3A_186 = arith.constant 8 : i32
                %mul3A_187 = arith.muli %add3A_185, %mul3A_186 : i32
                %add3A_188 = arith.addi %mul3A_187, %add3A_43 : i32
                %mul3A_189 = arith.constant 16 : i32
                %mul3A_190 = arith.muli %add3A_188, %mul3A_189 : i32
                %get3A_191 = arith.index_cast %mul3A_190 : i32 to index
                %get3A_192 = tpu.vector_load %arg7[%get3A_191] {strides = array<i32>} : memref<16384xf32, #tpu.memory_space<vmem>>, vector<16xf32>,
                %ge3A = vector.broadcast %squeeze3A : f32 to vector<16xf32>
                %ge3A_193 = arith.cmpf oge, %get3A_192, %ge3A : vector<16xf32>
                %mul3A_194 = arith.constant 16 : i32
                %mul3A_195 = arith.muli %add3A_188, %mul3A_194 : i32
                %add3A_196 = vector.broadcast %mul3A_195 : i32 to vector<16xi32>
                %add3A_197 = arith.addi %add3A_196, %iota3A : vector<16xi32>
                %and3A = arith.constant 127 : i32
                %and3A_198 = vector.broadcast %and3A : i32 to vector<16xi32>
                %and3A_199 = arith.andi %add3A_197, %and3A_198 : vector<16xi32>
                %shift_left3A = arith.constant 7 : i32
                %shift_left3A_200 = vector.broadcast %shift_left3A : i32 to vector<16xi32>
                %shift_left3A_201 = arith.shli %and3A_199, %shift_left3A_200 : vector<16xi32>
                %shift_right_arithmetic3A = arith.constant 7 : i32
                %shift_right_arithmetic3A_202 = vector.broadcast %shift_right_arithmetic3A : i32 to vector<16xi32>
                %shift_right_arithmetic3A_203 = arith.shrsi %add3A_197, %shift_right_arithmetic3A_202 : vector<16xi32>
                %add3A_204 = arith.addi %shift_left3A_201, %shift_right_arithmetic3A_203 : vector<16xi32>
                %jit3A = arith.constant 1073741824 : i32
                %broadcast_in_dim3A = vector.broadcast %jit3A : i32 to vector<16xi32>
                %select_n3A = arith.select %ge3A_193, %add3A_204, %broadcast_in_dim3A : vector<16xi1>, vector<16xi32>
                %masked_sort3A = arith.constant dense<true> : vector<16xi1>
                %masked_sort3A_205 = arith.constant -2147483648 : i32
                %masked_sort3A_206 = vector.broadcast %masked_sort3A_205 : i32 to vector<16xi32>
                %masked_sort3A_207 = arith.xori %select_n3A, %masked_sort3A_206 : vector<16xi32>
                %masked_sort3A_208, %masked_sort3A_209, %masked_sort3A_210 = tpu.sort %masked_sort3A_207, %get3A_192 masked %masked_sort3A : (vector<16xi32>, vector<16xf32>, vector<16xi1>) -> (vector<16xi1>, vector<16xi32>, vector<16xf32>)
                %masked_sort3A_211 = arith.xori %masked_sort3A_209, %masked_sort3A_206 : vector<16xi32>
                %lt3A_212 = arith.constant 1073741824 : i32
                %lt3A_213 = vector.broadcast %lt3A_212 : i32 to vector<16xi32>
                %lt3A_214 = arith.cmpi slt, %masked_sort3A_211, %lt3A_213 : vector<16xi32>
                %jit3A_215 = arith.constant 0xFF800000 : f32
                %broadcast_in_dim3A_216 = vector.broadcast %jit3A_215 : f32 to vector<16xf32>
                %select_n3A_217 = arith.select %lt3A_214, %masked_sort3A_210, %broadcast_in_dim3A_216 : vector<16xi1>, vector<16xf32>
                %get3A_218 = arith.constant 0 : i32
                %get3A_219 = arith.index_cast %get3A_218 : i32 to index
                %get3A_220 = memref.load %arg12[%get3A_219] : memref<1xi32, #tpu.memory_space<smem>>
                %le3A = arith.constant 256 : i32
                %le3A_221 = arith.cmpi sle, %get3A_220, %le3A : i32
                %convert_element_type3A_222 = arith.extui %le3A_221 : i1 to i32
                %cond3A_223 = arith.constant 0 : i32
                %cond3A_224 = arith.cmpi ne, %convert_element_type3A_222, %cond3A_223 : i32
                scf.if %cond3A_224 {
                  %swap3A_233 = arith.index_cast %get3A_220 : i32 to index
                  %swap3A_234 = tpu.vector_load %arg9[%swap3A_233] {strides = array<i32>} : memref<272xf32, #tpu.memory_space<vmem>>, vector<16xf32>,
                  tpu.vector_store %arg9[%swap3A_233], %select_n3A_217 {strides = array<i32>} : memref<272xf32, #tpu.memory_space<vmem>>, vector<16xf32>,
                  %swap3A_235 = arith.index_cast %get3A_220 : i32 to index
                  %swap3A_236 = tpu.vector_load %arg10[%swap3A_235] {strides = array<i32>} : memref<272xi32, #tpu.memory_space<vmem>>, vector<16xi32>,
                  tpu.vector_store %arg10[%swap3A_235], %masked_sort3A_211 {strides = array<i32>} : memref<272xi32, #tpu.memory_space<vmem>>, vector<16xi32>,
                } else {
                }
                %convert_element_type3A_225 = arith.extui %ge3A_193 : vector<16xi1> to vector<16xi32>
                %reduce_sum3A = arith.constant true
                %reduce_sum3A_226 = vector.broadcast %reduce_sum3A : i1 to vector<16xi1>
                %reduce_sum3A_227 = tpu.scan <sum>, %convert_element_type3A_225 masked %reduce_sum3A_226 : vector<16xi32>, vector<16xi1> -> vector<16xi32>
                %reduce_sum3A_228 = vector.extract %reduce_sum3A_227[15] : i32 from vector<16xi32>
                %add3A_229 = arith.addi %get3A_220, %reduce_sum3A_228 : i32
                %swap3A_230 = arith.constant 0 : i32
                %swap3A_231 = arith.index_cast %swap3A_230 : i32 to index
                %swap3A_232 = memref.load %arg12[%swap3A_231] : memref<1xi32, #tpu.memory_space<smem>>
                memref.store %add3A_229, %arg12[%swap3A_231] : memref<1xi32, #tpu.memory_space<smem>>
              } else {
              }
              %slice3A_105 = vector.extract_strided_slice %get3A_58 {offsets = [5], sizes = [1], strides = [1]} : vector<16xi32> to vector<1xi32>
              %squeeze3A_106 = vector.extract %slice3A_105[0] : i32 from vector<1xi32>
              %ne3A_107 = arith.constant 0 : i32
              %ne3A_108 = arith.cmpi ne, %squeeze3A_106, %ne3A_107 : i32
              %convert_element_type3A_109 = arith.extui %ne3A_108 : i1 to i32
              %cond3A_110 = arith.constant 0 : i32
              %cond3A_111 = arith.cmpi ne, %convert_element_type3A_109, %cond3A_110 : i32
              scf.if %cond3A_111 {
                %mul3A_182 = arith.constant 16 : i32
                %mul3A_183 = arith.muli %add3A_53, %mul3A_182 : i32
                %add3A_184 = arith.constant 5 : i32
                %add3A_185 = arith.addi %mul3A_183, %add3A_184 : i32
                %mul3A_186 = arith.constant 8 : i32
                %mul3A_187 = arith.muli %add3A_185, %mul3A_186 : i32
                %add3A_188 = arith.addi %mul3A_187, %add3A_43 : i32
                %mul3A_189 = arith.constant 16 : i32
                %mul3A_190 = arith.muli %add3A_188, %mul3A_189 : i32
                %get3A_191 = arith.index_cast %mul3A_190 : i32 to index
                %get3A_192 = tpu.vector_load %arg7[%get3A_191] {strides = array<i32>} : memref<16384xf32, #tpu.memory_space<vmem>>, vector<16xf32>,
                %ge3A = vector.broadcast %squeeze3A : f32 to vector<16xf32>
                %ge3A_193 = arith.cmpf oge, %get3A_192, %ge3A : vector<16xf32>
                %mul3A_194 = arith.constant 16 : i32
                %mul3A_195 = arith.muli %add3A_188, %mul3A_194 : i32
                %add3A_196 = vector.broadcast %mul3A_195 : i32 to vector<16xi32>
                %add3A_197 = arith.addi %add3A_196, %iota3A : vector<16xi32>
                %and3A = arith.constant 127 : i32
                %and3A_198 = vector.broadcast %and3A : i32 to vector<16xi32>
                %and3A_199 = arith.andi %add3A_197, %and3A_198 : vector<16xi32>
                %shift_left3A = arith.constant 7 : i32
                %shift_left3A_200 = vector.broadcast %shift_left3A : i32 to vector<16xi32>
                %shift_left3A_201 = arith.shli %and3A_199, %shift_left3A_200 : vector<16xi32>
                %shift_right_arithmetic3A = arith.constant 7 : i32
                %shift_right_arithmetic3A_202 = vector.broadcast %shift_right_arithmetic3A : i32 to vector<16xi32>
                %shift_right_arithmetic3A_203 = arith.shrsi %add3A_197, %shift_right_arithmetic3A_202 : vector<16xi32>
                %add3A_204 = arith.addi %shift_left3A_201, %shift_right_arithmetic3A_203 : vector<16xi32>
                %jit3A = arith.constant 1073741824 : i32
                %broadcast_in_dim3A = vector.broadcast %jit3A : i32 to vector<16xi32>
                %select_n3A = arith.select %ge3A_193, %add3A_204, %broadcast_in_dim3A : vector<16xi1>, vector<16xi32>
                %masked_sort3A = arith.constant dense<true> : vector<16xi1>
                %masked_sort3A_205 = arith.constant -2147483648 : i32
                %masked_sort3A_206 = vector.broadcast %masked_sort3A_205 : i32 to vector<16xi32>
                %masked_sort3A_207 = arith.xori %select_n3A, %masked_sort3A_206 : vector<16xi32>
                %masked_sort3A_208, %masked_sort3A_209, %masked_sort3A_210 = tpu.sort %masked_sort3A_207, %get3A_192 masked %masked_sort3A : (vector<16xi32>, vector<16xf32>, vector<16xi1>) -> (vector<16xi1>, vector<16xi32>, vector<16xf32>)
                %masked_sort3A_211 = arith.xori %masked_sort3A_209, %masked_sort3A_206 : vector<16xi32>
                %lt3A_212 = arith.constant 1073741824 : i32
                %lt3A_213 = vector.broadcast %lt3A_212 : i32 to vector<16xi32>
                %lt3A_214 = arith.cmpi slt, %masked_sort3A_211, %lt3A_213 : vector<16xi32>
                %jit3A_215 = arith.constant 0xFF800000 : f32
                %broadcast_in_dim3A_216 = vector.broadcast %jit3A_215 : f32 to vector<16xf32>
                %select_n3A_217 = arith.select %lt3A_214, %masked_sort3A_210, %broadcast_in_dim3A_216 : vector<16xi1>, vector<16xf32>
                %get3A_218 = arith.constant 0 : i32
                %get3A_219 = arith.index_cast %get3A_218 : i32 to index
                %get3A_220 = memref.load %arg12[%get3A_219] : memref<1xi32, #tpu.memory_space<smem>>
                %le3A = arith.constant 256 : i32
                %le3A_221 = arith.cmpi sle, %get3A_220, %le3A : i32
                %convert_element_type3A_222 = arith.extui %le3A_221 : i1 to i32
                %cond3A_223 = arith.constant 0 : i32
                %cond3A_224 = arith.cmpi ne, %convert_element_type3A_222, %cond3A_223 : i32
                scf.if %cond3A_224 {
                  %swap3A_233 = arith.index_cast %get3A_220 : i32 to index
                  %swap3A_234 = tpu.vector_load %arg9[%swap3A_233] {strides = array<i32>} : memref<272xf32, #tpu.memory_space<vmem>>, vector<16xf32>,
                  tpu.vector_store %arg9[%swap3A_233], %select_n3A_217 {strides = array<i32>} : memref<272xf32, #tpu.memory_space<vmem>>, vector<16xf32>,
                  %swap3A_235 = arith.index_cast %get3A_220 : i32 to index
                  %swap3A_236 = tpu.vector_load %arg10[%swap3A_235] {strides = array<i32>} : memref<272xi32, #tpu.memory_space<vmem>>, vector<16xi32>,
                  tpu.vector_store %arg10[%swap3A_235], %masked_sort3A_211 {strides = array<i32>} : memref<272xi32, #tpu.memory_space<vmem>>, vector<16xi32>,
                } else {
                }
                %convert_element_type3A_225 = arith.extui %ge3A_193 : vector<16xi1> to vector<16xi32>
                %reduce_sum3A = arith.constant true
                %reduce_sum3A_226 = vector.broadcast %reduce_sum3A : i1 to vector<16xi1>
                %reduce_sum3A_227 = tpu.scan <sum>, %convert_element_type3A_225 masked %reduce_sum3A_226 : vector<16xi32>, vector<16xi1> -> vector<16xi32>
                %reduce_sum3A_228 = vector.extract %reduce_sum3A_227[15] : i32 from vector<16xi32>
                %add3A_229 = arith.addi %get3A_220, %reduce_sum3A_228 : i32
                %swap3A_230 = arith.constant 0 : i32
                %swap3A_231 = arith.index_cast %swap3A_230 : i32 to index
                %swap3A_232 = memref.load %arg12[%swap3A_231] : memref<1xi32, #tpu.memory_space<smem>>
                memref.store %add3A_229, %arg12[%swap3A_231] : memref<1xi32, #tpu.memory_space<smem>>
              } else {
              }
              %slice3A_112 = vector.extract_strided_slice %get3A_58 {offsets = [6], sizes = [1], strides = [1]} : vector<16xi32> to vector<1xi32>
              %squeeze3A_113 = vector.extract %slice3A_112[0] : i32 from vector<1xi32>
              %ne3A_114 = arith.constant 0 : i32
              %ne3A_115 = arith.cmpi ne, %squeeze3A_113, %ne3A_114 : i32
              %convert_element_type3A_116 = arith.extui %ne3A_115 : i1 to i32
              %cond3A_117 = arith.constant 0 : i32
              %cond3A_118 = arith.cmpi ne, %convert_element_type3A_116, %cond3A_117 : i32
              scf.if %cond3A_118 {
                %mul3A_182 = arith.constant 16 : i32
                %mul3A_183 = arith.muli %add3A_53, %mul3A_182 : i32
                %add3A_184 = arith.constant 6 : i32
                %add3A_185 = arith.addi %mul3A_183, %add3A_184 : i32
                %mul3A_186 = arith.constant 8 : i32
                %mul3A_187 = arith.muli %add3A_185, %mul3A_186 : i32
                %add3A_188 = arith.addi %mul3A_187, %add3A_43 : i32
                %mul3A_189 = arith.constant 16 : i32
                %mul3A_190 = arith.muli %add3A_188, %mul3A_189 : i32
                %get3A_191 = arith.index_cast %mul3A_190 : i32 to index
                %get3A_192 = tpu.vector_load %arg7[%get3A_191] {strides = array<i32>} : memref<16384xf32, #tpu.memory_space<vmem>>, vector<16xf32>,
                %ge3A = vector.broadcast %squeeze3A : f32 to vector<16xf32>
                %ge3A_193 = arith.cmpf oge, %get3A_192, %ge3A : vector<16xf32>
                %mul3A_194 = arith.constant 16 : i32
                %mul3A_195 = arith.muli %add3A_188, %mul3A_194 : i32
                %add3A_196 = vector.broadcast %mul3A_195 : i32 to vector<16xi32>
                %add3A_197 = arith.addi %add3A_196, %iota3A : vector<16xi32>
                %and3A = arith.constant 127 : i32
                %and3A_198 = vector.broadcast %and3A : i32 to vector<16xi32>
                %and3A_199 = arith.andi %add3A_197, %and3A_198 : vector<16xi32>
                %shift_left3A = arith.constant 7 : i32
                %shift_left3A_200 = vector.broadcast %shift_left3A : i32 to vector<16xi32>
                %shift_left3A_201 = arith.shli %and3A_199, %shift_left3A_200 : vector<16xi32>
                %shift_right_arithmetic3A = arith.constant 7 : i32
                %shift_right_arithmetic3A_202 = vector.broadcast %shift_right_arithmetic3A : i32 to vector<16xi32>
                %shift_right_arithmetic3A_203 = arith.shrsi %add3A_197, %shift_right_arithmetic3A_202 : vector<16xi32>
                %add3A_204 = arith.addi %shift_left3A_201, %shift_right_arithmetic3A_203 : vector<16xi32>
                %jit3A = arith.constant 1073741824 : i32
                %broadcast_in_dim3A = vector.broadcast %jit3A : i32 to vector<16xi32>
                %select_n3A = arith.select %ge3A_193, %add3A_204, %broadcast_in_dim3A : vector<16xi1>, vector<16xi32>
                %masked_sort3A = arith.constant dense<true> : vector<16xi1>
                %masked_sort3A_205 = arith.constant -2147483648 : i32
                %masked_sort3A_206 = vector.broadcast %masked_sort3A_205 : i32 to vector<16xi32>
                %masked_sort3A_207 = arith.xori %select_n3A, %masked_sort3A_206 : vector<16xi32>
                %masked_sort3A_208, %masked_sort3A_209, %masked_sort3A_210 = tpu.sort %masked_sort3A_207, %get3A_192 masked %masked_sort3A : (vector<16xi32>, vector<16xf32>, vector<16xi1>) -> (vector<16xi1>, vector<16xi32>, vector<16xf32>)
                %masked_sort3A_211 = arith.xori %masked_sort3A_209, %masked_sort3A_206 : vector<16xi32>
                %lt3A_212 = arith.constant 1073741824 : i32
                %lt3A_213 = vector.broadcast %lt3A_212 : i32 to vector<16xi32>
                %lt3A_214 = arith.cmpi slt, %masked_sort3A_211, %lt3A_213 : vector<16xi32>
                %jit3A_215 = arith.constant 0xFF800000 : f32
                %broadcast_in_dim3A_216 = vector.broadcast %jit3A_215 : f32 to vector<16xf32>
                %select_n3A_217 = arith.select %lt3A_214, %masked_sort3A_210, %broadcast_in_dim3A_216 : vector<16xi1>, vector<16xf32>
                %get3A_218 = arith.constant 0 : i32
                %get3A_219 = arith.index_cast %get3A_218 : i32 to index
                %get3A_220 = memref.load %arg12[%get3A_219] : memref<1xi32, #tpu.memory_space<smem>>
                %le3A = arith.constant 256 : i32
                %le3A_221 = arith.cmpi sle, %get3A_220, %le3A : i32
                %convert_element_type3A_222 = arith.extui %le3A_221 : i1 to i32
                %cond3A_223 = arith.constant 0 : i32
                %cond3A_224 = arith.cmpi ne, %convert_element_type3A_222, %cond3A_223 : i32
                scf.if %cond3A_224 {
                  %swap3A_233 = arith.index_cast %get3A_220 : i32 to index
                  %swap3A_234 = tpu.vector_load %arg9[%swap3A_233] {strides = array<i32>} : memref<272xf32, #tpu.memory_space<vmem>>, vector<16xf32>,
                  tpu.vector_store %arg9[%swap3A_233], %select_n3A_217 {strides = array<i32>} : memref<272xf32, #tpu.memory_space<vmem>>, vector<16xf32>,
                  %swap3A_235 = arith.index_cast %get3A_220 : i32 to index
                  %swap3A_236 = tpu.vector_load %arg10[%swap3A_235] {strides = array<i32>} : memref<272xi32, #tpu.memory_space<vmem>>, vector<16xi32>,
                  tpu.vector_store %arg10[%swap3A_235], %masked_sort3A_211 {strides = array<i32>} : memref<272xi32, #tpu.memory_space<vmem>>, vector<16xi32>,
                } else {
                }
                %convert_element_type3A_225 = arith.extui %ge3A_193 : vector<16xi1> to vector<16xi32>
                %reduce_sum3A = arith.constant true
                %reduce_sum3A_226 = vector.broadcast %reduce_sum3A : i1 to vector<16xi1>
                %reduce_sum3A_227 = tpu.scan <sum>, %convert_element_type3A_225 masked %reduce_sum3A_226 : vector<16xi32>, vector<16xi1> -> vector<16xi32>
                %reduce_sum3A_228 = vector.extract %reduce_sum3A_227[15] : i32 from vector<16xi32>
                %add3A_229 = arith.addi %get3A_220, %reduce_sum3A_228 : i32
                %swap3A_230 = arith.constant 0 : i32
                %swap3A_231 = arith.index_cast %swap3A_230 : i32 to index
                %swap3A_232 = memref.load %arg12[%swap3A_231] : memref<1xi32, #tpu.memory_space<smem>>
                memref.store %add3A_229, %arg12[%swap3A_231] : memref<1xi32, #tpu.memory_space<smem>>
              } else {
              }
              %slice3A_119 = vector.extract_strided_slice %get3A_58 {offsets = [7], sizes = [1], strides = [1]} : vector<16xi32> to vector<1xi32>
              %squeeze3A_120 = vector.extract %slice3A_119[0] : i32 from vector<1xi32>
              %ne3A_121 = arith.constant 0 : i32
              %ne3A_122 = arith.cmpi ne, %squeeze3A_120, %ne3A_121 : i32
              %convert_element_type3A_123 = arith.extui %ne3A_122 : i1 to i32
              %cond3A_124 = arith.constant 0 : i32
              %cond3A_125 = arith.cmpi ne, %convert_element_type3A_123, %cond3A_124 : i32
              scf.if %cond3A_125 {
                %mul3A_182 = arith.constant 16 : i32
                %mul3A_183 = arith.muli %add3A_53, %mul3A_182 : i32
                %add3A_184 = arith.constant 7 : i32
                %add3A_185 = arith.addi %mul3A_183, %add3A_184 : i32
                %mul3A_186 = arith.constant 8 : i32
                %mul3A_187 = arith.muli %add3A_185, %mul3A_186 : i32
                %add3A_188 = arith.addi %mul3A_187, %add3A_43 : i32
                %mul3A_189 = arith.constant 16 : i32
                %mul3A_190 = arith.muli %add3A_188, %mul3A_189 : i32
                %get3A_191 = arith.index_cast %mul3A_190 : i32 to index
                %get3A_192 = tpu.vector_load %arg7[%get3A_191] {strides = array<i32>} : memref<16384xf32, #tpu.memory_space<vmem>>, vector<16xf32>,
                %ge3A = vector.broadcast %squeeze3A : f32 to vector<16xf32>
                %ge3A_193 = arith.cmpf oge, %get3A_192, %ge3A : vector<16xf32>
                %mul3A_194 = arith.constant 16 : i32
                %mul3A_195 = arith.muli %add3A_188, %mul3A_194 : i32
                %add3A_196 = vector.broadcast %mul3A_195 : i32 to vector<16xi32>
                %add3A_197 = arith.addi %add3A_196, %iota3A : vector<16xi32>
                %and3A = arith.constant 127 : i32
                %and3A_198 = vector.broadcast %and3A : i32 to vector<16xi32>
                %and3A_199 = arith.andi %add3A_197, %and3A_198 : vector<16xi32>
                %shift_left3A = arith.constant 7 : i32
                %shift_left3A_200 = vector.broadcast %shift_left3A : i32 to vector<16xi32>
                %shift_left3A_201 = arith.shli %and3A_199, %shift_left3A_200 : vector<16xi32>
                %shift_right_arithmetic3A = arith.constant 7 : i32
                %shift_right_arithmetic3A_202 = vector.broadcast %shift_right_arithmetic3A : i32 to vector<16xi32>
                %shift_right_arithmetic3A_203 = arith.shrsi %add3A_197, %shift_right_arithmetic3A_202 : vector<16xi32>
                %add3A_204 = arith.addi %shift_left3A_201, %shift_right_arithmetic3A_203 : vector<16xi32>
                %jit3A = arith.constant 1073741824 : i32
                %broadcast_in_dim3A = vector.broadcast %jit3A : i32 to vector<16xi32>
                %select_n3A = arith.select %ge3A_193, %add3A_204, %broadcast_in_dim3A : vector<16xi1>, vector<16xi32>
                %masked_sort3A = arith.constant dense<true> : vector<16xi1>
                %masked_sort3A_205 = arith.constant -2147483648 : i32
                %masked_sort3A_206 = vector.broadcast %masked_sort3A_205 : i32 to vector<16xi32>
                %masked_sort3A_207 = arith.xori %select_n3A, %masked_sort3A_206 : vector<16xi32>
                %masked_sort3A_208, %masked_sort3A_209, %masked_sort3A_210 = tpu.sort %masked_sort3A_207, %get3A_192 masked %masked_sort3A : (vector<16xi32>, vector<16xf32>, vector<16xi1>) -> (vector<16xi1>, vector<16xi32>, vector<16xf32>)
                %masked_sort3A_211 = arith.xori %masked_sort3A_209, %masked_sort3A_206 : vector<16xi32>
                %lt3A_212 = arith.constant 1073741824 : i32
                %lt3A_213 = vector.broadcast %lt3A_212 : i32 to vector<16xi32>
                %lt3A_214 = arith.cmpi slt, %masked_sort3A_211, %lt3A_213 : vector<16xi32>
                %jit3A_215 = arith.constant 0xFF800000 : f32
                %broadcast_in_dim3A_216 = vector.broadcast %jit3A_215 : f32 to vector<16xf32>
                %select_n3A_217 = arith.select %lt3A_214, %masked_sort3A_210, %broadcast_in_dim3A_216 : vector<16xi1>, vector<16xf32>
                %get3A_218 = arith.constant 0 : i32
                %get3A_219 = arith.index_cast %get3A_218 : i32 to index
                %get3A_220 = memref.load %arg12[%get3A_219] : memref<1xi32, #tpu.memory_space<smem>>
                %le3A = arith.constant 256 : i32
                %le3A_221 = arith.cmpi sle, %get3A_220, %le3A : i32
                %convert_element_type3A_222 = arith.extui %le3A_221 : i1 to i32
                %cond3A_223 = arith.constant 0 : i32
                %cond3A_224 = arith.cmpi ne, %convert_element_type3A_222, %cond3A_223 : i32
                scf.if %cond3A_224 {
                  %swap3A_233 = arith.index_cast %get3A_220 : i32 to index
                  %swap3A_234 = tpu.vector_load %arg9[%swap3A_233] {strides = array<i32>} : memref<272xf32, #tpu.memory_space<vmem>>, vector<16xf32>,
                  tpu.vector_store %arg9[%swap3A_233], %select_n3A_217 {strides = array<i32>} : memref<272xf32, #tpu.memory_space<vmem>>, vector<16xf32>,
                  %swap3A_235 = arith.index_cast %get3A_220 : i32 to index
                  %swap3A_236 = tpu.vector_load %arg10[%swap3A_235] {strides = array<i32>} : memref<272xi32, #tpu.memory_space<vmem>>, vector<16xi32>,
                  tpu.vector_store %arg10[%swap3A_235], %masked_sort3A_211 {strides = array<i32>} : memref<272xi32, #tpu.memory_space<vmem>>, vector<16xi32>,
                } else {
                }
                %convert_element_type3A_225 = arith.extui %ge3A_193 : vector<16xi1> to vector<16xi32>
                %reduce_sum3A = arith.constant true
                %reduce_sum3A_226 = vector.broadcast %reduce_sum3A : i1 to vector<16xi1>
                %reduce_sum3A_227 = tpu.scan <sum>, %convert_element_type3A_225 masked %reduce_sum3A_226 : vector<16xi32>, vector<16xi1> -> vector<16xi32>
                %reduce_sum3A_228 = vector.extract %reduce_sum3A_227[15] : i32 from vector<16xi32>
                %add3A_229 = arith.addi %get3A_220, %reduce_sum3A_228 : i32
                %swap3A_230 = arith.constant 0 : i32
                %swap3A_231 = arith.index_cast %swap3A_230 : i32 to index
                %swap3A_232 = memref.load %arg12[%swap3A_231] : memref<1xi32, #tpu.memory_space<smem>>
                memref.store %add3A_229, %arg12[%swap3A_231] : memref<1xi32, #tpu.memory_space<smem>>
              } else {
              }
              %slice3A_126 = vector.extract_strided_slice %get3A_58 {offsets = [8], sizes = [1], strides = [1]} : vector<16xi32> to vector<1xi32>
              %squeeze3A_127 = vector.extract %slice3A_126[0] : i32 from vector<1xi32>
              %ne3A_128 = arith.constant 0 : i32
              %ne3A_129 = arith.cmpi ne, %squeeze3A_127, %ne3A_128 : i32
              %convert_element_type3A_130 = arith.extui %ne3A_129 : i1 to i32
              %cond3A_131 = arith.constant 0 : i32
              %cond3A_132 = arith.cmpi ne, %convert_element_type3A_130, %cond3A_131 : i32
              scf.if %cond3A_132 {
                %mul3A_182 = arith.constant 16 : i32
                %mul3A_183 = arith.muli %add3A_53, %mul3A_182 : i32
                %add3A_184 = arith.constant 8 : i32
                %add3A_185 = arith.addi %mul3A_183, %add3A_184 : i32
                %mul3A_186 = arith.constant 8 : i32
                %mul3A_187 = arith.muli %add3A_185, %mul3A_186 : i32
                %add3A_188 = arith.addi %mul3A_187, %add3A_43 : i32
                %mul3A_189 = arith.constant 16 : i32
                %mul3A_190 = arith.muli %add3A_188, %mul3A_189 : i32
                %get3A_191 = arith.index_cast %mul3A_190 : i32 to index
                %get3A_192 = tpu.vector_load %arg7[%get3A_191] {strides = array<i32>} : memref<16384xf32, #tpu.memory_space<vmem>>, vector<16xf32>,
                %ge3A = vector.broadcast %squeeze3A : f32 to vector<16xf32>
                %ge3A_193 = arith.cmpf oge, %get3A_192, %ge3A : vector<16xf32>
                %mul3A_194 = arith.constant 16 : i32
                %mul3A_195 = arith.muli %add3A_188, %mul3A_194 : i32
                %add3A_196 = vector.broadcast %mul3A_195 : i32 to vector<16xi32>
                %add3A_197 = arith.addi %add3A_196, %iota3A : vector<16xi32>
                %and3A = arith.constant 127 : i32
                %and3A_198 = vector.broadcast %and3A : i32 to vector<16xi32>
                %and3A_199 = arith.andi %add3A_197, %and3A_198 : vector<16xi32>
                %shift_left3A = arith.constant 7 : i32
                %shift_left3A_200 = vector.broadcast %shift_left3A : i32 to vector<16xi32>
                %shift_left3A_201 = arith.shli %and3A_199, %shift_left3A_200 : vector<16xi32>
                %shift_right_arithmetic3A = arith.constant 7 : i32
                %shift_right_arithmetic3A_202 = vector.broadcast %shift_right_arithmetic3A : i32 to vector<16xi32>
                %shift_right_arithmetic3A_203 = arith.shrsi %add3A_197, %shift_right_arithmetic3A_202 : vector<16xi32>
                %add3A_204 = arith.addi %shift_left3A_201, %shift_right_arithmetic3A_203 : vector<16xi32>
                %jit3A = arith.constant 1073741824 : i32
                %broadcast_in_dim3A = vector.broadcast %jit3A : i32 to vector<16xi32>
                %select_n3A = arith.select %ge3A_193, %add3A_204, %broadcast_in_dim3A : vector<16xi1>, vector<16xi32>
                %masked_sort3A = arith.constant dense<true> : vector<16xi1>
                %masked_sort3A_205 = arith.constant -2147483648 : i32
                %masked_sort3A_206 = vector.broadcast %masked_sort3A_205 : i32 to vector<16xi32>
                %masked_sort3A_207 = arith.xori %select_n3A, %masked_sort3A_206 : vector<16xi32>
                %masked_sort3A_208, %masked_sort3A_209, %masked_sort3A_210 = tpu.sort %masked_sort3A_207, %get3A_192 masked %masked_sort3A : (vector<16xi32>, vector<16xf32>, vector<16xi1>) -> (vector<16xi1>, vector<16xi32>, vector<16xf32>)
                %masked_sort3A_211 = arith.xori %masked_sort3A_209, %masked_sort3A_206 : vector<16xi32>
                %lt3A_212 = arith.constant 1073741824 : i32
                %lt3A_213 = vector.broadcast %lt3A_212 : i32 to vector<16xi32>
                %lt3A_214 = arith.cmpi slt, %masked_sort3A_211, %lt3A_213 : vector<16xi32>
                %jit3A_215 = arith.constant 0xFF800000 : f32
                %broadcast_in_dim3A_216 = vector.broadcast %jit3A_215 : f32 to vector<16xf32>
                %select_n3A_217 = arith.select %lt3A_214, %masked_sort3A_210, %broadcast_in_dim3A_216 : vector<16xi1>, vector<16xf32>
                %get3A_218 = arith.constant 0 : i32
                %get3A_219 = arith.index_cast %get3A_218 : i32 to index
                %get3A_220 = memref.load %arg12[%get3A_219] : memref<1xi32, #tpu.memory_space<smem>>
                %le3A = arith.constant 256 : i32
                %le3A_221 = arith.cmpi sle, %get3A_220, %le3A : i32
                %convert_element_type3A_222 = arith.extui %le3A_221 : i1 to i32
                %cond3A_223 = arith.constant 0 : i32
                %cond3A_224 = arith.cmpi ne, %convert_element_type3A_222, %cond3A_223 : i32
                scf.if %cond3A_224 {
                  %swap3A_233 = arith.index_cast %get3A_220 : i32 to index
                  %swap3A_234 = tpu.vector_load %arg9[%swap3A_233] {strides = array<i32>} : memref<272xf32, #tpu.memory_space<vmem>>, vector<16xf32>,
                  tpu.vector_store %arg9[%swap3A_233], %select_n3A_217 {strides = array<i32>} : memref<272xf32, #tpu.memory_space<vmem>>, vector<16xf32>,
                  %swap3A_235 = arith.index_cast %get3A_220 : i32 to index
                  %swap3A_236 = tpu.vector_load %arg10[%swap3A_235] {strides = array<i32>} : memref<272xi32, #tpu.memory_space<vmem>>, vector<16xi32>,
                  tpu.vector_store %arg10[%swap3A_235], %masked_sort3A_211 {strides = array<i32>} : memref<272xi32, #tpu.memory_space<vmem>>, vector<16xi32>,
                } else {
                }
                %convert_element_type3A_225 = arith.extui %ge3A_193 : vector<16xi1> to vector<16xi32>
                %reduce_sum3A = arith.constant true
                %reduce_sum3A_226 = vector.broadcast %reduce_sum3A : i1 to vector<16xi1>
                %reduce_sum3A_227 = tpu.scan <sum>, %convert_element_type3A_225 masked %reduce_sum3A_226 : vector<16xi32>, vector<16xi1> -> vector<16xi32>
                %reduce_sum3A_228 = vector.extract %reduce_sum3A_227[15] : i32 from vector<16xi32>
                %add3A_229 = arith.addi %get3A_220, %reduce_sum3A_228 : i32
                %swap3A_230 = arith.constant 0 : i32
                %swap3A_231 = arith.index_cast %swap3A_230 : i32 to index
                %swap3A_232 = memref.load %arg12[%swap3A_231] : memref<1xi32, #tpu.memory_space<smem>>
                memref.store %add3A_229, %arg12[%swap3A_231] : memref<1xi32, #tpu.memory_space<smem>>
              } else {
              }
              %slice3A_133 = vector.extract_strided_slice %get3A_58 {offsets = [9], sizes = [1], strides = [1]} : vector<16xi32> to vector<1xi32>
              %squeeze3A_134 = vector.extract %slice3A_133[0] : i32 from vector<1xi32>
              %ne3A_135 = arith.constant 0 : i32
              %ne3A_136 = arith.cmpi ne, %squeeze3A_134, %ne3A_135 : i32
              %convert_element_type3A_137 = arith.extui %ne3A_136 : i1 to i32
              %cond3A_138 = arith.constant 0 : i32
              %cond3A_139 = arith.cmpi ne, %convert_element_type3A_137, %cond3A_138 : i32
              scf.if %cond3A_139 {
                %mul3A_182 = arith.constant 16 : i32
                %mul3A_183 = arith.muli %add3A_53, %mul3A_182 : i32
                %add3A_184 = arith.constant 9 : i32
                %add3A_185 = arith.addi %mul3A_183, %add3A_184 : i32
                %mul3A_186 = arith.constant 8 : i32
                %mul3A_187 = arith.muli %add3A_185, %mul3A_186 : i32
                %add3A_188 = arith.addi %mul3A_187, %add3A_43 : i32
                %mul3A_189 = arith.constant 16 : i32
                %mul3A_190 = arith.muli %add3A_188, %mul3A_189 : i32
                %get3A_191 = arith.index_cast %mul3A_190 : i32 to index
                %get3A_192 = tpu.vector_load %arg7[%get3A_191] {strides = array<i32>} : memref<16384xf32, #tpu.memory_space<vmem>>, vector<16xf32>,
                %ge3A = vector.broadcast %squeeze3A : f32 to vector<16xf32>
                %ge3A_193 = arith.cmpf oge, %get3A_192, %ge3A : vector<16xf32>
                %mul3A_194 = arith.constant 16 : i32
                %mul3A_195 = arith.muli %add3A_188, %mul3A_194 : i32
                %add3A_196 = vector.broadcast %mul3A_195 : i32 to vector<16xi32>
                %add3A_197 = arith.addi %add3A_196, %iota3A : vector<16xi32>
                %and3A = arith.constant 127 : i32
                %and3A_198 = vector.broadcast %and3A : i32 to vector<16xi32>
                %and3A_199 = arith.andi %add3A_197, %and3A_198 : vector<16xi32>
                %shift_left3A = arith.constant 7 : i32
                %shift_left3A_200 = vector.broadcast %shift_left3A : i32 to vector<16xi32>
                %shift_left3A_201 = arith.shli %and3A_199, %shift_left3A_200 : vector<16xi32>
                %shift_right_arithmetic3A = arith.constant 7 : i32
                %shift_right_arithmetic3A_202 = vector.broadcast %shift_right_arithmetic3A : i32 to vector<16xi32>
                %shift_right_arithmetic3A_203 = arith.shrsi %add3A_197, %shift_right_arithmetic3A_202 : vector<16xi32>
                %add3A_204 = arith.addi %shift_left3A_201, %shift_right_arithmetic3A_203 : vector<16xi32>
                %jit3A = arith.constant 1073741824 : i32
                %broadcast_in_dim3A = vector.broadcast %jit3A : i32 to vector<16xi32>
                %select_n3A = arith.select %ge3A_193, %add3A_204, %broadcast_in_dim3A : vector<16xi1>, vector<16xi32>
                %masked_sort3A = arith.constant dense<true> : vector<16xi1>
                %masked_sort3A_205 = arith.constant -2147483648 : i32
                %masked_sort3A_206 = vector.broadcast %masked_sort3A_205 : i32 to vector<16xi32>
                %masked_sort3A_207 = arith.xori %select_n3A, %masked_sort3A_206 : vector<16xi32>
                %masked_sort3A_208, %masked_sort3A_209, %masked_sort3A_210 = tpu.sort %masked_sort3A_207, %get3A_192 masked %masked_sort3A : (vector<16xi32>, vector<16xf32>, vector<16xi1>) -> (vector<16xi1>, vector<16xi32>, vector<16xf32>)
                %masked_sort3A_211 = arith.xori %masked_sort3A_209, %masked_sort3A_206 : vector<16xi32>
                %lt3A_212 = arith.constant 1073741824 : i32
                %lt3A_213 = vector.broadcast %lt3A_212 : i32 to vector<16xi32>
                %lt3A_214 = arith.cmpi slt, %masked_sort3A_211, %lt3A_213 : vector<16xi32>
                %jit3A_215 = arith.constant 0xFF800000 : f32
                %broadcast_in_dim3A_216 = vector.broadcast %jit3A_215 : f32 to vector<16xf32>
                %select_n3A_217 = arith.select %lt3A_214, %masked_sort3A_210, %broadcast_in_dim3A_216 : vector<16xi1>, vector<16xf32>
                %get3A_218 = arith.constant 0 : i32
                %get3A_219 = arith.index_cast %get3A_218 : i32 to index
                %get3A_220 = memref.load %arg12[%get3A_219] : memref<1xi32, #tpu.memory_space<smem>>
                %le3A = arith.constant 256 : i32
                %le3A_221 = arith.cmpi sle, %get3A_220, %le3A : i32
                %convert_element_type3A_222 = arith.extui %le3A_221 : i1 to i32
                %cond3A_223 = arith.constant 0 : i32
                %cond3A_224 = arith.cmpi ne, %convert_element_type3A_222, %cond3A_223 : i32
                scf.if %cond3A_224 {
                  %swap3A_233 = arith.index_cast %get3A_220 : i32 to index
                  %swap3A_234 = tpu.vector_load %arg9[%swap3A_233] {strides = array<i32>} : memref<272xf32, #tpu.memory_space<vmem>>, vector<16xf32>,
                  tpu.vector_store %arg9[%swap3A_233], %select_n3A_217 {strides = array<i32>} : memref<272xf32, #tpu.memory_space<vmem>>, vector<16xf32>,
                  %swap3A_235 = arith.index_cast %get3A_220 : i32 to index
                  %swap3A_236 = tpu.vector_load %arg10[%swap3A_235] {strides = array<i32>} : memref<272xi32, #tpu.memory_space<vmem>>, vector<16xi32>,
                  tpu.vector_store %arg10[%swap3A_235], %masked_sort3A_211 {strides = array<i32>} : memref<272xi32, #tpu.memory_space<vmem>>, vector<16xi32>,
                } else {
                }
                %convert_element_type3A_225 = arith.extui %ge3A_193 : vector<16xi1> to vector<16xi32>
                %reduce_sum3A = arith.constant true
                %reduce_sum3A_226 = vector.broadcast %reduce_sum3A : i1 to vector<16xi1>
                %reduce_sum3A_227 = tpu.scan <sum>, %convert_element_type3A_225 masked %reduce_sum3A_226 : vector<16xi32>, vector<16xi1> -> vector<16xi32>
                %reduce_sum3A_228 = vector.extract %reduce_sum3A_227[15] : i32 from vector<16xi32>
                %add3A_229 = arith.addi %get3A_220, %reduce_sum3A_228 : i32
                %swap3A_230 = arith.constant 0 : i32
                %swap3A_231 = arith.index_cast %swap3A_230 : i32 to index
                %swap3A_232 = memref.load %arg12[%swap3A_231] : memref<1xi32, #tpu.memory_space<smem>>
                memref.store %add3A_229, %arg12[%swap3A_231] : memref<1xi32, #tpu.memory_space<smem>>
              } else {
              }
              %slice3A_140 = vector.extract_strided_slice %get3A_58 {offsets = [10], sizes = [1], strides = [1]} : vector<16xi32> to vector<1xi32>
              %squeeze3A_141 = vector.extract %slice3A_140[0] : i32 from vector<1xi32>
              %ne3A_142 = arith.constant 0 : i32
              %ne3A_143 = arith.cmpi ne, %squeeze3A_141, %ne3A_142 : i32
              %convert_element_type3A_144 = arith.extui %ne3A_143 : i1 to i32
              %cond3A_145 = arith.constant 0 : i32
              %cond3A_146 = arith.cmpi ne, %convert_element_type3A_144, %cond3A_145 : i32
              scf.if %cond3A_146 {
                %mul3A_182 = arith.constant 16 : i32
                %mul3A_183 = arith.muli %add3A_53, %mul3A_182 : i32
                %add3A_184 = arith.constant 10 : i32
                %add3A_185 = arith.addi %mul3A_183, %add3A_184 : i32
                %mul3A_186 = arith.constant 8 : i32
                %mul3A_187 = arith.muli %add3A_185, %mul3A_186 : i32
                %add3A_188 = arith.addi %mul3A_187, %add3A_43 : i32
                %mul3A_189 = arith.constant 16 : i32
                %mul3A_190 = arith.muli %add3A_188, %mul3A_189 : i32
                %get3A_191 = arith.index_cast %mul3A_190 : i32 to index
                %get3A_192 = tpu.vector_load %arg7[%get3A_191] {strides = array<i32>} : memref<16384xf32, #tpu.memory_space<vmem>>, vector<16xf32>,
                %ge3A = vector.broadcast %squeeze3A : f32 to vector<16xf32>
                %ge3A_193 = arith.cmpf oge, %get3A_192, %ge3A : vector<16xf32>
                %mul3A_194 = arith.constant 16 : i32
                %mul3A_195 = arith.muli %add3A_188, %mul3A_194 : i32
                %add3A_196 = vector.broadcast %mul3A_195 : i32 to vector<16xi32>
                %add3A_197 = arith.addi %add3A_196, %iota3A : vector<16xi32>
                %and3A = arith.constant 127 : i32
                %and3A_198 = vector.broadcast %and3A : i32 to vector<16xi32>
                %and3A_199 = arith.andi %add3A_197, %and3A_198 : vector<16xi32>
                %shift_left3A = arith.constant 7 : i32
                %shift_left3A_200 = vector.broadcast %shift_left3A : i32 to vector<16xi32>
                %shift_left3A_201 = arith.shli %and3A_199, %shift_left3A_200 : vector<16xi32>
                %shift_right_arithmetic3A = arith.constant 7 : i32
                %shift_right_arithmetic3A_202 = vector.broadcast %shift_right_arithmetic3A : i32 to vector<16xi32>
                %shift_right_arithmetic3A_203 = arith.shrsi %add3A_197, %shift_right_arithmetic3A_202 : vector<16xi32>
                %add3A_204 = arith.addi %shift_left3A_201, %shift_right_arithmetic3A_203 : vector<16xi32>
                %jit3A = arith.constant 1073741824 : i32
                %broadcast_in_dim3A = vector.broadcast %jit3A : i32 to vector<16xi32>
                %select_n3A = arith.select %ge3A_193, %add3A_204, %broadcast_in_dim3A : vector<16xi1>, vector<16xi32>
                %masked_sort3A = arith.constant dense<true> : vector<16xi1>
                %masked_sort3A_205 = arith.constant -2147483648 : i32
                %masked_sort3A_206 = vector.broadcast %masked_sort3A_205 : i32 to vector<16xi32>
                %masked_sort3A_207 = arith.xori %select_n3A, %masked_sort3A_206 : vector<16xi32>
                %masked_sort3A_208, %masked_sort3A_209, %masked_sort3A_210 = tpu.sort %masked_sort3A_207, %get3A_192 masked %masked_sort3A : (vector<16xi32>, vector<16xf32>, vector<16xi1>) -> (vector<16xi1>, vector<16xi32>, vector<16xf32>)
                %masked_sort3A_211 = arith.xori %masked_sort3A_209, %masked_sort3A_206 : vector<16xi32>
                %lt3A_212 = arith.constant 1073741824 : i32
                %lt3A_213 = vector.broadcast %lt3A_212 : i32 to vector<16xi32>
                %lt3A_214 = arith.cmpi slt, %masked_sort3A_211, %lt3A_213 : vector<16xi32>
                %jit3A_215 = arith.constant 0xFF800000 : f32
                %broadcast_in_dim3A_216 = vector.broadcast %jit3A_215 : f32 to vector<16xf32>
                %select_n3A_217 = arith.select %lt3A_214, %masked_sort3A_210, %broadcast_in_dim3A_216 : vector<16xi1>, vector<16xf32>
                %get3A_218 = arith.constant 0 : i32
                %get3A_219 = arith.index_cast %get3A_218 : i32 to index
                %get3A_220 = memref.load %arg12[%get3A_219] : memref<1xi32, #tpu.memory_space<smem>>
                %le3A = arith.constant 256 : i32
                %le3A_221 = arith.cmpi sle, %get3A_220, %le3A : i32
                %convert_element_type3A_222 = arith.extui %le3A_221 : i1 to i32
                %cond3A_223 = arith.constant 0 : i32
                %cond3A_224 = arith.cmpi ne, %convert_element_type3A_222, %cond3A_223 : i32
                scf.if %cond3A_224 {
                  %swap3A_233 = arith.index_cast %get3A_220 : i32 to index
                  %swap3A_234 = tpu.vector_load %arg9[%swap3A_233] {strides = array<i32>} : memref<272xf32, #tpu.memory_space<vmem>>, vector<16xf32>,
                  tpu.vector_store %arg9[%swap3A_233], %select_n3A_217 {strides = array<i32>} : memref<272xf32, #tpu.memory_space<vmem>>, vector<16xf32>,
                  %swap3A_235 = arith.index_cast %get3A_220 : i32 to index
                  %swap3A_236 = tpu.vector_load %arg10[%swap3A_235] {strides = array<i32>} : memref<272xi32, #tpu.memory_space<vmem>>, vector<16xi32>,
                  tpu.vector_store %arg10[%swap3A_235], %masked_sort3A_211 {strides = array<i32>} : memref<272xi32, #tpu.memory_space<vmem>>, vector<16xi32>,
                } else {
                }
                %convert_element_type3A_225 = arith.extui %ge3A_193 : vector<16xi1> to vector<16xi32>
                %reduce_sum3A = arith.constant true
                %reduce_sum3A_226 = vector.broadcast %reduce_sum3A : i1 to vector<16xi1>
                %reduce_sum3A_227 = tpu.scan <sum>, %convert_element_type3A_225 masked %reduce_sum3A_226 : vector<16xi32>, vector<16xi1> -> vector<16xi32>
                %reduce_sum3A_228 = vector.extract %reduce_sum3A_227[15] : i32 from vector<16xi32>
                %add3A_229 = arith.addi %get3A_220, %reduce_sum3A_228 : i32
                %swap3A_230 = arith.constant 0 : i32
                %swap3A_231 = arith.index_cast %swap3A_230 : i32 to index
                %swap3A_232 = memref.load %arg12[%swap3A_231] : memref<1xi32, #tpu.memory_space<smem>>
                memref.store %add3A_229, %arg12[%swap3A_231] : memref<1xi32, #tpu.memory_space<smem>>
              } else {
              }
              %slice3A_147 = vector.extract_strided_slice %get3A_58 {offsets = [11], sizes = [1], strides = [1]} : vector<16xi32> to vector<1xi32>
              %squeeze3A_148 = vector.extract %slice3A_147[0] : i32 from vector<1xi32>
              %ne3A_149 = arith.constant 0 : i32
              %ne3A_150 = arith.cmpi ne, %squeeze3A_148, %ne3A_149 : i32
              %convert_element_type3A_151 = arith.extui %ne3A_150 : i1 to i32
              %cond3A_152 = arith.constant 0 : i32
              %cond3A_153 = arith.cmpi ne, %convert_element_type3A_151, %cond3A_152 : i32
              scf.if %cond3A_153 {
                %mul3A_182 = arith.constant 16 : i32
                %mul3A_183 = arith.muli %add3A_53, %mul3A_182 : i32
                %add3A_184 = arith.constant 11 : i32
                %add3A_185 = arith.addi %mul3A_183, %add3A_184 : i32
                %mul3A_186 = arith.constant 8 : i32
                %mul3A_187 = arith.muli %add3A_185, %mul3A_186 : i32
                %add3A_188 = arith.addi %mul3A_187, %add3A_43 : i32
                %mul3A_189 = arith.constant 16 : i32
                %mul3A_190 = arith.muli %add3A_188, %mul3A_189 : i32
                %get3A_191 = arith.index_cast %mul3A_190 : i32 to index
                %get3A_192 = tpu.vector_load %arg7[%get3A_191] {strides = array<i32>} : memref<16384xf32, #tpu.memory_space<vmem>>, vector<16xf32>,
                %ge3A = vector.broadcast %squeeze3A : f32 to vector<16xf32>
                %ge3A_193 = arith.cmpf oge, %get3A_192, %ge3A : vector<16xf32>
                %mul3A_194 = arith.constant 16 : i32
                %mul3A_195 = arith.muli %add3A_188, %mul3A_194 : i32
                %add3A_196 = vector.broadcast %mul3A_195 : i32 to vector<16xi32>
                %add3A_197 = arith.addi %add3A_196, %iota3A : vector<16xi32>
                %and3A = arith.constant 127 : i32
                %and3A_198 = vector.broadcast %and3A : i32 to vector<16xi32>
                %and3A_199 = arith.andi %add3A_197, %and3A_198 : vector<16xi32>
                %shift_left3A = arith.constant 7 : i32
                %shift_left3A_200 = vector.broadcast %shift_left3A : i32 to vector<16xi32>
                %shift_left3A_201 = arith.shli %and3A_199, %shift_left3A_200 : vector<16xi32>
                %shift_right_arithmetic3A = arith.constant 7 : i32
                %shift_right_arithmetic3A_202 = vector.broadcast %shift_right_arithmetic3A : i32 to vector<16xi32>
                %shift_right_arithmetic3A_203 = arith.shrsi %add3A_197, %shift_right_arithmetic3A_202 : vector<16xi32>
                %add3A_204 = arith.addi %shift_left3A_201, %shift_right_arithmetic3A_203 : vector<16xi32>
                %jit3A = arith.constant 1073741824 : i32
                %broadcast_in_dim3A = vector.broadcast %jit3A : i32 to vector<16xi32>
                %select_n3A = arith.select %ge3A_193, %add3A_204, %broadcast_in_dim3A : vector<16xi1>, vector<16xi32>
                %masked_sort3A = arith.constant dense<true> : vector<16xi1>
                %masked_sort3A_205 = arith.constant -2147483648 : i32
                %masked_sort3A_206 = vector.broadcast %masked_sort3A_205 : i32 to vector<16xi32>
                %masked_sort3A_207 = arith.xori %select_n3A, %masked_sort3A_206 : vector<16xi32>
                %masked_sort3A_208, %masked_sort3A_209, %masked_sort3A_210 = tpu.sort %masked_sort3A_207, %get3A_192 masked %masked_sort3A : (vector<16xi32>, vector<16xf32>, vector<16xi1>) -> (vector<16xi1>, vector<16xi32>, vector<16xf32>)
                %masked_sort3A_211 = arith.xori %masked_sort3A_209, %masked_sort3A_206 : vector<16xi32>
                %lt3A_212 = arith.constant 1073741824 : i32
                %lt3A_213 = vector.broadcast %lt3A_212 : i32 to vector<16xi32>
                %lt3A_214 = arith.cmpi slt, %masked_sort3A_211, %lt3A_213 : vector<16xi32>
                %jit3A_215 = arith.constant 0xFF800000 : f32
                %broadcast_in_dim3A_216 = vector.broadcast %jit3A_215 : f32 to vector<16xf32>
                %select_n3A_217 = arith.select %lt3A_214, %masked_sort3A_210, %broadcast_in_dim3A_216 : vector<16xi1>, vector<16xf32>
                %get3A_218 = arith.constant 0 : i32
                %get3A_219 = arith.index_cast %get3A_218 : i32 to index
                %get3A_220 = memref.load %arg12[%get3A_219] : memref<1xi32, #tpu.memory_space<smem>>
                %le3A = arith.constant 256 : i32
                %le3A_221 = arith.cmpi sle, %get3A_220, %le3A : i32
                %convert_element_type3A_222 = arith.extui %le3A_221 : i1 to i32
                %cond3A_223 = arith.constant 0 : i32
                %cond3A_224 = arith.cmpi ne, %convert_element_type3A_222, %cond3A_223 : i32
                scf.if %cond3A_224 {
                  %swap3A_233 = arith.index_cast %get3A_220 : i32 to index
                  %swap3A_234 = tpu.vector_load %arg9[%swap3A_233] {strides = array<i32>} : memref<272xf32, #tpu.memory_space<vmem>>, vector<16xf32>,
                  tpu.vector_store %arg9[%swap3A_233], %select_n3A_217 {strides = array<i32>} : memref<272xf32, #tpu.memory_space<vmem>>, vector<16xf32>,
                  %swap3A_235 = arith.index_cast %get3A_220 : i32 to index
                  %swap3A_236 = tpu.vector_load %arg10[%swap3A_235] {strides = array<i32>} : memref<272xi32, #tpu.memory_space<vmem>>, vector<16xi32>,
                  tpu.vector_store %arg10[%swap3A_235], %masked_sort3A_211 {strides = array<i32>} : memref<272xi32, #tpu.memory_space<vmem>>, vector<16xi32>,
                } else {
                }
                %convert_element_type3A_225 = arith.extui %ge3A_193 : vector<16xi1> to vector<16xi32>
                %reduce_sum3A = arith.constant true
                %reduce_sum3A_226 = vector.broadcast %reduce_sum3A : i1 to vector<16xi1>
                %reduce_sum3A_227 = tpu.scan <sum>, %convert_element_type3A_225 masked %reduce_sum3A_226 : vector<16xi32>, vector<16xi1> -> vector<16xi32>
                %reduce_sum3A_228 = vector.extract %reduce_sum3A_227[15] : i32 from vector<16xi32>
                %add3A_229 = arith.addi %get3A_220, %reduce_sum3A_228 : i32
                %swap3A_230 = arith.constant 0 : i32
                %swap3A_231 = arith.index_cast %swap3A_230 : i32 to index
                %swap3A_232 = memref.load %arg12[%swap3A_231] : memref<1xi32, #tpu.memory_space<smem>>
                memref.store %add3A_229, %arg12[%swap3A_231] : memref<1xi32, #tpu.memory_space<smem>>
              } else {
              }
              %slice3A_154 = vector.extract_strided_slice %get3A_58 {offsets = [12], sizes = [1], strides = [1]} : vector<16xi32> to vector<1xi32>
              %squeeze3A_155 = vector.extract %slice3A_154[0] : i32 from vector<1xi32>
              %ne3A_156 = arith.constant 0 : i32
              %ne3A_157 = arith.cmpi ne, %squeeze3A_155, %ne3A_156 : i32
              %convert_element_type3A_158 = arith.extui %ne3A_157 : i1 to i32
              %cond3A_159 = arith.constant 0 : i32
              %cond3A_160 = arith.cmpi ne, %convert_element_type3A_158, %cond3A_159 : i32
              scf.if %cond3A_160 {
                %mul3A_182 = arith.constant 16 : i32
                %mul3A_183 = arith.muli %add3A_53, %mul3A_182 : i32
                %add3A_184 = arith.constant 12 : i32
                %add3A_185 = arith.addi %mul3A_183, %add3A_184 : i32
                %mul3A_186 = arith.constant 8 : i32
                %mul3A_187 = arith.muli %add3A_185, %mul3A_186 : i32
                %add3A_188 = arith.addi %mul3A_187, %add3A_43 : i32
                %mul3A_189 = arith.constant 16 : i32
                %mul3A_190 = arith.muli %add3A_188, %mul3A_189 : i32
                %get3A_191 = arith.index_cast %mul3A_190 : i32 to index
                %get3A_192 = tpu.vector_load %arg7[%get3A_191] {strides = array<i32>} : memref<16384xf32, #tpu.memory_space<vmem>>, vector<16xf32>,
                %ge3A = vector.broadcast %squeeze3A : f32 to vector<16xf32>
                %ge3A_193 = arith.cmpf oge, %get3A_192, %ge3A : vector<16xf32>
                %mul3A_194 = arith.constant 16 : i32
                %mul3A_195 = arith.muli %add3A_188, %mul3A_194 : i32
                %add3A_196 = vector.broadcast %mul3A_195 : i32 to vector<16xi32>
                %add3A_197 = arith.addi %add3A_196, %iota3A : vector<16xi32>
                %and3A = arith.constant 127 : i32
                %and3A_198 = vector.broadcast %and3A : i32 to vector<16xi32>
                %and3A_199 = arith.andi %add3A_197, %and3A_198 : vector<16xi32>
                %shift_left3A = arith.constant 7 : i32
                %shift_left3A_200 = vector.broadcast %shift_left3A : i32 to vector<16xi32>
                %shift_left3A_201 = arith.shli %and3A_199, %shift_left3A_200 : vector<16xi32>
                %shift_right_arithmetic3A = arith.constant 7 : i32
                %shift_right_arithmetic3A_202 = vector.broadcast %shift_right_arithmetic3A : i32 to vector<16xi32>
                %shift_right_arithmetic3A_203 = arith.shrsi %add3A_197, %shift_right_arithmetic3A_202 : vector<16xi32>
                %add3A_204 = arith.addi %shift_left3A_201, %shift_right_arithmetic3A_203 : vector<16xi32>
                %jit3A = arith.constant 1073741824 : i32
                %broadcast_in_dim3A = vector.broadcast %jit3A : i32 to vector<16xi32>
                %select_n3A = arith.select %ge3A_193, %add3A_204, %broadcast_in_dim3A : vector<16xi1>, vector<16xi32>
                %masked_sort3A = arith.constant dense<true> : vector<16xi1>
                %masked_sort3A_205 = arith.constant -2147483648 : i32
                %masked_sort3A_206 = vector.broadcast %masked_sort3A_205 : i32 to vector<16xi32>
                %masked_sort3A_207 = arith.xori %select_n3A, %masked_sort3A_206 : vector<16xi32>
                %masked_sort3A_208, %masked_sort3A_209, %masked_sort3A_210 = tpu.sort %masked_sort3A_207, %get3A_192 masked %masked_sort3A : (vector<16xi32>, vector<16xf32>, vector<16xi1>) -> (vector<16xi1>, vector<16xi32>, vector<16xf32>)
                %masked_sort3A_211 = arith.xori %masked_sort3A_209, %masked_sort3A_206 : vector<16xi32>
                %lt3A_212 = arith.constant 1073741824 : i32
                %lt3A_213 = vector.broadcast %lt3A_212 : i32 to vector<16xi32>
                %lt3A_214 = arith.cmpi slt, %masked_sort3A_211, %lt3A_213 : vector<16xi32>
                %jit3A_215 = arith.constant 0xFF800000 : f32
                %broadcast_in_dim3A_216 = vector.broadcast %jit3A_215 : f32 to vector<16xf32>
                %select_n3A_217 = arith.select %lt3A_214, %masked_sort3A_210, %broadcast_in_dim3A_216 : vector<16xi1>, vector<16xf32>
                %get3A_218 = arith.constant 0 : i32
                %get3A_219 = arith.index_cast %get3A_218 : i32 to index
                %get3A_220 = memref.load %arg12[%get3A_219] : memref<1xi32, #tpu.memory_space<smem>>
                %le3A = arith.constant 256 : i32
                %le3A_221 = arith.cmpi sle, %get3A_220, %le3A : i32
                %convert_element_type3A_222 = arith.extui %le3A_221 : i1 to i32
                %cond3A_223 = arith.constant 0 : i32
                %cond3A_224 = arith.cmpi ne, %convert_element_type3A_222, %cond3A_223 : i32
                scf.if %cond3A_224 {
                  %swap3A_233 = arith.index_cast %get3A_220 : i32 to index
                  %swap3A_234 = tpu.vector_load %arg9[%swap3A_233] {strides = array<i32>} : memref<272xf32, #tpu.memory_space<vmem>>, vector<16xf32>,
                  tpu.vector_store %arg9[%swap3A_233], %select_n3A_217 {strides = array<i32>} : memref<272xf32, #tpu.memory_space<vmem>>, vector<16xf32>,
                  %swap3A_235 = arith.index_cast %get3A_220 : i32 to index
                  %swap3A_236 = tpu.vector_load %arg10[%swap3A_235] {strides = array<i32>} : memref<272xi32, #tpu.memory_space<vmem>>, vector<16xi32>,
                  tpu.vector_store %arg10[%swap3A_235], %masked_sort3A_211 {strides = array<i32>} : memref<272xi32, #tpu.memory_space<vmem>>, vector<16xi32>,
                } else {
                }
                %convert_element_type3A_225 = arith.extui %ge3A_193 : vector<16xi1> to vector<16xi32>
                %reduce_sum3A = arith.constant true
                %reduce_sum3A_226 = vector.broadcast %reduce_sum3A : i1 to vector<16xi1>
                %reduce_sum3A_227 = tpu.scan <sum>, %convert_element_type3A_225 masked %reduce_sum3A_226 : vector<16xi32>, vector<16xi1> -> vector<16xi32>
                %reduce_sum3A_228 = vector.extract %reduce_sum3A_227[15] : i32 from vector<16xi32>
                %add3A_229 = arith.addi %get3A_220, %reduce_sum3A_228 : i32
                %swap3A_230 = arith.constant 0 : i32
                %swap3A_231 = arith.index_cast %swap3A_230 : i32 to index
                %swap3A_232 = memref.load %arg12[%swap3A_231] : memref<1xi32, #tpu.memory_space<smem>>
                memref.store %add3A_229, %arg12[%swap3A_231] : memref<1xi32, #tpu.memory_space<smem>>
              } else {
              }
              %slice3A_161 = vector.extract_strided_slice %get3A_58 {offsets = [13], sizes = [1], strides = [1]} : vector<16xi32> to vector<1xi32>
              %squeeze3A_162 = vector.extract %slice3A_161[0] : i32 from vector<1xi32>
              %ne3A_163 = arith.constant 0 : i32
              %ne3A_164 = arith.cmpi ne, %squeeze3A_162, %ne3A_163 : i32
              %convert_element_type3A_165 = arith.extui %ne3A_164 : i1 to i32
              %cond3A_166 = arith.constant 0 : i32
              %cond3A_167 = arith.cmpi ne, %convert_element_type3A_165, %cond3A_166 : i32
              scf.if %cond3A_167 {
                %mul3A_182 = arith.constant 16 : i32
                %mul3A_183 = arith.muli %add3A_53, %mul3A_182 : i32
                %add3A_184 = arith.constant 13 : i32
                %add3A_185 = arith.addi %mul3A_183, %add3A_184 : i32
                %mul3A_186 = arith.constant 8 : i32
                %mul3A_187 = arith.muli %add3A_185, %mul3A_186 : i32
                %add3A_188 = arith.addi %mul3A_187, %add3A_43 : i32
                %mul3A_189 = arith.constant 16 : i32
                %mul3A_190 = arith.muli %add3A_188, %mul3A_189 : i32
                %get3A_191 = arith.index_cast %mul3A_190 : i32 to index
                %get3A_192 = tpu.vector_load %arg7[%get3A_191] {strides = array<i32>} : memref<16384xf32, #tpu.memory_space<vmem>>, vector<16xf32>,
                %ge3A = vector.broadcast %squeeze3A : f32 to vector<16xf32>
                %ge3A_193 = arith.cmpf oge, %get3A_192, %ge3A : vector<16xf32>
                %mul3A_194 = arith.constant 16 : i32
                %mul3A_195 = arith.muli %add3A_188, %mul3A_194 : i32
                %add3A_196 = vector.broadcast %mul3A_195 : i32 to vector<16xi32>
                %add3A_197 = arith.addi %add3A_196, %iota3A : vector<16xi32>
                %and3A = arith.constant 127 : i32
                %and3A_198 = vector.broadcast %and3A : i32 to vector<16xi32>
                %and3A_199 = arith.andi %add3A_197, %and3A_198 : vector<16xi32>
                %shift_left3A = arith.constant 7 : i32
                %shift_left3A_200 = vector.broadcast %shift_left3A : i32 to vector<16xi32>
                %shift_left3A_201 = arith.shli %and3A_199, %shift_left3A_200 : vector<16xi32>
                %shift_right_arithmetic3A = arith.constant 7 : i32
                %shift_right_arithmetic3A_202 = vector.broadcast %shift_right_arithmetic3A : i32 to vector<16xi32>
                %shift_right_arithmetic3A_203 = arith.shrsi %add3A_197, %shift_right_arithmetic3A_202 : vector<16xi32>
                %add3A_204 = arith.addi %shift_left3A_201, %shift_right_arithmetic3A_203 : vector<16xi32>
                %jit3A = arith.constant 1073741824 : i32
                %broadcast_in_dim3A = vector.broadcast %jit3A : i32 to vector<16xi32>
                %select_n3A = arith.select %ge3A_193, %add3A_204, %broadcast_in_dim3A : vector<16xi1>, vector<16xi32>
                %masked_sort3A = arith.constant dense<true> : vector<16xi1>
                %masked_sort3A_205 = arith.constant -2147483648 : i32
                %masked_sort3A_206 = vector.broadcast %masked_sort3A_205 : i32 to vector<16xi32>
                %masked_sort3A_207 = arith.xori %select_n3A, %masked_sort3A_206 : vector<16xi32>
                %masked_sort3A_208, %masked_sort3A_209, %masked_sort3A_210 = tpu.sort %masked_sort3A_207, %get3A_192 masked %masked_sort3A : (vector<16xi32>, vector<16xf32>, vector<16xi1>) -> (vector<16xi1>, vector<16xi32>, vector<16xf32>)
                %masked_sort3A_211 = arith.xori %masked_sort3A_209, %masked_sort3A_206 : vector<16xi32>
                %lt3A_212 = arith.constant 1073741824 : i32
                %lt3A_213 = vector.broadcast %lt3A_212 : i32 to vector<16xi32>
                %lt3A_214 = arith.cmpi slt, %masked_sort3A_211, %lt3A_213 : vector<16xi32>
                %jit3A_215 = arith.constant 0xFF800000 : f32
                %broadcast_in_dim3A_216 = vector.broadcast %jit3A_215 : f32 to vector<16xf32>
                %select_n3A_217 = arith.select %lt3A_214, %masked_sort3A_210, %broadcast_in_dim3A_216 : vector<16xi1>, vector<16xf32>
                %get3A_218 = arith.constant 0 : i32
                %get3A_219 = arith.index_cast %get3A_218 : i32 to index
                %get3A_220 = memref.load %arg12[%get3A_219] : memref<1xi32, #tpu.memory_space<smem>>
                %le3A = arith.constant 256 : i32
                %le3A_221 = arith.cmpi sle, %get3A_220, %le3A : i32
                %convert_element_type3A_222 = arith.extui %le3A_221 : i1 to i32
                %cond3A_223 = arith.constant 0 : i32
                %cond3A_224 = arith.cmpi ne, %convert_element_type3A_222, %cond3A_223 : i32
                scf.if %cond3A_224 {
                  %swap3A_233 = arith.index_cast %get3A_220 : i32 to index
                  %swap3A_234 = tpu.vector_load %arg9[%swap3A_233] {strides = array<i32>} : memref<272xf32, #tpu.memory_space<vmem>>, vector<16xf32>,
                  tpu.vector_store %arg9[%swap3A_233], %select_n3A_217 {strides = array<i32>} : memref<272xf32, #tpu.memory_space<vmem>>, vector<16xf32>,
                  %swap3A_235 = arith.index_cast %get3A_220 : i32 to index
                  %swap3A_236 = tpu.vector_load %arg10[%swap3A_235] {strides = array<i32>} : memref<272xi32, #tpu.memory_space<vmem>>, vector<16xi32>,
                  tpu.vector_store %arg10[%swap3A_235], %masked_sort3A_211 {strides = array<i32>} : memref<272xi32, #tpu.memory_space<vmem>>, vector<16xi32>,
                } else {
                }
                %convert_element_type3A_225 = arith.extui %ge3A_193 : vector<16xi1> to vector<16xi32>
                %reduce_sum3A = arith.constant true
                %reduce_sum3A_226 = vector.broadcast %reduce_sum3A : i1 to vector<16xi1>
                %reduce_sum3A_227 = tpu.scan <sum>, %convert_element_type3A_225 masked %reduce_sum3A_226 : vector<16xi32>, vector<16xi1> -> vector<16xi32>
                %reduce_sum3A_228 = vector.extract %reduce_sum3A_227[15] : i32 from vector<16xi32>
                %add3A_229 = arith.addi %get3A_220, %reduce_sum3A_228 : i32
                %swap3A_230 = arith.constant 0 : i32
                %swap3A_231 = arith.index_cast %swap3A_230 : i32 to index
                %swap3A_232 = memref.load %arg12[%swap3A_231] : memref<1xi32, #tpu.memory_space<smem>>
                memref.store %add3A_229, %arg12[%swap3A_231] : memref<1xi32, #tpu.memory_space<smem>>
              } else {
              }
              %slice3A_168 = vector.extract_strided_slice %get3A_58 {offsets = [14], sizes = [1], strides = [1]} : vector<16xi32> to vector<1xi32>
              %squeeze3A_169 = vector.extract %slice3A_168[0] : i32 from vector<1xi32>
              %ne3A_170 = arith.constant 0 : i32
              %ne3A_171 = arith.cmpi ne, %squeeze3A_169, %ne3A_170 : i32
              %convert_element_type3A_172 = arith.extui %ne3A_171 : i1 to i32
              %cond3A_173 = arith.constant 0 : i32
              %cond3A_174 = arith.cmpi ne, %convert_element_type3A_172, %cond3A_173 : i32
              scf.if %cond3A_174 {
                %mul3A_182 = arith.constant 16 : i32
                %mul3A_183 = arith.muli %add3A_53, %mul3A_182 : i32
                %add3A_184 = arith.constant 14 : i32
                %add3A_185 = arith.addi %mul3A_183, %add3A_184 : i32
                %mul3A_186 = arith.constant 8 : i32
                %mul3A_187 = arith.muli %add3A_185, %mul3A_186 : i32
                %add3A_188 = arith.addi %mul3A_187, %add3A_43 : i32
                %mul3A_189 = arith.constant 16 : i32
                %mul3A_190 = arith.muli %add3A_188, %mul3A_189 : i32
                %get3A_191 = arith.index_cast %mul3A_190 : i32 to index
                %get3A_192 = tpu.vector_load %arg7[%get3A_191] {strides = array<i32>} : memref<16384xf32, #tpu.memory_space<vmem>>, vector<16xf32>,
                %ge3A = vector.broadcast %squeeze3A : f32 to vector<16xf32>
                %ge3A_193 = arith.cmpf oge, %get3A_192, %ge3A : vector<16xf32>
                %mul3A_194 = arith.constant 16 : i32
                %mul3A_195 = arith.muli %add3A_188, %mul3A_194 : i32
                %add3A_196 = vector.broadcast %mul3A_195 : i32 to vector<16xi32>
                %add3A_197 = arith.addi %add3A_196, %iota3A : vector<16xi32>
                %and3A = arith.constant 127 : i32
                %and3A_198 = vector.broadcast %and3A : i32 to vector<16xi32>
                %and3A_199 = arith.andi %add3A_197, %and3A_198 : vector<16xi32>
                %shift_left3A = arith.constant 7 : i32
                %shift_left3A_200 = vector.broadcast %shift_left3A : i32 to vector<16xi32>
                %shift_left3A_201 = arith.shli %and3A_199, %shift_left3A_200 : vector<16xi32>
                %shift_right_arithmetic3A = arith.constant 7 : i32
                %shift_right_arithmetic3A_202 = vector.broadcast %shift_right_arithmetic3A : i32 to vector<16xi32>
                %shift_right_arithmetic3A_203 = arith.shrsi %add3A_197, %shift_right_arithmetic3A_202 : vector<16xi32>
                %add3A_204 = arith.addi %shift_left3A_201, %shift_right_arithmetic3A_203 : vector<16xi32>
                %jit3A = arith.constant 1073741824 : i32
                %broadcast_in_dim3A = vector.broadcast %jit3A : i32 to vector<16xi32>
                %select_n3A = arith.select %ge3A_193, %add3A_204, %broadcast_in_dim3A : vector<16xi1>, vector<16xi32>
                %masked_sort3A = arith.constant dense<true> : vector<16xi1>
                %masked_sort3A_205 = arith.constant -2147483648 : i32
                %masked_sort3A_206 = vector.broadcast %masked_sort3A_205 : i32 to vector<16xi32>
                %masked_sort3A_207 = arith.xori %select_n3A, %masked_sort3A_206 : vector<16xi32>
                %masked_sort3A_208, %masked_sort3A_209, %masked_sort3A_210 = tpu.sort %masked_sort3A_207, %get3A_192 masked %masked_sort3A : (vector<16xi32>, vector<16xf32>, vector<16xi1>) -> (vector<16xi1>, vector<16xi32>, vector<16xf32>)
                %masked_sort3A_211 = arith.xori %masked_sort3A_209, %masked_sort3A_206 : vector<16xi32>
                %lt3A_212 = arith.constant 1073741824 : i32
                %lt3A_213 = vector.broadcast %lt3A_212 : i32 to vector<16xi32>
                %lt3A_214 = arith.cmpi slt, %masked_sort3A_211, %lt3A_213 : vector<16xi32>
                %jit3A_215 = arith.constant 0xFF800000 : f32
                %broadcast_in_dim3A_216 = vector.broadcast %jit3A_215 : f32 to vector<16xf32>
                %select_n3A_217 = arith.select %lt3A_214, %masked_sort3A_210, %broadcast_in_dim3A_216 : vector<16xi1>, vector<16xf32>
                %get3A_218 = arith.constant 0 : i32
                %get3A_219 = arith.index_cast %get3A_218 : i32 to index
                %get3A_220 = memref.load %arg12[%get3A_219] : memref<1xi32, #tpu.memory_space<smem>>
                %le3A = arith.constant 256 : i32
                %le3A_221 = arith.cmpi sle, %get3A_220, %le3A : i32
                %convert_element_type3A_222 = arith.extui %le3A_221 : i1 to i32
                %cond3A_223 = arith.constant 0 : i32
                %cond3A_224 = arith.cmpi ne, %convert_element_type3A_222, %cond3A_223 : i32
                scf.if %cond3A_224 {
                  %swap3A_233 = arith.index_cast %get3A_220 : i32 to index
                  %swap3A_234 = tpu.vector_load %arg9[%swap3A_233] {strides = array<i32>} : memref<272xf32, #tpu.memory_space<vmem>>, vector<16xf32>,
                  tpu.vector_store %arg9[%swap3A_233], %select_n3A_217 {strides = array<i32>} : memref<272xf32, #tpu.memory_space<vmem>>, vector<16xf32>,
                  %swap3A_235 = arith.index_cast %get3A_220 : i32 to index
                  %swap3A_236 = tpu.vector_load %arg10[%swap3A_235] {strides = array<i32>} : memref<272xi32, #tpu.memory_space<vmem>>, vector<16xi32>,
                  tpu.vector_store %arg10[%swap3A_235], %masked_sort3A_211 {strides = array<i32>} : memref<272xi32, #tpu.memory_space<vmem>>, vector<16xi32>,
                } else {
                }
                %convert_element_type3A_225 = arith.extui %ge3A_193 : vector<16xi1> to vector<16xi32>
                %reduce_sum3A = arith.constant true
                %reduce_sum3A_226 = vector.broadcast %reduce_sum3A : i1 to vector<16xi1>
                %reduce_sum3A_227 = tpu.scan <sum>, %convert_element_type3A_225 masked %reduce_sum3A_226 : vector<16xi32>, vector<16xi1> -> vector<16xi32>
                %reduce_sum3A_228 = vector.extract %reduce_sum3A_227[15] : i32 from vector<16xi32>
                %add3A_229 = arith.addi %get3A_220, %reduce_sum3A_228 : i32
                %swap3A_230 = arith.constant 0 : i32
                %swap3A_231 = arith.index_cast %swap3A_230 : i32 to index
                %swap3A_232 = memref.load %arg12[%swap3A_231] : memref<1xi32, #tpu.memory_space<smem>>
                memref.store %add3A_229, %arg12[%swap3A_231] : memref<1xi32, #tpu.memory_space<smem>>
              } else {
              }
              %slice3A_175 = vector.extract_strided_slice %get3A_58 {offsets = [15], sizes = [1], strides = [1]} : vector<16xi32> to vector<1xi32>
              %squeeze3A_176 = vector.extract %slice3A_175[0] : i32 from vector<1xi32>
              %ne3A_177 = arith.constant 0 : i32
              %ne3A_178 = arith.cmpi ne, %squeeze3A_176, %ne3A_177 : i32
              %convert_element_type3A_179 = arith.extui %ne3A_178 : i1 to i32
              %cond3A_180 = arith.constant 0 : i32
              %cond3A_181 = arith.cmpi ne, %convert_element_type3A_179, %cond3A_180 : i32
              scf.if %cond3A_181 {
                %mul3A_182 = arith.constant 16 : i32
                %mul3A_183 = arith.muli %add3A_53, %mul3A_182 : i32
                %add3A_184 = arith.constant 15 : i32
                %add3A_185 = arith.addi %mul3A_183, %add3A_184 : i32
                %mul3A_186 = arith.constant 8 : i32
                %mul3A_187 = arith.muli %add3A_185, %mul3A_186 : i32
                %add3A_188 = arith.addi %mul3A_187, %add3A_43 : i32
                %mul3A_189 = arith.constant 16 : i32
                %mul3A_190 = arith.muli %add3A_188, %mul3A_189 : i32
                %get3A_191 = arith.index_cast %mul3A_190 : i32 to index
                %get3A_192 = tpu.vector_load %arg7[%get3A_191] {strides = array<i32>} : memref<16384xf32, #tpu.memory_space<vmem>>, vector<16xf32>,
                %ge3A = vector.broadcast %squeeze3A : f32 to vector<16xf32>
                %ge3A_193 = arith.cmpf oge, %get3A_192, %ge3A : vector<16xf32>
                %mul3A_194 = arith.constant 16 : i32
                %mul3A_195 = arith.muli %add3A_188, %mul3A_194 : i32
                %add3A_196 = vector.broadcast %mul3A_195 : i32 to vector<16xi32>
                %add3A_197 = arith.addi %add3A_196, %iota3A : vector<16xi32>
                %and3A = arith.constant 127 : i32
                %and3A_198 = vector.broadcast %and3A : i32 to vector<16xi32>
                %and3A_199 = arith.andi %add3A_197, %and3A_198 : vector<16xi32>
                %shift_left3A = arith.constant 7 : i32
                %shift_left3A_200 = vector.broadcast %shift_left3A : i32 to vector<16xi32>
                %shift_left3A_201 = arith.shli %and3A_199, %shift_left3A_200 : vector<16xi32>
                %shift_right_arithmetic3A = arith.constant 7 : i32
                %shift_right_arithmetic3A_202 = vector.broadcast %shift_right_arithmetic3A : i32 to vector<16xi32>
                %shift_right_arithmetic3A_203 = arith.shrsi %add3A_197, %shift_right_arithmetic3A_202 : vector<16xi32>
                %add3A_204 = arith.addi %shift_left3A_201, %shift_right_arithmetic3A_203 : vector<16xi32>
                %jit3A = arith.constant 1073741824 : i32
                %broadcast_in_dim3A = vector.broadcast %jit3A : i32 to vector<16xi32>
                %select_n3A = arith.select %ge3A_193, %add3A_204, %broadcast_in_dim3A : vector<16xi1>, vector<16xi32>
                %masked_sort3A = arith.constant dense<true> : vector<16xi1>
                %masked_sort3A_205 = arith.constant -2147483648 : i32
                %masked_sort3A_206 = vector.broadcast %masked_sort3A_205 : i32 to vector<16xi32>
                %masked_sort3A_207 = arith.xori %select_n3A, %masked_sort3A_206 : vector<16xi32>
                %masked_sort3A_208, %masked_sort3A_209, %masked_sort3A_210 = tpu.sort %masked_sort3A_207, %get3A_192 masked %masked_sort3A : (vector<16xi32>, vector<16xf32>, vector<16xi1>) -> (vector<16xi1>, vector<16xi32>, vector<16xf32>)
                %masked_sort3A_211 = arith.xori %masked_sort3A_209, %masked_sort3A_206 : vector<16xi32>
                %lt3A_212 = arith.constant 1073741824 : i32
                %lt3A_213 = vector.broadcast %lt3A_212 : i32 to vector<16xi32>
                %lt3A_214 = arith.cmpi slt, %masked_sort3A_211, %lt3A_213 : vector<16xi32>
                %jit3A_215 = arith.constant 0xFF800000 : f32
                %broadcast_in_dim3A_216 = vector.broadcast %jit3A_215 : f32 to vector<16xf32>
                %select_n3A_217 = arith.select %lt3A_214, %masked_sort3A_210, %broadcast_in_dim3A_216 : vector<16xi1>, vector<16xf32>
                %get3A_218 = arith.constant 0 : i32
                %get3A_219 = arith.index_cast %get3A_218 : i32 to index
                %get3A_220 = memref.load %arg12[%get3A_219] : memref<1xi32, #tpu.memory_space<smem>>
                %le3A = arith.constant 256 : i32
                %le3A_221 = arith.cmpi sle, %get3A_220, %le3A : i32
                %convert_element_type3A_222 = arith.extui %le3A_221 : i1 to i32
                %cond3A_223 = arith.constant 0 : i32
                %cond3A_224 = arith.cmpi ne, %convert_element_type3A_222, %cond3A_223 : i32
                scf.if %cond3A_224 {
                  %swap3A_233 = arith.index_cast %get3A_220 : i32 to index
                  %swap3A_234 = tpu.vector_load %arg9[%swap3A_233] {strides = array<i32>} : memref<272xf32, #tpu.memory_space<vmem>>, vector<16xf32>,
                  tpu.vector_store %arg9[%swap3A_233], %select_n3A_217 {strides = array<i32>} : memref<272xf32, #tpu.memory_space<vmem>>, vector<16xf32>,
                  %swap3A_235 = arith.index_cast %get3A_220 : i32 to index
                  %swap3A_236 = tpu.vector_load %arg10[%swap3A_235] {strides = array<i32>} : memref<272xi32, #tpu.memory_space<vmem>>, vector<16xi32>,
                  tpu.vector_store %arg10[%swap3A_235], %masked_sort3A_211 {strides = array<i32>} : memref<272xi32, #tpu.memory_space<vmem>>, vector<16xi32>,
                } else {
                }
                %convert_element_type3A_225 = arith.extui %ge3A_193 : vector<16xi1> to vector<16xi32>
                %reduce_sum3A = arith.constant true
                %reduce_sum3A_226 = vector.broadcast %reduce_sum3A : i1 to vector<16xi1>
                %reduce_sum3A_227 = tpu.scan <sum>, %convert_element_type3A_225 masked %reduce_sum3A_226 : vector<16xi32>, vector<16xi1> -> vector<16xi32>
                %reduce_sum3A_228 = vector.extract %reduce_sum3A_227[15] : i32 from vector<16xi32>
                %add3A_229 = arith.addi %get3A_220, %reduce_sum3A_228 : i32
                %swap3A_230 = arith.constant 0 : i32
                %swap3A_231 = arith.index_cast %swap3A_230 : i32 to index
                %swap3A_232 = memref.load %arg12[%swap3A_231] : memref<1xi32, #tpu.memory_space<smem>>
                memref.store %add3A_229, %arg12[%swap3A_231] : memref<1xi32, #tpu.memory_space<smem>>
              } else {
              }
            } else {
            }
          }
          %scan3A_48 = arith.constant 8 : i32
        }
        %scan3A_38 = arith.constant 8 : i32
        "tpu.region"() ({
          %run_scoped3A = tpu.sem_alloc : memref<!tpu.dma_semaphore, #tpu.memory_space<semaphore_mem>>
          %dma_start3A_39 = arith.constant 0 : i32
          %dma_start3A_40 = tpu.memref_slice %arg9[%dma_start3A_39] : memref<272xf32, #tpu.memory_space<vmem>> -> memref<256xf32, #tpu.memory_space<vmem>>
          %dma_start3A_41 = arith.constant 0 : i32
          %dma_start3A_42 = tpu.memref_slice %arg5[%add3A_12, %dma_start3A_41] : memref<144x256xf32, #tpu.memory_space<hbm>> -> memref<1x256xf32, #tpu.memory_space<hbm>>
          %dma_start3A_43 = tpu.memref_squeeze %dma_start3A_42 : memref<1x256xf32, #tpu.memory_space<hbm>> -> memref<256xf32, #tpu.memory_space<hbm>>
          %dma_start3A_44 = arith.constant 0 : i32
          %dma_start3A_45 = tpu.memref_slice %arg5[%add3A_12, %dma_start3A_44] : memref<144x256xf32, #tpu.memory_space<hbm>> -> memref<1x256xf32, #tpu.memory_space<hbm>>
          %dma_start3A_46 = tpu.memref_squeeze %dma_start3A_45 : memref<1x256xf32, #tpu.memory_space<hbm>> -> memref<256xf32, #tpu.memory_space<hbm>>
          %dma_start3A_47 = arith.constant 0 : i32
          %dma_start3A_48 = tpu.memref_slice %arg9[%dma_start3A_47] : memref<272xf32, #tpu.memory_space<vmem>> -> memref<256xf32, #tpu.memory_space<vmem>>
          tpu.enqueue_dma source(%dma_start3A_48 : memref<256xf32, #tpu.memory_space<vmem>>) target(%dma_start3A_46 : memref<256xf32, #tpu.memory_space<hbm>>) target_semaphore(%run_scoped3A : memref<!tpu.dma_semaphore, #tpu.memory_space<semaphore_mem>>)
          %dma_wait3A_49 = arith.constant 0 : i32
          %dma_wait3A_50 = tpu.memref_slice %arg9[%dma_wait3A_49] : memref<272xf32, #tpu.memory_space<vmem>> -> memref<256xf32, #tpu.memory_space<vmem>>
          %dma_wait3A_51 = arith.constant 0 : i32
          %dma_wait3A_52 = tpu.memref_slice %arg5[%add3A_12, %dma_wait3A_51] : memref<144x256xf32, #tpu.memory_space<hbm>> -> memref<1x256xf32, #tpu.memory_space<hbm>>
          %dma_wait3A_53 = tpu.memref_squeeze %dma_wait3A_52 : memref<1x256xf32, #tpu.memory_space<hbm>> -> memref<256xf32, #tpu.memory_space<hbm>>
          %dma_wait3A_54 = arith.constant 0 : i32
          %dma_wait3A_55 = tpu.memref_slice %arg5[%add3A_12, %dma_wait3A_54] : memref<144x256xf32, #tpu.memory_space<hbm>> -> memref<1x256xf32, #tpu.memory_space<hbm>>
          %dma_wait3A_56 = tpu.memref_squeeze %dma_wait3A_55 : memref<1x256xf32, #tpu.memory_space<hbm>> -> memref<256xf32, #tpu.memory_space<hbm>>
          %dma_wait3A_57 = arith.constant 0 : i32
          %dma_wait3A_58 = tpu.memref_slice %arg9[%dma_wait3A_57] : memref<272xf32, #tpu.memory_space<vmem>> -> memref<256xf32, #tpu.memory_space<vmem>>
          tpu.wait_dma2 semaphore(%run_scoped3A : memref<!tpu.dma_semaphore, #tpu.memory_space<semaphore_mem>>) src(%dma_wait3A_58 : memref<256xf32, #tpu.memory_space<vmem>>) dst(%dma_wait3A_56 : memref<256xf32, #tpu.memory_space<hbm>>)
          tpu.yield
        }) : () -> ()
        "tpu.region"() ({
          %run_scoped3A = tpu.sem_alloc : memref<!tpu.dma_semaphore, #tpu.memory_space<semaphore_mem>>
          %dma_start3A_39 = arith.constant 0 : i32
          %dma_start3A_40 = tpu.memref_slice %arg10[%dma_start3A_39] : memref<272xi32, #tpu.memory_space<vmem>> -> memref<256xi32, #tpu.memory_space<vmem>>
          %dma_start3A_41 = arith.constant 0 : i32
          %dma_start3A_42 = tpu.memref_slice %arg6[%add3A_12, %dma_start3A_41] : memref<144x256xi32, #tpu.memory_space<hbm>> -> memref<1x256xi32, #tpu.memory_space<hbm>>
          %dma_start3A_43 = tpu.memref_squeeze %dma_start3A_42 : memref<1x256xi32, #tpu.memory_space<hbm>> -> memref<256xi32, #tpu.memory_space<hbm>>
          %dma_start3A_44 = arith.constant 0 : i32
          %dma_start3A_45 = tpu.memref_slice %arg6[%add3A_12, %dma_start3A_44] : memref<144x256xi32, #tpu.memory_space<hbm>> -> memref<1x256xi32, #tpu.memory_space<hbm>>
          %dma_start3A_46 = tpu.memref_squeeze %dma_start3A_45 : memref<1x256xi32, #tpu.memory_space<hbm>> -> memref<256xi32, #tpu.memory_space<hbm>>
          %dma_start3A_47 = arith.constant 0 : i32
          %dma_start3A_48 = tpu.memref_slice %arg10[%dma_start3A_47] : memref<272xi32, #tpu.memory_space<vmem>> -> memref<256xi32, #tpu.memory_space<vmem>>
          tpu.enqueue_dma source(%dma_start3A_48 : memref<256xi32, #tpu.memory_space<vmem>>) target(%dma_start3A_46 : memref<256xi32, #tpu.memory_space<hbm>>) target_semaphore(%run_scoped3A : memref<!tpu.dma_semaphore, #tpu.memory_space<semaphore_mem>>)
          %dma_wait3A_49 = arith.constant 0 : i32
          %dma_wait3A_50 = tpu.memref_slice %arg10[%dma_wait3A_49] : memref<272xi32, #tpu.memory_space<vmem>> -> memref<256xi32, #tpu.memory_space<vmem>>
          %dma_wait3A_51 = arith.constant 0 : i32
          %dma_wait3A_52 = tpu.memref_slice %arg6[%add3A_12, %dma_wait3A_51] : memref<144x256xi32, #tpu.memory_space<hbm>> -> memref<1x256xi32, #tpu.memory_space<hbm>>
          %dma_wait3A_53 = tpu.memref_squeeze %dma_wait3A_52 : memref<1x256xi32, #tpu.memory_space<hbm>> -> memref<256xi32, #tpu.memory_space<hbm>>
          %dma_wait3A_54 = arith.constant 0 : i32
          %dma_wait3A_55 = tpu.memref_slice %arg6[%add3A_12, %dma_wait3A_54] : memref<144x256xi32, #tpu.memory_space<hbm>> -> memref<1x256xi32, #tpu.memory_space<hbm>>
          %dma_wait3A_56 = tpu.memref_squeeze %dma_wait3A_55 : memref<1x256xi32, #tpu.memory_space<hbm>> -> memref<256xi32, #tpu.memory_space<hbm>>
          %dma_wait3A_57 = arith.constant 0 : i32
          %dma_wait3A_58 = tpu.memref_slice %arg10[%dma_wait3A_57] : memref<272xi32, #tpu.memory_space<vmem>> -> memref<256xi32, #tpu.memory_space<vmem>>
          tpu.wait_dma2 semaphore(%run_scoped3A : memref<!tpu.dma_semaphore, #tpu.memory_space<semaphore_mem>>) src(%dma_wait3A_58 : memref<256xi32, #tpu.memory_space<vmem>>) dst(%dma_wait3A_56 : memref<256xi32, #tpu.memory_space<hbm>>)
          tpu.yield
        }) : () -> ()
      } else {
      }
    }
    %scan3A_4 = arith.constant 5 : i32
    return
  }
}

module attributes {stable_mosaic.version = 14 : i64} {
  func.func @_nms_body(%arg0: i32, %arg1: memref<8x128x128xf32, #tpu.memory_space<vmem>>, %arg2: memref<8x128x128xf32, #tpu.memory_space<vmem>>, %arg3: memref<8x16xf32, #tpu.memory_space<vmem>>, %arg4: memref<8x8x128xi32, #tpu.memory_space<vmem>>) attributes {dimension_semantics = [#tpu.dimension_semantics<arbitrary>], iteration_bounds = array<i64: 18>, scalar_prefetch = 0 : i64, scratch_operands = 0 : i64, tpu.core_type = #tpu.core_type<tc>, window_params = [{transform_indices = @transform_0, window_bounds = array<i64: 8, 128, 128>}, {transform_indices = @transform_1, window_bounds = array<i64: 8, 128, 128>}, {transform_indices = @transform_2, window_bounds = array<i64: 8, 16>}, {transform_indices = @transform_3, window_bounds = array<i64: 8, 8, 128>}]} {
    %get3A = arith.constant 0 : index
    %get3A_0 = arith.constant 0 : index
    %get3A_1 = arith.constant 0 : index
    %get3A_2 = vector.load %arg1[%get3A, %get3A_0, %get3A_1] : memref<8x128x128xf32, #tpu.memory_space<vmem>>, vector<8x128x128xf32>
    %logistic3A = arith.negf %get3A_2 : vector<8x128x128xf32>
    %logistic3A_3 = math.exp %logistic3A : vector<8x128x128xf32>
    %logistic3A_4 = arith.constant 1.000000e+00 : f32
    %logistic3A_5 = vector.broadcast %logistic3A_4 : f32 to vector<8x128x128xf32>
    %logistic3A_6 = arith.addf %logistic3A_5, %logistic3A_3 : vector<8x128x128xf32>
    %logistic3A_7 = arith.divf %logistic3A_5, %logistic3A_6 : vector<8x128x128xf32>
    %broadcast_in_dim3A = arith.constant 0xFF800000 : f32
    %broadcast_in_dim3A_8 = vector.broadcast %broadcast_in_dim3A : f32 to vector<8x1x128xf32>
    %slice3A = vector.extract_strided_slice %logistic3A_7 {offsets = [0, 1, 0], sizes = [8, 127, 128], strides = [1, 1, 1]} : vector<8x128x128xf32> to vector<8x127x128xf32>
    %concatenate3A = tpu.concatenate %slice3A, %broadcast_in_dim3A_8 in 1 : vector<8x127x128xf32>, vector<8x1x128xf32> -> vector<8x128x128xf32>
    %max3A = arith.maximumf %logistic3A_7, %concatenate3A : vector<8x128x128xf32>
    %slice3A_9 = vector.extract_strided_slice %logistic3A_7 {offsets = [0, 0, 0], sizes = [8, 127, 128], strides = [1, 1, 1]} : vector<8x128x128xf32> to vector<8x127x128xf32>
    %concatenate3A_10 = tpu.concatenate %broadcast_in_dim3A_8, %slice3A_9 in 1 : vector<8x1x128xf32>, vector<8x127x128xf32> -> vector<8x128x128xf32>
    %max3A_11 = arith.maximumf %max3A, %concatenate3A_10 : vector<8x128x128xf32>
    %broadcast_in_dim3A_12 = arith.constant 0xFF800000 : f32
    %broadcast_in_dim3A_13 = vector.broadcast %broadcast_in_dim3A_12 : f32 to vector<8x128x1xf32>
    %slice3A_14 = vector.extract_strided_slice %max3A_11 {offsets = [0, 0, 1], sizes = [8, 128, 127], strides = [1, 1, 1]} : vector<8x128x128xf32> to vector<8x128x127xf32>
    %concatenate3A_15 = tpu.concatenate %slice3A_14, %broadcast_in_dim3A_13 in 2 : vector<8x128x127xf32>, vector<8x128x1xf32> -> vector<8x128x128xf32>
    %max3A_16 = arith.maximumf %max3A_11, %concatenate3A_15 : vector<8x128x128xf32>
    %slice3A_17 = vector.extract_strided_slice %max3A_11 {offsets = [0, 0, 0], sizes = [8, 128, 127], strides = [1, 1, 1]} : vector<8x128x128xf32> to vector<8x128x127xf32>
    %concatenate3A_18 = tpu.concatenate %broadcast_in_dim3A_13, %slice3A_17 in 2 : vector<8x128x1xf32>, vector<8x128x127xf32> -> vector<8x128x128xf32>
    %max3A_19 = arith.maximumf %max3A_16, %concatenate3A_18 : vector<8x128x128xf32>
    %eq3A = arith.cmpf oeq, %max3A_19, %logistic3A_7 : vector<8x128x128xf32>
    %convert_element_type3A = arith.extui %eq3A : vector<8x128x128xi1> to vector<8x128x128xi32>
    %convert_element_type3A_20 = arith.sitofp %convert_element_type3A : vector<8x128x128xi32> to vector<8x128x128xf32>
    %mul3A = arith.mulf %logistic3A_7, %convert_element_type3A_20 : vector<8x128x128xf32>
    %transpose3A = tpu.transpose %mul3A, [0, 2, 1] : vector<8x128x128xf32> -> vector<8x128x128xf32>
    %swap3A = arith.constant 0 : index
    %swap3A_21 = arith.constant 0 : index
    %swap3A_22 = arith.constant 0 : index
    %swap3A_23 = vector.load %arg2[%swap3A, %swap3A_21, %swap3A_22] : memref<8x128x128xf32, #tpu.memory_space<vmem>>, vector<8x128x128xf32>
    tpu.vector_store %arg2[%swap3A, %swap3A_21, %swap3A_22], %transpose3A {strides = array<i32>} : memref<8x128x128xf32, #tpu.memory_space<vmem>>, vector<8x128x128xf32>,
    %reshape3A = vector.shape_cast %mul3A : vector<8x128x128xf32> to vector<8x8x16x128xf32>
    %reduce_max3A = arith.constant dense<0xFF800000> : vector<8x8x128xf32>
    %reduce_max3A_24 = vector.multi_reduction <maximumf>, %reshape3A, %reduce_max3A [2] : vector<8x8x16x128xf32> to vector<8x8x128xf32>
    %broadcast_in_dim3A_25 = arith.constant 0 : i32
    %broadcast_in_dim3A_26 = vector.broadcast %broadcast_in_dim3A_25 : i32 to vector<8x1x1xi32>
    %broadcast_in_dim3A_27 = arith.constant 1065353216 : i32
    %broadcast_in_dim3A_28 = vector.broadcast %broadcast_in_dim3A_27 : i32 to vector<8x1x1xi32>
    %scan3A = arith.constant 0 : i32
    %scan3A_29 = arith.constant 16 : i32
    %scan3A_30 = arith.addi %scan3A, %scan3A_29 : i32
    %scan3A_31 = arith.constant 1 : i32
    %scan3A_32:2 = scf.for %scan3A_45 = %scan3A to %scan3A_30 step %scan3A_31 iter_args(%scan3A_46 = %broadcast_in_dim3A_26, %scan3A_47 = %broadcast_in_dim3A_28) -> (vector<8x1x1xi32>, vector<8x1x1xi32>)  : i32 {
      %add3A = arith.addi %scan3A_46, %scan3A_47 : vector<8x1x1xi32>
      %jit3A = arith.constant 2 : i32
      %div3A = vector.broadcast %jit3A : i32 to vector<8x1x1xi32>
      %div3A_48 = arith.divsi %add3A, %div3A : vector<8x1x1xi32>
      %sign3A = arith.constant 0 : i32
      %sign3A_49 = vector.broadcast %sign3A : i32 to vector<8x1x1xi32>
      %sign3A_50 = arith.cmpi sgt, %add3A, %sign3A_49 : vector<8x1x1xi32>
      %sign3A_51 = arith.extui %sign3A_50 : vector<8x1x1xi1> to vector<8x1x1xi32>
      %sign3A_52 = arith.constant 0 : i32
      %sign3A_53 = vector.broadcast %sign3A_52 : i32 to vector<8x1x1xi32>
      %sign3A_54 = arith.cmpi slt, %add3A, %sign3A_53 : vector<8x1x1xi32>
      %sign3A_55 = arith.extui %sign3A_54 : vector<8x1x1xi1> to vector<8x1x1xi32>
      %sign3A_56 = arith.subi %sign3A_51, %sign3A_55 : vector<8x1x1xi32>
      %sign3A_57 = arith.constant 0 : i32
      %sign3A_58 = arith.cmpi sgt, %jit3A, %sign3A_57 : i32
      %sign3A_59 = arith.extui %sign3A_58 : i1 to i32
      %sign3A_60 = arith.constant 0 : i32
      %sign3A_61 = arith.cmpi slt, %jit3A, %sign3A_60 : i32
      %sign3A_62 = arith.extui %sign3A_61 : i1 to i32
      %sign3A_63 = arith.subi %sign3A_59, %sign3A_62 : i32
      %ne3A = vector.broadcast %sign3A_63 : i32 to vector<8x1x1xi32>
      %ne3A_64 = arith.cmpi ne, %sign3A_56, %ne3A : vector<8x1x1xi32>
      %rem3A = vector.broadcast %jit3A : i32 to vector<8x1x1xi32>
      %rem3A_65 = arith.remsi %add3A, %rem3A : vector<8x1x1xi32>
      %ne3A_66 = arith.constant 0 : i32
      %ne3A_67 = vector.broadcast %ne3A_66 : i32 to vector<8x1x1xi32>
      %ne3A_68 = arith.cmpi ne, %rem3A_65, %ne3A_67 : vector<8x1x1xi32>
      %and3A = arith.andi %ne3A_64, %ne3A_68 : vector<8x1x1xi1>
      %sub3A = arith.constant 1 : i32
      %sub3A_69 = vector.broadcast %sub3A : i32 to vector<8x1x1xi32>
      %sub3A_70 = arith.subi %div3A_48, %sub3A_69 : vector<8x1x1xi32>
      %select_n3A = arith.select %and3A, %sub3A_70, %div3A_48 : vector<8x1x1xi1>, vector<8x1x1xi32>
      %bitcast_convert_type3A_71 = tpu.bitcast %select_n3A : vector<8x1x1xi32> -> vector<8x1x1xf32>
      %ge3A_72 = vector.broadcast %bitcast_convert_type3A_71 : vector<8x1x1xf32> to vector<8x128x128xf32>
      %ge3A_73 = arith.cmpf oge, %mul3A, %ge3A_72 : vector<8x128x128xf32>
      %convert_element_type3A_74 = arith.extui %ge3A_73 : vector<8x128x128xi1> to vector<8x128x128xi32>
      %reduce_sum3A = arith.constant dense<0> : vector<8xi32>
      %reduce_sum3A_75 = vector.multi_reduction <add>, %convert_element_type3A_74, %reduce_sum3A [1, 2] : vector<8x128x128xi32> to vector<8xi32>
      %broadcast_in_dim3A_76 = vector.shape_cast %reduce_sum3A_75 : vector<8xi32> to vector<8x1x1xi32>
      %ge3A_77 = arith.constant 100 : i32
      %ge3A_78 = vector.broadcast %ge3A_77 : i32 to vector<8x1x1xi32>
      %ge3A_79 = arith.cmpi sge, %broadcast_in_dim3A_76, %ge3A_78 : vector<8x1x1xi32>
      %select_n3A_80 = arith.select %ge3A_79, %select_n3A, %scan3A_46 : vector<8x1x1xi1>, vector<8x1x1xi32>
      %select_n3A_81 = arith.select %ge3A_79, %scan3A_47, %select_n3A : vector<8x1x1xi1>, vector<8x1x1xi32>
      scf.yield %select_n3A_80, %select_n3A_81 : vector<8x1x1xi32>, vector<8x1x1xi32>
    }
    %bitcast_convert_type3A = tpu.bitcast %scan3A_32#0 : vector<8x1x1xi32> -> vector<8x1x1xf32>
    %reshape3A_33 = vector.shape_cast %bitcast_convert_type3A : vector<8x1x1xf32> to vector<8x1xf32>
    %broadcast_in_dim3A_34 = vector.shape_cast %reshape3A_33 : vector<8x1xf32> to vector<8x1xf32>
    %broadcast_in_dim3A_35 = vector.broadcast %broadcast_in_dim3A_34 : vector<8x1xf32> to vector<8x16xf32>
    %swap3A_36 = arith.constant 0 : index
    %swap3A_37 = arith.constant 0 : index
    %swap3A_38 = vector.load %arg3[%swap3A_36, %swap3A_37] : memref<8x16xf32, #tpu.memory_space<vmem>>, vector<8x16xf32>
    tpu.vector_store %arg3[%swap3A_36, %swap3A_37], %broadcast_in_dim3A_35 {strides = array<i32>} : memref<8x16xf32, #tpu.memory_space<vmem>>, vector<8x16xf32>,
    %ge3A = vector.broadcast %bitcast_convert_type3A : vector<8x1x1xf32> to vector<8x8x128xf32>
    %ge3A_39 = arith.cmpf oge, %reduce_max3A_24, %ge3A : vector<8x8x128xf32>
    %convert_element_type3A_40 = arith.extui %ge3A_39 : vector<8x8x128xi1> to vector<8x8x128xi32>
    %swap3A_41 = arith.constant 0 : index
    %swap3A_42 = arith.constant 0 : index
    %swap3A_43 = arith.constant 0 : index
    %swap3A_44 = vector.load %arg4[%swap3A_41, %swap3A_42, %swap3A_43] : memref<8x8x128xi32, #tpu.memory_space<vmem>>, vector<8x8x128xi32>
    tpu.vector_store %arg4[%swap3A_41, %swap3A_42, %swap3A_43], %convert_element_type3A_40 {strides = array<i32>} : memref<8x8x128xi32, #tpu.memory_space<vmem>>, vector<8x8x128xi32>,
    return
  }
  func.func @transform_0(%arg0: i32) -> (i32, i32, i32) {
    %c0_i32 = arith.constant 0 : i32
    %c0_i32_0 = arith.constant 0 : i32
    %c0_i32_1 = arith.constant 0 : i32
    return %arg0, %c0_i32, %c0_i32_0 : i32, i32, i32
  }
  func.func @transform_1(%arg0: i32) -> (i32, i32, i32) {
    %c0_i32 = arith.constant 0 : i32
    %c0_i32_0 = arith.constant 0 : i32
    %c0_i32_1 = arith.constant 0 : i32
    return %arg0, %c0_i32, %c0_i32_0 : i32, i32, i32
  }
  func.func @transform_2(%arg0: i32) -> (i32, i32) {
    %c0_i32 = arith.constant 0 : i32
    %c0_i32_0 = arith.constant 0 : i32
    return %arg0, %c0_i32 : i32, i32
  }
  func.func @transform_3(%arg0: i32) -> (i32, i32, i32) {
    %c0_i32 = arith.constant 0 : i32
    %c0_i32_0 = arith.constant 0 : i32
    %c0_i32_1 = arith.constant 0 : i32
    return %arg0, %c0_i32, %c0_i32_0 : i32, i32, i32
  }
}

module attributes {stable_mosaic.version = 14 : i64} {
  func.func @_sort_body(%arg0: memref<144x256xf32, #tpu.memory_space<vmem>>, %arg1: memref<144x256xi32, #tpu.memory_space<vmem>>, %arg2: memref<144x128xf32, #tpu.memory_space<vmem>>, %arg3: memref<144x128xi32, #tpu.memory_space<vmem>>) attributes {dimension_semantics = [], scalar_prefetch = 0 : i64, scratch_operands = 0 : i64, tpu.core_type = #tpu.core_type<tc>} {
    %get3A = arith.constant 0 : index
    %get3A_0 = arith.constant 0 : index
    %get3A_1 = vector.load %arg0[%get3A, %get3A_0] : memref<144x256xf32, #tpu.memory_space<vmem>>, vector<144x256xf32>
    %get3A_2 = arith.constant 0 : index
    %get3A_3 = arith.constant 0 : index
    %get3A_4 = vector.load %arg1[%get3A_2, %get3A_3] : memref<144x256xi32, #tpu.memory_space<vmem>>, vector<144x256xi32>
    %iota3A = tpu.iota {dimensions = array<i32: 1>} : vector<144x128xi32>
    %broadcast_in_dim3A = arith.constant 0.000000e+00 : f32
    %broadcast_in_dim3A_5 = vector.broadcast %broadcast_in_dim3A : f32 to vector<144x128xf32>
    %broadcast_in_dim3A_6 = arith.constant 0 : i32
    %broadcast_in_dim3A_7 = vector.broadcast %broadcast_in_dim3A_6 : i32 to vector<144x128xi32>
    %scan3A = arith.constant 0 : i32
    %scan3A_8 = arith.constant 100 : i32
    %scan3A_9 = arith.addi %scan3A, %scan3A_8 : i32
    %scan3A_10 = arith.constant 1 : i32
    %scan3A_11:3 = scf.for %scan3A_18 = %scan3A to %scan3A_9 step %scan3A_10 iter_args(%scan3A_19 = %get3A_1, %scan3A_20 = %broadcast_in_dim3A_5, %scan3A_21 = %broadcast_in_dim3A_7) -> (vector<144x256xf32>, vector<144x128xf32>, vector<144x128xi32>)  : i32 {
      %reduce_max3A = arith.constant dense<0xFF800000> : vector<144xf32>
      %reduce_max3A_22 = vector.multi_reduction <maximumf>, %scan3A_19, %reduce_max3A [1] : vector<144x256xf32> to vector<144xf32>
      %broadcast_in_dim3A_23 = vector.shape_cast %reduce_max3A_22 : vector<144xf32> to vector<144x1xf32>
      %eq3A = vector.broadcast %broadcast_in_dim3A_23 : vector<144x1xf32> to vector<144x256xf32>
      %eq3A_24 = arith.cmpf oeq, %scan3A_19, %eq3A : vector<144x256xf32>
      %jit3A = arith.constant 1073741824 : i32
      %broadcast_in_dim3A_25 = vector.broadcast %jit3A : i32 to vector<144x256xi32>
      %select_n3A = arith.select %eq3A_24, %get3A_4, %broadcast_in_dim3A_25 : vector<144x256xi1>, vector<144x256xi32>
      %reduce_min3A = arith.constant dense<2147483647> : vector<144xi32>
      %reduce_min3A_26 = vector.multi_reduction <minsi>, %select_n3A, %reduce_min3A [1] : vector<144x256xi32> to vector<144xi32>
      %broadcast_in_dim3A_27 = vector.shape_cast %reduce_min3A_26 : vector<144xi32> to vector<144x1xi32>
      %eq3A_28 = vector.broadcast %broadcast_in_dim3A_23 : vector<144x1xf32> to vector<144x256xf32>
      %eq3A_29 = arith.cmpf oeq, %scan3A_19, %eq3A_28 : vector<144x256xf32>
      %eq3A_30 = vector.broadcast %broadcast_in_dim3A_27 : vector<144x1xi32> to vector<144x256xi32>
      %eq3A_31 = arith.cmpi eq, %get3A_4, %eq3A_30 : vector<144x256xi32>
      %and3A = arith.andi %eq3A_29, %eq3A_31 : vector<144x256xi1>
      %jit3A_32 = arith.constant 0xFF800000 : f32
      %broadcast_in_dim3A_33 = vector.broadcast %jit3A_32 : f32 to vector<144x256xf32>
      %select_n3A_34 = arith.select %and3A, %broadcast_in_dim3A_33, %scan3A_19 : vector<144x256xi1>, vector<144x256xf32>
      %eq3A_35 = vector.broadcast %scan3A_18 : i32 to vector<144x128xi32>
      %eq3A_36 = arith.cmpi eq, %iota3A, %eq3A_35 : vector<144x128xi32>
      %broadcast_in_dim3A_37 = vector.shape_cast %broadcast_in_dim3A_23 : vector<144x1xf32> to vector<144x1xf32>
      %broadcast_in_dim3A_38 = vector.broadcast %broadcast_in_dim3A_37 : vector<144x1xf32> to vector<144x128xf32>
      %select_n3A_39 = arith.select %eq3A_36, %broadcast_in_dim3A_38, %scan3A_20 : vector<144x128xi1>, vector<144x128xf32>
      %eq3A_40 = vector.broadcast %scan3A_18 : i32 to vector<144x128xi32>
      %eq3A_41 = arith.cmpi eq, %iota3A, %eq3A_40 : vector<144x128xi32>
      %broadcast_in_dim3A_42 = vector.shape_cast %broadcast_in_dim3A_27 : vector<144x1xi32> to vector<144x1xi32>
      %broadcast_in_dim3A_43 = vector.broadcast %broadcast_in_dim3A_42 : vector<144x1xi32> to vector<144x128xi32>
      %select_n3A_44 = arith.select %eq3A_41, %broadcast_in_dim3A_43, %scan3A_21 : vector<144x128xi1>, vector<144x128xi32>
      scf.yield %select_n3A_34, %select_n3A_39, %select_n3A_44 : vector<144x256xf32>, vector<144x128xf32>, vector<144x128xi32>
    }
    %scan3A_12 = arith.constant 100 : i32
    %swap3A = arith.constant 0 : index
    %swap3A_13 = arith.constant 0 : index
    %swap3A_14 = vector.load %arg2[%swap3A, %swap3A_13] : memref<144x128xf32, #tpu.memory_space<vmem>>, vector<144x128xf32>
    tpu.vector_store %arg2[%swap3A, %swap3A_13], %scan3A_11#1 {strides = array<i32>} : memref<144x128xf32, #tpu.memory_space<vmem>>, vector<144x128xf32>,
    %swap3A_15 = arith.constant 0 : index
    %swap3A_16 = arith.constant 0 : index
    %swap3A_17 = vector.load %arg3[%swap3A_15, %swap3A_16] : memref<144x128xi32, #tpu.memory_space<vmem>>, vector<144x128xi32>
    tpu.vector_store %arg3[%swap3A_15, %swap3A_16], %scan3A_11#2 {strides = array<i32>} : memref<144x128xi32, #tpu.memory_space<vmem>>, vector<144x128xi32>,
    return
  }
}

module attributes {stable_mosaic.version = 14 : i64} {
  func.func @_decode_body(%arg0: i32, %arg1: memref<1x128x23xf32, #tpu.memory_space<vmem>>, %arg2: memref<1x8x128xf32, #tpu.memory_space<vmem>>, %arg3: memref<1x8x128xf32, #tpu.memory_space<vmem>>, %arg4: memref<1x8x128xf32, #tpu.memory_space<vmem>>, %arg5: memref<1x100x4xf32, #tpu.memory_space<vmem>>, %arg6: memref<1x100x16xf32, #tpu.memory_space<vmem>>, %arg7: memref<1x100x16xf32, #tpu.memory_space<vmem>>) attributes {dimension_semantics = [#tpu.dimension_semantics<arbitrary>], iteration_bounds = array<i64: 16>, scalar_prefetch = 0 : i64, scratch_operands = 0 : i64, tpu.core_type = #tpu.core_type<tc>, window_params = [{transform_indices = @transform_0, window_bounds = array<i64: 1, 128, 23>}, {transform_indices = @transform_1, window_bounds = array<i64: 1, 8, 128>}, {transform_indices = @transform_2, window_bounds = array<i64: 1, 8, 128>}, {transform_indices = @transform_3, window_bounds = array<i64: 1, 8, 128>}, {transform_indices = @transform_4, window_bounds = array<i64: 1, 100, 4>}, {transform_indices = @transform_5, window_bounds = array<i64: 1, 100, 16>}, {transform_indices = @transform_6, window_bounds = array<i64: 1, 100, 16>}]} {
    %get3A = arith.constant 0 : index
    %get3A_0 = arith.constant 0 : index
    %get3A_1 = arith.constant 0 : index
    %get3A_2 = vector.load %arg1[%get3A, %get3A_0, %get3A_1] : memref<1x128x23xf32, #tpu.memory_space<vmem>>, vector<1x128x23xf32>
    %get3A_3 = vector.shape_cast %get3A_2 : vector<1x128x23xf32> to vector<128x23xf32>
    %slice3A = vector.extract_strided_slice %get3A_3 {offsets = [0, 0], sizes = [128, 16], strides = [1, 1]} : vector<128x23xf32> to vector<128x16xf32>
    %slice3A_4 = vector.extract_strided_slice %get3A_3 {offsets = [0, 16], sizes = [128, 1], strides = [1, 1]} : vector<128x23xf32> to vector<128x1xf32>
    %slice3A_5 = vector.extract_strided_slice %get3A_3 {offsets = [0, 17], sizes = [128, 1], strides = [1, 1]} : vector<128x23xf32> to vector<128x1xf32>
    %slice3A_6 = vector.extract_strided_slice %get3A_3 {offsets = [0, 18], sizes = [128, 1], strides = [1, 1]} : vector<128x23xf32> to vector<128x1xf32>
    %slice3A_7 = vector.extract_strided_slice %get3A_3 {offsets = [0, 19], sizes = [128, 1], strides = [1, 1]} : vector<128x23xf32> to vector<128x1xf32>
    %slice3A_8 = vector.extract_strided_slice %get3A_3 {offsets = [0, 20], sizes = [128, 1], strides = [1, 1]} : vector<128x23xf32> to vector<128x1xf32>
    %slice3A_9 = vector.extract_strided_slice %get3A_3 {offsets = [0, 21], sizes = [128, 1], strides = [1, 1]} : vector<128x23xf32> to vector<128x1xf32>
    %add3A = arith.addf %slice3A_8, %slice3A_4 : vector<128x1xf32>
    %add3A_10 = arith.addf %slice3A_9, %slice3A_5 : vector<128x1xf32>
    %div3A = arith.constant 2.000000e+00 : f32
    %div3A_11 = vector.broadcast %div3A : f32 to vector<128x1xf32>
    %div3A_12 = arith.divf %slice3A_6, %div3A_11 : vector<128x1xf32>
    %sub3A = arith.subf %add3A, %div3A_12 : vector<128x1xf32>
    %div3A_13 = arith.constant 2.000000e+00 : f32
    %div3A_14 = vector.broadcast %div3A_13 : f32 to vector<128x1xf32>
    %div3A_15 = arith.divf %slice3A_7, %div3A_14 : vector<128x1xf32>
    %sub3A_16 = arith.subf %add3A_10, %div3A_15 : vector<128x1xf32>
    %div3A_17 = arith.constant 2.000000e+00 : f32
    %div3A_18 = vector.broadcast %div3A_17 : f32 to vector<128x1xf32>
    %div3A_19 = arith.divf %slice3A_6, %div3A_18 : vector<128x1xf32>
    %add3A_20 = arith.addf %add3A, %div3A_19 : vector<128x1xf32>
    %div3A_21 = arith.constant 2.000000e+00 : f32
    %div3A_22 = vector.broadcast %div3A_21 : f32 to vector<128x1xf32>
    %div3A_23 = arith.divf %slice3A_7, %div3A_22 : vector<128x1xf32>
    %add3A_24 = arith.addf %add3A_10, %div3A_23 : vector<128x1xf32>
    %concatenate3A = tpu.concatenate %sub3A, %sub3A_16, %add3A_20, %add3A_24 in 1 : vector<128x1xf32>, vector<128x1xf32>, vector<128x1xf32>, vector<128x1xf32> -> vector<128x4xf32>
    %slice3A_25 = vector.extract_strided_slice %concatenate3A {offsets = [0, 0], sizes = [100, 4], strides = [1, 1]} : vector<128x4xf32> to vector<100x4xf32>
    %swap3A = arith.constant 0 : index
    %swap3A_26 = arith.constant 0 : index
    %swap3A_27 = arith.constant 0 : index
    %swap3A_28 = vector.load %arg5[%swap3A, %swap3A_26, %swap3A_27] : memref<1x100x4xf32, #tpu.memory_space<vmem>>, vector<1x100x4xf32>
    %swap3A_29 = vector.shape_cast %swap3A_28 : vector<1x100x4xf32> to vector<100x4xf32>
    %swap3A_30 = vector.shape_cast %slice3A_25 : vector<100x4xf32> to vector<1x100x4xf32>
    tpu.vector_store %arg5[%swap3A, %swap3A_26, %swap3A_27], %swap3A_30 {strides = array<i32>} : memref<1x100x4xf32, #tpu.memory_space<vmem>>, vector<1x100x4xf32>,
    %iota3A = tpu.iota {dimensions = array<i32: 1>} : vector<128x16xi32>
    %jit3A = arith.constant 2 : i32
    %eq3A = arith.constant 0 : i32
    %eq3A_31 = arith.cmpi eq, %jit3A, %eq3A : i32
    %jit3A_32 = arith.constant 1 : i32
    %select_n3A = arith.select %eq3A_31, %jit3A_32, %jit3A : i32
    %rem3A = vector.broadcast %select_n3A : i32 to vector<128x16xi32>
    %rem3A_33 = arith.remsi %iota3A, %rem3A : vector<128x16xi32>
    %ne3A = arith.constant 0 : i32
    %ne3A_34 = vector.broadcast %ne3A : i32 to vector<128x16xi32>
    %ne3A_35 = arith.cmpi ne, %rem3A_33, %ne3A_34 : vector<128x16xi32>
    %lt3A = arith.constant 0 : i32
    %lt3A_36 = vector.broadcast %lt3A : i32 to vector<128x16xi32>
    %lt3A_37 = arith.cmpi slt, %rem3A_33, %lt3A_36 : vector<128x16xi32>
    %lt3A_38 = arith.constant 0 : i32
    %lt3A_39 = arith.cmpi slt, %select_n3A, %lt3A_38 : i32
    %ne3A_40 = vector.broadcast %lt3A_39 : i1 to vector<128x16xi1>
    %ne3A_41 = vector.broadcast %ne3A_40 : vector<128x16xi1> to vector<128x16xi1>
    %ne3A_42 = arith.xori %lt3A_37, %ne3A_41 : vector<128x16xi1>
    %and3A = arith.andi %ne3A_42, %ne3A_35 : vector<128x16xi1>
    %add3A_43 = vector.broadcast %select_n3A : i32 to vector<128x16xi32>
    %add3A_44 = arith.addi %rem3A_33, %add3A_43 : vector<128x16xi32>
    %select_n3A_45 = arith.select %and3A, %add3A_44, %rem3A_33 : vector<128x16xi1>, vector<128x16xi32>
    %eq3A_46 = arith.constant 0 : i32
    %eq3A_47 = vector.broadcast %eq3A_46 : i32 to vector<128x16xi32>
    %eq3A_48 = arith.cmpi eq, %select_n3A_45, %eq3A_47 : vector<128x16xi32>
    %broadcast_in_dim3A = vector.shape_cast %slice3A_8 : vector<128x1xf32> to vector<128x1xf32>
    %broadcast_in_dim3A_49 = vector.broadcast %broadcast_in_dim3A : vector<128x1xf32> to vector<128x16xf32>
    %broadcast_in_dim3A_50 = vector.shape_cast %slice3A_9 : vector<128x1xf32> to vector<128x1xf32>
    %broadcast_in_dim3A_51 = vector.broadcast %broadcast_in_dim3A_50 : vector<128x1xf32> to vector<128x16xf32>
    %select_n3A_52 = arith.select %eq3A_48, %broadcast_in_dim3A_49, %broadcast_in_dim3A_51 : vector<128x16xi1>, vector<128x16xf32>
    %add3A_53 = arith.addf %slice3A, %select_n3A_52 : vector<128x16xf32>
    %slice3A_54 = vector.extract_strided_slice %add3A_53 {offsets = [0, 0], sizes = [100, 16], strides = [1, 1]} : vector<128x16xf32> to vector<100x16xf32>
    %swap3A_55 = arith.constant 0 : index
    %swap3A_56 = arith.constant 0 : index
    %swap3A_57 = arith.constant 0 : index
    %swap3A_58 = vector.load %arg7[%swap3A_55, %swap3A_56, %swap3A_57] : memref<1x100x16xf32, #tpu.memory_space<vmem>>, vector<1x100x16xf32>
    %swap3A_59 = vector.shape_cast %swap3A_58 : vector<1x100x16xf32> to vector<100x16xf32>
    %swap3A_60 = vector.shape_cast %slice3A_54 : vector<100x16xf32> to vector<1x100x16xf32>
    tpu.vector_store %arg7[%swap3A_55, %swap3A_56, %swap3A_57], %swap3A_60 {strides = array<i32>} : memref<1x100x16xf32, #tpu.memory_space<vmem>>, vector<1x100x16xf32>,
    %iota3A_61 = tpu.iota {dimensions = array<i32: 1>} : vector<128x128xi32>
    %broadcast_in_dim3A_62 = arith.constant 0.000000e+00 : f32
    %broadcast_in_dim3A_63 = vector.broadcast %broadcast_in_dim3A_62 : f32 to vector<128x16xf32>
    %slice3A_64 = vector.extract_strided_slice %slice3A {offsets = [0, 0], sizes = [128, 1], strides = [1, 1]} : vector<128x16xf32> to vector<128x1xf32>
    %add3A_65 = arith.addf %slice3A_64, %slice3A_8 : vector<128x1xf32>
    %slice3A_66 = vector.extract_strided_slice %slice3A {offsets = [0, 1], sizes = [128, 1], strides = [1, 1]} : vector<128x16xf32> to vector<128x1xf32>
    %add3A_67 = arith.addf %slice3A_66, %slice3A_9 : vector<128x1xf32>
    %get3A_68 = arith.constant 0 : index
    %get3A_69 = arith.constant 0 : index
    %get3A_70 = arith.constant 0 : index
    %get3A_71 = vector.load %arg2[%get3A_68, %get3A_69, %get3A_70] : memref<1x8x128xf32, #tpu.memory_space<vmem>>, vector<1x1x128xf32>
    %get3A_72 = vector.shape_cast %get3A_71 : vector<1x1x128xf32> to vector<1x128xf32>
    %gt3A = arith.constant 1.000000e-01 : f32
    %gt3A_73 = vector.broadcast %gt3A : f32 to vector<1x128xf32>
    %gt3A_74 = arith.cmpf ogt, %get3A_72, %gt3A_73 : vector<1x128xf32>
    %jit3A_75 = arith.constant -1.000000e+00 : f32
    %broadcast_in_dim3A_76 = vector.broadcast %jit3A_75 : f32 to vector<1x128xf32>
    %select_n3A_77 = arith.select %gt3A_74, %get3A_72, %broadcast_in_dim3A_76 : vector<1x128xi1>, vector<1x128xf32>
    %get3A_78 = arith.constant 0 : index
    %get3A_79 = arith.constant 0 : index
    %get3A_80 = arith.constant 0 : index
    %get3A_81 = vector.load %arg3[%get3A_78, %get3A_79, %get3A_80] : memref<1x8x128xf32, #tpu.memory_space<vmem>>, vector<1x1x128xf32>
    %get3A_82 = vector.shape_cast %get3A_81 : vector<1x1x128xf32> to vector<1x128xf32>
    %jit3A_83 = arith.constant -1.000000e+04 : f32
    %broadcast_in_dim3A_84 = vector.broadcast %jit3A_83 : f32 to vector<1x128xf32>
    %select_n3A_85 = arith.select %gt3A_74, %get3A_82, %broadcast_in_dim3A_84 : vector<1x128xi1>, vector<1x128xf32>
    %get3A_86 = arith.constant 0 : index
    %get3A_87 = arith.constant 0 : index
    %get3A_88 = arith.constant 0 : index
    %get3A_89 = vector.load %arg4[%get3A_86, %get3A_87, %get3A_88] : memref<1x8x128xf32, #tpu.memory_space<vmem>>, vector<1x1x128xf32>
    %get3A_90 = vector.shape_cast %get3A_89 : vector<1x1x128xf32> to vector<1x128xf32>
    %jit3A_91 = arith.constant -1.000000e+04 : f32
    %broadcast_in_dim3A_92 = vector.broadcast %jit3A_91 : f32 to vector<1x128xf32>
    %select_n3A_93 = arith.select %gt3A_74, %get3A_90, %broadcast_in_dim3A_92 : vector<1x128xi1>, vector<1x128xf32>
    %sub3A_94 = vector.broadcast %add3A_65 : vector<128x1xf32> to vector<128x128xf32>
    %sub3A_95 = vector.broadcast %select_n3A_85 : vector<1x128xf32> to vector<128x128xf32>
    %sub3A_96 = arith.subf %sub3A_94, %sub3A_95 : vector<128x128xf32>
    %sub3A_97 = vector.broadcast %add3A_67 : vector<128x1xf32> to vector<128x128xf32>
    %sub3A_98 = vector.broadcast %select_n3A_93 : vector<1x128xf32> to vector<128x128xf32>
    %sub3A_99 = arith.subf %sub3A_97, %sub3A_98 : vector<128x128xf32>
    %mul3A = arith.mulf %sub3A_96, %sub3A_96 : vector<128x128xf32>
    %mul3A_100 = arith.mulf %sub3A_99, %sub3A_99 : vector<128x128xf32>
    %add3A_101 = arith.addf %mul3A, %mul3A_100 : vector<128x128xf32>
    %sqrt3A = math.sqrt %add3A_101 : vector<128x128xf32>
    %lt3A_102 = arith.constant 100 : i32
    %lt3A_103 = vector.broadcast %lt3A_102 : i32 to vector<128x128xi32>
    %lt3A_104 = arith.cmpi slt, %iota3A_61, %lt3A_103 : vector<128x128xi32>
    %jit3A_105 = arith.constant 0x7F800000 : f32
    %broadcast_in_dim3A_106 = vector.broadcast %jit3A_105 : f32 to vector<128x128xf32>
    %select_n3A_107 = arith.select %lt3A_104, %sqrt3A, %broadcast_in_dim3A_106 : vector<128x128xi1>, vector<128x128xf32>
    %reduce_min3A = arith.constant dense<0x7F800000> : vector<128xf32>
    %reduce_min3A_108 = vector.multi_reduction <minimumf>, %select_n3A_107, %reduce_min3A [1] : vector<128x128xf32> to vector<128xf32>
    %broadcast_in_dim3A_109 = vector.shape_cast %reduce_min3A_108 : vector<128xf32> to vector<128x1xf32>
    %eq3A_110 = vector.broadcast %broadcast_in_dim3A_109 : vector<128x1xf32> to vector<128x128xf32>
    %eq3A_111 = arith.cmpf oeq, %select_n3A_107, %eq3A_110 : vector<128x128xf32>
    %jit3A_112 = arith.constant 1073741824 : i32
    %broadcast_in_dim3A_113 = vector.broadcast %jit3A_112 : i32 to vector<128x128xi32>
    %select_n3A_114 = arith.select %eq3A_111, %iota3A_61, %broadcast_in_dim3A_113 : vector<128x128xi1>, vector<128x128xi32>
    %reduce_min3A_115 = arith.constant dense<2147483647> : vector<128xi32>
    %reduce_min3A_116 = vector.multi_reduction <minsi>, %select_n3A_114, %reduce_min3A_115 [1] : vector<128x128xi32> to vector<128xi32>
    %broadcast_in_dim3A_117 = vector.shape_cast %reduce_min3A_116 : vector<128xi32> to vector<128x1xi32>
    %eq3A_118 = vector.broadcast %broadcast_in_dim3A_117 : vector<128x1xi32> to vector<128x128xi32>
    %eq3A_119 = arith.cmpi eq, %iota3A_61, %eq3A_118 : vector<128x128xi32>
    %broadcast_in_dim3A_120 = vector.shape_cast %select_n3A_77 : vector<1x128xf32> to vector<1x128xf32>
    %broadcast_in_dim3A_121 = vector.broadcast %broadcast_in_dim3A_120 : vector<1x128xf32> to vector<128x128xf32>
    %jit3A_122 = arith.constant 0.000000e+00 : f32
    %broadcast_in_dim3A_123 = vector.broadcast %jit3A_122 : f32 to vector<128x128xf32>
    %select_n3A_124 = arith.select %eq3A_119, %broadcast_in_dim3A_121, %broadcast_in_dim3A_123 : vector<128x128xi1>, vector<128x128xf32>
    %reduce_sum3A = arith.constant dense<0.000000e+00> : vector<128xf32>
    %reduce_sum3A_125 = vector.multi_reduction <add>, %select_n3A_124, %reduce_sum3A [1] : vector<128x128xf32> to vector<128xf32>
    %broadcast_in_dim3A_126 = vector.shape_cast %reduce_sum3A_125 : vector<128xf32> to vector<128x1xf32>
    %broadcast_in_dim3A_127 = vector.shape_cast %select_n3A_85 : vector<1x128xf32> to vector<1x128xf32>
    %broadcast_in_dim3A_128 = vector.broadcast %broadcast_in_dim3A_127 : vector<1x128xf32> to vector<128x128xf32>
    %jit3A_129 = arith.constant 0.000000e+00 : f32
    %broadcast_in_dim3A_130 = vector.broadcast %jit3A_129 : f32 to vector<128x128xf32>
    %select_n3A_131 = arith.select %eq3A_119, %broadcast_in_dim3A_128, %broadcast_in_dim3A_130 : vector<128x128xi1>, vector<128x128xf32>
    %reduce_sum3A_132 = arith.constant dense<0.000000e+00> : vector<128xf32>
    %reduce_sum3A_133 = vector.multi_reduction <add>, %select_n3A_131, %reduce_sum3A_132 [1] : vector<128x128xf32> to vector<128xf32>
    %broadcast_in_dim3A_134 = vector.shape_cast %reduce_sum3A_133 : vector<128xf32> to vector<128x1xf32>
    %broadcast_in_dim3A_135 = vector.shape_cast %select_n3A_93 : vector<1x128xf32> to vector<1x128xf32>
    %broadcast_in_dim3A_136 = vector.broadcast %broadcast_in_dim3A_135 : vector<1x128xf32> to vector<128x128xf32>
    %jit3A_137 = arith.constant 0.000000e+00 : f32
    %broadcast_in_dim3A_138 = vector.broadcast %jit3A_137 : f32 to vector<128x128xf32>
    %select_n3A_139 = arith.select %eq3A_119, %broadcast_in_dim3A_136, %broadcast_in_dim3A_138 : vector<128x128xi1>, vector<128x128xf32>
    %reduce_sum3A_140 = arith.constant dense<0.000000e+00> : vector<128xf32>
    %reduce_sum3A_141 = vector.multi_reduction <add>, %select_n3A_139, %reduce_sum3A_140 [1] : vector<128x128xf32> to vector<128xf32>
    %broadcast_in_dim3A_142 = vector.shape_cast %reduce_sum3A_141 : vector<128xf32> to vector<128x1xf32>
    %lt3A_143 = arith.cmpf olt, %broadcast_in_dim3A_134, %sub3A : vector<128x1xf32>
    %convert_element_type3A = arith.extui %lt3A_143 : vector<128x1xi1> to vector<128x1xi32>
    %gt3A_144 = arith.cmpf ogt, %broadcast_in_dim3A_134, %add3A_20 : vector<128x1xf32>
    %convert_element_type3A_145 = arith.extui %gt3A_144 : vector<128x1xi1> to vector<128x1xi32>
    %add3A_146 = arith.addi %convert_element_type3A, %convert_element_type3A_145 : vector<128x1xi32>
    %lt3A_147 = arith.cmpf olt, %broadcast_in_dim3A_142, %sub3A_16 : vector<128x1xf32>
    %convert_element_type3A_148 = arith.extui %lt3A_147 : vector<128x1xi1> to vector<128x1xi32>
    %add3A_149 = arith.addi %add3A_146, %convert_element_type3A_148 : vector<128x1xi32>
    %gt3A_150 = arith.cmpf ogt, %broadcast_in_dim3A_142, %add3A_24 : vector<128x1xf32>
    %convert_element_type3A_151 = arith.extui %gt3A_150 : vector<128x1xi1> to vector<128x1xi32>
    %add3A_152 = arith.addi %add3A_149, %convert_element_type3A_151 : vector<128x1xi32>
    %lt3A_153 = arith.constant 1.000000e-01 : f32
    %lt3A_154 = vector.broadcast %lt3A_153 : f32 to vector<128x1xf32>
    %lt3A_155 = arith.cmpf olt, %broadcast_in_dim3A_126, %lt3A_154 : vector<128x1xf32>
    %convert_element_type3A_156 = arith.extui %lt3A_155 : vector<128x1xi1> to vector<128x1xi32>
    %add3A_157 = arith.addi %add3A_152, %convert_element_type3A_156 : vector<128x1xi32>
    %sub3A_158 = arith.subf %add3A_24, %sub3A_16 : vector<128x1xf32>
    %sub3A_159 = arith.subf %add3A_20, %sub3A : vector<128x1xf32>
    %max3A = arith.maximumf %sub3A_158, %sub3A_159 : vector<128x1xf32>
    %mul3A_160 = arith.constant 3.000000e-01 : f32
    %mul3A_161 = vector.broadcast %mul3A_160 : f32 to vector<128x1xf32>
    %mul3A_162 = arith.mulf %max3A, %mul3A_161 : vector<128x1xf32>
    %gt3A_163 = arith.cmpf ogt, %broadcast_in_dim3A_109, %mul3A_162 : vector<128x1xf32>
    %convert_element_type3A_164 = arith.extui %gt3A_163 : vector<128x1xi1> to vector<128x1xi32>
    %add3A_165 = arith.addi %add3A_157, %convert_element_type3A_164 : vector<128x1xi32>
    %gt3A_166 = arith.constant 0 : i32
    %gt3A_167 = vector.broadcast %gt3A_166 : i32 to vector<128x1xi32>
    %gt3A_168 = arith.cmpi sgt, %add3A_165, %gt3A_167 : vector<128x1xi32>
    %select_n3A_169 = arith.select %gt3A_168, %add3A_65, %broadcast_in_dim3A_134 : vector<128x1xi1>, vector<128x1xf32>
    %select_n3A_170 = arith.select %gt3A_168, %add3A_67, %broadcast_in_dim3A_142 : vector<128x1xi1>, vector<128x1xf32>
    %eq3A_171 = arith.constant 0 : i32
    %eq3A_172 = vector.broadcast %eq3A_171 : i32 to vector<128x16xi32>
    %eq3A_173 = arith.cmpi eq, %iota3A, %eq3A_172 : vector<128x16xi32>
    %broadcast_in_dim3A_174 = vector.shape_cast %select_n3A_169 : vector<128x1xf32> to vector<128x1xf32>
    %broadcast_in_dim3A_175 = vector.broadcast %broadcast_in_dim3A_174 : vector<128x1xf32> to vector<128x16xf32>
    %select_n3A_176 = arith.select %eq3A_173, %broadcast_in_dim3A_175, %broadcast_in_dim3A_63 : vector<128x16xi1>, vector<128x16xf32>
    %eq3A_177 = arith.constant 1 : i32
    %eq3A_178 = vector.broadcast %eq3A_177 : i32 to vector<128x16xi32>
    %eq3A_179 = arith.cmpi eq, %iota3A, %eq3A_178 : vector<128x16xi32>
    %broadcast_in_dim3A_180 = vector.shape_cast %select_n3A_170 : vector<128x1xf32> to vector<128x1xf32>
    %broadcast_in_dim3A_181 = vector.broadcast %broadcast_in_dim3A_180 : vector<128x1xf32> to vector<128x16xf32>
    %select_n3A_182 = arith.select %eq3A_179, %broadcast_in_dim3A_181, %select_n3A_176 : vector<128x16xi1>, vector<128x16xf32>
    %slice3A_183 = vector.extract_strided_slice %slice3A {offsets = [0, 2], sizes = [128, 1], strides = [1, 1]} : vector<128x16xf32> to vector<128x1xf32>
    %add3A_184 = arith.addf %slice3A_183, %slice3A_8 : vector<128x1xf32>
    %slice3A_185 = vector.extract_strided_slice %slice3A {offsets = [0, 3], sizes = [128, 1], strides = [1, 1]} : vector<128x16xf32> to vector<128x1xf32>
    %add3A_186 = arith.addf %slice3A_185, %slice3A_9 : vector<128x1xf32>
    %get3A_187 = arith.constant 0 : index
    %get3A_188 = arith.constant 1 : index
    %get3A_189 = arith.constant 0 : index
    %get3A_190 = vector.load %arg2[%get3A_187, %get3A_188, %get3A_189] : memref<1x8x128xf32, #tpu.memory_space<vmem>>, vector<1x1x128xf32>
    %get3A_191 = vector.shape_cast %get3A_190 : vector<1x1x128xf32> to vector<1x128xf32>
    %gt3A_192 = arith.constant 1.000000e-01 : f32
    %gt3A_193 = vector.broadcast %gt3A_192 : f32 to vector<1x128xf32>
    %gt3A_194 = arith.cmpf ogt, %get3A_191, %gt3A_193 : vector<1x128xf32>
    %jit3A_195 = arith.constant -1.000000e+00 : f32
    %broadcast_in_dim3A_196 = vector.broadcast %jit3A_195 : f32 to vector<1x128xf32>
    %select_n3A_197 = arith.select %gt3A_194, %get3A_191, %broadcast_in_dim3A_196 : vector<1x128xi1>, vector<1x128xf32>
    %get3A_198 = arith.constant 0 : index
    %get3A_199 = arith.constant 1 : index
    %get3A_200 = arith.constant 0 : index
    %get3A_201 = vector.load %arg3[%get3A_198, %get3A_199, %get3A_200] : memref<1x8x128xf32, #tpu.memory_space<vmem>>, vector<1x1x128xf32>
    %get3A_202 = vector.shape_cast %get3A_201 : vector<1x1x128xf32> to vector<1x128xf32>
    %jit3A_203 = arith.constant -1.000000e+04 : f32
    %broadcast_in_dim3A_204 = vector.broadcast %jit3A_203 : f32 to vector<1x128xf32>
    %select_n3A_205 = arith.select %gt3A_194, %get3A_202, %broadcast_in_dim3A_204 : vector<1x128xi1>, vector<1x128xf32>
    %get3A_206 = arith.constant 0 : index
    %get3A_207 = arith.constant 1 : index
    %get3A_208 = arith.constant 0 : index
    %get3A_209 = vector.load %arg4[%get3A_206, %get3A_207, %get3A_208] : memref<1x8x128xf32, #tpu.memory_space<vmem>>, vector<1x1x128xf32>
    %get3A_210 = vector.shape_cast %get3A_209 : vector<1x1x128xf32> to vector<1x128xf32>
    %jit3A_211 = arith.constant -1.000000e+04 : f32
    %broadcast_in_dim3A_212 = vector.broadcast %jit3A_211 : f32 to vector<1x128xf32>
    %select_n3A_213 = arith.select %gt3A_194, %get3A_210, %broadcast_in_dim3A_212 : vector<1x128xi1>, vector<1x128xf32>
    %sub3A_214 = vector.broadcast %add3A_184 : vector<128x1xf32> to vector<128x128xf32>
    %sub3A_215 = vector.broadcast %select_n3A_205 : vector<1x128xf32> to vector<128x128xf32>
    %sub3A_216 = arith.subf %sub3A_214, %sub3A_215 : vector<128x128xf32>
    %sub3A_217 = vector.broadcast %add3A_186 : vector<128x1xf32> to vector<128x128xf32>
    %sub3A_218 = vector.broadcast %select_n3A_213 : vector<1x128xf32> to vector<128x128xf32>
    %sub3A_219 = arith.subf %sub3A_217, %sub3A_218 : vector<128x128xf32>
    %mul3A_220 = arith.mulf %sub3A_216, %sub3A_216 : vector<128x128xf32>
    %mul3A_221 = arith.mulf %sub3A_219, %sub3A_219 : vector<128x128xf32>
    %add3A_222 = arith.addf %mul3A_220, %mul3A_221 : vector<128x128xf32>
    %sqrt3A_223 = math.sqrt %add3A_222 : vector<128x128xf32>
    %lt3A_224 = arith.constant 100 : i32
    %lt3A_225 = vector.broadcast %lt3A_224 : i32 to vector<128x128xi32>
    %lt3A_226 = arith.cmpi slt, %iota3A_61, %lt3A_225 : vector<128x128xi32>
    %jit3A_227 = arith.constant 0x7F800000 : f32
    %broadcast_in_dim3A_228 = vector.broadcast %jit3A_227 : f32 to vector<128x128xf32>
    %select_n3A_229 = arith.select %lt3A_226, %sqrt3A_223, %broadcast_in_dim3A_228 : vector<128x128xi1>, vector<128x128xf32>
    %reduce_min3A_230 = arith.constant dense<0x7F800000> : vector<128xf32>
    %reduce_min3A_231 = vector.multi_reduction <minimumf>, %select_n3A_229, %reduce_min3A_230 [1] : vector<128x128xf32> to vector<128xf32>
    %broadcast_in_dim3A_232 = vector.shape_cast %reduce_min3A_231 : vector<128xf32> to vector<128x1xf32>
    %eq3A_233 = vector.broadcast %broadcast_in_dim3A_232 : vector<128x1xf32> to vector<128x128xf32>
    %eq3A_234 = arith.cmpf oeq, %select_n3A_229, %eq3A_233 : vector<128x128xf32>
    %jit3A_235 = arith.constant 1073741824 : i32
    %broadcast_in_dim3A_236 = vector.broadcast %jit3A_235 : i32 to vector<128x128xi32>
    %select_n3A_237 = arith.select %eq3A_234, %iota3A_61, %broadcast_in_dim3A_236 : vector<128x128xi1>, vector<128x128xi32>
    %reduce_min3A_238 = arith.constant dense<2147483647> : vector<128xi32>
    %reduce_min3A_239 = vector.multi_reduction <minsi>, %select_n3A_237, %reduce_min3A_238 [1] : vector<128x128xi32> to vector<128xi32>
    %broadcast_in_dim3A_240 = vector.shape_cast %reduce_min3A_239 : vector<128xi32> to vector<128x1xi32>
    %eq3A_241 = vector.broadcast %broadcast_in_dim3A_240 : vector<128x1xi32> to vector<128x128xi32>
    %eq3A_242 = arith.cmpi eq, %iota3A_61, %eq3A_241 : vector<128x128xi32>
    %broadcast_in_dim3A_243 = vector.shape_cast %select_n3A_197 : vector<1x128xf32> to vector<1x128xf32>
    %broadcast_in_dim3A_244 = vector.broadcast %broadcast_in_dim3A_243 : vector<1x128xf32> to vector<128x128xf32>
    %jit3A_245 = arith.constant 0.000000e+00 : f32
    %broadcast_in_dim3A_246 = vector.broadcast %jit3A_245 : f32 to vector<128x128xf32>
    %select_n3A_247 = arith.select %eq3A_242, %broadcast_in_dim3A_244, %broadcast_in_dim3A_246 : vector<128x128xi1>, vector<128x128xf32>
    %reduce_sum3A_248 = arith.constant dense<0.000000e+00> : vector<128xf32>
    %reduce_sum3A_249 = vector.multi_reduction <add>, %select_n3A_247, %reduce_sum3A_248 [1] : vector<128x128xf32> to vector<128xf32>
    %broadcast_in_dim3A_250 = vector.shape_cast %reduce_sum3A_249 : vector<128xf32> to vector<128x1xf32>
    %broadcast_in_dim3A_251 = vector.shape_cast %select_n3A_205 : vector<1x128xf32> to vector<1x128xf32>
    %broadcast_in_dim3A_252 = vector.broadcast %broadcast_in_dim3A_251 : vector<1x128xf32> to vector<128x128xf32>
    %jit3A_253 = arith.constant 0.000000e+00 : f32
    %broadcast_in_dim3A_254 = vector.broadcast %jit3A_253 : f32 to vector<128x128xf32>
    %select_n3A_255 = arith.select %eq3A_242, %broadcast_in_dim3A_252, %broadcast_in_dim3A_254 : vector<128x128xi1>, vector<128x128xf32>
    %reduce_sum3A_256 = arith.constant dense<0.000000e+00> : vector<128xf32>
    %reduce_sum3A_257 = vector.multi_reduction <add>, %select_n3A_255, %reduce_sum3A_256 [1] : vector<128x128xf32> to vector<128xf32>
    %broadcast_in_dim3A_258 = vector.shape_cast %reduce_sum3A_257 : vector<128xf32> to vector<128x1xf32>
    %broadcast_in_dim3A_259 = vector.shape_cast %select_n3A_213 : vector<1x128xf32> to vector<1x128xf32>
    %broadcast_in_dim3A_260 = vector.broadcast %broadcast_in_dim3A_259 : vector<1x128xf32> to vector<128x128xf32>
    %jit3A_261 = arith.constant 0.000000e+00 : f32
    %broadcast_in_dim3A_262 = vector.broadcast %jit3A_261 : f32 to vector<128x128xf32>
    %select_n3A_263 = arith.select %eq3A_242, %broadcast_in_dim3A_260, %broadcast_in_dim3A_262 : vector<128x128xi1>, vector<128x128xf32>
    %reduce_sum3A_264 = arith.constant dense<0.000000e+00> : vector<128xf32>
    %reduce_sum3A_265 = vector.multi_reduction <add>, %select_n3A_263, %reduce_sum3A_264 [1] : vector<128x128xf32> to vector<128xf32>
    %broadcast_in_dim3A_266 = vector.shape_cast %reduce_sum3A_265 : vector<128xf32> to vector<128x1xf32>
    %lt3A_267 = arith.cmpf olt, %broadcast_in_dim3A_258, %sub3A : vector<128x1xf32>
    %convert_element_type3A_268 = arith.extui %lt3A_267 : vector<128x1xi1> to vector<128x1xi32>
    %gt3A_269 = arith.cmpf ogt, %broadcast_in_dim3A_258, %add3A_20 : vector<128x1xf32>
    %convert_element_type3A_270 = arith.extui %gt3A_269 : vector<128x1xi1> to vector<128x1xi32>
    %add3A_271 = arith.addi %convert_element_type3A_268, %convert_element_type3A_270 : vector<128x1xi32>
    %lt3A_272 = arith.cmpf olt, %broadcast_in_dim3A_266, %sub3A_16 : vector<128x1xf32>
    %convert_element_type3A_273 = arith.extui %lt3A_272 : vector<128x1xi1> to vector<128x1xi32>
    %add3A_274 = arith.addi %add3A_271, %convert_element_type3A_273 : vector<128x1xi32>
    %gt3A_275 = arith.cmpf ogt, %broadcast_in_dim3A_266, %add3A_24 : vector<128x1xf32>
    %convert_element_type3A_276 = arith.extui %gt3A_275 : vector<128x1xi1> to vector<128x1xi32>
    %add3A_277 = arith.addi %add3A_274, %convert_element_type3A_276 : vector<128x1xi32>
    %lt3A_278 = arith.constant 1.000000e-01 : f32
    %lt3A_279 = vector.broadcast %lt3A_278 : f32 to vector<128x1xf32>
    %lt3A_280 = arith.cmpf olt, %broadcast_in_dim3A_250, %lt3A_279 : vector<128x1xf32>
    %convert_element_type3A_281 = arith.extui %lt3A_280 : vector<128x1xi1> to vector<128x1xi32>
    %add3A_282 = arith.addi %add3A_277, %convert_element_type3A_281 : vector<128x1xi32>
    %sub3A_283 = arith.subf %add3A_24, %sub3A_16 : vector<128x1xf32>
    %sub3A_284 = arith.subf %add3A_20, %sub3A : vector<128x1xf32>
    %max3A_285 = arith.maximumf %sub3A_283, %sub3A_284 : vector<128x1xf32>
    %mul3A_286 = arith.constant 3.000000e-01 : f32
    %mul3A_287 = vector.broadcast %mul3A_286 : f32 to vector<128x1xf32>
    %mul3A_288 = arith.mulf %max3A_285, %mul3A_287 : vector<128x1xf32>
    %gt3A_289 = arith.cmpf ogt, %broadcast_in_dim3A_232, %mul3A_288 : vector<128x1xf32>
    %convert_element_type3A_290 = arith.extui %gt3A_289 : vector<128x1xi1> to vector<128x1xi32>
    %add3A_291 = arith.addi %add3A_282, %convert_element_type3A_290 : vector<128x1xi32>
    %gt3A_292 = arith.constant 0 : i32
    %gt3A_293 = vector.broadcast %gt3A_292 : i32 to vector<128x1xi32>
    %gt3A_294 = arith.cmpi sgt, %add3A_291, %gt3A_293 : vector<128x1xi32>
    %select_n3A_295 = arith.select %gt3A_294, %add3A_184, %broadcast_in_dim3A_258 : vector<128x1xi1>, vector<128x1xf32>
    %select_n3A_296 = arith.select %gt3A_294, %add3A_186, %broadcast_in_dim3A_266 : vector<128x1xi1>, vector<128x1xf32>
    %eq3A_297 = arith.constant 2 : i32
    %eq3A_298 = vector.broadcast %eq3A_297 : i32 to vector<128x16xi32>
    %eq3A_299 = arith.cmpi eq, %iota3A, %eq3A_298 : vector<128x16xi32>
    %broadcast_in_dim3A_300 = vector.shape_cast %select_n3A_295 : vector<128x1xf32> to vector<128x1xf32>
    %broadcast_in_dim3A_301 = vector.broadcast %broadcast_in_dim3A_300 : vector<128x1xf32> to vector<128x16xf32>
    %select_n3A_302 = arith.select %eq3A_299, %broadcast_in_dim3A_301, %select_n3A_182 : vector<128x16xi1>, vector<128x16xf32>
    %eq3A_303 = arith.constant 3 : i32
    %eq3A_304 = vector.broadcast %eq3A_303 : i32 to vector<128x16xi32>
    %eq3A_305 = arith.cmpi eq, %iota3A, %eq3A_304 : vector<128x16xi32>
    %broadcast_in_dim3A_306 = vector.shape_cast %select_n3A_296 : vector<128x1xf32> to vector<128x1xf32>
    %broadcast_in_dim3A_307 = vector.broadcast %broadcast_in_dim3A_306 : vector<128x1xf32> to vector<128x16xf32>
    %select_n3A_308 = arith.select %eq3A_305, %broadcast_in_dim3A_307, %select_n3A_302 : vector<128x16xi1>, vector<128x16xf32>
    %slice3A_309 = vector.extract_strided_slice %slice3A {offsets = [0, 4], sizes = [128, 1], strides = [1, 1]} : vector<128x16xf32> to vector<128x1xf32>
    %add3A_310 = arith.addf %slice3A_309, %slice3A_8 : vector<128x1xf32>
    %slice3A_311 = vector.extract_strided_slice %slice3A {offsets = [0, 5], sizes = [128, 1], strides = [1, 1]} : vector<128x16xf32> to vector<128x1xf32>
    %add3A_312 = arith.addf %slice3A_311, %slice3A_9 : vector<128x1xf32>
    %get3A_313 = arith.constant 0 : index
    %get3A_314 = arith.constant 2 : index
    %get3A_315 = arith.constant 0 : index
    %get3A_316 = vector.load %arg2[%get3A_313, %get3A_314, %get3A_315] : memref<1x8x128xf32, #tpu.memory_space<vmem>>, vector<1x1x128xf32>
    %get3A_317 = vector.shape_cast %get3A_316 : vector<1x1x128xf32> to vector<1x128xf32>
    %gt3A_318 = arith.constant 1.000000e-01 : f32
    %gt3A_319 = vector.broadcast %gt3A_318 : f32 to vector<1x128xf32>
    %gt3A_320 = arith.cmpf ogt, %get3A_317, %gt3A_319 : vector<1x128xf32>
    %jit3A_321 = arith.constant -1.000000e+00 : f32
    %broadcast_in_dim3A_322 = vector.broadcast %jit3A_321 : f32 to vector<1x128xf32>
    %select_n3A_323 = arith.select %gt3A_320, %get3A_317, %broadcast_in_dim3A_322 : vector<1x128xi1>, vector<1x128xf32>
    %get3A_324 = arith.constant 0 : index
    %get3A_325 = arith.constant 2 : index
    %get3A_326 = arith.constant 0 : index
    %get3A_327 = vector.load %arg3[%get3A_324, %get3A_325, %get3A_326] : memref<1x8x128xf32, #tpu.memory_space<vmem>>, vector<1x1x128xf32>
    %get3A_328 = vector.shape_cast %get3A_327 : vector<1x1x128xf32> to vector<1x128xf32>
    %jit3A_329 = arith.constant -1.000000e+04 : f32
    %broadcast_in_dim3A_330 = vector.broadcast %jit3A_329 : f32 to vector<1x128xf32>
    %select_n3A_331 = arith.select %gt3A_320, %get3A_328, %broadcast_in_dim3A_330 : vector<1x128xi1>, vector<1x128xf32>
    %get3A_332 = arith.constant 0 : index
    %get3A_333 = arith.constant 2 : index
    %get3A_334 = arith.constant 0 : index
    %get3A_335 = vector.load %arg4[%get3A_332, %get3A_333, %get3A_334] : memref<1x8x128xf32, #tpu.memory_space<vmem>>, vector<1x1x128xf32>
    %get3A_336 = vector.shape_cast %get3A_335 : vector<1x1x128xf32> to vector<1x128xf32>
    %jit3A_337 = arith.constant -1.000000e+04 : f32
    %broadcast_in_dim3A_338 = vector.broadcast %jit3A_337 : f32 to vector<1x128xf32>
    %select_n3A_339 = arith.select %gt3A_320, %get3A_336, %broadcast_in_dim3A_338 : vector<1x128xi1>, vector<1x128xf32>
    %sub3A_340 = vector.broadcast %add3A_310 : vector<128x1xf32> to vector<128x128xf32>
    %sub3A_341 = vector.broadcast %select_n3A_331 : vector<1x128xf32> to vector<128x128xf32>
    %sub3A_342 = arith.subf %sub3A_340, %sub3A_341 : vector<128x128xf32>
    %sub3A_343 = vector.broadcast %add3A_312 : vector<128x1xf32> to vector<128x128xf32>
    %sub3A_344 = vector.broadcast %select_n3A_339 : vector<1x128xf32> to vector<128x128xf32>
    %sub3A_345 = arith.subf %sub3A_343, %sub3A_344 : vector<128x128xf32>
    %mul3A_346 = arith.mulf %sub3A_342, %sub3A_342 : vector<128x128xf32>
    %mul3A_347 = arith.mulf %sub3A_345, %sub3A_345 : vector<128x128xf32>
    %add3A_348 = arith.addf %mul3A_346, %mul3A_347 : vector<128x128xf32>
    %sqrt3A_349 = math.sqrt %add3A_348 : vector<128x128xf32>
    %lt3A_350 = arith.constant 100 : i32
    %lt3A_351 = vector.broadcast %lt3A_350 : i32 to vector<128x128xi32>
    %lt3A_352 = arith.cmpi slt, %iota3A_61, %lt3A_351 : vector<128x128xi32>
    %jit3A_353 = arith.constant 0x7F800000 : f32
    %broadcast_in_dim3A_354 = vector.broadcast %jit3A_353 : f32 to vector<128x128xf32>
    %select_n3A_355 = arith.select %lt3A_352, %sqrt3A_349, %broadcast_in_dim3A_354 : vector<128x128xi1>, vector<128x128xf32>
    %reduce_min3A_356 = arith.constant dense<0x7F800000> : vector<128xf32>
    %reduce_min3A_357 = vector.multi_reduction <minimumf>, %select_n3A_355, %reduce_min3A_356 [1] : vector<128x128xf32> to vector<128xf32>
    %broadcast_in_dim3A_358 = vector.shape_cast %reduce_min3A_357 : vector<128xf32> to vector<128x1xf32>
    %eq3A_359 = vector.broadcast %broadcast_in_dim3A_358 : vector<128x1xf32> to vector<128x128xf32>
    %eq3A_360 = arith.cmpf oeq, %select_n3A_355, %eq3A_359 : vector<128x128xf32>
    %jit3A_361 = arith.constant 1073741824 : i32
    %broadcast_in_dim3A_362 = vector.broadcast %jit3A_361 : i32 to vector<128x128xi32>
    %select_n3A_363 = arith.select %eq3A_360, %iota3A_61, %broadcast_in_dim3A_362 : vector<128x128xi1>, vector<128x128xi32>
    %reduce_min3A_364 = arith.constant dense<2147483647> : vector<128xi32>
    %reduce_min3A_365 = vector.multi_reduction <minsi>, %select_n3A_363, %reduce_min3A_364 [1] : vector<128x128xi32> to vector<128xi32>
    %broadcast_in_dim3A_366 = vector.shape_cast %reduce_min3A_365 : vector<128xi32> to vector<128x1xi32>
    %eq3A_367 = vector.broadcast %broadcast_in_dim3A_366 : vector<128x1xi32> to vector<128x128xi32>
    %eq3A_368 = arith.cmpi eq, %iota3A_61, %eq3A_367 : vector<128x128xi32>
    %broadcast_in_dim3A_369 = vector.shape_cast %select_n3A_323 : vector<1x128xf32> to vector<1x128xf32>
    %broadcast_in_dim3A_370 = vector.broadcast %broadcast_in_dim3A_369 : vector<1x128xf32> to vector<128x128xf32>
    %jit3A_371 = arith.constant 0.000000e+00 : f32
    %broadcast_in_dim3A_372 = vector.broadcast %jit3A_371 : f32 to vector<128x128xf32>
    %select_n3A_373 = arith.select %eq3A_368, %broadcast_in_dim3A_370, %broadcast_in_dim3A_372 : vector<128x128xi1>, vector<128x128xf32>
    %reduce_sum3A_374 = arith.constant dense<0.000000e+00> : vector<128xf32>
    %reduce_sum3A_375 = vector.multi_reduction <add>, %select_n3A_373, %reduce_sum3A_374 [1] : vector<128x128xf32> to vector<128xf32>
    %broadcast_in_dim3A_376 = vector.shape_cast %reduce_sum3A_375 : vector<128xf32> to vector<128x1xf32>
    %broadcast_in_dim3A_377 = vector.shape_cast %select_n3A_331 : vector<1x128xf32> to vector<1x128xf32>
    %broadcast_in_dim3A_378 = vector.broadcast %broadcast_in_dim3A_377 : vector<1x128xf32> to vector<128x128xf32>
    %jit3A_379 = arith.constant 0.000000e+00 : f32
    %broadcast_in_dim3A_380 = vector.broadcast %jit3A_379 : f32 to vector<128x128xf32>
    %select_n3A_381 = arith.select %eq3A_368, %broadcast_in_dim3A_378, %broadcast_in_dim3A_380 : vector<128x128xi1>, vector<128x128xf32>
    %reduce_sum3A_382 = arith.constant dense<0.000000e+00> : vector<128xf32>
    %reduce_sum3A_383 = vector.multi_reduction <add>, %select_n3A_381, %reduce_sum3A_382 [1] : vector<128x128xf32> to vector<128xf32>
    %broadcast_in_dim3A_384 = vector.shape_cast %reduce_sum3A_383 : vector<128xf32> to vector<128x1xf32>
    %broadcast_in_dim3A_385 = vector.shape_cast %select_n3A_339 : vector<1x128xf32> to vector<1x128xf32>
    %broadcast_in_dim3A_386 = vector.broadcast %broadcast_in_dim3A_385 : vector<1x128xf32> to vector<128x128xf32>
    %jit3A_387 = arith.constant 0.000000e+00 : f32
    %broadcast_in_dim3A_388 = vector.broadcast %jit3A_387 : f32 to vector<128x128xf32>
    %select_n3A_389 = arith.select %eq3A_368, %broadcast_in_dim3A_386, %broadcast_in_dim3A_388 : vector<128x128xi1>, vector<128x128xf32>
    %reduce_sum3A_390 = arith.constant dense<0.000000e+00> : vector<128xf32>
    %reduce_sum3A_391 = vector.multi_reduction <add>, %select_n3A_389, %reduce_sum3A_390 [1] : vector<128x128xf32> to vector<128xf32>
    %broadcast_in_dim3A_392 = vector.shape_cast %reduce_sum3A_391 : vector<128xf32> to vector<128x1xf32>
    %lt3A_393 = arith.cmpf olt, %broadcast_in_dim3A_384, %sub3A : vector<128x1xf32>
    %convert_element_type3A_394 = arith.extui %lt3A_393 : vector<128x1xi1> to vector<128x1xi32>
    %gt3A_395 = arith.cmpf ogt, %broadcast_in_dim3A_384, %add3A_20 : vector<128x1xf32>
    %convert_element_type3A_396 = arith.extui %gt3A_395 : vector<128x1xi1> to vector<128x1xi32>
    %add3A_397 = arith.addi %convert_element_type3A_394, %convert_element_type3A_396 : vector<128x1xi32>
    %lt3A_398 = arith.cmpf olt, %broadcast_in_dim3A_392, %sub3A_16 : vector<128x1xf32>
    %convert_element_type3A_399 = arith.extui %lt3A_398 : vector<128x1xi1> to vector<128x1xi32>
    %add3A_400 = arith.addi %add3A_397, %convert_element_type3A_399 : vector<128x1xi32>
    %gt3A_401 = arith.cmpf ogt, %broadcast_in_dim3A_392, %add3A_24 : vector<128x1xf32>
    %convert_element_type3A_402 = arith.extui %gt3A_401 : vector<128x1xi1> to vector<128x1xi32>
    %add3A_403 = arith.addi %add3A_400, %convert_element_type3A_402 : vector<128x1xi32>
    %lt3A_404 = arith.constant 1.000000e-01 : f32
    %lt3A_405 = vector.broadcast %lt3A_404 : f32 to vector<128x1xf32>
    %lt3A_406 = arith.cmpf olt, %broadcast_in_dim3A_376, %lt3A_405 : vector<128x1xf32>
    %convert_element_type3A_407 = arith.extui %lt3A_406 : vector<128x1xi1> to vector<128x1xi32>
    %add3A_408 = arith.addi %add3A_403, %convert_element_type3A_407 : vector<128x1xi32>
    %sub3A_409 = arith.subf %add3A_24, %sub3A_16 : vector<128x1xf32>
    %sub3A_410 = arith.subf %add3A_20, %sub3A : vector<128x1xf32>
    %max3A_411 = arith.maximumf %sub3A_409, %sub3A_410 : vector<128x1xf32>
    %mul3A_412 = arith.constant 3.000000e-01 : f32
    %mul3A_413 = vector.broadcast %mul3A_412 : f32 to vector<128x1xf32>
    %mul3A_414 = arith.mulf %max3A_411, %mul3A_413 : vector<128x1xf32>
    %gt3A_415 = arith.cmpf ogt, %broadcast_in_dim3A_358, %mul3A_414 : vector<128x1xf32>
    %convert_element_type3A_416 = arith.extui %gt3A_415 : vector<128x1xi1> to vector<128x1xi32>
    %add3A_417 = arith.addi %add3A_408, %convert_element_type3A_416 : vector<128x1xi32>
    %gt3A_418 = arith.constant 0 : i32
    %gt3A_419 = vector.broadcast %gt3A_418 : i32 to vector<128x1xi32>
    %gt3A_420 = arith.cmpi sgt, %add3A_417, %gt3A_419 : vector<128x1xi32>
    %select_n3A_421 = arith.select %gt3A_420, %add3A_310, %broadcast_in_dim3A_384 : vector<128x1xi1>, vector<128x1xf32>
    %select_n3A_422 = arith.select %gt3A_420, %add3A_312, %broadcast_in_dim3A_392 : vector<128x1xi1>, vector<128x1xf32>
    %eq3A_423 = arith.constant 4 : i32
    %eq3A_424 = vector.broadcast %eq3A_423 : i32 to vector<128x16xi32>
    %eq3A_425 = arith.cmpi eq, %iota3A, %eq3A_424 : vector<128x16xi32>
    %broadcast_in_dim3A_426 = vector.shape_cast %select_n3A_421 : vector<128x1xf32> to vector<128x1xf32>
    %broadcast_in_dim3A_427 = vector.broadcast %broadcast_in_dim3A_426 : vector<128x1xf32> to vector<128x16xf32>
    %select_n3A_428 = arith.select %eq3A_425, %broadcast_in_dim3A_427, %select_n3A_308 : vector<128x16xi1>, vector<128x16xf32>
    %eq3A_429 = arith.constant 5 : i32
    %eq3A_430 = vector.broadcast %eq3A_429 : i32 to vector<128x16xi32>
    %eq3A_431 = arith.cmpi eq, %iota3A, %eq3A_430 : vector<128x16xi32>
    %broadcast_in_dim3A_432 = vector.shape_cast %select_n3A_422 : vector<128x1xf32> to vector<128x1xf32>
    %broadcast_in_dim3A_433 = vector.broadcast %broadcast_in_dim3A_432 : vector<128x1xf32> to vector<128x16xf32>
    %select_n3A_434 = arith.select %eq3A_431, %broadcast_in_dim3A_433, %select_n3A_428 : vector<128x16xi1>, vector<128x16xf32>
    %slice3A_435 = vector.extract_strided_slice %slice3A {offsets = [0, 6], sizes = [128, 1], strides = [1, 1]} : vector<128x16xf32> to vector<128x1xf32>
    %add3A_436 = arith.addf %slice3A_435, %slice3A_8 : vector<128x1xf32>
    %slice3A_437 = vector.extract_strided_slice %slice3A {offsets = [0, 7], sizes = [128, 1], strides = [1, 1]} : vector<128x16xf32> to vector<128x1xf32>
    %add3A_438 = arith.addf %slice3A_437, %slice3A_9 : vector<128x1xf32>
    %get3A_439 = arith.constant 0 : index
    %get3A_440 = arith.constant 3 : index
    %get3A_441 = arith.constant 0 : index
    %get3A_442 = vector.load %arg2[%get3A_439, %get3A_440, %get3A_441] : memref<1x8x128xf32, #tpu.memory_space<vmem>>, vector<1x1x128xf32>
    %get3A_443 = vector.shape_cast %get3A_442 : vector<1x1x128xf32> to vector<1x128xf32>
    %gt3A_444 = arith.constant 1.000000e-01 : f32
    %gt3A_445 = vector.broadcast %gt3A_444 : f32 to vector<1x128xf32>
    %gt3A_446 = arith.cmpf ogt, %get3A_443, %gt3A_445 : vector<1x128xf32>
    %jit3A_447 = arith.constant -1.000000e+00 : f32
    %broadcast_in_dim3A_448 = vector.broadcast %jit3A_447 : f32 to vector<1x128xf32>
    %select_n3A_449 = arith.select %gt3A_446, %get3A_443, %broadcast_in_dim3A_448 : vector<1x128xi1>, vector<1x128xf32>
    %get3A_450 = arith.constant 0 : index
    %get3A_451 = arith.constant 3 : index
    %get3A_452 = arith.constant 0 : index
    %get3A_453 = vector.load %arg3[%get3A_450, %get3A_451, %get3A_452] : memref<1x8x128xf32, #tpu.memory_space<vmem>>, vector<1x1x128xf32>
    %get3A_454 = vector.shape_cast %get3A_453 : vector<1x1x128xf32> to vector<1x128xf32>
    %jit3A_455 = arith.constant -1.000000e+04 : f32
    %broadcast_in_dim3A_456 = vector.broadcast %jit3A_455 : f32 to vector<1x128xf32>
    %select_n3A_457 = arith.select %gt3A_446, %get3A_454, %broadcast_in_dim3A_456 : vector<1x128xi1>, vector<1x128xf32>
    %get3A_458 = arith.constant 0 : index
    %get3A_459 = arith.constant 3 : index
    %get3A_460 = arith.constant 0 : index
    %get3A_461 = vector.load %arg4[%get3A_458, %get3A_459, %get3A_460] : memref<1x8x128xf32, #tpu.memory_space<vmem>>, vector<1x1x128xf32>
    %get3A_462 = vector.shape_cast %get3A_461 : vector<1x1x128xf32> to vector<1x128xf32>
    %jit3A_463 = arith.constant -1.000000e+04 : f32
    %broadcast_in_dim3A_464 = vector.broadcast %jit3A_463 : f32 to vector<1x128xf32>
    %select_n3A_465 = arith.select %gt3A_446, %get3A_462, %broadcast_in_dim3A_464 : vector<1x128xi1>, vector<1x128xf32>
    %sub3A_466 = vector.broadcast %add3A_436 : vector<128x1xf32> to vector<128x128xf32>
    %sub3A_467 = vector.broadcast %select_n3A_457 : vector<1x128xf32> to vector<128x128xf32>
    %sub3A_468 = arith.subf %sub3A_466, %sub3A_467 : vector<128x128xf32>
    %sub3A_469 = vector.broadcast %add3A_438 : vector<128x1xf32> to vector<128x128xf32>
    %sub3A_470 = vector.broadcast %select_n3A_465 : vector<1x128xf32> to vector<128x128xf32>
    %sub3A_471 = arith.subf %sub3A_469, %sub3A_470 : vector<128x128xf32>
    %mul3A_472 = arith.mulf %sub3A_468, %sub3A_468 : vector<128x128xf32>
    %mul3A_473 = arith.mulf %sub3A_471, %sub3A_471 : vector<128x128xf32>
    %add3A_474 = arith.addf %mul3A_472, %mul3A_473 : vector<128x128xf32>
    %sqrt3A_475 = math.sqrt %add3A_474 : vector<128x128xf32>
    %lt3A_476 = arith.constant 100 : i32
    %lt3A_477 = vector.broadcast %lt3A_476 : i32 to vector<128x128xi32>
    %lt3A_478 = arith.cmpi slt, %iota3A_61, %lt3A_477 : vector<128x128xi32>
    %jit3A_479 = arith.constant 0x7F800000 : f32
    %broadcast_in_dim3A_480 = vector.broadcast %jit3A_479 : f32 to vector<128x128xf32>
    %select_n3A_481 = arith.select %lt3A_478, %sqrt3A_475, %broadcast_in_dim3A_480 : vector<128x128xi1>, vector<128x128xf32>
    %reduce_min3A_482 = arith.constant dense<0x7F800000> : vector<128xf32>
    %reduce_min3A_483 = vector.multi_reduction <minimumf>, %select_n3A_481, %reduce_min3A_482 [1] : vector<128x128xf32> to vector<128xf32>
    %broadcast_in_dim3A_484 = vector.shape_cast %reduce_min3A_483 : vector<128xf32> to vector<128x1xf32>
    %eq3A_485 = vector.broadcast %broadcast_in_dim3A_484 : vector<128x1xf32> to vector<128x128xf32>
    %eq3A_486 = arith.cmpf oeq, %select_n3A_481, %eq3A_485 : vector<128x128xf32>
    %jit3A_487 = arith.constant 1073741824 : i32
    %broadcast_in_dim3A_488 = vector.broadcast %jit3A_487 : i32 to vector<128x128xi32>
    %select_n3A_489 = arith.select %eq3A_486, %iota3A_61, %broadcast_in_dim3A_488 : vector<128x128xi1>, vector<128x128xi32>
    %reduce_min3A_490 = arith.constant dense<2147483647> : vector<128xi32>
    %reduce_min3A_491 = vector.multi_reduction <minsi>, %select_n3A_489, %reduce_min3A_490 [1] : vector<128x128xi32> to vector<128xi32>
    %broadcast_in_dim3A_492 = vector.shape_cast %reduce_min3A_491 : vector<128xi32> to vector<128x1xi32>
    %eq3A_493 = vector.broadcast %broadcast_in_dim3A_492 : vector<128x1xi32> to vector<128x128xi32>
    %eq3A_494 = arith.cmpi eq, %iota3A_61, %eq3A_493 : vector<128x128xi32>
    %broadcast_in_dim3A_495 = vector.shape_cast %select_n3A_449 : vector<1x128xf32> to vector<1x128xf32>
    %broadcast_in_dim3A_496 = vector.broadcast %broadcast_in_dim3A_495 : vector<1x128xf32> to vector<128x128xf32>
    %jit3A_497 = arith.constant 0.000000e+00 : f32
    %broadcast_in_dim3A_498 = vector.broadcast %jit3A_497 : f32 to vector<128x128xf32>
    %select_n3A_499 = arith.select %eq3A_494, %broadcast_in_dim3A_496, %broadcast_in_dim3A_498 : vector<128x128xi1>, vector<128x128xf32>
    %reduce_sum3A_500 = arith.constant dense<0.000000e+00> : vector<128xf32>
    %reduce_sum3A_501 = vector.multi_reduction <add>, %select_n3A_499, %reduce_sum3A_500 [1] : vector<128x128xf32> to vector<128xf32>
    %broadcast_in_dim3A_502 = vector.shape_cast %reduce_sum3A_501 : vector<128xf32> to vector<128x1xf32>
    %broadcast_in_dim3A_503 = vector.shape_cast %select_n3A_457 : vector<1x128xf32> to vector<1x128xf32>
    %broadcast_in_dim3A_504 = vector.broadcast %broadcast_in_dim3A_503 : vector<1x128xf32> to vector<128x128xf32>
    %jit3A_505 = arith.constant 0.000000e+00 : f32
    %broadcast_in_dim3A_506 = vector.broadcast %jit3A_505 : f32 to vector<128x128xf32>
    %select_n3A_507 = arith.select %eq3A_494, %broadcast_in_dim3A_504, %broadcast_in_dim3A_506 : vector<128x128xi1>, vector<128x128xf32>
    %reduce_sum3A_508 = arith.constant dense<0.000000e+00> : vector<128xf32>
    %reduce_sum3A_509 = vector.multi_reduction <add>, %select_n3A_507, %reduce_sum3A_508 [1] : vector<128x128xf32> to vector<128xf32>
    %broadcast_in_dim3A_510 = vector.shape_cast %reduce_sum3A_509 : vector<128xf32> to vector<128x1xf32>
    %broadcast_in_dim3A_511 = vector.shape_cast %select_n3A_465 : vector<1x128xf32> to vector<1x128xf32>
    %broadcast_in_dim3A_512 = vector.broadcast %broadcast_in_dim3A_511 : vector<1x128xf32> to vector<128x128xf32>
    %jit3A_513 = arith.constant 0.000000e+00 : f32
    %broadcast_in_dim3A_514 = vector.broadcast %jit3A_513 : f32 to vector<128x128xf32>
    %select_n3A_515 = arith.select %eq3A_494, %broadcast_in_dim3A_512, %broadcast_in_dim3A_514 : vector<128x128xi1>, vector<128x128xf32>
    %reduce_sum3A_516 = arith.constant dense<0.000000e+00> : vector<128xf32>
    %reduce_sum3A_517 = vector.multi_reduction <add>, %select_n3A_515, %reduce_sum3A_516 [1] : vector<128x128xf32> to vector<128xf32>
    %broadcast_in_dim3A_518 = vector.shape_cast %reduce_sum3A_517 : vector<128xf32> to vector<128x1xf32>
    %lt3A_519 = arith.cmpf olt, %broadcast_in_dim3A_510, %sub3A : vector<128x1xf32>
    %convert_element_type3A_520 = arith.extui %lt3A_519 : vector<128x1xi1> to vector<128x1xi32>
    %gt3A_521 = arith.cmpf ogt, %broadcast_in_dim3A_510, %add3A_20 : vector<128x1xf32>
    %convert_element_type3A_522 = arith.extui %gt3A_521 : vector<128x1xi1> to vector<128x1xi32>
    %add3A_523 = arith.addi %convert_element_type3A_520, %convert_element_type3A_522 : vector<128x1xi32>
    %lt3A_524 = arith.cmpf olt, %broadcast_in_dim3A_518, %sub3A_16 : vector<128x1xf32>
    %convert_element_type3A_525 = arith.extui %lt3A_524 : vector<128x1xi1> to vector<128x1xi32>
    %add3A_526 = arith.addi %add3A_523, %convert_element_type3A_525 : vector<128x1xi32>
    %gt3A_527 = arith.cmpf ogt, %broadcast_in_dim3A_518, %add3A_24 : vector<128x1xf32>
    %convert_element_type3A_528 = arith.extui %gt3A_527 : vector<128x1xi1> to vector<128x1xi32>
    %add3A_529 = arith.addi %add3A_526, %convert_element_type3A_528 : vector<128x1xi32>
    %lt3A_530 = arith.constant 1.000000e-01 : f32
    %lt3A_531 = vector.broadcast %lt3A_530 : f32 to vector<128x1xf32>
    %lt3A_532 = arith.cmpf olt, %broadcast_in_dim3A_502, %lt3A_531 : vector<128x1xf32>
    %convert_element_type3A_533 = arith.extui %lt3A_532 : vector<128x1xi1> to vector<128x1xi32>
    %add3A_534 = arith.addi %add3A_529, %convert_element_type3A_533 : vector<128x1xi32>
    %sub3A_535 = arith.subf %add3A_24, %sub3A_16 : vector<128x1xf32>
    %sub3A_536 = arith.subf %add3A_20, %sub3A : vector<128x1xf32>
    %max3A_537 = arith.maximumf %sub3A_535, %sub3A_536 : vector<128x1xf32>
    %mul3A_538 = arith.constant 3.000000e-01 : f32
    %mul3A_539 = vector.broadcast %mul3A_538 : f32 to vector<128x1xf32>
    %mul3A_540 = arith.mulf %max3A_537, %mul3A_539 : vector<128x1xf32>
    %gt3A_541 = arith.cmpf ogt, %broadcast_in_dim3A_484, %mul3A_540 : vector<128x1xf32>
    %convert_element_type3A_542 = arith.extui %gt3A_541 : vector<128x1xi1> to vector<128x1xi32>
    %add3A_543 = arith.addi %add3A_534, %convert_element_type3A_542 : vector<128x1xi32>
    %gt3A_544 = arith.constant 0 : i32
    %gt3A_545 = vector.broadcast %gt3A_544 : i32 to vector<128x1xi32>
    %gt3A_546 = arith.cmpi sgt, %add3A_543, %gt3A_545 : vector<128x1xi32>
    %select_n3A_547 = arith.select %gt3A_546, %add3A_436, %broadcast_in_dim3A_510 : vector<128x1xi1>, vector<128x1xf32>
    %select_n3A_548 = arith.select %gt3A_546, %add3A_438, %broadcast_in_dim3A_518 : vector<128x1xi1>, vector<128x1xf32>
    %eq3A_549 = arith.constant 6 : i32
    %eq3A_550 = vector.broadcast %eq3A_549 : i32 to vector<128x16xi32>
    %eq3A_551 = arith.cmpi eq, %iota3A, %eq3A_550 : vector<128x16xi32>
    %broadcast_in_dim3A_552 = vector.shape_cast %select_n3A_547 : vector<128x1xf32> to vector<128x1xf32>
    %broadcast_in_dim3A_553 = vector.broadcast %broadcast_in_dim3A_552 : vector<128x1xf32> to vector<128x16xf32>
    %select_n3A_554 = arith.select %eq3A_551, %broadcast_in_dim3A_553, %select_n3A_434 : vector<128x16xi1>, vector<128x16xf32>
    %eq3A_555 = arith.constant 7 : i32
    %eq3A_556 = vector.broadcast %eq3A_555 : i32 to vector<128x16xi32>
    %eq3A_557 = arith.cmpi eq, %iota3A, %eq3A_556 : vector<128x16xi32>
    %broadcast_in_dim3A_558 = vector.shape_cast %select_n3A_548 : vector<128x1xf32> to vector<128x1xf32>
    %broadcast_in_dim3A_559 = vector.broadcast %broadcast_in_dim3A_558 : vector<128x1xf32> to vector<128x16xf32>
    %select_n3A_560 = arith.select %eq3A_557, %broadcast_in_dim3A_559, %select_n3A_554 : vector<128x16xi1>, vector<128x16xf32>
    %slice3A_561 = vector.extract_strided_slice %slice3A {offsets = [0, 8], sizes = [128, 1], strides = [1, 1]} : vector<128x16xf32> to vector<128x1xf32>
    %add3A_562 = arith.addf %slice3A_561, %slice3A_8 : vector<128x1xf32>
    %slice3A_563 = vector.extract_strided_slice %slice3A {offsets = [0, 9], sizes = [128, 1], strides = [1, 1]} : vector<128x16xf32> to vector<128x1xf32>
    %add3A_564 = arith.addf %slice3A_563, %slice3A_9 : vector<128x1xf32>
    %get3A_565 = arith.constant 0 : index
    %get3A_566 = arith.constant 4 : index
    %get3A_567 = arith.constant 0 : index
    %get3A_568 = vector.load %arg2[%get3A_565, %get3A_566, %get3A_567] : memref<1x8x128xf32, #tpu.memory_space<vmem>>, vector<1x1x128xf32>
    %get3A_569 = vector.shape_cast %get3A_568 : vector<1x1x128xf32> to vector<1x128xf32>
    %gt3A_570 = arith.constant 1.000000e-01 : f32
    %gt3A_571 = vector.broadcast %gt3A_570 : f32 to vector<1x128xf32>
    %gt3A_572 = arith.cmpf ogt, %get3A_569, %gt3A_571 : vector<1x128xf32>
    %jit3A_573 = arith.constant -1.000000e+00 : f32
    %broadcast_in_dim3A_574 = vector.broadcast %jit3A_573 : f32 to vector<1x128xf32>
    %select_n3A_575 = arith.select %gt3A_572, %get3A_569, %broadcast_in_dim3A_574 : vector<1x128xi1>, vector<1x128xf32>
    %get3A_576 = arith.constant 0 : index
    %get3A_577 = arith.constant 4 : index
    %get3A_578 = arith.constant 0 : index
    %get3A_579 = vector.load %arg3[%get3A_576, %get3A_577, %get3A_578] : memref<1x8x128xf32, #tpu.memory_space<vmem>>, vector<1x1x128xf32>
    %get3A_580 = vector.shape_cast %get3A_579 : vector<1x1x128xf32> to vector<1x128xf32>
    %jit3A_581 = arith.constant -1.000000e+04 : f32
    %broadcast_in_dim3A_582 = vector.broadcast %jit3A_581 : f32 to vector<1x128xf32>
    %select_n3A_583 = arith.select %gt3A_572, %get3A_580, %broadcast_in_dim3A_582 : vector<1x128xi1>, vector<1x128xf32>
    %get3A_584 = arith.constant 0 : index
    %get3A_585 = arith.constant 4 : index
    %get3A_586 = arith.constant 0 : index
    %get3A_587 = vector.load %arg4[%get3A_584, %get3A_585, %get3A_586] : memref<1x8x128xf32, #tpu.memory_space<vmem>>, vector<1x1x128xf32>
    %get3A_588 = vector.shape_cast %get3A_587 : vector<1x1x128xf32> to vector<1x128xf32>
    %jit3A_589 = arith.constant -1.000000e+04 : f32
    %broadcast_in_dim3A_590 = vector.broadcast %jit3A_589 : f32 to vector<1x128xf32>
    %select_n3A_591 = arith.select %gt3A_572, %get3A_588, %broadcast_in_dim3A_590 : vector<1x128xi1>, vector<1x128xf32>
    %sub3A_592 = vector.broadcast %add3A_562 : vector<128x1xf32> to vector<128x128xf32>
    %sub3A_593 = vector.broadcast %select_n3A_583 : vector<1x128xf32> to vector<128x128xf32>
    %sub3A_594 = arith.subf %sub3A_592, %sub3A_593 : vector<128x128xf32>
    %sub3A_595 = vector.broadcast %add3A_564 : vector<128x1xf32> to vector<128x128xf32>
    %sub3A_596 = vector.broadcast %select_n3A_591 : vector<1x128xf32> to vector<128x128xf32>
    %sub3A_597 = arith.subf %sub3A_595, %sub3A_596 : vector<128x128xf32>
    %mul3A_598 = arith.mulf %sub3A_594, %sub3A_594 : vector<128x128xf32>
    %mul3A_599 = arith.mulf %sub3A_597, %sub3A_597 : vector<128x128xf32>
    %add3A_600 = arith.addf %mul3A_598, %mul3A_599 : vector<128x128xf32>
    %sqrt3A_601 = math.sqrt %add3A_600 : vector<128x128xf32>
    %lt3A_602 = arith.constant 100 : i32
    %lt3A_603 = vector.broadcast %lt3A_602 : i32 to vector<128x128xi32>
    %lt3A_604 = arith.cmpi slt, %iota3A_61, %lt3A_603 : vector<128x128xi32>
    %jit3A_605 = arith.constant 0x7F800000 : f32
    %broadcast_in_dim3A_606 = vector.broadcast %jit3A_605 : f32 to vector<128x128xf32>
    %select_n3A_607 = arith.select %lt3A_604, %sqrt3A_601, %broadcast_in_dim3A_606 : vector<128x128xi1>, vector<128x128xf32>
    %reduce_min3A_608 = arith.constant dense<0x7F800000> : vector<128xf32>
    %reduce_min3A_609 = vector.multi_reduction <minimumf>, %select_n3A_607, %reduce_min3A_608 [1] : vector<128x128xf32> to vector<128xf32>
    %broadcast_in_dim3A_610 = vector.shape_cast %reduce_min3A_609 : vector<128xf32> to vector<128x1xf32>
    %eq3A_611 = vector.broadcast %broadcast_in_dim3A_610 : vector<128x1xf32> to vector<128x128xf32>
    %eq3A_612 = arith.cmpf oeq, %select_n3A_607, %eq3A_611 : vector<128x128xf32>
    %jit3A_613 = arith.constant 1073741824 : i32
    %broadcast_in_dim3A_614 = vector.broadcast %jit3A_613 : i32 to vector<128x128xi32>
    %select_n3A_615 = arith.select %eq3A_612, %iota3A_61, %broadcast_in_dim3A_614 : vector<128x128xi1>, vector<128x128xi32>
    %reduce_min3A_616 = arith.constant dense<2147483647> : vector<128xi32>
    %reduce_min3A_617 = vector.multi_reduction <minsi>, %select_n3A_615, %reduce_min3A_616 [1] : vector<128x128xi32> to vector<128xi32>
    %broadcast_in_dim3A_618 = vector.shape_cast %reduce_min3A_617 : vector<128xi32> to vector<128x1xi32>
    %eq3A_619 = vector.broadcast %broadcast_in_dim3A_618 : vector<128x1xi32> to vector<128x128xi32>
    %eq3A_620 = arith.cmpi eq, %iota3A_61, %eq3A_619 : vector<128x128xi32>
    %broadcast_in_dim3A_621 = vector.shape_cast %select_n3A_575 : vector<1x128xf32> to vector<1x128xf32>
    %broadcast_in_dim3A_622 = vector.broadcast %broadcast_in_dim3A_621 : vector<1x128xf32> to vector<128x128xf32>
    %jit3A_623 = arith.constant 0.000000e+00 : f32
    %broadcast_in_dim3A_624 = vector.broadcast %jit3A_623 : f32 to vector<128x128xf32>
    %select_n3A_625 = arith.select %eq3A_620, %broadcast_in_dim3A_622, %broadcast_in_dim3A_624 : vector<128x128xi1>, vector<128x128xf32>
    %reduce_sum3A_626 = arith.constant dense<0.000000e+00> : vector<128xf32>
    %reduce_sum3A_627 = vector.multi_reduction <add>, %select_n3A_625, %reduce_sum3A_626 [1] : vector<128x128xf32> to vector<128xf32>
    %broadcast_in_dim3A_628 = vector.shape_cast %reduce_sum3A_627 : vector<128xf32> to vector<128x1xf32>
    %broadcast_in_dim3A_629 = vector.shape_cast %select_n3A_583 : vector<1x128xf32> to vector<1x128xf32>
    %broadcast_in_dim3A_630 = vector.broadcast %broadcast_in_dim3A_629 : vector<1x128xf32> to vector<128x128xf32>
    %jit3A_631 = arith.constant 0.000000e+00 : f32
    %broadcast_in_dim3A_632 = vector.broadcast %jit3A_631 : f32 to vector<128x128xf32>
    %select_n3A_633 = arith.select %eq3A_620, %broadcast_in_dim3A_630, %broadcast_in_dim3A_632 : vector<128x128xi1>, vector<128x128xf32>
    %reduce_sum3A_634 = arith.constant dense<0.000000e+00> : vector<128xf32>
    %reduce_sum3A_635 = vector.multi_reduction <add>, %select_n3A_633, %reduce_sum3A_634 [1] : vector<128x128xf32> to vector<128xf32>
    %broadcast_in_dim3A_636 = vector.shape_cast %reduce_sum3A_635 : vector<128xf32> to vector<128x1xf32>
    %broadcast_in_dim3A_637 = vector.shape_cast %select_n3A_591 : vector<1x128xf32> to vector<1x128xf32>
    %broadcast_in_dim3A_638 = vector.broadcast %broadcast_in_dim3A_637 : vector<1x128xf32> to vector<128x128xf32>
    %jit3A_639 = arith.constant 0.000000e+00 : f32
    %broadcast_in_dim3A_640 = vector.broadcast %jit3A_639 : f32 to vector<128x128xf32>
    %select_n3A_641 = arith.select %eq3A_620, %broadcast_in_dim3A_638, %broadcast_in_dim3A_640 : vector<128x128xi1>, vector<128x128xf32>
    %reduce_sum3A_642 = arith.constant dense<0.000000e+00> : vector<128xf32>
    %reduce_sum3A_643 = vector.multi_reduction <add>, %select_n3A_641, %reduce_sum3A_642 [1] : vector<128x128xf32> to vector<128xf32>
    %broadcast_in_dim3A_644 = vector.shape_cast %reduce_sum3A_643 : vector<128xf32> to vector<128x1xf32>
    %lt3A_645 = arith.cmpf olt, %broadcast_in_dim3A_636, %sub3A : vector<128x1xf32>
    %convert_element_type3A_646 = arith.extui %lt3A_645 : vector<128x1xi1> to vector<128x1xi32>
    %gt3A_647 = arith.cmpf ogt, %broadcast_in_dim3A_636, %add3A_20 : vector<128x1xf32>
    %convert_element_type3A_648 = arith.extui %gt3A_647 : vector<128x1xi1> to vector<128x1xi32>
    %add3A_649 = arith.addi %convert_element_type3A_646, %convert_element_type3A_648 : vector<128x1xi32>
    %lt3A_650 = arith.cmpf olt, %broadcast_in_dim3A_644, %sub3A_16 : vector<128x1xf32>
    %convert_element_type3A_651 = arith.extui %lt3A_650 : vector<128x1xi1> to vector<128x1xi32>
    %add3A_652 = arith.addi %add3A_649, %convert_element_type3A_651 : vector<128x1xi32>
    %gt3A_653 = arith.cmpf ogt, %broadcast_in_dim3A_644, %add3A_24 : vector<128x1xf32>
    %convert_element_type3A_654 = arith.extui %gt3A_653 : vector<128x1xi1> to vector<128x1xi32>
    %add3A_655 = arith.addi %add3A_652, %convert_element_type3A_654 : vector<128x1xi32>
    %lt3A_656 = arith.constant 1.000000e-01 : f32
    %lt3A_657 = vector.broadcast %lt3A_656 : f32 to vector<128x1xf32>
    %lt3A_658 = arith.cmpf olt, %broadcast_in_dim3A_628, %lt3A_657 : vector<128x1xf32>
    %convert_element_type3A_659 = arith.extui %lt3A_658 : vector<128x1xi1> to vector<128x1xi32>
    %add3A_660 = arith.addi %add3A_655, %convert_element_type3A_659 : vector<128x1xi32>
    %sub3A_661 = arith.subf %add3A_24, %sub3A_16 : vector<128x1xf32>
    %sub3A_662 = arith.subf %add3A_20, %sub3A : vector<128x1xf32>
    %max3A_663 = arith.maximumf %sub3A_661, %sub3A_662 : vector<128x1xf32>
    %mul3A_664 = arith.constant 3.000000e-01 : f32
    %mul3A_665 = vector.broadcast %mul3A_664 : f32 to vector<128x1xf32>
    %mul3A_666 = arith.mulf %max3A_663, %mul3A_665 : vector<128x1xf32>
    %gt3A_667 = arith.cmpf ogt, %broadcast_in_dim3A_610, %mul3A_666 : vector<128x1xf32>
    %convert_element_type3A_668 = arith.extui %gt3A_667 : vector<128x1xi1> to vector<128x1xi32>
    %add3A_669 = arith.addi %add3A_660, %convert_element_type3A_668 : vector<128x1xi32>
    %gt3A_670 = arith.constant 0 : i32
    %gt3A_671 = vector.broadcast %gt3A_670 : i32 to vector<128x1xi32>
    %gt3A_672 = arith.cmpi sgt, %add3A_669, %gt3A_671 : vector<128x1xi32>
    %select_n3A_673 = arith.select %gt3A_672, %add3A_562, %broadcast_in_dim3A_636 : vector<128x1xi1>, vector<128x1xf32>
    %select_n3A_674 = arith.select %gt3A_672, %add3A_564, %broadcast_in_dim3A_644 : vector<128x1xi1>, vector<128x1xf32>
    %eq3A_675 = arith.constant 8 : i32
    %eq3A_676 = vector.broadcast %eq3A_675 : i32 to vector<128x16xi32>
    %eq3A_677 = arith.cmpi eq, %iota3A, %eq3A_676 : vector<128x16xi32>
    %broadcast_in_dim3A_678 = vector.shape_cast %select_n3A_673 : vector<128x1xf32> to vector<128x1xf32>
    %broadcast_in_dim3A_679 = vector.broadcast %broadcast_in_dim3A_678 : vector<128x1xf32> to vector<128x16xf32>
    %select_n3A_680 = arith.select %eq3A_677, %broadcast_in_dim3A_679, %select_n3A_560 : vector<128x16xi1>, vector<128x16xf32>
    %eq3A_681 = arith.constant 9 : i32
    %eq3A_682 = vector.broadcast %eq3A_681 : i32 to vector<128x16xi32>
    %eq3A_683 = arith.cmpi eq, %iota3A, %eq3A_682 : vector<128x16xi32>
    %broadcast_in_dim3A_684 = vector.shape_cast %select_n3A_674 : vector<128x1xf32> to vector<128x1xf32>
    %broadcast_in_dim3A_685 = vector.broadcast %broadcast_in_dim3A_684 : vector<128x1xf32> to vector<128x16xf32>
    %select_n3A_686 = arith.select %eq3A_683, %broadcast_in_dim3A_685, %select_n3A_680 : vector<128x16xi1>, vector<128x16xf32>
    %slice3A_687 = vector.extract_strided_slice %slice3A {offsets = [0, 10], sizes = [128, 1], strides = [1, 1]} : vector<128x16xf32> to vector<128x1xf32>
    %add3A_688 = arith.addf %slice3A_687, %slice3A_8 : vector<128x1xf32>
    %slice3A_689 = vector.extract_strided_slice %slice3A {offsets = [0, 11], sizes = [128, 1], strides = [1, 1]} : vector<128x16xf32> to vector<128x1xf32>
    %add3A_690 = arith.addf %slice3A_689, %slice3A_9 : vector<128x1xf32>
    %get3A_691 = arith.constant 0 : index
    %get3A_692 = arith.constant 5 : index
    %get3A_693 = arith.constant 0 : index
    %get3A_694 = vector.load %arg2[%get3A_691, %get3A_692, %get3A_693] : memref<1x8x128xf32, #tpu.memory_space<vmem>>, vector<1x1x128xf32>
    %get3A_695 = vector.shape_cast %get3A_694 : vector<1x1x128xf32> to vector<1x128xf32>
    %gt3A_696 = arith.constant 1.000000e-01 : f32
    %gt3A_697 = vector.broadcast %gt3A_696 : f32 to vector<1x128xf32>
    %gt3A_698 = arith.cmpf ogt, %get3A_695, %gt3A_697 : vector<1x128xf32>
    %jit3A_699 = arith.constant -1.000000e+00 : f32
    %broadcast_in_dim3A_700 = vector.broadcast %jit3A_699 : f32 to vector<1x128xf32>
    %select_n3A_701 = arith.select %gt3A_698, %get3A_695, %broadcast_in_dim3A_700 : vector<1x128xi1>, vector<1x128xf32>
    %get3A_702 = arith.constant 0 : index
    %get3A_703 = arith.constant 5 : index
    %get3A_704 = arith.constant 0 : index
    %get3A_705 = vector.load %arg3[%get3A_702, %get3A_703, %get3A_704] : memref<1x8x128xf32, #tpu.memory_space<vmem>>, vector<1x1x128xf32>
    %get3A_706 = vector.shape_cast %get3A_705 : vector<1x1x128xf32> to vector<1x128xf32>
    %jit3A_707 = arith.constant -1.000000e+04 : f32
    %broadcast_in_dim3A_708 = vector.broadcast %jit3A_707 : f32 to vector<1x128xf32>
    %select_n3A_709 = arith.select %gt3A_698, %get3A_706, %broadcast_in_dim3A_708 : vector<1x128xi1>, vector<1x128xf32>
    %get3A_710 = arith.constant 0 : index
    %get3A_711 = arith.constant 5 : index
    %get3A_712 = arith.constant 0 : index
    %get3A_713 = vector.load %arg4[%get3A_710, %get3A_711, %get3A_712] : memref<1x8x128xf32, #tpu.memory_space<vmem>>, vector<1x1x128xf32>
    %get3A_714 = vector.shape_cast %get3A_713 : vector<1x1x128xf32> to vector<1x128xf32>
    %jit3A_715 = arith.constant -1.000000e+04 : f32
    %broadcast_in_dim3A_716 = vector.broadcast %jit3A_715 : f32 to vector<1x128xf32>
    %select_n3A_717 = arith.select %gt3A_698, %get3A_714, %broadcast_in_dim3A_716 : vector<1x128xi1>, vector<1x128xf32>
    %sub3A_718 = vector.broadcast %add3A_688 : vector<128x1xf32> to vector<128x128xf32>
    %sub3A_719 = vector.broadcast %select_n3A_709 : vector<1x128xf32> to vector<128x128xf32>
    %sub3A_720 = arith.subf %sub3A_718, %sub3A_719 : vector<128x128xf32>
    %sub3A_721 = vector.broadcast %add3A_690 : vector<128x1xf32> to vector<128x128xf32>
    %sub3A_722 = vector.broadcast %select_n3A_717 : vector<1x128xf32> to vector<128x128xf32>
    %sub3A_723 = arith.subf %sub3A_721, %sub3A_722 : vector<128x128xf32>
    %mul3A_724 = arith.mulf %sub3A_720, %sub3A_720 : vector<128x128xf32>
    %mul3A_725 = arith.mulf %sub3A_723, %sub3A_723 : vector<128x128xf32>
    %add3A_726 = arith.addf %mul3A_724, %mul3A_725 : vector<128x128xf32>
    %sqrt3A_727 = math.sqrt %add3A_726 : vector<128x128xf32>
    %lt3A_728 = arith.constant 100 : i32
    %lt3A_729 = vector.broadcast %lt3A_728 : i32 to vector<128x128xi32>
    %lt3A_730 = arith.cmpi slt, %iota3A_61, %lt3A_729 : vector<128x128xi32>
    %jit3A_731 = arith.constant 0x7F800000 : f32
    %broadcast_in_dim3A_732 = vector.broadcast %jit3A_731 : f32 to vector<128x128xf32>
    %select_n3A_733 = arith.select %lt3A_730, %sqrt3A_727, %broadcast_in_dim3A_732 : vector<128x128xi1>, vector<128x128xf32>
    %reduce_min3A_734 = arith.constant dense<0x7F800000> : vector<128xf32>
    %reduce_min3A_735 = vector.multi_reduction <minimumf>, %select_n3A_733, %reduce_min3A_734 [1] : vector<128x128xf32> to vector<128xf32>
    %broadcast_in_dim3A_736 = vector.shape_cast %reduce_min3A_735 : vector<128xf32> to vector<128x1xf32>
    %eq3A_737 = vector.broadcast %broadcast_in_dim3A_736 : vector<128x1xf32> to vector<128x128xf32>
    %eq3A_738 = arith.cmpf oeq, %select_n3A_733, %eq3A_737 : vector<128x128xf32>
    %jit3A_739 = arith.constant 1073741824 : i32
    %broadcast_in_dim3A_740 = vector.broadcast %jit3A_739 : i32 to vector<128x128xi32>
    %select_n3A_741 = arith.select %eq3A_738, %iota3A_61, %broadcast_in_dim3A_740 : vector<128x128xi1>, vector<128x128xi32>
    %reduce_min3A_742 = arith.constant dense<2147483647> : vector<128xi32>
    %reduce_min3A_743 = vector.multi_reduction <minsi>, %select_n3A_741, %reduce_min3A_742 [1] : vector<128x128xi32> to vector<128xi32>
    %broadcast_in_dim3A_744 = vector.shape_cast %reduce_min3A_743 : vector<128xi32> to vector<128x1xi32>
    %eq3A_745 = vector.broadcast %broadcast_in_dim3A_744 : vector<128x1xi32> to vector<128x128xi32>
    %eq3A_746 = arith.cmpi eq, %iota3A_61, %eq3A_745 : vector<128x128xi32>
    %broadcast_in_dim3A_747 = vector.shape_cast %select_n3A_701 : vector<1x128xf32> to vector<1x128xf32>
    %broadcast_in_dim3A_748 = vector.broadcast %broadcast_in_dim3A_747 : vector<1x128xf32> to vector<128x128xf32>
    %jit3A_749 = arith.constant 0.000000e+00 : f32
    %broadcast_in_dim3A_750 = vector.broadcast %jit3A_749 : f32 to vector<128x128xf32>
    %select_n3A_751 = arith.select %eq3A_746, %broadcast_in_dim3A_748, %broadcast_in_dim3A_750 : vector<128x128xi1>, vector<128x128xf32>
    %reduce_sum3A_752 = arith.constant dense<0.000000e+00> : vector<128xf32>
    %reduce_sum3A_753 = vector.multi_reduction <add>, %select_n3A_751, %reduce_sum3A_752 [1] : vector<128x128xf32> to vector<128xf32>
    %broadcast_in_dim3A_754 = vector.shape_cast %reduce_sum3A_753 : vector<128xf32> to vector<128x1xf32>
    %broadcast_in_dim3A_755 = vector.shape_cast %select_n3A_709 : vector<1x128xf32> to vector<1x128xf32>
    %broadcast_in_dim3A_756 = vector.broadcast %broadcast_in_dim3A_755 : vector<1x128xf32> to vector<128x128xf32>
    %jit3A_757 = arith.constant 0.000000e+00 : f32
    %broadcast_in_dim3A_758 = vector.broadcast %jit3A_757 : f32 to vector<128x128xf32>
    %select_n3A_759 = arith.select %eq3A_746, %broadcast_in_dim3A_756, %broadcast_in_dim3A_758 : vector<128x128xi1>, vector<128x128xf32>
    %reduce_sum3A_760 = arith.constant dense<0.000000e+00> : vector<128xf32>
    %reduce_sum3A_761 = vector.multi_reduction <add>, %select_n3A_759, %reduce_sum3A_760 [1] : vector<128x128xf32> to vector<128xf32>
    %broadcast_in_dim3A_762 = vector.shape_cast %reduce_sum3A_761 : vector<128xf32> to vector<128x1xf32>
    %broadcast_in_dim3A_763 = vector.shape_cast %select_n3A_717 : vector<1x128xf32> to vector<1x128xf32>
    %broadcast_in_dim3A_764 = vector.broadcast %broadcast_in_dim3A_763 : vector<1x128xf32> to vector<128x128xf32>
    %jit3A_765 = arith.constant 0.000000e+00 : f32
    %broadcast_in_dim3A_766 = vector.broadcast %jit3A_765 : f32 to vector<128x128xf32>
    %select_n3A_767 = arith.select %eq3A_746, %broadcast_in_dim3A_764, %broadcast_in_dim3A_766 : vector<128x128xi1>, vector<128x128xf32>
    %reduce_sum3A_768 = arith.constant dense<0.000000e+00> : vector<128xf32>
    %reduce_sum3A_769 = vector.multi_reduction <add>, %select_n3A_767, %reduce_sum3A_768 [1] : vector<128x128xf32> to vector<128xf32>
    %broadcast_in_dim3A_770 = vector.shape_cast %reduce_sum3A_769 : vector<128xf32> to vector<128x1xf32>
    %lt3A_771 = arith.cmpf olt, %broadcast_in_dim3A_762, %sub3A : vector<128x1xf32>
    %convert_element_type3A_772 = arith.extui %lt3A_771 : vector<128x1xi1> to vector<128x1xi32>
    %gt3A_773 = arith.cmpf ogt, %broadcast_in_dim3A_762, %add3A_20 : vector<128x1xf32>
    %convert_element_type3A_774 = arith.extui %gt3A_773 : vector<128x1xi1> to vector<128x1xi32>
    %add3A_775 = arith.addi %convert_element_type3A_772, %convert_element_type3A_774 : vector<128x1xi32>
    %lt3A_776 = arith.cmpf olt, %broadcast_in_dim3A_770, %sub3A_16 : vector<128x1xf32>
    %convert_element_type3A_777 = arith.extui %lt3A_776 : vector<128x1xi1> to vector<128x1xi32>
    %add3A_778 = arith.addi %add3A_775, %convert_element_type3A_777 : vector<128x1xi32>
    %gt3A_779 = arith.cmpf ogt, %broadcast_in_dim3A_770, %add3A_24 : vector<128x1xf32>
    %convert_element_type3A_780 = arith.extui %gt3A_779 : vector<128x1xi1> to vector<128x1xi32>
    %add3A_781 = arith.addi %add3A_778, %convert_element_type3A_780 : vector<128x1xi32>
    %lt3A_782 = arith.constant 1.000000e-01 : f32
    %lt3A_783 = vector.broadcast %lt3A_782 : f32 to vector<128x1xf32>
    %lt3A_784 = arith.cmpf olt, %broadcast_in_dim3A_754, %lt3A_783 : vector<128x1xf32>
    %convert_element_type3A_785 = arith.extui %lt3A_784 : vector<128x1xi1> to vector<128x1xi32>
    %add3A_786 = arith.addi %add3A_781, %convert_element_type3A_785 : vector<128x1xi32>
    %sub3A_787 = arith.subf %add3A_24, %sub3A_16 : vector<128x1xf32>
    %sub3A_788 = arith.subf %add3A_20, %sub3A : vector<128x1xf32>
    %max3A_789 = arith.maximumf %sub3A_787, %sub3A_788 : vector<128x1xf32>
    %mul3A_790 = arith.constant 3.000000e-01 : f32
    %mul3A_791 = vector.broadcast %mul3A_790 : f32 to vector<128x1xf32>
    %mul3A_792 = arith.mulf %max3A_789, %mul3A_791 : vector<128x1xf32>
    %gt3A_793 = arith.cmpf ogt, %broadcast_in_dim3A_736, %mul3A_792 : vector<128x1xf32>
    %convert_element_type3A_794 = arith.extui %gt3A_793 : vector<128x1xi1> to vector<128x1xi32>
    %add3A_795 = arith.addi %add3A_786, %convert_element_type3A_794 : vector<128x1xi32>
    %gt3A_796 = arith.constant 0 : i32
    %gt3A_797 = vector.broadcast %gt3A_796 : i32 to vector<128x1xi32>
    %gt3A_798 = arith.cmpi sgt, %add3A_795, %gt3A_797 : vector<128x1xi32>
    %select_n3A_799 = arith.select %gt3A_798, %add3A_688, %broadcast_in_dim3A_762 : vector<128x1xi1>, vector<128x1xf32>
    %select_n3A_800 = arith.select %gt3A_798, %add3A_690, %broadcast_in_dim3A_770 : vector<128x1xi1>, vector<128x1xf32>
    %eq3A_801 = arith.constant 10 : i32
    %eq3A_802 = vector.broadcast %eq3A_801 : i32 to vector<128x16xi32>
    %eq3A_803 = arith.cmpi eq, %iota3A, %eq3A_802 : vector<128x16xi32>
    %broadcast_in_dim3A_804 = vector.shape_cast %select_n3A_799 : vector<128x1xf32> to vector<128x1xf32>
    %broadcast_in_dim3A_805 = vector.broadcast %broadcast_in_dim3A_804 : vector<128x1xf32> to vector<128x16xf32>
    %select_n3A_806 = arith.select %eq3A_803, %broadcast_in_dim3A_805, %select_n3A_686 : vector<128x16xi1>, vector<128x16xf32>
    %eq3A_807 = arith.constant 11 : i32
    %eq3A_808 = vector.broadcast %eq3A_807 : i32 to vector<128x16xi32>
    %eq3A_809 = arith.cmpi eq, %iota3A, %eq3A_808 : vector<128x16xi32>
    %broadcast_in_dim3A_810 = vector.shape_cast %select_n3A_800 : vector<128x1xf32> to vector<128x1xf32>
    %broadcast_in_dim3A_811 = vector.broadcast %broadcast_in_dim3A_810 : vector<128x1xf32> to vector<128x16xf32>
    %select_n3A_812 = arith.select %eq3A_809, %broadcast_in_dim3A_811, %select_n3A_806 : vector<128x16xi1>, vector<128x16xf32>
    %slice3A_813 = vector.extract_strided_slice %slice3A {offsets = [0, 12], sizes = [128, 1], strides = [1, 1]} : vector<128x16xf32> to vector<128x1xf32>
    %add3A_814 = arith.addf %slice3A_813, %slice3A_8 : vector<128x1xf32>
    %slice3A_815 = vector.extract_strided_slice %slice3A {offsets = [0, 13], sizes = [128, 1], strides = [1, 1]} : vector<128x16xf32> to vector<128x1xf32>
    %add3A_816 = arith.addf %slice3A_815, %slice3A_9 : vector<128x1xf32>
    %get3A_817 = arith.constant 0 : index
    %get3A_818 = arith.constant 6 : index
    %get3A_819 = arith.constant 0 : index
    %get3A_820 = vector.load %arg2[%get3A_817, %get3A_818, %get3A_819] : memref<1x8x128xf32, #tpu.memory_space<vmem>>, vector<1x1x128xf32>
    %get3A_821 = vector.shape_cast %get3A_820 : vector<1x1x128xf32> to vector<1x128xf32>
    %gt3A_822 = arith.constant 1.000000e-01 : f32
    %gt3A_823 = vector.broadcast %gt3A_822 : f32 to vector<1x128xf32>
    %gt3A_824 = arith.cmpf ogt, %get3A_821, %gt3A_823 : vector<1x128xf32>
    %jit3A_825 = arith.constant -1.000000e+00 : f32
    %broadcast_in_dim3A_826 = vector.broadcast %jit3A_825 : f32 to vector<1x128xf32>
    %select_n3A_827 = arith.select %gt3A_824, %get3A_821, %broadcast_in_dim3A_826 : vector<1x128xi1>, vector<1x128xf32>
    %get3A_828 = arith.constant 0 : index
    %get3A_829 = arith.constant 6 : index
    %get3A_830 = arith.constant 0 : index
    %get3A_831 = vector.load %arg3[%get3A_828, %get3A_829, %get3A_830] : memref<1x8x128xf32, #tpu.memory_space<vmem>>, vector<1x1x128xf32>
    %get3A_832 = vector.shape_cast %get3A_831 : vector<1x1x128xf32> to vector<1x128xf32>
    %jit3A_833 = arith.constant -1.000000e+04 : f32
    %broadcast_in_dim3A_834 = vector.broadcast %jit3A_833 : f32 to vector<1x128xf32>
    %select_n3A_835 = arith.select %gt3A_824, %get3A_832, %broadcast_in_dim3A_834 : vector<1x128xi1>, vector<1x128xf32>
    %get3A_836 = arith.constant 0 : index
    %get3A_837 = arith.constant 6 : index
    %get3A_838 = arith.constant 0 : index
    %get3A_839 = vector.load %arg4[%get3A_836, %get3A_837, %get3A_838] : memref<1x8x128xf32, #tpu.memory_space<vmem>>, vector<1x1x128xf32>
    %get3A_840 = vector.shape_cast %get3A_839 : vector<1x1x128xf32> to vector<1x128xf32>
    %jit3A_841 = arith.constant -1.000000e+04 : f32
    %broadcast_in_dim3A_842 = vector.broadcast %jit3A_841 : f32 to vector<1x128xf32>
    %select_n3A_843 = arith.select %gt3A_824, %get3A_840, %broadcast_in_dim3A_842 : vector<1x128xi1>, vector<1x128xf32>
    %sub3A_844 = vector.broadcast %add3A_814 : vector<128x1xf32> to vector<128x128xf32>
    %sub3A_845 = vector.broadcast %select_n3A_835 : vector<1x128xf32> to vector<128x128xf32>
    %sub3A_846 = arith.subf %sub3A_844, %sub3A_845 : vector<128x128xf32>
    %sub3A_847 = vector.broadcast %add3A_816 : vector<128x1xf32> to vector<128x128xf32>
    %sub3A_848 = vector.broadcast %select_n3A_843 : vector<1x128xf32> to vector<128x128xf32>
    %sub3A_849 = arith.subf %sub3A_847, %sub3A_848 : vector<128x128xf32>
    %mul3A_850 = arith.mulf %sub3A_846, %sub3A_846 : vector<128x128xf32>
    %mul3A_851 = arith.mulf %sub3A_849, %sub3A_849 : vector<128x128xf32>
    %add3A_852 = arith.addf %mul3A_850, %mul3A_851 : vector<128x128xf32>
    %sqrt3A_853 = math.sqrt %add3A_852 : vector<128x128xf32>
    %lt3A_854 = arith.constant 100 : i32
    %lt3A_855 = vector.broadcast %lt3A_854 : i32 to vector<128x128xi32>
    %lt3A_856 = arith.cmpi slt, %iota3A_61, %lt3A_855 : vector<128x128xi32>
    %jit3A_857 = arith.constant 0x7F800000 : f32
    %broadcast_in_dim3A_858 = vector.broadcast %jit3A_857 : f32 to vector<128x128xf32>
    %select_n3A_859 = arith.select %lt3A_856, %sqrt3A_853, %broadcast_in_dim3A_858 : vector<128x128xi1>, vector<128x128xf32>
    %reduce_min3A_860 = arith.constant dense<0x7F800000> : vector<128xf32>
    %reduce_min3A_861 = vector.multi_reduction <minimumf>, %select_n3A_859, %reduce_min3A_860 [1] : vector<128x128xf32> to vector<128xf32>
    %broadcast_in_dim3A_862 = vector.shape_cast %reduce_min3A_861 : vector<128xf32> to vector<128x1xf32>
    %eq3A_863 = vector.broadcast %broadcast_in_dim3A_862 : vector<128x1xf32> to vector<128x128xf32>
    %eq3A_864 = arith.cmpf oeq, %select_n3A_859, %eq3A_863 : vector<128x128xf32>
    %jit3A_865 = arith.constant 1073741824 : i32
    %broadcast_in_dim3A_866 = vector.broadcast %jit3A_865 : i32 to vector<128x128xi32>
    %select_n3A_867 = arith.select %eq3A_864, %iota3A_61, %broadcast_in_dim3A_866 : vector<128x128xi1>, vector<128x128xi32>
    %reduce_min3A_868 = arith.constant dense<2147483647> : vector<128xi32>
    %reduce_min3A_869 = vector.multi_reduction <minsi>, %select_n3A_867, %reduce_min3A_868 [1] : vector<128x128xi32> to vector<128xi32>
    %broadcast_in_dim3A_870 = vector.shape_cast %reduce_min3A_869 : vector<128xi32> to vector<128x1xi32>
    %eq3A_871 = vector.broadcast %broadcast_in_dim3A_870 : vector<128x1xi32> to vector<128x128xi32>
    %eq3A_872 = arith.cmpi eq, %iota3A_61, %eq3A_871 : vector<128x128xi32>
    %broadcast_in_dim3A_873 = vector.shape_cast %select_n3A_827 : vector<1x128xf32> to vector<1x128xf32>
    %broadcast_in_dim3A_874 = vector.broadcast %broadcast_in_dim3A_873 : vector<1x128xf32> to vector<128x128xf32>
    %jit3A_875 = arith.constant 0.000000e+00 : f32
    %broadcast_in_dim3A_876 = vector.broadcast %jit3A_875 : f32 to vector<128x128xf32>
    %select_n3A_877 = arith.select %eq3A_872, %broadcast_in_dim3A_874, %broadcast_in_dim3A_876 : vector<128x128xi1>, vector<128x128xf32>
    %reduce_sum3A_878 = arith.constant dense<0.000000e+00> : vector<128xf32>
    %reduce_sum3A_879 = vector.multi_reduction <add>, %select_n3A_877, %reduce_sum3A_878 [1] : vector<128x128xf32> to vector<128xf32>
    %broadcast_in_dim3A_880 = vector.shape_cast %reduce_sum3A_879 : vector<128xf32> to vector<128x1xf32>
    %broadcast_in_dim3A_881 = vector.shape_cast %select_n3A_835 : vector<1x128xf32> to vector<1x128xf32>
    %broadcast_in_dim3A_882 = vector.broadcast %broadcast_in_dim3A_881 : vector<1x128xf32> to vector<128x128xf32>
    %jit3A_883 = arith.constant 0.000000e+00 : f32
    %broadcast_in_dim3A_884 = vector.broadcast %jit3A_883 : f32 to vector<128x128xf32>
    %select_n3A_885 = arith.select %eq3A_872, %broadcast_in_dim3A_882, %broadcast_in_dim3A_884 : vector<128x128xi1>, vector<128x128xf32>
    %reduce_sum3A_886 = arith.constant dense<0.000000e+00> : vector<128xf32>
    %reduce_sum3A_887 = vector.multi_reduction <add>, %select_n3A_885, %reduce_sum3A_886 [1] : vector<128x128xf32> to vector<128xf32>
    %broadcast_in_dim3A_888 = vector.shape_cast %reduce_sum3A_887 : vector<128xf32> to vector<128x1xf32>
    %broadcast_in_dim3A_889 = vector.shape_cast %select_n3A_843 : vector<1x128xf32> to vector<1x128xf32>
    %broadcast_in_dim3A_890 = vector.broadcast %broadcast_in_dim3A_889 : vector<1x128xf32> to vector<128x128xf32>
    %jit3A_891 = arith.constant 0.000000e+00 : f32
    %broadcast_in_dim3A_892 = vector.broadcast %jit3A_891 : f32 to vector<128x128xf32>
    %select_n3A_893 = arith.select %eq3A_872, %broadcast_in_dim3A_890, %broadcast_in_dim3A_892 : vector<128x128xi1>, vector<128x128xf32>
    %reduce_sum3A_894 = arith.constant dense<0.000000e+00> : vector<128xf32>
    %reduce_sum3A_895 = vector.multi_reduction <add>, %select_n3A_893, %reduce_sum3A_894 [1] : vector<128x128xf32> to vector<128xf32>
    %broadcast_in_dim3A_896 = vector.shape_cast %reduce_sum3A_895 : vector<128xf32> to vector<128x1xf32>
    %lt3A_897 = arith.cmpf olt, %broadcast_in_dim3A_888, %sub3A : vector<128x1xf32>
    %convert_element_type3A_898 = arith.extui %lt3A_897 : vector<128x1xi1> to vector<128x1xi32>
    %gt3A_899 = arith.cmpf ogt, %broadcast_in_dim3A_888, %add3A_20 : vector<128x1xf32>
    %convert_element_type3A_900 = arith.extui %gt3A_899 : vector<128x1xi1> to vector<128x1xi32>
    %add3A_901 = arith.addi %convert_element_type3A_898, %convert_element_type3A_900 : vector<128x1xi32>
    %lt3A_902 = arith.cmpf olt, %broadcast_in_dim3A_896, %sub3A_16 : vector<128x1xf32>
    %convert_element_type3A_903 = arith.extui %lt3A_902 : vector<128x1xi1> to vector<128x1xi32>
    %add3A_904 = arith.addi %add3A_901, %convert_element_type3A_903 : vector<128x1xi32>
    %gt3A_905 = arith.cmpf ogt, %broadcast_in_dim3A_896, %add3A_24 : vector<128x1xf32>
    %convert_element_type3A_906 = arith.extui %gt3A_905 : vector<128x1xi1> to vector<128x1xi32>
    %add3A_907 = arith.addi %add3A_904, %convert_element_type3A_906 : vector<128x1xi32>
    %lt3A_908 = arith.constant 1.000000e-01 : f32
    %lt3A_909 = vector.broadcast %lt3A_908 : f32 to vector<128x1xf32>
    %lt3A_910 = arith.cmpf olt, %broadcast_in_dim3A_880, %lt3A_909 : vector<128x1xf32>
    %convert_element_type3A_911 = arith.extui %lt3A_910 : vector<128x1xi1> to vector<128x1xi32>
    %add3A_912 = arith.addi %add3A_907, %convert_element_type3A_911 : vector<128x1xi32>
    %sub3A_913 = arith.subf %add3A_24, %sub3A_16 : vector<128x1xf32>
    %sub3A_914 = arith.subf %add3A_20, %sub3A : vector<128x1xf32>
    %max3A_915 = arith.maximumf %sub3A_913, %sub3A_914 : vector<128x1xf32>
    %mul3A_916 = arith.constant 3.000000e-01 : f32
    %mul3A_917 = vector.broadcast %mul3A_916 : f32 to vector<128x1xf32>
    %mul3A_918 = arith.mulf %max3A_915, %mul3A_917 : vector<128x1xf32>
    %gt3A_919 = arith.cmpf ogt, %broadcast_in_dim3A_862, %mul3A_918 : vector<128x1xf32>
    %convert_element_type3A_920 = arith.extui %gt3A_919 : vector<128x1xi1> to vector<128x1xi32>
    %add3A_921 = arith.addi %add3A_912, %convert_element_type3A_920 : vector<128x1xi32>
    %gt3A_922 = arith.constant 0 : i32
    %gt3A_923 = vector.broadcast %gt3A_922 : i32 to vector<128x1xi32>
    %gt3A_924 = arith.cmpi sgt, %add3A_921, %gt3A_923 : vector<128x1xi32>
    %select_n3A_925 = arith.select %gt3A_924, %add3A_814, %broadcast_in_dim3A_888 : vector<128x1xi1>, vector<128x1xf32>
    %select_n3A_926 = arith.select %gt3A_924, %add3A_816, %broadcast_in_dim3A_896 : vector<128x1xi1>, vector<128x1xf32>
    %eq3A_927 = arith.constant 12 : i32
    %eq3A_928 = vector.broadcast %eq3A_927 : i32 to vector<128x16xi32>
    %eq3A_929 = arith.cmpi eq, %iota3A, %eq3A_928 : vector<128x16xi32>
    %broadcast_in_dim3A_930 = vector.shape_cast %select_n3A_925 : vector<128x1xf32> to vector<128x1xf32>
    %broadcast_in_dim3A_931 = vector.broadcast %broadcast_in_dim3A_930 : vector<128x1xf32> to vector<128x16xf32>
    %select_n3A_932 = arith.select %eq3A_929, %broadcast_in_dim3A_931, %select_n3A_812 : vector<128x16xi1>, vector<128x16xf32>
    %eq3A_933 = arith.constant 13 : i32
    %eq3A_934 = vector.broadcast %eq3A_933 : i32 to vector<128x16xi32>
    %eq3A_935 = arith.cmpi eq, %iota3A, %eq3A_934 : vector<128x16xi32>
    %broadcast_in_dim3A_936 = vector.shape_cast %select_n3A_926 : vector<128x1xf32> to vector<128x1xf32>
    %broadcast_in_dim3A_937 = vector.broadcast %broadcast_in_dim3A_936 : vector<128x1xf32> to vector<128x16xf32>
    %select_n3A_938 = arith.select %eq3A_935, %broadcast_in_dim3A_937, %select_n3A_932 : vector<128x16xi1>, vector<128x16xf32>
    %slice3A_939 = vector.extract_strided_slice %slice3A {offsets = [0, 14], sizes = [128, 1], strides = [1, 1]} : vector<128x16xf32> to vector<128x1xf32>
    %add3A_940 = arith.addf %slice3A_939, %slice3A_8 : vector<128x1xf32>
    %slice3A_941 = vector.extract_strided_slice %slice3A {offsets = [0, 15], sizes = [128, 1], strides = [1, 1]} : vector<128x16xf32> to vector<128x1xf32>
    %add3A_942 = arith.addf %slice3A_941, %slice3A_9 : vector<128x1xf32>
    %get3A_943 = arith.constant 0 : index
    %get3A_944 = arith.constant 7 : index
    %get3A_945 = arith.constant 0 : index
    %get3A_946 = vector.load %arg2[%get3A_943, %get3A_944, %get3A_945] : memref<1x8x128xf32, #tpu.memory_space<vmem>>, vector<1x1x128xf32>
    %get3A_947 = vector.shape_cast %get3A_946 : vector<1x1x128xf32> to vector<1x128xf32>
    %gt3A_948 = arith.constant 1.000000e-01 : f32
    %gt3A_949 = vector.broadcast %gt3A_948 : f32 to vector<1x128xf32>
    %gt3A_950 = arith.cmpf ogt, %get3A_947, %gt3A_949 : vector<1x128xf32>
    %jit3A_951 = arith.constant -1.000000e+00 : f32
    %broadcast_in_dim3A_952 = vector.broadcast %jit3A_951 : f32 to vector<1x128xf32>
    %select_n3A_953 = arith.select %gt3A_950, %get3A_947, %broadcast_in_dim3A_952 : vector<1x128xi1>, vector<1x128xf32>
    %get3A_954 = arith.constant 0 : index
    %get3A_955 = arith.constant 7 : index
    %get3A_956 = arith.constant 0 : index
    %get3A_957 = vector.load %arg3[%get3A_954, %get3A_955, %get3A_956] : memref<1x8x128xf32, #tpu.memory_space<vmem>>, vector<1x1x128xf32>
    %get3A_958 = vector.shape_cast %get3A_957 : vector<1x1x128xf32> to vector<1x128xf32>
    %jit3A_959 = arith.constant -1.000000e+04 : f32
    %broadcast_in_dim3A_960 = vector.broadcast %jit3A_959 : f32 to vector<1x128xf32>
    %select_n3A_961 = arith.select %gt3A_950, %get3A_958, %broadcast_in_dim3A_960 : vector<1x128xi1>, vector<1x128xf32>
    %get3A_962 = arith.constant 0 : index
    %get3A_963 = arith.constant 7 : index
    %get3A_964 = arith.constant 0 : index
    %get3A_965 = vector.load %arg4[%get3A_962, %get3A_963, %get3A_964] : memref<1x8x128xf32, #tpu.memory_space<vmem>>, vector<1x1x128xf32>
    %get3A_966 = vector.shape_cast %get3A_965 : vector<1x1x128xf32> to vector<1x128xf32>
    %jit3A_967 = arith.constant -1.000000e+04 : f32
    %broadcast_in_dim3A_968 = vector.broadcast %jit3A_967 : f32 to vector<1x128xf32>
    %select_n3A_969 = arith.select %gt3A_950, %get3A_966, %broadcast_in_dim3A_968 : vector<1x128xi1>, vector<1x128xf32>
    %sub3A_970 = vector.broadcast %add3A_940 : vector<128x1xf32> to vector<128x128xf32>
    %sub3A_971 = vector.broadcast %select_n3A_961 : vector<1x128xf32> to vector<128x128xf32>
    %sub3A_972 = arith.subf %sub3A_970, %sub3A_971 : vector<128x128xf32>
    %sub3A_973 = vector.broadcast %add3A_942 : vector<128x1xf32> to vector<128x128xf32>
    %sub3A_974 = vector.broadcast %select_n3A_969 : vector<1x128xf32> to vector<128x128xf32>
    %sub3A_975 = arith.subf %sub3A_973, %sub3A_974 : vector<128x128xf32>
    %mul3A_976 = arith.mulf %sub3A_972, %sub3A_972 : vector<128x128xf32>
    %mul3A_977 = arith.mulf %sub3A_975, %sub3A_975 : vector<128x128xf32>
    %add3A_978 = arith.addf %mul3A_976, %mul3A_977 : vector<128x128xf32>
    %sqrt3A_979 = math.sqrt %add3A_978 : vector<128x128xf32>
    %lt3A_980 = arith.constant 100 : i32
    %lt3A_981 = vector.broadcast %lt3A_980 : i32 to vector<128x128xi32>
    %lt3A_982 = arith.cmpi slt, %iota3A_61, %lt3A_981 : vector<128x128xi32>
    %jit3A_983 = arith.constant 0x7F800000 : f32
    %broadcast_in_dim3A_984 = vector.broadcast %jit3A_983 : f32 to vector<128x128xf32>
    %select_n3A_985 = arith.select %lt3A_982, %sqrt3A_979, %broadcast_in_dim3A_984 : vector<128x128xi1>, vector<128x128xf32>
    %reduce_min3A_986 = arith.constant dense<0x7F800000> : vector<128xf32>
    %reduce_min3A_987 = vector.multi_reduction <minimumf>, %select_n3A_985, %reduce_min3A_986 [1] : vector<128x128xf32> to vector<128xf32>
    %broadcast_in_dim3A_988 = vector.shape_cast %reduce_min3A_987 : vector<128xf32> to vector<128x1xf32>
    %eq3A_989 = vector.broadcast %broadcast_in_dim3A_988 : vector<128x1xf32> to vector<128x128xf32>
    %eq3A_990 = arith.cmpf oeq, %select_n3A_985, %eq3A_989 : vector<128x128xf32>
    %jit3A_991 = arith.constant 1073741824 : i32
    %broadcast_in_dim3A_992 = vector.broadcast %jit3A_991 : i32 to vector<128x128xi32>
    %select_n3A_993 = arith.select %eq3A_990, %iota3A_61, %broadcast_in_dim3A_992 : vector<128x128xi1>, vector<128x128xi32>
    %reduce_min3A_994 = arith.constant dense<2147483647> : vector<128xi32>
    %reduce_min3A_995 = vector.multi_reduction <minsi>, %select_n3A_993, %reduce_min3A_994 [1] : vector<128x128xi32> to vector<128xi32>
    %broadcast_in_dim3A_996 = vector.shape_cast %reduce_min3A_995 : vector<128xi32> to vector<128x1xi32>
    %eq3A_997 = vector.broadcast %broadcast_in_dim3A_996 : vector<128x1xi32> to vector<128x128xi32>
    %eq3A_998 = arith.cmpi eq, %iota3A_61, %eq3A_997 : vector<128x128xi32>
    %broadcast_in_dim3A_999 = vector.shape_cast %select_n3A_953 : vector<1x128xf32> to vector<1x128xf32>
    %broadcast_in_dim3A_1000 = vector.broadcast %broadcast_in_dim3A_999 : vector<1x128xf32> to vector<128x128xf32>
    %jit3A_1001 = arith.constant 0.000000e+00 : f32
    %broadcast_in_dim3A_1002 = vector.broadcast %jit3A_1001 : f32 to vector<128x128xf32>
    %select_n3A_1003 = arith.select %eq3A_998, %broadcast_in_dim3A_1000, %broadcast_in_dim3A_1002 : vector<128x128xi1>, vector<128x128xf32>
    %reduce_sum3A_1004 = arith.constant dense<0.000000e+00> : vector<128xf32>
    %reduce_sum3A_1005 = vector.multi_reduction <add>, %select_n3A_1003, %reduce_sum3A_1004 [1] : vector<128x128xf32> to vector<128xf32>
    %broadcast_in_dim3A_1006 = vector.shape_cast %reduce_sum3A_1005 : vector<128xf32> to vector<128x1xf32>
    %broadcast_in_dim3A_1007 = vector.shape_cast %select_n3A_961 : vector<1x128xf32> to vector<1x128xf32>
    %broadcast_in_dim3A_1008 = vector.broadcast %broadcast_in_dim3A_1007 : vector<1x128xf32> to vector<128x128xf32>
    %jit3A_1009 = arith.constant 0.000000e+00 : f32
    %broadcast_in_dim3A_1010 = vector.broadcast %jit3A_1009 : f32 to vector<128x128xf32>
    %select_n3A_1011 = arith.select %eq3A_998, %broadcast_in_dim3A_1008, %broadcast_in_dim3A_1010 : vector<128x128xi1>, vector<128x128xf32>
    %reduce_sum3A_1012 = arith.constant dense<0.000000e+00> : vector<128xf32>
    %reduce_sum3A_1013 = vector.multi_reduction <add>, %select_n3A_1011, %reduce_sum3A_1012 [1] : vector<128x128xf32> to vector<128xf32>
    %broadcast_in_dim3A_1014 = vector.shape_cast %reduce_sum3A_1013 : vector<128xf32> to vector<128x1xf32>
    %broadcast_in_dim3A_1015 = vector.shape_cast %select_n3A_969 : vector<1x128xf32> to vector<1x128xf32>
    %broadcast_in_dim3A_1016 = vector.broadcast %broadcast_in_dim3A_1015 : vector<1x128xf32> to vector<128x128xf32>
    %jit3A_1017 = arith.constant 0.000000e+00 : f32
    %broadcast_in_dim3A_1018 = vector.broadcast %jit3A_1017 : f32 to vector<128x128xf32>
    %select_n3A_1019 = arith.select %eq3A_998, %broadcast_in_dim3A_1016, %broadcast_in_dim3A_1018 : vector<128x128xi1>, vector<128x128xf32>
    %reduce_sum3A_1020 = arith.constant dense<0.000000e+00> : vector<128xf32>
    %reduce_sum3A_1021 = vector.multi_reduction <add>, %select_n3A_1019, %reduce_sum3A_1020 [1] : vector<128x128xf32> to vector<128xf32>
    %broadcast_in_dim3A_1022 = vector.shape_cast %reduce_sum3A_1021 : vector<128xf32> to vector<128x1xf32>
    %lt3A_1023 = arith.cmpf olt, %broadcast_in_dim3A_1014, %sub3A : vector<128x1xf32>
    %convert_element_type3A_1024 = arith.extui %lt3A_1023 : vector<128x1xi1> to vector<128x1xi32>
    %gt3A_1025 = arith.cmpf ogt, %broadcast_in_dim3A_1014, %add3A_20 : vector<128x1xf32>
    %convert_element_type3A_1026 = arith.extui %gt3A_1025 : vector<128x1xi1> to vector<128x1xi32>
    %add3A_1027 = arith.addi %convert_element_type3A_1024, %convert_element_type3A_1026 : vector<128x1xi32>
    %lt3A_1028 = arith.cmpf olt, %broadcast_in_dim3A_1022, %sub3A_16 : vector<128x1xf32>
    %convert_element_type3A_1029 = arith.extui %lt3A_1028 : vector<128x1xi1> to vector<128x1xi32>
    %add3A_1030 = arith.addi %add3A_1027, %convert_element_type3A_1029 : vector<128x1xi32>
    %gt3A_1031 = arith.cmpf ogt, %broadcast_in_dim3A_1022, %add3A_24 : vector<128x1xf32>
    %convert_element_type3A_1032 = arith.extui %gt3A_1031 : vector<128x1xi1> to vector<128x1xi32>
    %add3A_1033 = arith.addi %add3A_1030, %convert_element_type3A_1032 : vector<128x1xi32>
    %lt3A_1034 = arith.constant 1.000000e-01 : f32
    %lt3A_1035 = vector.broadcast %lt3A_1034 : f32 to vector<128x1xf32>
    %lt3A_1036 = arith.cmpf olt, %broadcast_in_dim3A_1006, %lt3A_1035 : vector<128x1xf32>
    %convert_element_type3A_1037 = arith.extui %lt3A_1036 : vector<128x1xi1> to vector<128x1xi32>
    %add3A_1038 = arith.addi %add3A_1033, %convert_element_type3A_1037 : vector<128x1xi32>
    %sub3A_1039 = arith.subf %add3A_24, %sub3A_16 : vector<128x1xf32>
    %sub3A_1040 = arith.subf %add3A_20, %sub3A : vector<128x1xf32>
    %max3A_1041 = arith.maximumf %sub3A_1039, %sub3A_1040 : vector<128x1xf32>
    %mul3A_1042 = arith.constant 3.000000e-01 : f32
    %mul3A_1043 = vector.broadcast %mul3A_1042 : f32 to vector<128x1xf32>
    %mul3A_1044 = arith.mulf %max3A_1041, %mul3A_1043 : vector<128x1xf32>
    %gt3A_1045 = arith.cmpf ogt, %broadcast_in_dim3A_988, %mul3A_1044 : vector<128x1xf32>
    %convert_element_type3A_1046 = arith.extui %gt3A_1045 : vector<128x1xi1> to vector<128x1xi32>
    %add3A_1047 = arith.addi %add3A_1038, %convert_element_type3A_1046 : vector<128x1xi32>
    %gt3A_1048 = arith.constant 0 : i32
    %gt3A_1049 = vector.broadcast %gt3A_1048 : i32 to vector<128x1xi32>
    %gt3A_1050 = arith.cmpi sgt, %add3A_1047, %gt3A_1049 : vector<128x1xi32>
    %select_n3A_1051 = arith.select %gt3A_1050, %add3A_940, %broadcast_in_dim3A_1014 : vector<128x1xi1>, vector<128x1xf32>
    %select_n3A_1052 = arith.select %gt3A_1050, %add3A_942, %broadcast_in_dim3A_1022 : vector<128x1xi1>, vector<128x1xf32>
    %eq3A_1053 = arith.constant 14 : i32
    %eq3A_1054 = vector.broadcast %eq3A_1053 : i32 to vector<128x16xi32>
    %eq3A_1055 = arith.cmpi eq, %iota3A, %eq3A_1054 : vector<128x16xi32>
    %broadcast_in_dim3A_1056 = vector.shape_cast %select_n3A_1051 : vector<128x1xf32> to vector<128x1xf32>
    %broadcast_in_dim3A_1057 = vector.broadcast %broadcast_in_dim3A_1056 : vector<128x1xf32> to vector<128x16xf32>
    %select_n3A_1058 = arith.select %eq3A_1055, %broadcast_in_dim3A_1057, %select_n3A_938 : vector<128x16xi1>, vector<128x16xf32>
    %eq3A_1059 = arith.constant 15 : i32
    %eq3A_1060 = vector.broadcast %eq3A_1059 : i32 to vector<128x16xi32>
    %eq3A_1061 = arith.cmpi eq, %iota3A, %eq3A_1060 : vector<128x16xi32>
    %broadcast_in_dim3A_1062 = vector.shape_cast %select_n3A_1052 : vector<128x1xf32> to vector<128x1xf32>
    %broadcast_in_dim3A_1063 = vector.broadcast %broadcast_in_dim3A_1062 : vector<128x1xf32> to vector<128x16xf32>
    %select_n3A_1064 = arith.select %eq3A_1061, %broadcast_in_dim3A_1063, %select_n3A_1058 : vector<128x16xi1>, vector<128x16xf32>
    %slice3A_1065 = vector.extract_strided_slice %select_n3A_1064 {offsets = [0, 0], sizes = [100, 16], strides = [1, 1]} : vector<128x16xf32> to vector<100x16xf32>
    %swap3A_1066 = arith.constant 0 : index
    %swap3A_1067 = arith.constant 0 : index
    %swap3A_1068 = arith.constant 0 : index
    %swap3A_1069 = vector.load %arg6[%swap3A_1066, %swap3A_1067, %swap3A_1068] : memref<1x100x16xf32, #tpu.memory_space<vmem>>, vector<1x100x16xf32>
    %swap3A_1070 = vector.shape_cast %swap3A_1069 : vector<1x100x16xf32> to vector<100x16xf32>
    %swap3A_1071 = vector.shape_cast %slice3A_1065 : vector<100x16xf32> to vector<1x100x16xf32>
    tpu.vector_store %arg6[%swap3A_1066, %swap3A_1067, %swap3A_1068], %swap3A_1071 {strides = array<i32>} : memref<1x100x16xf32, #tpu.memory_space<vmem>>, vector<1x100x16xf32>,
    return
  }
  func.func @transform_0(%arg0: i32) -> (i32, i32, i32) {
    %c0_i32 = arith.constant 0 : i32
    %c0_i32_0 = arith.constant 0 : i32
    %c0_i32_1 = arith.constant 0 : i32
    return %arg0, %c0_i32, %c0_i32_0 : i32, i32, i32
  }
  func.func @transform_1(%arg0: i32) -> (i32, i32, i32) {
    %c0_i32 = arith.constant 0 : i32
    %c0_i32_0 = arith.constant 0 : i32
    %c0_i32_1 = arith.constant 0 : i32
    return %arg0, %c0_i32, %c0_i32_0 : i32, i32, i32
  }
  func.func @transform_2(%arg0: i32) -> (i32, i32, i32) {
    %c0_i32 = arith.constant 0 : i32
    %c0_i32_0 = arith.constant 0 : i32
    %c0_i32_1 = arith.constant 0 : i32
    return %arg0, %c0_i32, %c0_i32_0 : i32, i32, i32
  }
  func.func @transform_3(%arg0: i32) -> (i32, i32, i32) {
    %c0_i32 = arith.constant 0 : i32
    %c0_i32_0 = arith.constant 0 : i32
    %c0_i32_1 = arith.constant 0 : i32
    return %arg0, %c0_i32, %c0_i32_0 : i32, i32, i32
  }
  func.func @transform_4(%arg0: i32) -> (i32, i32, i32) {
    %c0_i32 = arith.constant 0 : i32
    %c0_i32_0 = arith.constant 0 : i32
    %c0_i32_1 = arith.constant 0 : i32
    return %arg0, %c0_i32, %c0_i32_0 : i32, i32, i32
  }
  func.func @transform_5(%arg0: i32) -> (i32, i32, i32) {
    %c0_i32 = arith.constant 0 : i32
    %c0_i32_0 = arith.constant 0 : i32
    %c0_i32_1 = arith.constant 0 : i32
    return %arg0, %c0_i32, %c0_i32_0 : i32, i32, i32
  }
  func.func @transform_6(%arg0: i32) -> (i32, i32, i32) {
    %c0_i32 = arith.constant 0 : i32
    %c0_i32_0 = arith.constant 0 : i32
    %c0_i32_1 = arith.constant 0 : i32
    return %arg0, %c0_i32, %c0_i32_0 : i32, i32, i32
  }
}

</mosaic_0001>

<sc_bundles>
// kernel: gather_offload_async_start.1
scs
__scs_entry_jumppad:
0x0: {  	(pc) =	sbr.rel $0x88, $3  }
0x1: {  	(tag) =	ssettag $0x0;
	lr =	simm.s32 $0x1  }
0x2: {  	[smem:$0x3F9A] =	sst lr;
	_ =	strace $0xD0000000  }
0x3: {  	_ = 	snop  }
0x4: {  	_ = 	snop  }
0x5: {  	_ = 	snop  }
0x6: {  	_ = 	snop  }
0x7: {  	_ = 	snop  }
__scs_overlays_trampoline_lowered:
0x8: {  	[smem:$0x3FA9] =	sst s0  }
0x9: {  	[smem:$0x3FAA] =	sst s1  }
0xa: {  	[smem:$0x3FAB] =	sst s2  }
0xb: {  	[smem:$0x3FAC] =	sst s3  }
0xc: {  	[smem:$0x3FAD] =	sst s4  }
0xd: {  	[smem:$0x3FAE] =	sst s5  }
0xe: {  	[smem:$0x3FAF] =	sst s6  }
0xf: {  	[smem:$0x3FB0] =	sst s7  }
0x10: {  	[smem:$0x3FB1] =	sst s8  }
0x11: {  	[smem:$0x3FB2] =	sst s9;
	s0 =	simm.s32 @!p0 $0x0  }
0x12: {  	s1 =	sld [smem:$0x3F98];
	s0 =	simm.s32 @p0 $0x1  }
0x13: {  	[smem:$0x3FB3] =	sst s0;
	s0 =	simm.s32 @!p1 $0x0  }
0x14: {  	s2 =	sld [smem:$0x3F97];
	s0 =	simm.s32 @p1 $0x1  }
0x15: {  	[smem:$0x3FB4] =	sst s0;
	s0 =	simm.s32 @!p2 $0x0  }
0x16: {  	s3 =	sld [smem:$0x3FDB];
	s0 =	simm.s32 @p2 $0x1  }
0x17: {  	s4 =	simm.s32 $0x1BF5;
	[smem:$0x3FB6] =	sst s0  }
0x18: {  	s0 =	sld [smem:$0x3F99];
	_ =	swait.ge [sflag:s4], $0x0  }
0x19: {  	s7 =	sld [smem:$0x3F9A]  }
0x1a: {  	s8 =	sadd.s32 $0xFFFFE003, lr  }
0x1b: {  	s9 =	sadd.s32 $0xFFFFFEF7, lr;
	s5 =	simm.s32 $0xFFFFFFFF;
	p2 =	slt.u32 s8, $0xFFFFF086  }
0x1c: {  	p1 =	slt.u32 s9, $0xF7A;
	s5 =	simm.s32 @!p2 $0x0  }
0x1d: {  	s5 =	simm.s32 @p1 $0x1;
	p0 =	seq.s32 s7, s2  }
0x1e: {  	s7 =	smul.u32 @!p0 $0xF7A, s2;
	p2 =	seq.s32 @!p0 s5, $0x0  }
0x1f: {  	s9 =	smul.u32 $0xF7A, s1;
	s8 =	simm.s32 @!p0 $0x1BF5;
	p2 =	por !p2, p0  }
0x20: {  	[sflag:s8] =	ssyncset.s32 @!p0 $0xFFFFF086;
	s6 =	sadd.s32 @!p0 s3, s7;
	s7 =	simm.s32 @!p0 $0x108  }
0x21: {  	s3 =	sadd.s32 s3, s9;
	s6 =	sadd.s32 @!p0 $0x88, s6;
	s7 =	simm.s32 @p2 $0x1082  }
0x22: {  	[simem:s7], [sflag:s8] =	dma.local @!p0 [hbm:s6], $0xF7A  }
0x23: {  	s9 =	sor.u32 $0xD0000000, s2;
	s6 =	simm.s32 $0x108;
	_ =	swait.ge @!p0 [sflag:s8], $0x0  }
0x24: {  	s3 =	sadd.s32 $0x88, s3;
	s6 =	simm.s32 @!p1 $0x1082;
	[sflag:s4] =	ssyncset.s32 $0xFFFFF086  }
0x25: {  	[simem:s6], [sflag:s4] =	dma.local [hbm:s3], $0xF7A  }
0x26: {  	[smem:$0x3F9A] =	sst s1;
	(tag) =	ssettag s2;
	_ =	strace s9  }
0x27: {  	s1 =	sld [smem:$0x3FAA]  }
0x28: {  	s2 =	sld [smem:$0x3FAB]  }
0x29: {  	s4 =	sld [smem:$0x3FAD]  }
0x2a: {  	p0 =	seq.s32 s5, $0x0;
	s5 =	sld [smem:$0x3FAE]  }
0x2b: {  	s6 =	sld [smem:$0x3FAF]  }
0x2c: {  	s7 =	sld [smem:$0x3FB0]  }
0x2d: {  	s3 =	simm.s32 $0x108;
	s8 =	sld [smem:$0x3FB1]  }
0x2e: {  	s3 =	simm.s32 @!p0 $0x1082;
	s9 =	sld [smem:$0x3FB2]  }
0x2f: {  	lr =	sadd.s32 s0, s3;
	s0 =	sld [smem:$0x3FA9]  }
0x30: {  	s3 =	sld [smem:$0x3FAC]  }
0x31: {  	[smem:$0x3FB5] =	sst s10  }
0x32: {  	s10 =	sld [smem:$0x3FB3];
	_ =	sdelay $0x3  }
0x33: {  	p0 =	seq.s32 s10, $0x1;
	s10 =	sld [smem:$0x3FB5];
	_ =	sdelay $0x3  }
0x34: {  	[smem:$0x3FB5] =	sst s10  }
0x35: {  	s10 =	sld [smem:$0x3FB4];
	_ =	sdelay $0x3  }
0x36: {  	p1 =	seq.s32 s10, $0x1;
	s10 =	sld [smem:$0x3FB5];
	_ =	sdelay $0x3  }
0x37: {  	[smem:$0x3FB5] =	sst s10  }
0x38: {  	s10 =	sld [smem:$0x3FB6]  }
0x39: {  	_ = 	snop;
	(pc) =	sbr.ind lr, $3  }
0x3a: {  	_ = 	snop  }
0x3b: {  	_ = 	snop  }
0x3c: {  	p2 =	seq.s32 s10, $0x1;
	s10 =	sld [smem:$0x3FB5]  }
0x3d: {  	_ =	shalt  }
0x3e: {  	_ =	shalt  }
0x3f: {  	_ =	shalt  }
0x40: {  	_ =	shalt  }
0x41: {  	_ =	shalt  }
0x42: {  	_ =	shalt  }
0x43: {  	_ =	shalt  }
0x44: {  	_ =	shalt  }
0x45: {  	_ =	shalt  }
0x46: {  	_ =	shalt  }
0x47: {  	_ =	shalt  }
0x48: {  	_ =	shalt  }
0x49: {  	_ =	shalt  }
0x4a: {  	_ =	shalt  }
0x4b: {  	_ =	shalt  }
0x4c: {  	_ =	shalt  }
0x4d: {  	_ =	shalt  }
0x4e: {  	_ =	shalt  }
0x4f: {  	_ =	shalt  }
0x50: {  	_ =	shalt  }
0x51: {  	_ =	shalt  }
0x52: {  	_ =	shalt  }
0x53: {  	_ =	shalt  }
0x54: {  	_ =	shalt  }
0x55: {  	_ =	shalt  }
0x56: {  	_ =	shalt  }
0x57: {  	_ =	shalt  }
0x58: {  	_ =	shalt  }
0x59: {  	_ =	shalt  }
0x5a: {  	_ =	shalt  }
0x5b: {  	_ =	shalt  }
0x5c: {  	_ =	shalt  }
0x5d: {  	_ =	shalt  }
0x5e: {  	_ =	shalt  }
0x5f: {  	_ =	shalt  }
0x60: {  	_ =	shalt  }
0x61: {  	_ =	shalt  }
0x62: {  	_ =	shalt  }
0x63: {  	_ =	shalt  }
0x64: {  	_ =	shalt  }
0x65: {  	_ =	shalt  }
0x66: {  	_ =	shalt  }
0x67: {  	_ =	shalt  }
0x68: {  	_ =	shalt  }
0x69: {  	_ =	shalt  }
0x6a: {  	_ =	shalt  }
0x6b: {  	_ =	shalt  }
0x6c: {  	_ =	shalt  }
0x6d: {  	_ =	shalt  }
0x6e: {  	_ =	shalt  }
0x6f: {  	_ =	shalt  }
0x70: {  	_ =	shalt  }
0x71: {  	_ =	shalt  }
0x72: {  	_ =	shalt  }
0x73: {  	_ =	shalt  }
0x74: {  	_ =	shalt  }
0x75: {  	_ =	shalt  }
0x76: {  	_ =	shalt  }
0x77: {  	_ =	shalt  }
0x78: {  	_ =	shalt  }
0x79: {  	_ =	shalt  }
0x7a: {  	_ =	shalt  }
0x7b: {  	_ =	shalt  }
0x7c: {  	_ =	shalt  }
0x7d: {  	_ =	shalt  }
0x7e: {  	_ =	shalt  }
0x7f: {  	_ =	shalt  }
0x80: {  	_ =	shalt  }
0x81: {  	_ =	shalt  }
0x82: {  	_ =	shalt  }
0x83: {  	_ =	shalt  }
0x84: {  	_ =	shalt  }
0x85: {  	_ =	shalt  }
0x86: {  	_ =	shalt  }
0x87: {  	_ =	shalt  }
.Lfunc_end0:
.L_simem_size_0:
called_computation.1_lowered:
.L_overlay_start_0:
0x88: {  	s2 =	sld [smem:$0x3FD9]  }
0x89: {  	s3 =	sld [smem:$0x3FFE];
	_ =	sdelay $0x1  }
0x8a: {  	s1 =	srdreg.scid  }
0x8b: {  	s0 =	sand.u32 $0x1, s1  }
0x8c: {  	s14 =	sshll.u32 s0, $0xA;
	s2 =	sadd.s32 s3, s2  }
0x8d: {  	s2 =	sadd.s32 s2, s14  }
0x8e: {  	[smem:$0x3FC1] =	sst s2  }
0x8f: {  	_ = 	snop  }
0x90: {  	s2 =	sld [smem:$0x3FD0];
	_ =	sdelay $0x2  }
0x91: {  	s15 =	simm.s32 $0xA;
	s4 =	simm.s32 $0x10  }
0x92: {  	[smem:s4], [sflag:s15] =	dma.local [hbm:s2], $0x1  }
0x93: {  	_ =	swait.eq [sflag:s15], $0x1  }
0x94: {  	[sflag:s15] =	ssyncset.done $0x0  }
0x95: {  	s16 =	sld [smem:$0x12];
	[sflag:s15] =	ssyncadd.s32 $0xFFFFFFFF  }
0x96: {  	s17 =	sld [smem:$0x15];
	(tm) =	ssettm $0x1  }
0x97: {  	s18 =	sld [smem:$0x3FFB];
	_ =	sdelay $0x3  }
0x98: {  	_ =	strace s18  }
0x99: {  	s4 =	sld [smem:$0x3FFC];
	_ =	sdelay $0x3  }
0x9a: {  	_ =	strace s4  }
0x9b: {  	s4 =	sld [smem:$0x3FFD];
	_ =	sdelay $0x3  }
0x9c: {  	_ =	strace s4  }
0x9d: {  	_ =	strace $0x8FFFFFFF  }
0x9e: {  	s19 =	sld [smem:$0x3FDB];
	_ =	sdelay $0x1  }
0x9f: {  	s5 =	simm.s32 $_scs_section_size  }
0xa0: {  	s6 =	simm.s32 $_size__tile_overlayer_lowered;
	s7 =	simm.s32 $_tile_overlayer_lowered  }
0xa1: {  	s22 =	simm.s32 $0x1BFF;
	s21 =	sshll.u32 s7, $0x1;
	s4 =	sadd.s32 s5, s19  }
0xa2: {  	s8 =	simm.s32 $0x0;
	s20 =	sshll.u32 s6, $0x1;
	s6 =	sadd.s32 s21, s4  }
0xa3: {  	[timem:s8], [sflag:s22] =	dma.local [hbm:s6], s20  }
0xa4: {  	_ =	swait.ge [sflag:s22], s20  }
0xa5: {  	s5 =	ssub.s32 $0x0, s20;
	[sflag:s22] =	ssyncset.done $0x0  }
0xa6: {  	[sflag:s22] =	ssyncadd.s32 s5;
	_ =	sdelay $0x1  }
0xa7: {  	s23 =	simm.s32 $0x1B8B  }
0xa8: {  	_ =	swait.ge [sflag:s23], $0x1  }
0xa9: {  	[sflag:s23] =	ssyncset.done $0x0  }
0xaa: {  	s25 =	simm.s32 $0x1B8E;
	s24 =	sld [smem:$0x3FFE];
	[sflag:s23] =	ssyncadd.s32 $0xFFFFFFFF  }
0xab: {  	s26 =	simm.s32 $execute0_lowered;
	[smem:$0x3FD2] =	sst s25  }
0xac: {  	s6 =	sshll.u32 s26, $0x1;
	_ =	strace $0x8000004C;
	[dreg:$0x1] =	wrdreg $0xFFFFFFFF  }
0xad: {  	s28 =	simm.s32 $_size_execute0_lowered;
	s4 =	sadd.s32 s4, s6;
	[dreg:$0x0] =	wrdreg $0x0  }
0xae: {  	s6 =	sshll.u32 s28, $0x1;
	[dreg:$0x2] =	wrdreg s4  }
0xaf: {  	[dreg:$0x3] =	wrdreg s6  }
0xb0: {  	[dreg:$0x4] =	wrdreg $0xC0  }
0xb1: {  	_ =	task [dreg:s8], $0x5FFFF  }
0xb2: {  	[dreg:$0x1] =	wrdreg $0xFFFFFFFF  }
0xb3: {  	[dreg:$0x0] =	wrdreg $0x60  }
0xb4: {  	[dreg:$0x2] =	wrdreg s24  }
0xb5: {  	[dreg:$0x3] =	wrdreg s17  }
0xb6: {  	[dreg:$0x4] =	wrdreg s16  }
0xb7: {  	[dreg:$0x5] =	wrdreg $0x9  }
0xb8: {  	_ =	task.clear_ibuf [dreg:s8], $0x6FFFF;
	_ =	strace $0x9000004C  }
0xb9: {  	s29 =	simm.s32 $0x9;
	_ =	strace $0x8000004E  }
0xba: {  	_ =	swait.ge [sflag:s29], $0x1  }
0xbb: {  	[sflag:s29] =	ssyncadd.s32 $0xFFFFFFFF  }
0xbc: {  	_ =	strace $0x9000004E  }
0xbd: {  	_ =	sfence  }
0xbe: {  	s30 =	sld [smem:$0x0];
	_ =	sdelay $0x2  }
0xbf: {  	s31 =	sshll.u32 s1, $0xD;
	s1 =	sshrl.u32 s1, $0x2  }
0xc0: {  	s3 =	sand.u32 $0x4000, s31;
	s1 =	sadd.s32 s1, s30  }
0xc1: {  	s0 =	sor.u32 s3, s0;
	s1 =	sshll.u32 s1, $0x11  }
0xc2: {  	s0 =	sor.u32 s1, s0  }
0xc3: {  	s0 =	sadd.s32 $0x8F2B, s0  }
0xc4: {  	[sflag:s0] =	ssyncadd.remote.s32 $0x1  }
0xc5: {  	_ =	sfence.sel $0xFFFF  }
0xc6: {  	[dreg:$0x0] =	wrdreg $0xFFFFFFFF;
	(pc) =	sbr.abs _section_cstart, $3  }
0xc7: {  	[dreg:$0x1] =	wrdreg $0xFFFFFFFF  }
0xc8: {  	_ =	task.clear_ibuf [dreg:s8], $0x2FFFF;
	_ =	strace $0x9FFFFFFF  }
0xc9: {  	(tm) =	ssettm $0x7FFFFFFF  }
tec
execute0_lowered:
.L_overlay_start_1:
0x0: {  	(tag) =	ssettag $0x1  }
0x1: {  	s8 =	rddreg [dreg:$0x0]  }
0x2: {  	s2 =	rddreg [dreg:$0x1]  }
0x3: {  	s0 =	stileid.u32;
	s1 =	srdreg.scid  }
0x4: {  	s3 =	rddreg [dreg:$0x2];
	s9 =	simm.s32 $0x1;
	s10 =	simm.s32 $0x3  }
0x5: {  	s13 =	simm.s32 $0x0;
	s4 =	sand.u32 $0x1, s1;
	s5 =	sshll.u32 s0, $0x1  }
0x6: {  	s12 =	simm.s32 $0x0;
	s1 =	rddreg [dreg:$0x3];
	s6 =	sor.u32 s5, s4  }
0x7: {  	_ =	strace $0x8000004D;
	s8 =	sadd.s32 $0x6C000, s8;
	s4 =	smul.u32 $0x280, s6  }
0x8: {  	s5 =	simm.s32 $0x1;
	p0 =	slt.u32 s6, $0x9;
	s6 =	simm.s32 $0x5000  }
.Ltmp0:
0x9: {  	s6 =	simm.s32 @!p0 $0x0;
	s7 =	ssub.s32 $0x6400, s4;
	(pc) =	sbr.rel .LBB2_1-.Ltmp0, $4  }
0xa: {  	s9 =	simm.s32 @!p0 $0x0;
	p0 =	sne.s32 s7, s6;
	s7 =	simm.s32 $0x1  }
0xb: {  	[sflag:s5] =	ssyncpa.u1 $0x0;
	s6 =	simm.s32 $0x2;
	s7 =	simm.s32 @!p0 $0x0  }
0xc: {  	s11 =	smov.u32 s4;
	[sflag:s6] =	ssyncpa.u1 $0x0;
	s7 =	sadd.s32 s9, s7  }
0xd: {  	vm0 =	vmmov $0xffff;
	[sflag:s10] =	ssyncpa.u1 $0x0;
	s10 =	simm.s32 $0x0;
	s9 =	sadd.s32 $0x1, s7  }
.LBB2_4:
0xe: {  	v2 =	vand.u32 $0x1, v2;
	v3 =	vshrl.u32 v0, $0x5;
	v63 =	vshll.u32 v0, $0xF  }
0xf: {  	v2 =	vsel vm1, $0xFFFFFFFF, v2;
	v3 =	vand.u32 $0x3FFF, v3;
	v0 =	vand.u32 $0x78000, v63  }
0x10: {  	v3 =	vsel vm1, $0xFFFFFFFF, v3;
	v0 =	vsel vm1, $0xFFFF8000, v0;
	v4 =	vand.u32 $0xFFFF8000, v2  }
0x11: {  	v5 =	vand.u32 $0x7F, v3;
	v0 =	vadd.s32 v0, v4;
	v3 =	vshll.u32 v3, $0x1  }
0x12: {  	v2 =	vshll.u32 v2, $0x7;
	v3 =	vand.u32 $0xFFFFFF00, v3;
	v0 =	vor.u32 v5, v0  }
0x13: {  	v2 =	vand.u32 $0x80, v2;
	v0 =	vadd.s32 v3, v0  }
0x14: {  	v0 =	vor.u32 v2, v0;
	_ =	sdelay $0x1  }
0x15: {  	(ifvalue) =	ssetifvalue $0x7FFFFFFF;
	s15 =	sadd.s32 $0x10, s15  }
0x16: {  	[tilespmem:s15], [sflag:$0x1] =	stream.indirect_vreg.gather [hbm4b:s8+s10], $0x1, v1, vm0, $0x4038;
	[tilespmem:$0xA00] =	vst v63  }
0x17: {  	(ifvalue) =	ssetifvalue $0x7FFFFFFF;
	s15 =	sadd.s32 $0x10, s15  }
0x18: {  	[tilespmem:s15], [sflag:$0x1] =	stream.indirect_vreg.gather [hbm4b:s8+s10], $0x1, v0, vm0, $0x4038;
	[tilespmem:$0xA00] =	vst v63  }
0x19: {  	_ =	swait.ge [sflag:s5], $0x280  }
0x1a: {  	s30 =	sshrl.u32 s13, $0x3;
	[sflag:s5] =	ssyncset.done $0x0  }
0x1b: {  	s31 =	sand.u32 $0x7, s13;
	s15 =	sadd.s32 s3, s30;
	[sflag:s5] =	ssyncadd.s32 $0xFFFFFD80  }
0x1c: {  	[hbm4b:s15+s31] =	stream.linear.scatter [tilespmem:s14], [sflag:$0x3], $0x280, $0x38;
	[tilespmem:$0xA00] =	vst v63  }
.LBB2_5:
0x1d: {  	s15 =	sadd.s32 $0x5000, s11  }
0x1e: {  	p1 =	sgt.s32 s15, $0x63FF  }
0x1f: {  	s15 =	smov.u32 @p1 s4;
	p1 =	sne.s32 s12, s9  }
.Ltmp1:
0x20: {  	p0 =	slt.u32 s12, $0x2;
	(pc) =	sbr.rel @!p1 .LBB2_6-.Ltmp1, $4  }
0x21: {  	s14 =	simm.s32 @!p0 $0x3  }
0x22: {  	_ =	swait.ge @!p0 [sflag:s14], $0x280  }
0x23: {  	s16 =	sadd.s32 $0x1, s12;
	s13 =	smov.u32 s11;
	[sflag:s14] =	ssyncset.done @!p0 $0x0  }
0x24: {  	s12 =	smov.u32 s16;
	s11 =	smov.u32 s15;
	[sflag:s14] =	ssyncadd.s32 @!p0 $0xFFFFFD80  }
.LBB2_1:
0x25: {  	p0 =	sge.u32 s12, s7  }
0x26: {  	s14 =	sxor.u32 @!p0 $0x1, s12  }
0x27: {  	s14 =	smul.u32 @!p0 $0xA00, s14  }
0x28: {  	s31 =	sadd.s32 $0xFFFFFFFF, s12;
	s15 =	sshrl.u32 @!p0 s11, $0x3  }
0x29: {  	s16 =	sand.u32 @!p0 $0x7, s11;
	s15 =	sadd.s32 @!p0 s2, s15;
	s14 =	sshra.s32 @!p0 s14, $0x2  }
0x2a: {  	[tilespmem:s14], [sflag:$0x2] =	stream.linear.gather @!p0 [hbm4b:s15+s16], $0x280, $0x38;
	[tilespmem:$0xA00] =	vst v63  }
0x2b: {  	p0 =	sge.u32 s31, s7  }
.Ltmp2:
0x2c: {  	_ = 	snop;
	(pc) =	sbr.rel @p0 .LBB2_5-.Ltmp2, $1  }
0x2d: {  	_ =	sdelay $0x3  }
0x2e: {  	s14 =	sand.u32 $0x1, s12  }
0x2f: {  	_ =	swait.ge [sflag:s6], $0x280;
	p0 =	seq.s32 s14, $0x1;
	s14 =	simm.s32 $0x280  }
0x30: {  	[sflag:s6] =	ssyncset.done $0x0;
	s14 =	simm.s32 @!p0 $0x0  }
0x31: {  	[sflag:s6] =	ssyncadd.s32 $0xFFFFFD80;
	(ifvalue) =	ssetifvalue $0x7FFFFFFF;
	v0 =	vld.msk [tilespmem:s14+$0x0 ss:$0x1], $0xffff;
	_ =	sdelay $0x1  }
0x32: {  	s15 =	sadd.s32 $0x10, s14  }
0x33: {  	v3 =	vld.msk [tilespmem:s15+$0x0 ss:$0x1], $0xffff;
	_ =	sdelay $0x1  }
0x34: {  	vm1 =	veq.s32 v0, $0x80000000  }
0x35: {  	v1 =	vshrl.u32 v0, $0x4;
	v2 =	vshrl.u32 v0, $0x5;
	v0 =	vshll.u32 v0, $0xF  }
0x36: {  	v1 =	vand.u32 $0x1, v1;
	v2 =	vand.u32 $0x3FFF, v2;
	v0 =	vand.u32 $0x78000, v0  }
0x37: {  	v62 =	vshrl.u32 v3, $0x5;
	v1 =	vsel vm1, $0xFFFFFFFF, v1;
	v2 =	vsel vm1, $0xFFFFFFFF, v2  }
0x38: {  	v0 =	vsel vm1, $0xFFFF8000, v0;
	vm1 =	veq.s32 v3, $0x80000000;
	v4 =	vand.u32 $0xFFFF8000, v1  }
0x39: {  	v5 =	vand.u32 $0x7F, v2;
	v2 =	vshll.u32 v2, $0x1;
	v0 =	vadd.s32 v0, v4  }
0x3a: {  	v1 =	vshll.u32 v1, $0x7;
	v2 =	vand.u32 $0xFFFFFF00, v2;
	v0 =	vor.u32 v5, v0  }
0x3b: {  	v1 =	vand.u32 $0x80, v1;
	v0 =	vadd.s32 v2, v0;
	v2 =	vshrl.u32 v3, $0x4  }
0x3c: {  	s15 =	sadd.s32 $0x10, s15;
	v3 =	vshll.u32 v3, $0xF;
	v1 =	vor.u32 v1, v0;
	v2 =	vand.u32 $0x1, v2  }
0x3d: {  	v4 =	vand.u32 $0x3FFF, v62;
	v0 =	vld.msk [tilespmem:s15+$0x0 ss:$0x1], $0xffff;
	v3 =	vand.u32 $0x78000, v3;
	v2 =	vsel vm1, $0xFFFFFFFF, v2  }
0x3e: {  	v4 =	vsel vm1, $0xFFFFFFFF, v4;
	v3 =	vsel vm1, $0xFFFF8000, v3;
	v63 =	vand.u32 $0xFFFF8000, v2  }
0x3f: {  	v6 =	vand.u32 $0x7F, v4;
	v4 =	vshll.u32 v4, $0x1;
	v3 =	vadd.s32 v3, v63  }
0x40: {  	s14 =	sor.u32 $0x500, s14;
	(ifvalue) =	ssetifvalue $0x7FFFFFFF;
	v4 =	vand.u32 $0xFFFFFF00, v4;
	v2 =	vshll.u32 v2, $0x7;
	v3 =	vor.u32 v6, v3  }
0x41: {  	[tilespmem:s14], [sflag:$0x1] =	stream.indirect_vreg.gather [hbm4b:s8+s10], $0x1, v1, vm0, $0x4038;
	v1 =	vand.u32 $0x80, v2;
	v3 =	vadd.s32 v4, v3;
	[tilespmem:$0xA00] =	vst v63  }
0x42: {  	s16 =	simm.s32 $0x20;
	s17 =	sadd.s32 $0x10, s15;
	s15 =	smov.u32 s14;
	vm1 =	veq.s32 v0, $0x80000000;
	v2 =	vshrl.u32 v0, $0x4;
	v1 =	vor.u32 v1, v3  }
.LBB2_3:
0x43: {  	s16 =	sadd.s32 $0x10, s16;
	v2 =	vand.u32 $0x1, v2;
	v3 =	vshrl.u32 v0, $0x5;
	v4 =	vshll.u32 v0, $0xF;
	v0 =	vld.msk [tilespmem:s17+$0x0 ss:$0x1], $0xffff  }
0x44: {  	p0 =	slt.u32 s16, $0x270;
	v2 =	vsel vm1, $0xFFFFFFFF, v2;
	v3 =	vand.u32 $0x3FFF, v3;
	v4 =	vand.u32 $0x78000, v4  }
.Ltmp3:
0x45: {  	v3 =	vsel vm1, $0xFFFFFFFF, v3;
	v4 =	vsel vm1, $0xFFFF8000, v4;
	v5 =	vand.u32 $0xFFFF8000, v2;
	(pc) =	sbr.rel @p0 .LBB2_3-.Ltmp3, $4  }
0x46: {  	s15 =	sadd.s32 $0x10, s15;
	v6 =	vand.u32 $0x7F, v3;
	v4 =	vadd.s32 v4, v5;
	v3 =	vshll.u32 v3, $0x1;
	(ifvalue) =	ssetifvalue $0x7FFFFFFF  }
0x47: {  	v2 =	vshll.u32 v2, $0x7;
	v3 =	vand.u32 $0xFFFFFF00, v3;
	v4 =	vor.u32 v6, v4;
	[tilespmem:s15], [sflag:$0x1] =	stream.indirect_vreg.gather [hbm4b:s8+s10], $0x1, v1, vm0, $0x4038;
	[tilespmem:$0xA00] =	vst v63  }
0x48: {  	v1 =	vand.u32 $0x80, v2;
	v3 =	vadd.s32 v3, v4  }
0x49: {  	s17 =	sadd.s32 $0x10, s17;
	vm1 =	veq.s32 v0, $0x80000000;
	v2 =	vshrl.u32 v0, $0x4;
	v1 =	vor.u32 v1, v3  }
.Ltmp4:
0x4a: {  	_ = 	snop;
	(pc) =	sbr.rel .LBB2_4-.Ltmp4, $1  }
0x4b: {  	_ =	sdelay $0x3  }
.LBB2_6:
0x4c: {  	_ =	sfence.sel $0x180000  }
0x4d: {  	s2 =	simm.s32 $0x2;
	[bflag:$0x0] =	sbarrier.arrive $0xFFFF  }
0x4e: {  	s30 =	simm.s32 $0x3;
	[sflag:s2] =	ssyncpa.u1 $0x1  }
0x4f: {  	s31 =	simm.s32 $0x1;
	[sflag:s30] =	ssyncpa.u1 $0x1  }
0x50: {  	[sflag:s31] =	ssyncpa.u1 $0x1  }
0x51: {  	p0 =	sne.s32 s0, $0x0;
	_ =	strace $0x9000004D  }
0x52: {  	s0 =	sadd.s32 @!p0 $0x100000, s1;
	[bflag:$0x2] =	sbarrier.arrive $0xFFFF  }
0x53: {  	[sflag:s0] =	ssyncadd.tile.s32 @!p0 $0x1;
	_ =	shalt  }
.Lfunc_end2:
_tile_overlayer_lowered:
.L_overlay_start_2:
0x54: {  	(tag) =	ssettag $0x2  }
0x55: {  	s0 =	rddreg [dreg:$0x0];
	s2 =	stileid.u32  }
0x56: {  	s1 =	rddreg [dreg:$0x1];
	p0 =	sne.s32 s2, $0x0  }
0x57: {  	s3 =	rddreg [dreg:$0x2];
	[bflag:$0x3] =	sbarrier.arrive $0xFFFF;
	s2 =	simm.s32 @!p0 $0x1C01  }
0x58: {  	[timem:s3], [sflag:s2] =	dma.local @!p0 [hbm:s0], s1  }
0x59: {  	s0 =	simm.s32 @!p0 $0x1  }
0x5a: {  	_ =	swait.ge @!p0 [sflag:s0], s1  }
0x5b: {  	s1 =	ssub.s32 @!p0 $0x0, s1;
	[sflag:s0] =	ssyncset.done @!p0 $0x0  }
0x5c: {  	[sflag:s0] =	ssyncadd.s32 @!p0 s1  }
0x5d: {  	[bflag:$0x3] =	sbarrier.arrive $0xFFFF  }
0x5e: {  	_ =	shalt  }

// kernel: gather_offload_async_start.2
scs
__scs_entry_jumppad:
0x0: {  	(pc) =	sbr.rel $0x88, $3  }
0x1: {  	(tag) =	ssettag $0x0;
	lr =	simm.s32 $0x1  }
0x2: {  	[smem:$0x3F9A] =	sst lr;
	_ =	strace $0xD0000000  }
0x3: {  	_ = 	snop  }
0x4: {  	_ = 	snop  }
0x5: {  	_ = 	snop  }
0x6: {  	_ = 	snop  }
0x7: {  	_ = 	snop  }
__scs_overlays_trampoline_lowered:
0x8: {  	[smem:$0x3FA9] =	sst s0  }
0x9: {  	[smem:$0x3FAA] =	sst s1  }
0xa: {  	[smem:$0x3FAB] =	sst s2  }
0xb: {  	[smem:$0x3FAC] =	sst s3  }
0xc: {  	[smem:$0x3FAD] =	sst s4  }
0xd: {  	[smem:$0x3FAE] =	sst s5  }
0xe: {  	[smem:$0x3FAF] =	sst s6  }
0xf: {  	[smem:$0x3FB0] =	sst s7  }
0x10: {  	[smem:$0x3FB1] =	sst s8  }
0x11: {  	[smem:$0x3FB2] =	sst s9;
	s0 =	simm.s32 @!p0 $0x0  }
0x12: {  	s1 =	sld [smem:$0x3F98];
	s0 =	simm.s32 @p0 $0x1  }
0x13: {  	[smem:$0x3FB3] =	sst s0;
	s0 =	simm.s32 @!p1 $0x0  }
0x14: {  	s2 =	sld [smem:$0x3F97];
	s0 =	simm.s32 @p1 $0x1  }
0x15: {  	[smem:$0x3FB4] =	sst s0;
	s0 =	simm.s32 @!p2 $0x0  }
0x16: {  	s3 =	sld [smem:$0x3FDB];
	s0 =	simm.s32 @p2 $0x1  }
0x17: {  	s4 =	simm.s32 $0x1BF5;
	[smem:$0x3FB6] =	sst s0  }
0x18: {  	s0 =	sld [smem:$0x3F99];
	_ =	swait.ge [sflag:s4], $0x0  }
0x19: {  	s7 =	sld [smem:$0x3F9A]  }
0x1a: {  	s8 =	sadd.s32 $0xFFFFE003, lr  }
0x1b: {  	s9 =	sadd.s32 $0xFFFFFEF7, lr;
	s5 =	simm.s32 $0xFFFFFFFF;
	p2 =	slt.u32 s8, $0xFFFFF086  }
0x1c: {  	p1 =	slt.u32 s9, $0xF7A;
	s5 =	simm.s32 @!p2 $0x0  }
0x1d: {  	s5 =	simm.s32 @p1 $0x1;
	p0 =	seq.s32 s7, s2  }
0x1e: {  	s7 =	smul.u32 @!p0 $0xF7A, s2;
	p2 =	seq.s32 @!p0 s5, $0x0  }
0x1f: {  	s9 =	smul.u32 $0xF7A, s1;
	s8 =	simm.s32 @!p0 $0x1BF5;
	p2 =	por !p2, p0  }
0x20: {  	[sflag:s8] =	ssyncset.s32 @!p0 $0xFFFFF086;
	s6 =	sadd.s32 @!p0 s3, s7;
	s7 =	simm.s32 @!p0 $0x108  }
0x21: {  	s3 =	sadd.s32 s3, s9;
	s6 =	sadd.s32 @!p0 $0x88, s6;
	s7 =	simm.s32 @p2 $0x1082  }
0x22: {  	[simem:s7], [sflag:s8] =	dma.local @!p0 [hbm:s6], $0xF7A  }
0x23: {  	s9 =	sor.u32 $0xD0000000, s2;
	s6 =	simm.s32 $0x108;
	_ =	swait.ge @!p0 [sflag:s8], $0x0  }
0x24: {  	s3 =	sadd.s32 $0x88, s3;
	s6 =	simm.s32 @!p1 $0x1082;
	[sflag:s4] =	ssyncset.s32 $0xFFFFF086  }
0x25: {  	[simem:s6], [sflag:s4] =	dma.local [hbm:s3], $0xF7A  }
0x26: {  	[smem:$0x3F9A] =	sst s1;
	(tag) =	ssettag s2;
	_ =	strace s9  }
0x27: {  	s1 =	sld [smem:$0x3FAA]  }
0x28: {  	s2 =	sld [smem:$0x3FAB]  }
0x29: {  	s4 =	sld [smem:$0x3FAD]  }
0x2a: {  	p0 =	seq.s32 s5, $0x0;
	s5 =	sld [smem:$0x3FAE]  }
0x2b: {  	s6 =	sld [smem:$0x3FAF]  }
0x2c: {  	s7 =	sld [smem:$0x3FB0]  }
0x2d: {  	s3 =	simm.s32 $0x108;
	s8 =	sld [smem:$0x3FB1]  }
0x2e: {  	s3 =	simm.s32 @!p0 $0x1082;
	s9 =	sld [smem:$0x3FB2]  }
0x2f: {  	lr =	sadd.s32 s0, s3;
	s0 =	sld [smem:$0x3FA9]  }
0x30: {  	s3 =	sld [smem:$0x3FAC]  }
0x31: {  	[smem:$0x3FB5] =	sst s10  }
0x32: {  	s10 =	sld [smem:$0x3FB3];
	_ =	sdelay $0x3  }
0x33: {  	p0 =	seq.s32 s10, $0x1;
	s10 =	sld [smem:$0x3FB5];
	_ =	sdelay $0x3  }
0x34: {  	[smem:$0x3FB5] =	sst s10  }
0x35: {  	s10 =	sld [smem:$0x3FB4];
	_ =	sdelay $0x3  }
0x36: {  	p1 =	seq.s32 s10, $0x1;
	s10 =	sld [smem:$0x3FB5];
	_ =	sdelay $0x3  }
0x37: {  	[smem:$0x3FB5] =	sst s10  }
0x38: {  	s10 =	sld [smem:$0x3FB6]  }
0x39: {  	_ = 	snop;
	(pc) =	sbr.ind lr, $3  }
0x3a: {  	_ = 	snop  }
0x3b: {  	_ = 	snop  }
0x3c: {  	p2 =	seq.s32 s10, $0x1;
	s10 =	sld [smem:$0x3FB5]  }
0x3d: {  	_ =	shalt  }
0x3e: {  	_ =	shalt  }
0x3f: {  	_ =	shalt  }
0x40: {  	_ =	shalt  }
0x41: {  	_ =	shalt  }
0x42: {  	_ =	shalt  }
0x43: {  	_ =	shalt  }
0x44: {  	_ =	shalt  }
0x45: {  	_ =	shalt  }
0x46: {  	_ =	shalt  }
0x47: {  	_ =	shalt  }
0x48: {  	_ =	shalt  }
0x49: {  	_ =	shalt  }
0x4a: {  	_ =	shalt  }
0x4b: {  	_ =	shalt  }
0x4c: {  	_ =	shalt  }
0x4d: {  	_ =	shalt  }
0x4e: {  	_ =	shalt  }
0x4f: {  	_ =	shalt  }
0x50: {  	_ =	shalt  }
0x51: {  	_ =	shalt  }
0x52: {  	_ =	shalt  }
0x53: {  	_ =	shalt  }
0x54: {  	_ =	shalt  }
0x55: {  	_ =	shalt  }
0x56: {  	_ =	shalt  }
0x57: {  	_ =	shalt  }
0x58: {  	_ =	shalt  }
0x59: {  	_ =	shalt  }
0x5a: {  	_ =	shalt  }
0x5b: {  	_ =	shalt  }
0x5c: {  	_ =	shalt  }
0x5d: {  	_ =	shalt  }
0x5e: {  	_ =	shalt  }
0x5f: {  	_ =	shalt  }
0x60: {  	_ =	shalt  }
0x61: {  	_ =	shalt  }
0x62: {  	_ =	shalt  }
0x63: {  	_ =	shalt  }
0x64: {  	_ =	shalt  }
0x65: {  	_ =	shalt  }
0x66: {  	_ =	shalt  }
0x67: {  	_ =	shalt  }
0x68: {  	_ =	shalt  }
0x69: {  	_ =	shalt  }
0x6a: {  	_ =	shalt  }
0x6b: {  	_ =	shalt  }
0x6c: {  	_ =	shalt  }
0x6d: {  	_ =	shalt  }
0x6e: {  	_ =	shalt  }
0x6f: {  	_ =	shalt  }
0x70: {  	_ =	shalt  }
0x71: {  	_ =	shalt  }
0x72: {  	_ =	shalt  }
0x73: {  	_ =	shalt  }
0x74: {  	_ =	shalt  }
0x75: {  	_ =	shalt  }
0x76: {  	_ =	shalt  }
0x77: {  	_ =	shalt  }
0x78: {  	_ =	shalt  }
0x79: {  	_ =	shalt  }
0x7a: {  	_ =	shalt  }
0x7b: {  	_ =	shalt  }
0x7c: {  	_ =	shalt  }
0x7d: {  	_ =	shalt  }
0x7e: {  	_ =	shalt  }
0x7f: {  	_ =	shalt  }
0x80: {  	_ =	shalt  }
0x81: {  	_ =	shalt  }
0x82: {  	_ =	shalt  }
0x83: {  	_ =	shalt  }
0x84: {  	_ =	shalt  }
0x85: {  	_ =	shalt  }
0x86: {  	_ =	shalt  }
0x87: {  	_ =	shalt  }
.Lfunc_end0:
.L_simem_size_0:
called_computation.2_lowered:
.L_overlay_start_0:
0x88: {  	s2 =	sld [smem:$0x3FD9]  }
0x89: {  	s3 =	sld [smem:$0x3FFE];
	_ =	sdelay $0x1  }
0x8a: {  	s1 =	srdreg.scid  }
0x8b: {  	s0 =	sand.u32 $0x1, s1  }
0x8c: {  	s14 =	sshll.u32 s0, $0xA;
	s2 =	sadd.s32 s3, s2  }
0x8d: {  	s2 =	sadd.s32 s2, s14  }
0x8e: {  	[smem:$0x3FC1] =	sst s2  }
0x8f: {  	_ = 	snop  }
0x90: {  	s2 =	sld [smem:$0x3FD0];
	_ =	sdelay $0x2  }
0x91: {  	s15 =	simm.s32 $0xA;
	s4 =	simm.s32 $0x10  }
0x92: {  	[smem:s4], [sflag:s15] =	dma.local [hbm:s2], $0x1  }
0x93: {  	_ =	swait.eq [sflag:s15], $0x1  }
0x94: {  	[sflag:s15] =	ssyncset.done $0x0  }
0x95: {  	s16 =	sld [smem:$0x10];
	[sflag:s15] =	ssyncadd.s32 $0xFFFFFFFF  }
0x96: {  	s17 =	sld [smem:$0x14];
	(tm) =	ssettm $0x1  }
0x97: {  	s18 =	sld [smem:$0x3FFB];
	_ =	sdelay $0x3  }
0x98: {  	_ =	strace s18  }
0x99: {  	s4 =	sld [smem:$0x3FFC];
	_ =	sdelay $0x3  }
0x9a: {  	_ =	strace s4  }
0x9b: {  	s4 =	sld [smem:$0x3FFD];
	_ =	sdelay $0x3  }
0x9c: {  	_ =	strace s4  }
0x9d: {  	_ =	strace $0x8FFFFFFF  }
0x9e: {  	s19 =	sld [smem:$0x3FDB];
	_ =	sdelay $0x1  }
0x9f: {  	s5 =	simm.s32 $_scs_section_size  }
0xa0: {  	s6 =	simm.s32 $_size__tile_overlayer_lowered;
	s7 =	simm.s32 $_tile_overlayer_lowered  }
0xa1: {  	s22 =	simm.s32 $0x1BFF;
	s21 =	sshll.u32 s7, $0x1;
	s4 =	sadd.s32 s5, s19  }
0xa2: {  	s8 =	simm.s32 $0x0;
	s20 =	sshll.u32 s6, $0x1;
	s6 =	sadd.s32 s21, s4  }
0xa3: {  	[timem:s8], [sflag:s22] =	dma.local [hbm:s6], s20  }
0xa4: {  	_ =	swait.ge [sflag:s22], s20  }
0xa5: {  	s5 =	ssub.s32 $0x0, s20;
	[sflag:s22] =	ssyncset.done $0x0  }
0xa6: {  	[sflag:s22] =	ssyncadd.s32 s5;
	_ =	sdelay $0x1  }
0xa7: {  	s23 =	simm.s32 $0x1B8B  }
0xa8: {  	_ =	swait.ge [sflag:s23], $0x1  }
0xa9: {  	[sflag:s23] =	ssyncset.done $0x0  }
0xaa: {  	s25 =	simm.s32 $0x1B8E;
	s24 =	sld [smem:$0x3FFE];
	[sflag:s23] =	ssyncadd.s32 $0xFFFFFFFF  }
0xab: {  	s26 =	simm.s32 $execute0_lowered;
	[smem:$0x3FD2] =	sst s25  }
0xac: {  	s6 =	sshll.u32 s26, $0x1;
	_ =	strace $0x80000049;
	[dreg:$0x1] =	wrdreg $0xFFFFFFFF  }
0xad: {  	s28 =	simm.s32 $_size_execute0_lowered;
	s4 =	sadd.s32 s4, s6;
	[dreg:$0x0] =	wrdreg $0x0  }
0xae: {  	s6 =	sshll.u32 s28, $0x1;
	[dreg:$0x2] =	wrdreg s4  }
0xaf: {  	[dreg:$0x3] =	wrdreg s6  }
0xb0: {  	[dreg:$0x4] =	wrdreg $0xC0  }
0xb1: {  	_ =	task [dreg:s8], $0x5FFFF  }
0xb2: {  	[dreg:$0x1] =	wrdreg $0xFFFFFFFF  }
0xb3: {  	[dreg:$0x0] =	wrdreg $0x60  }
0xb4: {  	[dreg:$0x2] =	wrdreg s24  }
0xb5: {  	[dreg:$0x3] =	wrdreg s17  }
0xb6: {  	[dreg:$0x4] =	wrdreg s16  }
0xb7: {  	[dreg:$0x5] =	wrdreg $0x9  }
0xb8: {  	_ =	task.clear_ibuf [dreg:s8], $0x6FFFF;
	_ =	strace $0x90000049  }
0xb9: {  	s29 =	simm.s32 $0x9;
	_ =	strace $0x8000004B  }
0xba: {  	_ =	swait.ge [sflag:s29], $0x1  }
0xbb: {  	[sflag:s29] =	ssyncadd.s32 $0xFFFFFFFF  }
0xbc: {  	_ =	strace $0x9000004B  }
0xbd: {  	_ =	sfence  }
0xbe: {  	s30 =	sld [smem:$0x0];
	_ =	sdelay $0x2  }
0xbf: {  	s31 =	sshll.u32 s1, $0xD;
	s1 =	sshrl.u32 s1, $0x2  }
0xc0: {  	s3 =	sand.u32 $0x4000, s31;
	s1 =	sadd.s32 s1, s30  }
0xc1: {  	s0 =	sor.u32 s3, s0;
	s1 =	sshll.u32 s1, $0x11  }
0xc2: {  	s0 =	sor.u32 s1, s0  }
0xc3: {  	s0 =	sadd.s32 $0x8F2B, s0  }
0xc4: {  	[sflag:s0] =	ssyncadd.remote.s32 $0x1  }
0xc5: {  	_ =	sfence.sel $0xFFFF  }
0xc6: {  	[dreg:$0x0] =	wrdreg $0xFFFFFFFF;
	(pc) =	sbr.abs _section_cstart, $3  }
0xc7: {  	[dreg:$0x1] =	wrdreg $0xFFFFFFFF  }
0xc8: {  	_ =	task.clear_ibuf [dreg:s8], $0x2FFFF;
	_ =	strace $0x9FFFFFFF  }
0xc9: {  	(tm) =	ssettm $0x7FFFFFFF  }
tec
execute0_lowered:
.L_overlay_start_1:
0x0: {  	(tag) =	ssettag $0x1  }
0x1: {  	s8 =	rddreg [dreg:$0x0]  }
0x2: {  	s2 =	rddreg [dreg:$0x1]  }
0x3: {  	s3 =	rddreg [dreg:$0x2];
	s1 =	stileid.u32  }
0x4: {  	s4 =	srdreg.scid;
	s0 =	rddreg [dreg:$0x3];
	_ =	strace $0x8000004A  }
0x5: {  	s7 =	simm.s32 $0x1;
	s9 =	simm.s32 $0x1;
	s10 =	simm.s32 $0x3  }
0x6: {  	s13 =	simm.s32 $0x0;
	s5 =	sand.u32 $0x1, s4;
	s6 =	sshll.u32 s1, $0x1  }
0x7: {  	s12 =	simm.s32 $0x0;
	s4 =	simm.s32 $0x1;
	s5 =	sor.u32 s6, s5  }
.Ltmp0:
0x8: {  	[sflag:s4] =	ssyncpa.u1 $0x0;
	p0 =	slt.u32 s5, $0x13;
	(pc) =	sbr.rel .LBB2_1-.Ltmp0, $4  }
0x9: {  	s6 =	simm.s32 $0x2;
	s7 =	simm.s32 @!p0 $0x0;
	p0 =	sne.s32 s5, $0x12  }
0xa: {  	[sflag:s6] =	ssyncpa.u1 $0x0;
	s5 =	smul.u32 $0x60, s5;
	s9 =	simm.s32 @!p0 $0x0  }
0xb: {  	s8 =	sadd.s32 $0x54000, s8;
	[sflag:s10] =	ssyncpa.u1 $0x0;
	s7 =	sadd.s32 s9, s7  }
0xc: {  	vm0 =	vmmov $0xffff;
	s10 =	simm.s32 $0x0;
	s11 =	smov.u32 s5;
	s9 =	sadd.s32 $0x1, s7  }
.LBB2_4:
0xd: {  	v2 =	vsel vm1, $0xFFFFFFFF, v2;
	v3 =	vshrl.u32 v0, $0x6;
	v61 =	vshll.u32 v0, $0xE  }
0xe: {  	v3 =	vand.u32 $0x3FFF, v3;
	v0 =	vand.u32 $0xC0000, v61;
	v4 =	vshll.u32 v2, $0xE  }
0xf: {  	v2 =	vshll.u32 v2, $0x7;
	v0 =	vsel vm1, $0xFFFC0000, v0;
	v4 =	vand.u32 $0xFFFE0000, v4  }
0x10: {  	v3 =	vsel vm1, $0xFFFFFFFF, v3;
	v2 =	vand.u32 $0x380, v2;
	v0 =	vadd.s32 v0, v4  }
0x11: {  	v62 =	vand.u32 $0x7F, v3;
	v3 =	vshll.u32 v3, $0x3;
	v0 =	vor.u32 v2, v0  }
0x12: {  	v63 =	vand.u32 $0xFFFFFC00, v3;
	v0 =	vor.u32 v62, v0  }
0x13: {  	v0 =	vadd.s32 v63, v0;
	_ =	sdelay $0x1  }
0x14: {  	(ifvalue) =	ssetifvalue $0x7FFFFFFF;
	s15 =	sadd.s32 $0x10, s15  }
0x15: {  	[tilespmem:s15], [sflag:$0x1] =	stream.indirect_vreg.gather [hbm4b:s8+s10], $0x1, v1, vm0, $0x4038;
	[tilespmem:$0x180] =	vst v63  }
0x16: {  	(ifvalue) =	ssetifvalue $0x7FFFFFFF;
	s15 =	sadd.s32 $0x10, s15  }
0x17: {  	[tilespmem:s15], [sflag:$0x1] =	stream.indirect_vreg.gather [hbm4b:s8+s10], $0x1, v0, vm0, $0x4038;
	[tilespmem:$0x180] =	vst v63  }
0x18: {  	_ =	swait.ge [sflag:s4], $0x60  }
0x19: {  	s30 =	sshrl.u32 s13, $0x3;
	[sflag:s4] =	ssyncset.done $0x0  }
0x1a: {  	s31 =	sand.u32 $0x7, s13;
	s15 =	sadd.s32 s3, s30;
	[sflag:s4] =	ssyncadd.s32 $0xFFFFFFA0  }
0x1b: {  	[hbm4b:s15+s31] =	stream.linear.scatter [tilespmem:s14], [sflag:$0x3], $0x60, $0x38;
	[tilespmem:$0x180] =	vst v63  }
.LBB2_5:
0x1c: {  	s15 =	sadd.s32 $0xC00, s11  }
0x1d: {  	p1 =	sgt.s32 s15, $0x12BF  }
0x1e: {  	s15 =	smov.u32 @p1 s5;
	p1 =	sne.s32 s12, s9  }
.Ltmp1:
0x1f: {  	p0 =	slt.u32 s12, $0x2;
	(pc) =	sbr.rel @!p1 .LBB2_6-.Ltmp1, $4  }
0x20: {  	s14 =	simm.s32 @!p0 $0x3  }
0x21: {  	_ =	swait.ge @!p0 [sflag:s14], $0x60  }
0x22: {  	s16 =	sadd.s32 $0x1, s12;
	s13 =	smov.u32 s11;
	[sflag:s14] =	ssyncset.done @!p0 $0x0  }
0x23: {  	s12 =	smov.u32 s16;
	s11 =	smov.u32 s15;
	[sflag:s14] =	ssyncadd.s32 @!p0 $0xFFFFFFA0  }
.LBB2_1:
0x24: {  	p0 =	sge.u32 s12, s7  }
0x25: {  	s14 =	sxor.u32 @!p0 $0x1, s12  }
0x26: {  	s14 =	smul.u32 @!p0 $0x180, s14  }
0x27: {  	s31 =	sadd.s32 $0xFFFFFFFF, s12;
	s15 =	sshrl.u32 @!p0 s11, $0x3  }
0x28: {  	s16 =	sand.u32 @!p0 $0x7, s11;
	s15 =	sadd.s32 @!p0 s2, s15;
	s14 =	sshra.s32 @!p0 s14, $0x2  }
0x29: {  	[tilespmem:s14], [sflag:$0x2] =	stream.linear.gather @!p0 [hbm4b:s15+s16], $0x60, $0x38;
	[tilespmem:$0x180] =	vst v63  }
0x2a: {  	p0 =	sge.u32 s31, s7  }
.Ltmp2:
0x2b: {  	_ = 	snop;
	(pc) =	sbr.rel @p0 .LBB2_5-.Ltmp2, $1  }
0x2c: {  	_ =	sdelay $0x3  }
0x2d: {  	s14 =	sand.u32 $0x1, s12  }
0x2e: {  	_ =	swait.ge [sflag:s6], $0x60;
	p0 =	seq.s32 s14, $0x1;
	s14 =	simm.s32 $0x60  }
0x2f: {  	[sflag:s6] =	ssyncset.done $0x0;
	s14 =	simm.s32 @!p0 $0x0  }
0x30: {  	[sflag:s6] =	ssyncadd.s32 $0xFFFFFFA0;
	(ifvalue) =	ssetifvalue $0x7FFFFFFF;
	v0 =	vld.msk [tilespmem:s14+$0x0 ss:$0x1], $0xffff;
	_ =	sdelay $0x1  }
0x31: {  	s15 =	sadd.s32 $0x10, s14  }
0x32: {  	v3 =	vld.msk [tilespmem:s15+$0x0 ss:$0x1], $0xffff;
	_ =	sdelay $0x1  }
0x33: {  	vm1 =	veq.s32 v0, $0x80000000  }
0x34: {  	v1 =	vand.u32 $0xF, v0;
	v2 =	vshrl.u32 v0, $0x6;
	v0 =	vshll.u32 v0, $0xE  }
0x35: {  	v1 =	vsel vm1, $0xFFFFFFFF, v1;
	v2 =	vand.u32 $0x3FFF, v2;
	v0 =	vand.u32 $0xC0000, v0  }
0x36: {  	v62 =	vshrl.u32 v3, $0x6;
	v4 =	vshll.u32 v1, $0xE;
	v0 =	vsel vm1, $0xFFFC0000, v0  }
0x37: {  	v1 =	vshll.u32 v1, $0x7;
	v2 =	vsel vm1, $0xFFFFFFFF, v2;
	v4 =	vand.u32 $0xFFFE0000, v4  }
0x38: {  	vm1 =	veq.s32 v3, $0x80000000;
	v1 =	vand.u32 $0x380, v1;
	v0 =	vadd.s32 v0, v4  }
0x39: {  	v61 =	vand.u32 $0x7F, v2;
	v2 =	vshll.u32 v2, $0x3;
	v0 =	vor.u32 v1, v0  }
0x3a: {  	v1 =	vand.u32 $0xFFFFFC00, v2;
	v2 =	vand.u32 $0xF, v3;
	v0 =	vor.u32 v61, v0  }
0x3b: {  	s15 =	sadd.s32 $0x10, s15;
	v3 =	vshll.u32 v3, $0xE;
	v2 =	vsel vm1, $0xFFFFFFFF, v2;
	v1 =	vadd.s32 v1, v0  }
0x3c: {  	v4 =	vand.u32 $0x3FFF, v62;
	v3 =	vand.u32 $0xC0000, v3;
	v0 =	vld.msk [tilespmem:s15+$0x0 ss:$0x1], $0xffff;
	v5 =	vshll.u32 v2, $0xE  }
0x3d: {  	v3 =	vsel vm1, $0xFFFC0000, v3;
	v2 =	vshll.u32 v2, $0x7;
	v5 =	vand.u32 $0xFFFE0000, v5  }
0x3e: {  	v4 =	vsel vm1, $0xFFFFFFFF, v4;
	v2 =	vand.u32 $0x380, v2;
	v3 =	vadd.s32 v3, v5  }
0x3f: {  	s14 =	sadd.s32 $0xC0, s14;
	v63 =	vand.u32 $0x7F, v4;
	v4 =	vshll.u32 v4, $0x3;
	(ifvalue) =	ssetifvalue $0x7FFFFFFF;
	v2 =	vor.u32 v2, v3  }
0x40: {  	v3 =	vor.u32 v63, v2;
	[tilespmem:s14], [sflag:$0x1] =	stream.indirect_vreg.gather [hbm4b:s8+s10], $0x1, v1, vm0, $0x4038;
	v1 =	vand.u32 $0xFFFFFC00, v4;
	[tilespmem:$0x180] =	vst v63  }
0x41: {  	s16 =	simm.s32 $0x20;
	s17 =	sadd.s32 $0x10, s15;
	s15 =	smov.u32 s14;
	vm1 =	veq.s32 v0, $0x80000000;
	v2 =	vand.u32 $0xF, v0;
	v1 =	vadd.s32 v1, v3  }
.LBB2_3:
0x42: {  	s16 =	sadd.s32 $0x10, s16;
	v2 =	vsel vm1, $0xFFFFFFFF, v2;
	v3 =	vshrl.u32 v0, $0x6;
	v4 =	vshll.u32 v0, $0xE;
	v0 =	vld.msk [tilespmem:s17+$0x0 ss:$0x1], $0xffff  }
0x43: {  	p0 =	slt.u32 s16, $0x50;
	v3 =	vand.u32 $0x3FFF, v3;
	v4 =	vand.u32 $0xC0000, v4;
	v5 =	vshll.u32 v2, $0xE  }
.Ltmp3:
0x44: {  	v2 =	vshll.u32 v2, $0x7;
	v4 =	vsel vm1, $0xFFFC0000, v4;
	v5 =	vand.u32 $0xFFFE0000, v5;
	(pc) =	sbr.rel @p0 .LBB2_3-.Ltmp3, $4  }
0x45: {  	s15 =	sadd.s32 $0x10, s15;
	v3 =	vsel vm1, $0xFFFFFFFF, v3;
	v2 =	vand.u32 $0x380, v2;
	v4 =	vadd.s32 v4, v5;
	(ifvalue) =	ssetifvalue $0x7FFFFFFF  }
0x46: {  	v5 =	vand.u32 $0x7F, v3;
	v3 =	vshll.u32 v3, $0x3;
	v2 =	vor.u32 v2, v4;
	[tilespmem:s15], [sflag:$0x1] =	stream.indirect_vreg.gather [hbm4b:s8+s10], $0x1, v1, vm0, $0x4038;
	[tilespmem:$0x180] =	vst v63  }
0x47: {  	v1 =	vand.u32 $0xFFFFFC00, v3;
	v3 =	vor.u32 v5, v2  }
0x48: {  	s17 =	sadd.s32 $0x10, s17;
	vm1 =	veq.s32 v0, $0x80000000;
	v2 =	vand.u32 $0xF, v0;
	v1 =	vadd.s32 v1, v3  }
.Ltmp4:
0x49: {  	_ = 	snop;
	(pc) =	sbr.rel .LBB2_4-.Ltmp4, $1  }
0x4a: {  	_ =	sdelay $0x3  }
.LBB2_6:
0x4b: {  	_ =	sfence.sel $0x180000  }
0x4c: {  	s2 =	simm.s32 $0x2;
	[bflag:$0x0] =	sbarrier.arrive $0xFFFF  }
0x4d: {  	s30 =	simm.s32 $0x3;
	[sflag:s2] =	ssyncpa.u1 $0x1  }
0x4e: {  	s31 =	simm.s32 $0x1;
	[sflag:s30] =	ssyncpa.u1 $0x1  }
0x4f: {  	[sflag:s31] =	ssyncpa.u1 $0x1  }
0x50: {  	p0 =	sne.s32 s1, $0x0;
	_ =	strace $0x9000004A  }
0x51: {  	s0 =	sadd.s32 @!p0 $0x100000, s0;
	[bflag:$0x2] =	sbarrier.arrive $0xFFFF  }
0x52: {  	[sflag:s0] =	ssyncadd.tile.s32 @!p0 $0x1;
	_ =	shalt  }
.Lfunc_end2:
_tile_overlayer_lowered:
.L_overlay_start_2:
0x53: {  	(tag) =	ssettag $0x2  }
0x54: {  	s0 =	rddreg [dreg:$0x0];
	s2 =	stileid.u32  }
0x55: {  	s1 =	rddreg [dreg:$0x1];
	p0 =	sne.s32 s2, $0x0  }
0x56: {  	s3 =	rddreg [dreg:$0x2];
	[bflag:$0x3] =	sbarrier.arrive $0xFFFF;
	s2 =	simm.s32 @!p0 $0x1C01  }
0x57: {  	[timem:s3], [sflag:s2] =	dma.local @!p0 [hbm:s0], s1  }
0x58: {  	s0 =	simm.s32 @!p0 $0x1  }
0x59: {  	_ =	swait.ge @!p0 [sflag:s0], s1  }
0x5a: {  	s1 =	ssub.s32 @!p0 $0x0, s1;
	[sflag:s0] =	ssyncset.done @!p0 $0x0  }
0x5b: {  	[sflag:s0] =	ssyncadd.s32 @!p0 s1  }
0x5c: {  	[bflag:$0x3] =	sbarrier.arrive $0xFFFF  }
0x5d: {  	_ =	shalt  }

// kernel: gather_offload_async_start.3
scs
__scs_entry_jumppad:
0x0: {  	(pc) =	sbr.rel $0x88, $3  }
0x1: {  	(tag) =	ssettag $0x0;
	lr =	simm.s32 $0x1  }
0x2: {  	[smem:$0x3F9A] =	sst lr;
	_ =	strace $0xD0000000  }
0x3: {  	_ = 	snop  }
0x4: {  	_ = 	snop  }
0x5: {  	_ = 	snop  }
0x6: {  	_ = 	snop  }
0x7: {  	_ = 	snop  }
__scs_overlays_trampoline_lowered:
0x8: {  	[smem:$0x3FA9] =	sst s0  }
0x9: {  	[smem:$0x3FAA] =	sst s1  }
0xa: {  	[smem:$0x3FAB] =	sst s2  }
0xb: {  	[smem:$0x3FAC] =	sst s3  }
0xc: {  	[smem:$0x3FAD] =	sst s4  }
0xd: {  	[smem:$0x3FAE] =	sst s5  }
0xe: {  	[smem:$0x3FAF] =	sst s6  }
0xf: {  	[smem:$0x3FB0] =	sst s7  }
0x10: {  	[smem:$0x3FB1] =	sst s8  }
0x11: {  	[smem:$0x3FB2] =	sst s9;
	s0 =	simm.s32 @!p0 $0x0  }
0x12: {  	s1 =	sld [smem:$0x3F98];
	s0 =	simm.s32 @p0 $0x1  }
0x13: {  	[smem:$0x3FB3] =	sst s0;
	s0 =	simm.s32 @!p1 $0x0  }
0x14: {  	s2 =	sld [smem:$0x3F97];
	s0 =	simm.s32 @p1 $0x1  }
0x15: {  	[smem:$0x3FB4] =	sst s0;
	s0 =	simm.s32 @!p2 $0x0  }
0x16: {  	s3 =	sld [smem:$0x3FDB];
	s0 =	simm.s32 @p2 $0x1  }
0x17: {  	s4 =	simm.s32 $0x1BF5;
	[smem:$0x3FB6] =	sst s0  }
0x18: {  	s0 =	sld [smem:$0x3F99];
	_ =	swait.ge [sflag:s4], $0x0  }
0x19: {  	s7 =	sld [smem:$0x3F9A]  }
0x1a: {  	s8 =	sadd.s32 $0xFFFFE003, lr  }
0x1b: {  	s9 =	sadd.s32 $0xFFFFFEF7, lr;
	s5 =	simm.s32 $0xFFFFFFFF;
	p2 =	slt.u32 s8, $0xFFFFF086  }
0x1c: {  	p1 =	slt.u32 s9, $0xF7A;
	s5 =	simm.s32 @!p2 $0x0  }
0x1d: {  	s5 =	simm.s32 @p1 $0x1;
	p0 =	seq.s32 s7, s2  }
0x1e: {  	s7 =	smul.u32 @!p0 $0xF7A, s2;
	p2 =	seq.s32 @!p0 s5, $0x0  }
0x1f: {  	s9 =	smul.u32 $0xF7A, s1;
	s8 =	simm.s32 @!p0 $0x1BF5;
	p2 =	por !p2, p0  }
0x20: {  	[sflag:s8] =	ssyncset.s32 @!p0 $0xFFFFF086;
	s6 =	sadd.s32 @!p0 s3, s7;
	s7 =	simm.s32 @!p0 $0x108  }
0x21: {  	s3 =	sadd.s32 s3, s9;
	s6 =	sadd.s32 @!p0 $0x88, s6;
	s7 =	simm.s32 @p2 $0x1082  }
0x22: {  	[simem:s7], [sflag:s8] =	dma.local @!p0 [hbm:s6], $0xF7A  }
0x23: {  	s9 =	sor.u32 $0xD0000000, s2;
	s6 =	simm.s32 $0x108;
	_ =	swait.ge @!p0 [sflag:s8], $0x0  }
0x24: {  	s3 =	sadd.s32 $0x88, s3;
	s6 =	simm.s32 @!p1 $0x1082;
	[sflag:s4] =	ssyncset.s32 $0xFFFFF086  }
0x25: {  	[simem:s6], [sflag:s4] =	dma.local [hbm:s3], $0xF7A  }
0x26: {  	[smem:$0x3F9A] =	sst s1;
	(tag) =	ssettag s2;
	_ =	strace s9  }
0x27: {  	s1 =	sld [smem:$0x3FAA]  }
0x28: {  	s2 =	sld [smem:$0x3FAB]  }
0x29: {  	s4 =	sld [smem:$0x3FAD]  }
0x2a: {  	p0 =	seq.s32 s5, $0x0;
	s5 =	sld [smem:$0x3FAE]  }
0x2b: {  	s6 =	sld [smem:$0x3FAF]  }
0x2c: {  	s7 =	sld [smem:$0x3FB0]  }
0x2d: {  	s3 =	simm.s32 $0x108;
	s8 =	sld [smem:$0x3FB1]  }
0x2e: {  	s3 =	simm.s32 @!p0 $0x1082;
	s9 =	sld [smem:$0x3FB2]  }
0x2f: {  	lr =	sadd.s32 s0, s3;
	s0 =	sld [smem:$0x3FA9]  }
0x30: {  	s3 =	sld [smem:$0x3FAC]  }
0x31: {  	[smem:$0x3FB5] =	sst s10  }
0x32: {  	s10 =	sld [smem:$0x3FB3];
	_ =	sdelay $0x3  }
0x33: {  	p0 =	seq.s32 s10, $0x1;
	s10 =	sld [smem:$0x3FB5];
	_ =	sdelay $0x3  }
0x34: {  	[smem:$0x3FB5] =	sst s10  }
0x35: {  	s10 =	sld [smem:$0x3FB4];
	_ =	sdelay $0x3  }
0x36: {  	p1 =	seq.s32 s10, $0x1;
	s10 =	sld [smem:$0x3FB5];
	_ =	sdelay $0x3  }
0x37: {  	[smem:$0x3FB5] =	sst s10  }
0x38: {  	s10 =	sld [smem:$0x3FB6]  }
0x39: {  	_ = 	snop;
	(pc) =	sbr.ind lr, $3  }
0x3a: {  	_ = 	snop  }
0x3b: {  	_ = 	snop  }
0x3c: {  	p2 =	seq.s32 s10, $0x1;
	s10 =	sld [smem:$0x3FB5]  }
0x3d: {  	_ =	shalt  }
0x3e: {  	_ =	shalt  }
0x3f: {  	_ =	shalt  }
0x40: {  	_ =	shalt  }
0x41: {  	_ =	shalt  }
0x42: {  	_ =	shalt  }
0x43: {  	_ =	shalt  }
0x44: {  	_ =	shalt  }
0x45: {  	_ =	shalt  }
0x46: {  	_ =	shalt  }
0x47: {  	_ =	shalt  }
0x48: {  	_ =	shalt  }
0x49: {  	_ =	shalt  }
0x4a: {  	_ =	shalt  }
0x4b: {  	_ =	shalt  }
0x4c: {  	_ =	shalt  }
0x4d: {  	_ =	shalt  }
0x4e: {  	_ =	shalt  }
0x4f: {  	_ =	shalt  }
0x50: {  	_ =	shalt  }
0x51: {  	_ =	shalt  }
0x52: {  	_ =	shalt  }
0x53: {  	_ =	shalt  }
0x54: {  	_ =	shalt  }
0x55: {  	_ =	shalt  }
0x56: {  	_ =	shalt  }
0x57: {  	_ =	shalt  }
0x58: {  	_ =	shalt  }
0x59: {  	_ =	shalt  }
0x5a: {  	_ =	shalt  }
0x5b: {  	_ =	shalt  }
0x5c: {  	_ =	shalt  }
0x5d: {  	_ =	shalt  }
0x5e: {  	_ =	shalt  }
0x5f: {  	_ =	shalt  }
0x60: {  	_ =	shalt  }
0x61: {  	_ =	shalt  }
0x62: {  	_ =	shalt  }
0x63: {  	_ =	shalt  }
0x64: {  	_ =	shalt  }
0x65: {  	_ =	shalt  }
0x66: {  	_ =	shalt  }
0x67: {  	_ =	shalt  }
0x68: {  	_ =	shalt  }
0x69: {  	_ =	shalt  }
0x6a: {  	_ =	shalt  }
0x6b: {  	_ =	shalt  }
0x6c: {  	_ =	shalt  }
0x6d: {  	_ =	shalt  }
0x6e: {  	_ =	shalt  }
0x6f: {  	_ =	shalt  }
0x70: {  	_ =	shalt  }
0x71: {  	_ =	shalt  }
0x72: {  	_ =	shalt  }
0x73: {  	_ =	shalt  }
0x74: {  	_ =	shalt  }
0x75: {  	_ =	shalt  }
0x76: {  	_ =	shalt  }
0x77: {  	_ =	shalt  }
0x78: {  	_ =	shalt  }
0x79: {  	_ =	shalt  }
0x7a: {  	_ =	shalt  }
0x7b: {  	_ =	shalt  }
0x7c: {  	_ =	shalt  }
0x7d: {  	_ =	shalt  }
0x7e: {  	_ =	shalt  }
0x7f: {  	_ =	shalt  }
0x80: {  	_ =	shalt  }
0x81: {  	_ =	shalt  }
0x82: {  	_ =	shalt  }
0x83: {  	_ =	shalt  }
0x84: {  	_ =	shalt  }
0x85: {  	_ =	shalt  }
0x86: {  	_ =	shalt  }
0x87: {  	_ =	shalt  }
.Lfunc_end0:
.L_simem_size_0:
called_computation.3_lowered:
.L_overlay_start_0:
0x88: {  	s2 =	sld [smem:$0x3FD9]  }
0x89: {  	s3 =	sld [smem:$0x3FFE];
	_ =	sdelay $0x1  }
0x8a: {  	s1 =	srdreg.scid  }
0x8b: {  	s0 =	sand.u32 $0x1, s1  }
0x8c: {  	s14 =	sshll.u32 s0, $0xA;
	s2 =	sadd.s32 s3, s2  }
0x8d: {  	s2 =	sadd.s32 s2, s14  }
0x8e: {  	[smem:$0x3FC1] =	sst s2  }
0x8f: {  	_ = 	snop  }
0x90: {  	s2 =	sld [smem:$0x3FD0];
	_ =	sdelay $0x2  }
0x91: {  	s15 =	simm.s32 $0xA;
	s4 =	simm.s32 $0x10  }
0x92: {  	[smem:s4], [sflag:s15] =	dma.local [hbm:s2], $0x1  }
0x93: {  	_ =	swait.eq [sflag:s15], $0x1  }
0x94: {  	[sflag:s15] =	ssyncset.done $0x0  }
0x95: {  	[sflag:s15] =	ssyncadd.s32 $0xFFFFFFFF  }
0x96: {  	s16 =	sld [smem:$0x10];
	(tm) =	ssettm $0x1  }
0x97: {  	s17 =	sld [smem:$0x3FFB];
	_ =	sdelay $0x3  }
0x98: {  	_ =	strace s17  }
0x99: {  	s3 =	sld [smem:$0x3FFC];
	_ =	sdelay $0x3  }
0x9a: {  	_ =	strace s3  }
0x9b: {  	s3 =	sld [smem:$0x3FFD];
	_ =	sdelay $0x3  }
0x9c: {  	_ =	strace s3  }
0x9d: {  	_ =	strace $0x8FFFFFFF  }
0x9e: {  	s18 =	sld [smem:$0x3FDB];
	_ =	sdelay $0x1  }
0x9f: {  	s19 =	simm.s32 $_scs_section_size  }
0xa0: {  	s5 =	simm.s32 $_size__tile_overlayer_lowered;
	s6 =	simm.s32 $_tile_overlayer_lowered  }
0xa1: {  	s22 =	simm.s32 $0x1BFF;
	s21 =	sshll.u32 s6, $0x1;
	s3 =	sadd.s32 s19, s18  }
0xa2: {  	s7 =	simm.s32 $0x0;
	s20 =	sshll.u32 s5, $0x1;
	s5 =	sadd.s32 s21, s3  }
0xa3: {  	[timem:s7], [sflag:s22] =	dma.local [hbm:s5], s20  }
0xa4: {  	_ =	swait.ge [sflag:s22], s20  }
0xa5: {  	s4 =	ssub.s32 $0x0, s20;
	[sflag:s22] =	ssyncset.done $0x0  }
0xa6: {  	[sflag:s22] =	ssyncadd.s32 s4;
	_ =	sdelay $0x1  }
0xa7: {  	s23 =	simm.s32 $0x1B8B  }
0xa8: {  	_ =	swait.ge [sflag:s23], $0x1  }
0xa9: {  	[sflag:s23] =	ssyncset.done $0x0  }
0xaa: {  	s25 =	simm.s32 $0x1B8E;
	s24 =	sld [smem:$0x3FFE];
	[sflag:s23] =	ssyncadd.s32 $0xFFFFFFFF  }
0xab: {  	s26 =	simm.s32 $execute0_lowered;
	[smem:$0x3FD2] =	sst s25  }
0xac: {  	s5 =	sshll.u32 s26, $0x1;
	_ =	strace $0x8000004F;
	[dreg:$0x1] =	wrdreg $0xFFFFFFFF  }
0xad: {  	s28 =	simm.s32 $_size_execute0_lowered;
	s3 =	sadd.s32 s3, s5;
	[dreg:$0x0] =	wrdreg $0x0  }
0xae: {  	s5 =	sshll.u32 s28, $0x1;
	[dreg:$0x2] =	wrdreg s3  }
0xaf: {  	[dreg:$0x3] =	wrdreg s5  }
0xb0: {  	[dreg:$0x4] =	wrdreg $0xC0  }
0xb1: {  	_ =	task [dreg:s7], $0x5FFFF  }
0xb2: {  	[dreg:$0x1] =	wrdreg $0xFFFFFFFF  }
0xb3: {  	[dreg:$0x0] =	wrdreg $0x60  }
0xb4: {  	[dreg:$0x2] =	wrdreg s24  }
0xb5: {  	[dreg:$0x3] =	wrdreg s16  }
0xb6: {  	[dreg:$0x4] =	wrdreg $0x9  }
0xb7: {  	_ =	task.clear_ibuf [dreg:s7], $0x5FFFF;
	_ =	strace $0x9000004F  }
0xb8: {  	s29 =	simm.s32 $0x9;
	_ =	strace $0x80000051  }
0xb9: {  	_ =	swait.ge [sflag:s29], $0x1  }
0xba: {  	[sflag:s29] =	ssyncadd.s32 $0xFFFFFFFF  }
0xbb: {  	_ =	strace $0x90000051  }
0xbc: {  	_ =	sfence  }
0xbd: {  	s30 =	sld [smem:$0x0];
	_ =	sdelay $0x2  }
0xbe: {  	s31 =	sshll.u32 s1, $0xD;
	s1 =	sshrl.u32 s1, $0x2  }
0xbf: {  	s3 =	sand.u32 $0x4000, s31;
	s1 =	sadd.s32 s1, s30  }
0xc0: {  	s0 =	sor.u32 s3, s0;
	s1 =	sshll.u32 s1, $0x11  }
0xc1: {  	s0 =	sor.u32 s1, s0  }
0xc2: {  	s0 =	sadd.s32 $0x8F2B, s0  }
0xc3: {  	[sflag:s0] =	ssyncadd.remote.s32 $0x1  }
0xc4: {  	_ =	sfence.sel $0xFFFF  }
0xc5: {  	[dreg:$0x0] =	wrdreg $0xFFFFFFFF;
	(pc) =	sbr.abs _section_cstart, $3  }
0xc6: {  	[dreg:$0x1] =	wrdreg $0xFFFFFFFF  }
0xc7: {  	_ =	task.clear_ibuf [dreg:s7], $0x2FFFF;
	_ =	strace $0x9FFFFFFF  }
0xc8: {  	(tm) =	ssettm $0x7FFFFFFF  }
0xc9: {  	_ =	shalt  }
tec
execute0_lowered:
.L_overlay_start_1:
0x0: {  	(tag) =	ssettag $0x1  }
0x1: {  	s8 =	rddreg [dreg:$0x0];
	s0 =	stileid.u32  }
0x2: {  	s1 =	srdreg.scid;
	s2 =	rddreg [dreg:$0x1]  }
0x3: {  	s5 =	simm.s32 $0x1;
	s9 =	simm.s32 $0x1;
	s10 =	simm.s32 $0x3  }
0x4: {  	s13 =	simm.s32 $0x0;
	s3 =	sand.u32 $0x1, s1;
	s4 =	sshll.u32 s0, $0x1  }
0x5: {  	s12 =	simm.s32 $0x0;
	s1 =	rddreg [dreg:$0x2];
	s6 =	sor.u32 s4, s3  }
0x6: {  	_ =	strace $0x80000050;
	s3 =	sadd.s32 $0x7C000, s8;
	s4 =	smul.u32 $0x50, s6  }
0x7: {  	[sflag:s5] =	ssyncpa.u1 $0x0;
	p0 =	slt.u32 s6, $0x9;
	s6 =	simm.s32 $0xA00  }
.Ltmp0:
0x8: {  	s6 =	simm.s32 @!p0 $0x0;
	s7 =	ssub.s32 $0xC80, s4;
	(pc) =	sbr.rel .LBB2_1-.Ltmp0, $4  }
0x9: {  	s9 =	simm.s32 @!p0 $0x0;
	p0 =	sne.s32 s7, s6;
	s7 =	simm.s32 $0x1  }
0xa: {  	s8 =	sadd.s32 $0x5400, s8;
	s6 =	simm.s32 $0x2;
	s7 =	simm.s32 @!p0 $0x0  }
0xb: {  	s11 =	smov.u32 s4;
	[sflag:s6] =	ssyncpa.u1 $0x0;
	s7 =	sadd.s32 s9, s7  }
0xc: {  	vm0 =	vmmov $0xffff;
	[sflag:s10] =	ssyncpa.u1 $0x0;
	s10 =	simm.s32 $0x0;
	s9 =	sadd.s32 $0x1, s7  }
.LBB2_4:
0xd: {  	v2 =	vand.u32 $0x1, v2;
	v3 =	vshrl.u32 v0, $0x5;
	v63 =	vshll.u32 v0, $0xF  }
0xe: {  	v2 =	vsel vm1, $0xFFFFFFFF, v2;
	v3 =	vand.u32 $0x3FFF, v3;
	v0 =	vand.u32 $0x78000, v63  }
0xf: {  	v3 =	vsel vm1, $0xFFFFFFFF, v3;
	v0 =	vsel vm1, $0xFFFF8000, v0;
	v4 =	vand.u32 $0xFFFF8000, v2  }
0x10: {  	v5 =	vand.u32 $0x7F, v3;
	v0 =	vadd.s32 v0, v4;
	v3 =	vshll.u32 v3, $0x1  }
0x11: {  	v2 =	vshll.u32 v2, $0x7;
	v3 =	vand.u32 $0xFFFFFF00, v3;
	v0 =	vor.u32 v5, v0  }
0x12: {  	v2 =	vand.u32 $0x80, v2;
	v0 =	vadd.s32 v3, v0  }
0x13: {  	v0 =	vor.u32 v2, v0;
	_ =	sdelay $0x1  }
0x14: {  	(ifvalue) =	ssetifvalue $0x7FFFFFFF;
	s15 =	sadd.s32 $0x10, s15  }
0x15: {  	[tilespmem:s15], [sflag:$0x1] =	stream.indirect_vreg.gather [hbm4b:s3+s10], $0x1, v1, vm0, $0x4038;
	[tilespmem:$0x140] =	vst v63  }
0x16: {  	(ifvalue) =	ssetifvalue $0x7FFFFFFF;
	s15 =	sadd.s32 $0x10, s15  }
0x17: {  	[tilespmem:s15], [sflag:$0x1] =	stream.indirect_vreg.gather [hbm4b:s3+s10], $0x1, v0, vm0, $0x4038;
	[tilespmem:$0x140] =	vst v63  }
0x18: {  	_ =	swait.ge [sflag:s5], $0x50  }
0x19: {  	s30 =	sshrl.u32 s13, $0x3;
	[sflag:s5] =	ssyncset.done $0x0  }
0x1a: {  	s31 =	sand.u32 $0x7, s13;
	s15 =	sadd.s32 s2, s30;
	[sflag:s5] =	ssyncadd.s32 $0xFFFFFFB0  }
0x1b: {  	[hbm4b:s15+s31] =	stream.linear.scatter [tilespmem:s14], [sflag:$0x3], $0x50, $0x38;
	[tilespmem:$0x140] =	vst v63  }
.LBB2_5:
0x1c: {  	s15 =	sadd.s32 $0xA00, s11  }
0x1d: {  	p1 =	sgt.s32 s15, $0xC7F  }
0x1e: {  	s15 =	smov.u32 @p1 s4;
	p1 =	sne.s32 s12, s9  }
.Ltmp1:
0x1f: {  	p0 =	slt.u32 s12, $0x2;
	(pc) =	sbr.rel @!p1 .LBB2_6-.Ltmp1, $4  }
0x20: {  	s14 =	simm.s32 @!p0 $0x3  }
0x21: {  	_ =	swait.ge @!p0 [sflag:s14], $0x50  }
0x22: {  	s16 =	sadd.s32 $0x1, s12;
	s13 =	smov.u32 s11;
	[sflag:s14] =	ssyncset.done @!p0 $0x0  }
0x23: {  	s12 =	smov.u32 s16;
	s11 =	smov.u32 s15;
	[sflag:s14] =	ssyncadd.s32 @!p0 $0xFFFFFFB0  }
.LBB2_1:
0x24: {  	p0 =	sge.u32 s12, s7  }
0x25: {  	s14 =	sxor.u32 @!p0 $0x1, s12  }
0x26: {  	s14 =	smul.u32 @!p0 $0x140, s14  }
0x27: {  	s31 =	sadd.s32 $0xFFFFFFFF, s12;
	s15 =	sshrl.u32 @!p0 s11, $0x3  }
0x28: {  	s16 =	sand.u32 @!p0 $0x7, s11;
	s15 =	sadd.s32 @!p0 s8, s15;
	s14 =	sshra.s32 @!p0 s14, $0x2  }
0x29: {  	[tilespmem:s14], [sflag:$0x2] =	stream.linear.gather @!p0 [hbm4b:s15+s16], $0x50, $0x38;
	[tilespmem:$0x140] =	vst v63  }
0x2a: {  	p0 =	sge.u32 s31, s7  }
.Ltmp2:
0x2b: {  	_ = 	snop;
	(pc) =	sbr.rel @p0 .LBB2_5-.Ltmp2, $1  }
0x2c: {  	_ =	sdelay $0x3  }
0x2d: {  	s14 =	sand.u32 $0x1, s12  }
0x2e: {  	_ =	swait.ge [sflag:s6], $0x50;
	p0 =	seq.s32 s14, $0x1;
	s14 =	simm.s32 $0x50  }
0x2f: {  	[sflag:s6] =	ssyncset.done $0x0;
	s14 =	simm.s32 @!p0 $0x0  }
0x30: {  	[sflag:s6] =	ssyncadd.s32 $0xFFFFFFB0;
	(ifvalue) =	ssetifvalue $0x7FFFFFFF;
	v0 =	vld.msk [tilespmem:s14+$0x0 ss:$0x1], $0xffff;
	_ =	sdelay $0x1  }
0x31: {  	s15 =	sadd.s32 $0x10, s14  }
0x32: {  	v3 =	vld.msk [tilespmem:s15+$0x0 ss:$0x1], $0xffff;
	_ =	sdelay $0x1  }
0x33: {  	vm1 =	veq.s32 v0, $0x80000000  }
0x34: {  	v1 =	vshrl.u32 v0, $0x4;
	v2 =	vshrl.u32 v0, $0x5;
	v0 =	vshll.u32 v0, $0xF  }
0x35: {  	v1 =	vand.u32 $0x1, v1;
	v2 =	vand.u32 $0x3FFF, v2;
	v0 =	vand.u32 $0x78000, v0  }
0x36: {  	v62 =	vshrl.u32 v3, $0x5;
	v1 =	vsel vm1, $0xFFFFFFFF, v1;
	v2 =	vsel vm1, $0xFFFFFFFF, v2  }
0x37: {  	v0 =	vsel vm1, $0xFFFF8000, v0;
	vm1 =	veq.s32 v3, $0x80000000;
	v4 =	vand.u32 $0xFFFF8000, v1  }
0x38: {  	v5 =	vand.u32 $0x7F, v2;
	v2 =	vshll.u32 v2, $0x1;
	v0 =	vadd.s32 v0, v4  }
0x39: {  	v1 =	vshll.u32 v1, $0x7;
	v2 =	vand.u32 $0xFFFFFF00, v2;
	v0 =	vor.u32 v5, v0  }
0x3a: {  	v1 =	vand.u32 $0x80, v1;
	v0 =	vadd.s32 v2, v0;
	v2 =	vshrl.u32 v3, $0x4  }
0x3b: {  	s15 =	sadd.s32 $0x10, s15;
	v3 =	vshll.u32 v3, $0xF;
	v1 =	vor.u32 v1, v0;
	v2 =	vand.u32 $0x1, v2  }
0x3c: {  	v4 =	vand.u32 $0x3FFF, v62;
	v0 =	vld.msk [tilespmem:s15+$0x0 ss:$0x1], $0xffff;
	v3 =	vand.u32 $0x78000, v3;
	v2 =	vsel vm1, $0xFFFFFFFF, v2  }
0x3d: {  	v4 =	vsel vm1, $0xFFFFFFFF, v4;
	v3 =	vsel vm1, $0xFFFF8000, v3;
	v63 =	vand.u32 $0xFFFF8000, v2  }
0x3e: {  	v6 =	vand.u32 $0x7F, v4;
	v4 =	vshll.u32 v4, $0x1;
	v3 =	vadd.s32 v3, v63  }
0x3f: {  	s14 =	sor.u32 $0xA0, s14;
	(ifvalue) =	ssetifvalue $0x7FFFFFFF;
	v4 =	vand.u32 $0xFFFFFF00, v4;
	v2 =	vshll.u32 v2, $0x7;
	v3 =	vor.u32 v6, v3  }
0x40: {  	[tilespmem:s14], [sflag:$0x1] =	stream.indirect_vreg.gather [hbm4b:s3+s10], $0x1, v1, vm0, $0x4038;
	v1 =	vand.u32 $0x80, v2;
	v3 =	vadd.s32 v4, v3;
	[tilespmem:$0x140] =	vst v63  }
0x41: {  	s16 =	simm.s32 $0x20;
	s17 =	sadd.s32 $0x10, s15;
	s15 =	smov.u32 s14;
	vm1 =	veq.s32 v0, $0x80000000;
	v2 =	vshrl.u32 v0, $0x4;
	v1 =	vor.u32 v1, v3  }
.LBB2_3:
0x42: {  	s16 =	sadd.s32 $0x10, s16;
	v2 =	vand.u32 $0x1, v2;
	v3 =	vshrl.u32 v0, $0x5;
	v4 =	vshll.u32 v0, $0xF;
	v0 =	vld.msk [tilespmem:s17+$0x0 ss:$0x1], $0xffff  }
0x43: {  	p0 =	slt.u32 s16, $0x40;
	v2 =	vsel vm1, $0xFFFFFFFF, v2;
	v3 =	vand.u32 $0x3FFF, v3;
	v4 =	vand.u32 $0x78000, v4  }
.Ltmp3:
0x44: {  	v3 =	vsel vm1, $0xFFFFFFFF, v3;
	v4 =	vsel vm1, $0xFFFF8000, v4;
	v5 =	vand.u32 $0xFFFF8000, v2;
	(pc) =	sbr.rel @p0 .LBB2_3-.Ltmp3, $4  }
0x45: {  	s15 =	sadd.s32 $0x10, s15;
	v6 =	vand.u32 $0x7F, v3;
	v4 =	vadd.s32 v4, v5;
	v3 =	vshll.u32 v3, $0x1;
	(ifvalue) =	ssetifvalue $0x7FFFFFFF  }
0x46: {  	v2 =	vshll.u32 v2, $0x7;
	v3 =	vand.u32 $0xFFFFFF00, v3;
	v4 =	vor.u32 v6, v4;
	[tilespmem:s15], [sflag:$0x1] =	stream.indirect_vreg.gather [hbm4b:s3+s10], $0x1, v1, vm0, $0x4038;
	[tilespmem:$0x140] =	vst v63  }
0x47: {  	v1 =	vand.u32 $0x80, v2;
	v3 =	vadd.s32 v3, v4  }
0x48: {  	s17 =	sadd.s32 $0x10, s17;
	vm1 =	veq.s32 v0, $0x80000000;
	v2 =	vshrl.u32 v0, $0x4;
	v1 =	vor.u32 v1, v3  }
.Ltmp4:
0x49: {  	_ = 	snop;
	(pc) =	sbr.rel .LBB2_4-.Ltmp4, $1  }
0x4a: {  	_ =	sdelay $0x3  }
.LBB2_6:
0x4b: {  	_ =	sfence.sel $0x180000  }
0x4c: {  	s2 =	simm.s32 $0x2;
	[bflag:$0x0] =	sbarrier.arrive $0xFFFF  }
0x4d: {  	s30 =	simm.s32 $0x3;
	[sflag:s2] =	ssyncpa.u1 $0x1  }
0x4e: {  	s31 =	simm.s32 $0x1;
	[sflag:s30] =	ssyncpa.u1 $0x1  }
0x4f: {  	[sflag:s31] =	ssyncpa.u1 $0x1  }
0x50: {  	p0 =	sne.s32 s0, $0x0;
	_ =	strace $0x90000050  }
0x51: {  	s0 =	sadd.s32 @!p0 $0x100000, s1;
	[bflag:$0x2] =	sbarrier.arrive $0xFFFF  }
0x52: {  	[sflag:s0] =	ssyncadd.tile.s32 @!p0 $0x1;
	_ =	shalt  }
.Lfunc_end2:
_tile_overlayer_lowered:
.L_overlay_start_2:
0x53: {  	(tag) =	ssettag $0x2  }
0x54: {  	s0 =	rddreg [dreg:$0x0];
	s2 =	stileid.u32  }
0x55: {  	s1 =	rddreg [dreg:$0x1];
	p0 =	sne.s32 s2, $0x0  }
0x56: {  	s3 =	rddreg [dreg:$0x2];
	[bflag:$0x3] =	sbarrier.arrive $0xFFFF;
	s2 =	simm.s32 @!p0 $0x1C01  }
0x57: {  	[timem:s3], [sflag:s2] =	dma.local @!p0 [hbm:s0], s1  }
0x58: {  	s0 =	simm.s32 @!p0 $0x1  }
0x59: {  	_ =	swait.ge @!p0 [sflag:s0], s1  }
0x5a: {  	s1 =	ssub.s32 @!p0 $0x0, s1;
	[sflag:s0] =	ssyncset.done @!p0 $0x0  }
0x5b: {  	[sflag:s0] =	ssyncadd.s32 @!p0 s1  }
0x5c: {  	[bflag:$0x3] =	sbarrier.arrive $0xFFFF  }
0x5d: {  	_ =	shalt  }

// kernel: gather_offload_async_start.4
scs
__scs_entry_jumppad:
0x0: {  	(pc) =	sbr.rel $0x88, $3  }
0x1: {  	(tag) =	ssettag $0x0;
	lr =	simm.s32 $0x1  }
0x2: {  	[smem:$0x3F9A] =	sst lr;
	_ =	strace $0xD0000000  }
0x3: {  	_ = 	snop  }
0x4: {  	_ = 	snop  }
0x5: {  	_ = 	snop  }
0x6: {  	_ = 	snop  }
0x7: {  	_ = 	snop  }
__scs_overlays_trampoline_lowered:
0x8: {  	[smem:$0x3FA9] =	sst s0  }
0x9: {  	[smem:$0x3FAA] =	sst s1  }
0xa: {  	[smem:$0x3FAB] =	sst s2  }
0xb: {  	[smem:$0x3FAC] =	sst s3  }
0xc: {  	[smem:$0x3FAD] =	sst s4  }
0xd: {  	[smem:$0x3FAE] =	sst s5  }
0xe: {  	[smem:$0x3FAF] =	sst s6  }
0xf: {  	[smem:$0x3FB0] =	sst s7  }
0x10: {  	[smem:$0x3FB1] =	sst s8  }
0x11: {  	[smem:$0x3FB2] =	sst s9;
	s0 =	simm.s32 @!p0 $0x0  }
0x12: {  	s1 =	sld [smem:$0x3F98];
	s0 =	simm.s32 @p0 $0x1  }
0x13: {  	[smem:$0x3FB3] =	sst s0;
	s0 =	simm.s32 @!p1 $0x0  }
0x14: {  	s2 =	sld [smem:$0x3F97];
	s0 =	simm.s32 @p1 $0x1  }
0x15: {  	[smem:$0x3FB4] =	sst s0;
	s0 =	simm.s32 @!p2 $0x0  }
0x16: {  	s3 =	sld [smem:$0x3FDB];
	s0 =	simm.s32 @p2 $0x1  }
0x17: {  	s4 =	simm.s32 $0x1BF5;
	[smem:$0x3FB6] =	sst s0  }
0x18: {  	s0 =	sld [smem:$0x3F99];
	_ =	swait.ge [sflag:s4], $0x0  }
0x19: {  	s7 =	sld [smem:$0x3F9A]  }
0x1a: {  	s8 =	sadd.s32 $0xFFFFE003, lr  }
0x1b: {  	s9 =	sadd.s32 $0xFFFFFEF7, lr;
	s5 =	simm.s32 $0xFFFFFFFF;
	p2 =	slt.u32 s8, $0xFFFFF086  }
0x1c: {  	p1 =	slt.u32 s9, $0xF7A;
	s5 =	simm.s32 @!p2 $0x0  }
0x1d: {  	s5 =	simm.s32 @p1 $0x1;
	p0 =	seq.s32 s7, s2  }
0x1e: {  	s7 =	smul.u32 @!p0 $0xF7A, s2;
	p2 =	seq.s32 @!p0 s5, $0x0  }
0x1f: {  	s9 =	smul.u32 $0xF7A, s1;
	s8 =	simm.s32 @!p0 $0x1BF5;
	p2 =	por !p2, p0  }
0x20: {  	[sflag:s8] =	ssyncset.s32 @!p0 $0xFFFFF086;
	s6 =	sadd.s32 @!p0 s3, s7;
	s7 =	simm.s32 @!p0 $0x108  }
0x21: {  	s3 =	sadd.s32 s3, s9;
	s6 =	sadd.s32 @!p0 $0x88, s6;
	s7 =	simm.s32 @p2 $0x1082  }
0x22: {  	[simem:s7], [sflag:s8] =	dma.local @!p0 [hbm:s6], $0xF7A  }
0x23: {  	s9 =	sor.u32 $0xD0000000, s2;
	s6 =	simm.s32 $0x108;
	_ =	swait.ge @!p0 [sflag:s8], $0x0  }
0x24: {  	s3 =	sadd.s32 $0x88, s3;
	s6 =	simm.s32 @!p1 $0x1082;
	[sflag:s4] =	ssyncset.s32 $0xFFFFF086  }
0x25: {  	[simem:s6], [sflag:s4] =	dma.local [hbm:s3], $0xF7A  }
0x26: {  	[smem:$0x3F9A] =	sst s1;
	(tag) =	ssettag s2;
	_ =	strace s9  }
0x27: {  	s1 =	sld [smem:$0x3FAA]  }
0x28: {  	s2 =	sld [smem:$0x3FAB]  }
0x29: {  	s4 =	sld [smem:$0x3FAD]  }
0x2a: {  	p0 =	seq.s32 s5, $0x0;
	s5 =	sld [smem:$0x3FAE]  }
0x2b: {  	s6 =	sld [smem:$0x3FAF]  }
0x2c: {  	s7 =	sld [smem:$0x3FB0]  }
0x2d: {  	s3 =	simm.s32 $0x108;
	s8 =	sld [smem:$0x3FB1]  }
0x2e: {  	s3 =	simm.s32 @!p0 $0x1082;
	s9 =	sld [smem:$0x3FB2]  }
0x2f: {  	lr =	sadd.s32 s0, s3;
	s0 =	sld [smem:$0x3FA9]  }
0x30: {  	s3 =	sld [smem:$0x3FAC]  }
0x31: {  	[smem:$0x3FB5] =	sst s10  }
0x32: {  	s10 =	sld [smem:$0x3FB3];
	_ =	sdelay $0x3  }
0x33: {  	p0 =	seq.s32 s10, $0x1;
	s10 =	sld [smem:$0x3FB5];
	_ =	sdelay $0x3  }
0x34: {  	[smem:$0x3FB5] =	sst s10  }
0x35: {  	s10 =	sld [smem:$0x3FB4];
	_ =	sdelay $0x3  }
0x36: {  	p1 =	seq.s32 s10, $0x1;
	s10 =	sld [smem:$0x3FB5];
	_ =	sdelay $0x3  }
0x37: {  	[smem:$0x3FB5] =	sst s10  }
0x38: {  	s10 =	sld [smem:$0x3FB6]  }
0x39: {  	_ = 	snop;
	(pc) =	sbr.ind lr, $3  }
0x3a: {  	_ = 	snop  }
0x3b: {  	_ = 	snop  }
0x3c: {  	p2 =	seq.s32 s10, $0x1;
	s10 =	sld [smem:$0x3FB5]  }
0x3d: {  	_ =	shalt  }
0x3e: {  	_ =	shalt  }
0x3f: {  	_ =	shalt  }
0x40: {  	_ =	shalt  }
0x41: {  	_ =	shalt  }
0x42: {  	_ =	shalt  }
0x43: {  	_ =	shalt  }
0x44: {  	_ =	shalt  }
0x45: {  	_ =	shalt  }
0x46: {  	_ =	shalt  }
0x47: {  	_ =	shalt  }
0x48: {  	_ =	shalt  }
0x49: {  	_ =	shalt  }
0x4a: {  	_ =	shalt  }
0x4b: {  	_ =	shalt  }
0x4c: {  	_ =	shalt  }
0x4d: {  	_ =	shalt  }
0x4e: {  	_ =	shalt  }
0x4f: {  	_ =	shalt  }
0x50: {  	_ =	shalt  }
0x51: {  	_ =	shalt  }
0x52: {  	_ =	shalt  }
0x53: {  	_ =	shalt  }
0x54: {  	_ =	shalt  }
0x55: {  	_ =	shalt  }
0x56: {  	_ =	shalt  }
0x57: {  	_ =	shalt  }
0x58: {  	_ =	shalt  }
0x59: {  	_ =	shalt  }
0x5a: {  	_ =	shalt  }
0x5b: {  	_ =	shalt  }
0x5c: {  	_ =	shalt  }
0x5d: {  	_ =	shalt  }
0x5e: {  	_ =	shalt  }
0x5f: {  	_ =	shalt  }
0x60: {  	_ =	shalt  }
0x61: {  	_ =	shalt  }
0x62: {  	_ =	shalt  }
0x63: {  	_ =	shalt  }
0x64: {  	_ =	shalt  }
0x65: {  	_ =	shalt  }
0x66: {  	_ =	shalt  }
0x67: {  	_ =	shalt  }
0x68: {  	_ =	shalt  }
0x69: {  	_ =	shalt  }
0x6a: {  	_ =	shalt  }
0x6b: {  	_ =	shalt  }
0x6c: {  	_ =	shalt  }
0x6d: {  	_ =	shalt  }
0x6e: {  	_ =	shalt  }
0x6f: {  	_ =	shalt  }
0x70: {  	_ =	shalt  }
0x71: {  	_ =	shalt  }
0x72: {  	_ =	shalt  }
0x73: {  	_ =	shalt  }
0x74: {  	_ =	shalt  }
0x75: {  	_ =	shalt  }
0x76: {  	_ =	shalt  }
0x77: {  	_ =	shalt  }
0x78: {  	_ =	shalt  }
0x79: {  	_ =	shalt  }
0x7a: {  	_ =	shalt  }
0x7b: {  	_ =	shalt  }
0x7c: {  	_ =	shalt  }
0x7d: {  	_ =	shalt  }
0x7e: {  	_ =	shalt  }
0x7f: {  	_ =	shalt  }
0x80: {  	_ =	shalt  }
0x81: {  	_ =	shalt  }
0x82: {  	_ =	shalt  }
0x83: {  	_ =	shalt  }
0x84: {  	_ =	shalt  }
0x85: {  	_ =	shalt  }
0x86: {  	_ =	shalt  }
0x87: {  	_ =	shalt  }
.Lfunc_end0:
.L_simem_size_0:
called_computation.4_lowered:
.L_overlay_start_0:
0x88: {  	s2 =	sld [smem:$0x3FD9]  }
0x89: {  	s3 =	sld [smem:$0x3FFE];
	_ =	sdelay $0x1  }
0x8a: {  	s1 =	srdreg.scid  }
0x8b: {  	s0 =	sand.u32 $0x1, s1  }
0x8c: {  	s14 =	sshll.u32 s0, $0xA;
	s2 =	sadd.s32 s3, s2  }
0x8d: {  	s2 =	sadd.s32 s2, s14  }
0x8e: {  	[smem:$0x3FC1] =	sst s2  }
0x8f: {  	_ = 	snop  }
0x90: {  	s2 =	sld [smem:$0x3FD0];
	_ =	sdelay $0x2  }
0x91: {  	s15 =	simm.s32 $0xA;
	s4 =	simm.s32 $0x10  }
0x92: {  	[smem:s4], [sflag:s15] =	dma.local [hbm:s2], $0x1  }
0x93: {  	_ =	swait.eq [sflag:s15], $0x1  }
0x94: {  	[sflag:s15] =	ssyncset.done $0x0  }
0x95: {  	[sflag:s15] =	ssyncadd.s32 $0xFFFFFFFF  }
0x96: {  	s16 =	sld [smem:$0x10];
	(tm) =	ssettm $0x1  }
0x97: {  	s17 =	sld [smem:$0x3FFB];
	_ =	sdelay $0x3  }
0x98: {  	_ =	strace s17  }
0x99: {  	s3 =	sld [smem:$0x3FFC];
	_ =	sdelay $0x3  }
0x9a: {  	_ =	strace s3  }
0x9b: {  	s3 =	sld [smem:$0x3FFD];
	_ =	sdelay $0x3  }
0x9c: {  	_ =	strace s3  }
0x9d: {  	_ =	strace $0x8FFFFFFF  }
0x9e: {  	s18 =	sld [smem:$0x3FDB];
	_ =	sdelay $0x1  }
0x9f: {  	s19 =	simm.s32 $_scs_section_size  }
0xa0: {  	s5 =	simm.s32 $_size__tile_overlayer_lowered;
	s6 =	simm.s32 $_tile_overlayer_lowered  }
0xa1: {  	s22 =	simm.s32 $0x1BFF;
	s21 =	sshll.u32 s6, $0x1;
	s3 =	sadd.s32 s19, s18  }
0xa2: {  	s7 =	simm.s32 $0x0;
	s20 =	sshll.u32 s5, $0x1;
	s5 =	sadd.s32 s21, s3  }
0xa3: {  	[timem:s7], [sflag:s22] =	dma.local [hbm:s5], s20  }
0xa4: {  	_ =	swait.ge [sflag:s22], s20  }
0xa5: {  	s4 =	ssub.s32 $0x0, s20;
	[sflag:s22] =	ssyncset.done $0x0  }
0xa6: {  	[sflag:s22] =	ssyncadd.s32 s4;
	_ =	sdelay $0x1  }
0xa7: {  	s23 =	simm.s32 $0x1B8B  }
0xa8: {  	_ =	swait.ge [sflag:s23], $0x1  }
0xa9: {  	[sflag:s23] =	ssyncset.done $0x0  }
0xaa: {  	s25 =	simm.s32 $0x1B8E;
	s24 =	sld [smem:$0x3FFE];
	[sflag:s23] =	ssyncadd.s32 $0xFFFFFFFF  }
0xab: {  	s26 =	simm.s32 $execute0_lowered;
	[smem:$0x3FD2] =	sst s25  }
0xac: {  	s5 =	sshll.u32 s26, $0x1;
	_ =	strace $0x80000052;
	[dreg:$0x1] =	wrdreg $0xFFFFFFFF  }
0xad: {  	s28 =	simm.s32 $_size_execute0_lowered;
	s3 =	sadd.s32 s3, s5;
	[dreg:$0x0] =	wrdreg $0x0  }
0xae: {  	s5 =	sshll.u32 s28, $0x1;
	[dreg:$0x2] =	wrdreg s3  }
0xaf: {  	[dreg:$0x3] =	wrdreg s5  }
0xb0: {  	[dreg:$0x4] =	wrdreg $0xC0  }
0xb1: {  	_ =	task [dreg:s7], $0x5FFFF  }
0xb2: {  	[dreg:$0x1] =	wrdreg $0xFFFFFFFF  }
0xb3: {  	[dreg:$0x0] =	wrdreg $0x60  }
0xb4: {  	[dreg:$0x2] =	wrdreg s24  }
0xb5: {  	[dreg:$0x3] =	wrdreg s16  }
0xb6: {  	[dreg:$0x4] =	wrdreg $0x9  }
0xb7: {  	_ =	task.clear_ibuf [dreg:s7], $0x5FFFF;
	_ =	strace $0x90000052  }
0xb8: {  	s29 =	simm.s32 $0x9;
	_ =	strace $0x80000054  }
0xb9: {  	_ =	swait.ge [sflag:s29], $0x1  }
0xba: {  	[sflag:s29] =	ssyncadd.s32 $0xFFFFFFFF  }
0xbb: {  	_ =	strace $0x90000054  }
0xbc: {  	_ =	sfence  }
0xbd: {  	s30 =	sld [smem:$0x0];
	_ =	sdelay $0x2  }
0xbe: {  	s31 =	sshll.u32 s1, $0xD;
	s1 =	sshrl.u32 s1, $0x2  }
0xbf: {  	s3 =	sand.u32 $0x4000, s31;
	s1 =	sadd.s32 s1, s30  }
0xc0: {  	s0 =	sor.u32 s3, s0;
	s1 =	sshll.u32 s1, $0x11  }
0xc1: {  	s0 =	sor.u32 s1, s0  }
0xc2: {  	s0 =	sadd.s32 $0x8F2B, s0  }
0xc3: {  	[sflag:s0] =	ssyncadd.remote.s32 $0x1  }
0xc4: {  	_ =	sfence.sel $0xFFFF  }
0xc5: {  	[dreg:$0x0] =	wrdreg $0xFFFFFFFF;
	(pc) =	sbr.abs _section_cstart, $3  }
0xc6: {  	[dreg:$0x1] =	wrdreg $0xFFFFFFFF  }
0xc7: {  	_ =	task.clear_ibuf [dreg:s7], $0x2FFFF;
	_ =	strace $0x9FFFFFFF  }
0xc8: {  	(tm) =	ssettm $0x7FFFFFFF  }
0xc9: {  	_ =	shalt  }
tec
execute0_lowered:
.L_overlay_start_1:
0x0: {  	(tag) =	ssettag $0x1  }
0x1: {  	s8 =	rddreg [dreg:$0x0];
	s0 =	stileid.u32  }
0x2: {  	s1 =	srdreg.scid;
	s2 =	rddreg [dreg:$0x1]  }
0x3: {  	s5 =	simm.s32 $0x1;
	s9 =	simm.s32 $0x1;
	s10 =	simm.s32 $0x3  }
0x4: {  	s13 =	simm.s32 $0x0;
	s3 =	sand.u32 $0x1, s1;
	s4 =	sshll.u32 s0, $0x1  }
0x5: {  	s12 =	simm.s32 $0x0;
	s1 =	rddreg [dreg:$0x2];
	s6 =	sor.u32 s4, s3  }
0x6: {  	_ =	strace $0x80000053;
	s3 =	sadd.s32 $0x8C000, s8;
	s4 =	smul.u32 $0x50, s6  }
0x7: {  	[sflag:s5] =	ssyncpa.u1 $0x0;
	p0 =	slt.u32 s6, $0x9;
	s6 =	simm.s32 $0xA00  }
.Ltmp0:
0x8: {  	s6 =	simm.s32 @!p0 $0x0;
	s7 =	ssub.s32 $0xC80, s4;
	(pc) =	sbr.rel .LBB2_1-.Ltmp0, $4  }
0x9: {  	s9 =	simm.s32 @!p0 $0x0;
	p0 =	sne.s32 s7, s6;
	s7 =	simm.s32 $0x1  }
0xa: {  	s8 =	sadd.s32 $0x5400, s8;
	s6 =	simm.s32 $0x2;
	s7 =	simm.s32 @!p0 $0x0  }
0xb: {  	s11 =	smov.u32 s4;
	[sflag:s6] =	ssyncpa.u1 $0x0;
	s7 =	sadd.s32 s9, s7  }
0xc: {  	vm0 =	vmmov $0xffff;
	[sflag:s10] =	ssyncpa.u1 $0x0;
	s10 =	simm.s32 $0x0;
	s9 =	sadd.s32 $0x1, s7  }
.LBB2_4:
0xd: {  	v2 =	vand.u32 $0x1, v2;
	v3 =	vshrl.u32 v0, $0x5;
	v63 =	vshll.u32 v0, $0xF  }
0xe: {  	v2 =	vsel vm1, $0xFFFFFFFF, v2;
	v3 =	vand.u32 $0x3FFF, v3;
	v0 =	vand.u32 $0x78000, v63  }
0xf: {  	v3 =	vsel vm1, $0xFFFFFFFF, v3;
	v0 =	vsel vm1, $0xFFFF8000, v0;
	v4 =	vand.u32 $0xFFFF8000, v2  }
0x10: {  	v5 =	vand.u32 $0x7F, v3;
	v0 =	vadd.s32 v0, v4;
	v3 =	vshll.u32 v3, $0x1  }
0x11: {  	v2 =	vshll.u32 v2, $0x7;
	v3 =	vand.u32 $0xFFFFFF00, v3;
	v0 =	vor.u32 v5, v0  }
0x12: {  	v2 =	vand.u32 $0x80, v2;
	v0 =	vadd.s32 v3, v0  }
0x13: {  	v0 =	vor.u32 v2, v0;
	_ =	sdelay $0x1  }
0x14: {  	(ifvalue) =	ssetifvalue $0x7FFFFFFF;
	s15 =	sadd.s32 $0x10, s15  }
0x15: {  	[tilespmem:s15], [sflag:$0x1] =	stream.indirect_vreg.gather [hbm4b:s3+s10], $0x1, v1, vm0, $0x4038;
	[tilespmem:$0x140] =	vst v63  }
0x16: {  	(ifvalue) =	ssetifvalue $0x7FFFFFFF;
	s15 =	sadd.s32 $0x10, s15  }
0x17: {  	[tilespmem:s15], [sflag:$0x1] =	stream.indirect_vreg.gather [hbm4b:s3+s10], $0x1, v0, vm0, $0x4038;
	[tilespmem:$0x140] =	vst v63  }
0x18: {  	_ =	swait.ge [sflag:s5], $0x50  }
0x19: {  	s30 =	sshrl.u32 s13, $0x3;
	[sflag:s5] =	ssyncset.done $0x0  }
0x1a: {  	s31 =	sand.u32 $0x7, s13;
	s15 =	sadd.s32 s2, s30;
	[sflag:s5] =	ssyncadd.s32 $0xFFFFFFB0  }
0x1b: {  	[hbm4b:s15+s31] =	stream.linear.scatter [tilespmem:s14], [sflag:$0x3], $0x50, $0x38;
	[tilespmem:$0x140] =	vst v63  }
.LBB2_5:
0x1c: {  	s15 =	sadd.s32 $0xA00, s11  }
0x1d: {  	p1 =	sgt.s32 s15, $0xC7F  }
0x1e: {  	s15 =	smov.u32 @p1 s4;
	p1 =	sne.s32 s12, s9  }
.Ltmp1:
0x1f: {  	p0 =	slt.u32 s12, $0x2;
	(pc) =	sbr.rel @!p1 .LBB2_6-.Ltmp1, $4  }
0x20: {  	s14 =	simm.s32 @!p0 $0x3  }
0x21: {  	_ =	swait.ge @!p0 [sflag:s14], $0x50  }
0x22: {  	s16 =	sadd.s32 $0x1, s12;
	s13 =	smov.u32 s11;
	[sflag:s14] =	ssyncset.done @!p0 $0x0  }
0x23: {  	s12 =	smov.u32 s16;
	s11 =	smov.u32 s15;
	[sflag:s14] =	ssyncadd.s32 @!p0 $0xFFFFFFB0  }
.LBB2_1:
0x24: {  	p0 =	sge.u32 s12, s7  }
0x25: {  	s14 =	sxor.u32 @!p0 $0x1, s12  }
0x26: {  	s14 =	smul.u32 @!p0 $0x140, s14  }
0x27: {  	s31 =	sadd.s32 $0xFFFFFFFF, s12;
	s15 =	sshrl.u32 @!p0 s11, $0x3  }
0x28: {  	s16 =	sand.u32 @!p0 $0x7, s11;
	s15 =	sadd.s32 @!p0 s8, s15;
	s14 =	sshra.s32 @!p0 s14, $0x2  }
0x29: {  	[tilespmem:s14], [sflag:$0x2] =	stream.linear.gather @!p0 [hbm4b:s15+s16], $0x50, $0x38;
	[tilespmem:$0x140] =	vst v63  }
0x2a: {  	p0 =	sge.u32 s31, s7  }
.Ltmp2:
0x2b: {  	_ = 	snop;
	(pc) =	sbr.rel @p0 .LBB2_5-.Ltmp2, $1  }
0x2c: {  	_ =	sdelay $0x3  }
0x2d: {  	s14 =	sand.u32 $0x1, s12  }
0x2e: {  	_ =	swait.ge [sflag:s6], $0x50;
	p0 =	seq.s32 s14, $0x1;
	s14 =	simm.s32 $0x50  }
0x2f: {  	[sflag:s6] =	ssyncset.done $0x0;
	s14 =	simm.s32 @!p0 $0x0  }
0x30: {  	[sflag:s6] =	ssyncadd.s32 $0xFFFFFFB0;
	(ifvalue) =	ssetifvalue $0x7FFFFFFF;
	v0 =	vld.msk [tilespmem:s14+$0x0 ss:$0x1], $0xffff;
	_ =	sdelay $0x1  }
0x31: {  	s15 =	sadd.s32 $0x10, s14  }
0x32: {  	v3 =	vld.msk [tilespmem:s15+$0x0 ss:$0x1], $0xffff;
	_ =	sdelay $0x1  }
0x33: {  	vm1 =	veq.s32 v0, $0x80000000  }
0x34: {  	v1 =	vshrl.u32 v0, $0x4;
	v2 =	vshrl.u32 v0, $0x5;
	v0 =	vshll.u32 v0, $0xF  }
0x35: {  	v1 =	vand.u32 $0x1, v1;
	v2 =	vand.u32 $0x3FFF, v2;
	v0 =	vand.u32 $0x78000, v0  }
0x36: {  	v62 =	vshrl.u32 v3, $0x5;
	v1 =	vsel vm1, $0xFFFFFFFF, v1;
	v2 =	vsel vm1, $0xFFFFFFFF, v2  }
0x37: {  	v0 =	vsel vm1, $0xFFFF8000, v0;
	vm1 =	veq.s32 v3, $0x80000000;
	v4 =	vand.u32 $0xFFFF8000, v1  }
0x38: {  	v5 =	vand.u32 $0x7F, v2;
	v2 =	vshll.u32 v2, $0x1;
	v0 =	vadd.s32 v0, v4  }
0x39: {  	v1 =	vshll.u32 v1, $0x7;
	v2 =	vand.u32 $0xFFFFFF00, v2;
	v0 =	vor.u32 v5, v0  }
0x3a: {  	v1 =	vand.u32 $0x80, v1;
	v0 =	vadd.s32 v2, v0;
	v2 =	vshrl.u32 v3, $0x4  }
0x3b: {  	s15 =	sadd.s32 $0x10, s15;
	v3 =	vshll.u32 v3, $0xF;
	v1 =	vor.u32 v1, v0;
	v2 =	vand.u32 $0x1, v2  }
0x3c: {  	v4 =	vand.u32 $0x3FFF, v62;
	v0 =	vld.msk [tilespmem:s15+$0x0 ss:$0x1], $0xffff;
	v3 =	vand.u32 $0x78000, v3;
	v2 =	vsel vm1, $0xFFFFFFFF, v2  }
0x3d: {  	v4 =	vsel vm1, $0xFFFFFFFF, v4;
	v3 =	vsel vm1, $0xFFFF8000, v3;
	v63 =	vand.u32 $0xFFFF8000, v2  }
0x3e: {  	v6 =	vand.u32 $0x7F, v4;
	v4 =	vshll.u32 v4, $0x1;
	v3 =	vadd.s32 v3, v63  }
0x3f: {  	s14 =	sor.u32 $0xA0, s14;
	(ifvalue) =	ssetifvalue $0x7FFFFFFF;
	v4 =	vand.u32 $0xFFFFFF00, v4;
	v2 =	vshll.u32 v2, $0x7;
	v3 =	vor.u32 v6, v3  }
0x40: {  	[tilespmem:s14], [sflag:$0x1] =	stream.indirect_vreg.gather [hbm4b:s3+s10], $0x1, v1, vm0, $0x4038;
	v1 =	vand.u32 $0x80, v2;
	v3 =	vadd.s32 v4, v3;
	[tilespmem:$0x140] =	vst v63  }
0x41: {  	s16 =	simm.s32 $0x20;
	s17 =	sadd.s32 $0x10, s15;
	s15 =	smov.u32 s14;
	vm1 =	veq.s32 v0, $0x80000000;
	v2 =	vshrl.u32 v0, $0x4;
	v1 =	vor.u32 v1, v3  }
.LBB2_3:
0x42: {  	s16 =	sadd.s32 $0x10, s16;
	v2 =	vand.u32 $0x1, v2;
	v3 =	vshrl.u32 v0, $0x5;
	v4 =	vshll.u32 v0, $0xF;
	v0 =	vld.msk [tilespmem:s17+$0x0 ss:$0x1], $0xffff  }
0x43: {  	p0 =	slt.u32 s16, $0x40;
	v2 =	vsel vm1, $0xFFFFFFFF, v2;
	v3 =	vand.u32 $0x3FFF, v3;
	v4 =	vand.u32 $0x78000, v4  }
.Ltmp3:
0x44: {  	v3 =	vsel vm1, $0xFFFFFFFF, v3;
	v4 =	vsel vm1, $0xFFFF8000, v4;
	v5 =	vand.u32 $0xFFFF8000, v2;
	(pc) =	sbr.rel @p0 .LBB2_3-.Ltmp3, $4  }
0x45: {  	s15 =	sadd.s32 $0x10, s15;
	v6 =	vand.u32 $0x7F, v3;
	v4 =	vadd.s32 v4, v5;
	v3 =	vshll.u32 v3, $0x1;
	(ifvalue) =	ssetifvalue $0x7FFFFFFF  }
0x46: {  	v2 =	vshll.u32 v2, $0x7;
	v3 =	vand.u32 $0xFFFFFF00, v3;
	v4 =	vor.u32 v6, v4;
	[tilespmem:s15], [sflag:$0x1] =	stream.indirect_vreg.gather [hbm4b:s3+s10], $0x1, v1, vm0, $0x4038;
	[tilespmem:$0x140] =	vst v63  }
0x47: {  	v1 =	vand.u32 $0x80, v2;
	v3 =	vadd.s32 v3, v4  }
0x48: {  	s17 =	sadd.s32 $0x10, s17;
	vm1 =	veq.s32 v0, $0x80000000;
	v2 =	vshrl.u32 v0, $0x4;
	v1 =	vor.u32 v1, v3  }
.Ltmp4:
0x49: {  	_ = 	snop;
	(pc) =	sbr.rel .LBB2_4-.Ltmp4, $1  }
0x4a: {  	_ =	sdelay $0x3  }
.LBB2_6:
0x4b: {  	_ =	sfence.sel $0x180000  }
0x4c: {  	s2 =	simm.s32 $0x2;
	[bflag:$0x0] =	sbarrier.arrive $0xFFFF  }
0x4d: {  	s30 =	simm.s32 $0x3;
	[sflag:s2] =	ssyncpa.u1 $0x1  }
0x4e: {  	s31 =	simm.s32 $0x1;
	[sflag:s30] =	ssyncpa.u1 $0x1  }
0x4f: {  	[sflag:s31] =	ssyncpa.u1 $0x1  }
0x50: {  	p0 =	sne.s32 s0, $0x0;
	_ =	strace $0x90000053  }
0x51: {  	s0 =	sadd.s32 @!p0 $0x100000, s1;
	[bflag:$0x2] =	sbarrier.arrive $0xFFFF  }
0x52: {  	[sflag:s0] =	ssyncadd.tile.s32 @!p0 $0x1;
	_ =	shalt  }
.Lfunc_end2:
_tile_overlayer_lowered:
.L_overlay_start_2:
0x53: {  	(tag) =	ssettag $0x2  }
0x54: {  	s0 =	rddreg [dreg:$0x0];
	s2 =	stileid.u32  }
0x55: {  	s1 =	rddreg [dreg:$0x1];
	p0 =	sne.s32 s2, $0x0  }
0x56: {  	s3 =	rddreg [dreg:$0x2];
	[bflag:$0x3] =	sbarrier.arrive $0xFFFF;
	s2 =	simm.s32 @!p0 $0x1C01  }
0x57: {  	[timem:s3], [sflag:s2] =	dma.local @!p0 [hbm:s0], s1  }
0x58: {  	s0 =	simm.s32 @!p0 $0x1  }
0x59: {  	_ =	swait.ge @!p0 [sflag:s0], s1  }
0x5a: {  	s1 =	ssub.s32 @!p0 $0x0, s1;
	[sflag:s0] =	ssyncset.done @!p0 $0x0  }
0x5b: {  	[sflag:s0] =	ssyncadd.s32 @!p0 s1  }
0x5c: {  	[bflag:$0x3] =	sbarrier.arrive $0xFFFF  }
0x5d: {  	_ =	shalt  }

// kernel: gather_offload_async_start
scs
__scs_entry_jumppad:
0x0: {  	(pc) =	sbr.rel $0x88, $3  }
0x1: {  	(tag) =	ssettag $0x0;
	lr =	simm.s32 $0x1  }
0x2: {  	[smem:$0x3F9A] =	sst lr;
	_ =	strace $0xD0000000  }
0x3: {  	_ = 	snop  }
0x4: {  	_ = 	snop  }
0x5: {  	_ = 	snop  }
0x6: {  	_ = 	snop  }
0x7: {  	_ = 	snop  }
__scs_overlays_trampoline_lowered:
0x8: {  	[smem:$0x3FA9] =	sst s0  }
0x9: {  	[smem:$0x3FAA] =	sst s1  }
0xa: {  	[smem:$0x3FAB] =	sst s2  }
0xb: {  	[smem:$0x3FAC] =	sst s3  }
0xc: {  	[smem:$0x3FAD] =	sst s4  }
0xd: {  	[smem:$0x3FAE] =	sst s5  }
0xe: {  	[smem:$0x3FAF] =	sst s6  }
0xf: {  	[smem:$0x3FB0] =	sst s7  }
0x10: {  	[smem:$0x3FB1] =	sst s8  }
0x11: {  	[smem:$0x3FB2] =	sst s9;
	s0 =	simm.s32 @!p0 $0x0  }
0x12: {  	s1 =	sld [smem:$0x3F98];
	s0 =	simm.s32 @p0 $0x1  }
0x13: {  	[smem:$0x3FB3] =	sst s0;
	s0 =	simm.s32 @!p1 $0x0  }
0x14: {  	s2 =	sld [smem:$0x3F97];
	s0 =	simm.s32 @p1 $0x1  }
0x15: {  	[smem:$0x3FB4] =	sst s0;
	s0 =	simm.s32 @!p2 $0x0  }
0x16: {  	s3 =	sld [smem:$0x3FDB];
	s0 =	simm.s32 @p2 $0x1  }
0x17: {  	s4 =	simm.s32 $0x1BF5;
	[smem:$0x3FB6] =	sst s0  }
0x18: {  	s0 =	sld [smem:$0x3F99];
	_ =	swait.ge [sflag:s4], $0x0  }
0x19: {  	s7 =	sld [smem:$0x3F9A]  }
0x1a: {  	s8 =	sadd.s32 $0xFFFFE003, lr  }
0x1b: {  	s9 =	sadd.s32 $0xFFFFFEF7, lr;
	s5 =	simm.s32 $0xFFFFFFFF;
	p2 =	slt.u32 s8, $0xFFFFF086  }
0x1c: {  	p1 =	slt.u32 s9, $0xF7A;
	s5 =	simm.s32 @!p2 $0x0  }
0x1d: {  	s5 =	simm.s32 @p1 $0x1;
	p0 =	seq.s32 s7, s2  }
0x1e: {  	s7 =	smul.u32 @!p0 $0xF7A, s2;
	p2 =	seq.s32 @!p0 s5, $0x0  }
0x1f: {  	s9 =	smul.u32 $0xF7A, s1;
	s8 =	simm.s32 @!p0 $0x1BF5;
	p2 =	por !p2, p0  }
0x20: {  	[sflag:s8] =	ssyncset.s32 @!p0 $0xFFFFF086;
	s6 =	sadd.s32 @!p0 s3, s7;
	s7 =	simm.s32 @!p0 $0x108  }
0x21: {  	s3 =	sadd.s32 s3, s9;
	s6 =	sadd.s32 @!p0 $0x88, s6;
	s7 =	simm.s32 @p2 $0x1082  }
0x22: {  	[simem:s7], [sflag:s8] =	dma.local @!p0 [hbm:s6], $0xF7A  }
0x23: {  	s9 =	sor.u32 $0xD0000000, s2;
	s6 =	simm.s32 $0x108;
	_ =	swait.ge @!p0 [sflag:s8], $0x0  }
0x24: {  	s3 =	sadd.s32 $0x88, s3;
	s6 =	simm.s32 @!p1 $0x1082;
	[sflag:s4] =	ssyncset.s32 $0xFFFFF086  }
0x25: {  	[simem:s6], [sflag:s4] =	dma.local [hbm:s3], $0xF7A  }
0x26: {  	[smem:$0x3F9A] =	sst s1;
	(tag) =	ssettag s2;
	_ =	strace s9  }
0x27: {  	s1 =	sld [smem:$0x3FAA]  }
0x28: {  	s2 =	sld [smem:$0x3FAB]  }
0x29: {  	s4 =	sld [smem:$0x3FAD]  }
0x2a: {  	p0 =	seq.s32 s5, $0x0;
	s5 =	sld [smem:$0x3FAE]  }
0x2b: {  	s6 =	sld [smem:$0x3FAF]  }
0x2c: {  	s7 =	sld [smem:$0x3FB0]  }
0x2d: {  	s3 =	simm.s32 $0x108;
	s8 =	sld [smem:$0x3FB1]  }
0x2e: {  	s3 =	simm.s32 @!p0 $0x1082;
	s9 =	sld [smem:$0x3FB2]  }
0x2f: {  	lr =	sadd.s32 s0, s3;
	s0 =	sld [smem:$0x3FA9]  }
0x30: {  	s3 =	sld [smem:$0x3FAC]  }
0x31: {  	[smem:$0x3FB5] =	sst s10  }
0x32: {  	s10 =	sld [smem:$0x3FB3];
	_ =	sdelay $0x3  }
0x33: {  	p0 =	seq.s32 s10, $0x1;
	s10 =	sld [smem:$0x3FB5];
	_ =	sdelay $0x3  }
0x34: {  	[smem:$0x3FB5] =	sst s10  }
0x35: {  	s10 =	sld [smem:$0x3FB4];
	_ =	sdelay $0x3  }
0x36: {  	p1 =	seq.s32 s10, $0x1;
	s10 =	sld [smem:$0x3FB5];
	_ =	sdelay $0x3  }
0x37: {  	[smem:$0x3FB5] =	sst s10  }
0x38: {  	s10 =	sld [smem:$0x3FB6]  }
0x39: {  	_ = 	snop;
	(pc) =	sbr.ind lr, $3  }
0x3a: {  	_ = 	snop  }
0x3b: {  	_ = 	snop  }
0x3c: {  	p2 =	seq.s32 s10, $0x1;
	s10 =	sld [smem:$0x3FB5]  }
0x3d: {  	_ =	shalt  }
0x3e: {  	_ =	shalt  }
0x3f: {  	_ =	shalt  }
0x40: {  	_ =	shalt  }
0x41: {  	_ =	shalt  }
0x42: {  	_ =	shalt  }
0x43: {  	_ =	shalt  }
0x44: {  	_ =	shalt  }
0x45: {  	_ =	shalt  }
0x46: {  	_ =	shalt  }
0x47: {  	_ =	shalt  }
0x48: {  	_ =	shalt  }
0x49: {  	_ =	shalt  }
0x4a: {  	_ =	shalt  }
0x4b: {  	_ =	shalt  }
0x4c: {  	_ =	shalt  }
0x4d: {  	_ =	shalt  }
0x4e: {  	_ =	shalt  }
0x4f: {  	_ =	shalt  }
0x50: {  	_ =	shalt  }
0x51: {  	_ =	shalt  }
0x52: {  	_ =	shalt  }
0x53: {  	_ =	shalt  }
0x54: {  	_ =	shalt  }
0x55: {  	_ =	shalt  }
0x56: {  	_ =	shalt  }
0x57: {  	_ =	shalt  }
0x58: {  	_ =	shalt  }
0x59: {  	_ =	shalt  }
0x5a: {  	_ =	shalt  }
0x5b: {  	_ =	shalt  }
0x5c: {  	_ =	shalt  }
0x5d: {  	_ =	shalt  }
0x5e: {  	_ =	shalt  }
0x5f: {  	_ =	shalt  }
0x60: {  	_ =	shalt  }
0x61: {  	_ =	shalt  }
0x62: {  	_ =	shalt  }
0x63: {  	_ =	shalt  }
0x64: {  	_ =	shalt  }
0x65: {  	_ =	shalt  }
0x66: {  	_ =	shalt  }
0x67: {  	_ =	shalt  }
0x68: {  	_ =	shalt  }
0x69: {  	_ =	shalt  }
0x6a: {  	_ =	shalt  }
0x6b: {  	_ =	shalt  }
0x6c: {  	_ =	shalt  }
0x6d: {  	_ =	shalt  }
0x6e: {  	_ =	shalt  }
0x6f: {  	_ =	shalt  }
0x70: {  	_ =	shalt  }
0x71: {  	_ =	shalt  }
0x72: {  	_ =	shalt  }
0x73: {  	_ =	shalt  }
0x74: {  	_ =	shalt  }
0x75: {  	_ =	shalt  }
0x76: {  	_ =	shalt  }
0x77: {  	_ =	shalt  }
0x78: {  	_ =	shalt  }
0x79: {  	_ =	shalt  }
0x7a: {  	_ =	shalt  }
0x7b: {  	_ =	shalt  }
0x7c: {  	_ =	shalt  }
0x7d: {  	_ =	shalt  }
0x7e: {  	_ =	shalt  }
0x7f: {  	_ =	shalt  }
0x80: {  	_ =	shalt  }
0x81: {  	_ =	shalt  }
0x82: {  	_ =	shalt  }
0x83: {  	_ =	shalt  }
0x84: {  	_ =	shalt  }
0x85: {  	_ =	shalt  }
0x86: {  	_ =	shalt  }
0x87: {  	_ =	shalt  }
.Lfunc_end0:
.L_simem_size_0:
called_computation_lowered:
.L_overlay_start_0:
0x88: {  	s2 =	sld [smem:$0x3FD9]  }
0x89: {  	s3 =	sld [smem:$0x3FFE];
	_ =	sdelay $0x1  }
0x8a: {  	s1 =	srdreg.scid  }
0x8b: {  	s0 =	sand.u32 $0x1, s1  }
0x8c: {  	s14 =	sshll.u32 s0, $0xA;
	s2 =	sadd.s32 s3, s2  }
0x8d: {  	s2 =	sadd.s32 s2, s14  }
0x8e: {  	[smem:$0x3FC1] =	sst s2  }
0x8f: {  	_ = 	snop  }
0x90: {  	s2 =	sld [smem:$0x3FD0];
	_ =	sdelay $0x2  }
0x91: {  	s15 =	simm.s32 $0xA;
	s4 =	simm.s32 $0x10  }
0x92: {  	[smem:s4], [sflag:s15] =	dma.local [hbm:s2], $0x1  }
0x93: {  	_ =	swait.eq [sflag:s15], $0x1  }
0x94: {  	[sflag:s15] =	ssyncset.done $0x0  }
0x95: {  	s16 =	sld [smem:$0x15];
	[sflag:s15] =	ssyncadd.s32 $0xFFFFFFFF  }
0x96: {  	s17 =	sld [smem:$0x16];
	(tm) =	ssettm $0x1  }
0x97: {  	s18 =	sld [smem:$0x3FFB];
	_ =	sdelay $0x3  }
0x98: {  	_ =	strace s18  }
0x99: {  	s4 =	sld [smem:$0x3FFC];
	_ =	sdelay $0x3  }
0x9a: {  	_ =	strace s4  }
0x9b: {  	s4 =	sld [smem:$0x3FFD];
	_ =	sdelay $0x3  }
0x9c: {  	_ =	strace s4  }
0x9d: {  	_ =	strace $0x8FFFFFFF  }
0x9e: {  	s19 =	sld [smem:$0x3FDB];
	_ =	sdelay $0x1  }
0x9f: {  	s5 =	simm.s32 $_scs_section_size  }
0xa0: {  	s6 =	simm.s32 $_size__tile_overlayer_lowered;
	s7 =	simm.s32 $_tile_overlayer_lowered  }
0xa1: {  	s22 =	simm.s32 $0x1BFF;
	s21 =	sshll.u32 s7, $0x1;
	s4 =	sadd.s32 s5, s19  }
0xa2: {  	s8 =	simm.s32 $0x0;
	s20 =	sshll.u32 s6, $0x1;
	s6 =	sadd.s32 s21, s4  }
0xa3: {  	[timem:s8], [sflag:s22] =	dma.local [hbm:s6], s20  }
0xa4: {  	_ =	swait.ge [sflag:s22], s20  }
0xa5: {  	s5 =	ssub.s32 $0x0, s20;
	[sflag:s22] =	ssyncset.done $0x0  }
0xa6: {  	[sflag:s22] =	ssyncadd.s32 s5;
	_ =	sdelay $0x1  }
0xa7: {  	s23 =	simm.s32 $0x1B8B  }
0xa8: {  	_ =	swait.ge [sflag:s23], $0x1  }
0xa9: {  	[sflag:s23] =	ssyncset.done $0x0  }
0xaa: {  	s25 =	simm.s32 $0x1B8E;
	s24 =	sld [smem:$0x3FFE];
	[sflag:s23] =	ssyncadd.s32 $0xFFFFFFFF  }
0xab: {  	s26 =	simm.s32 $execute0_lowered;
	[smem:$0x3FD2] =	sst s25  }
0xac: {  	s6 =	sshll.u32 s26, $0x1;
	_ =	strace $0x80000055;
	[dreg:$0x1] =	wrdreg $0xFFFFFFFF  }
0xad: {  	s28 =	simm.s32 $_size_execute0_lowered;
	s4 =	sadd.s32 s4, s6;
	[dreg:$0x0] =	wrdreg $0x0  }
0xae: {  	s6 =	sshll.u32 s28, $0x1;
	[dreg:$0x2] =	wrdreg s4  }
0xaf: {  	[dreg:$0x3] =	wrdreg s6  }
0xb0: {  	[dreg:$0x4] =	wrdreg $0xC0  }
0xb1: {  	_ =	task [dreg:s8], $0x5FFFF  }
0xb2: {  	[dreg:$0x1] =	wrdreg $0xFFFFFFFF  }
0xb3: {  	[dreg:$0x0] =	wrdreg $0x60  }
0xb4: {  	[dreg:$0x2] =	wrdreg s24  }
0xb5: {  	[dreg:$0x3] =	wrdreg s17  }
0xb6: {  	[dreg:$0x4] =	wrdreg s16  }
0xb7: {  	[dreg:$0x5] =	wrdreg $0x9  }
0xb8: {  	_ =	task.clear_ibuf [dreg:s8], $0x6FFFF;
	_ =	strace $0x90000055  }
0xb9: {  	s29 =	simm.s32 $0x9;
	_ =	strace $0x80000057  }
0xba: {  	_ =	swait.ge [sflag:s29], $0x1  }
0xbb: {  	[sflag:s29] =	ssyncadd.s32 $0xFFFFFFFF  }
0xbc: {  	_ =	strace $0x90000057  }
0xbd: {  	_ =	sfence  }
0xbe: {  	s30 =	sld [smem:$0x0];
	_ =	sdelay $0x2  }
0xbf: {  	s31 =	sshll.u32 s1, $0xD;
	s1 =	sshrl.u32 s1, $0x2  }
0xc0: {  	s3 =	sand.u32 $0x4000, s31;
	s1 =	sadd.s32 s1, s30  }
0xc1: {  	s0 =	sor.u32 s3, s0;
	s1 =	sshll.u32 s1, $0x11  }
0xc2: {  	s0 =	sor.u32 s1, s0  }
0xc3: {  	s0 =	sadd.s32 $0x8F2B, s0  }
0xc4: {  	[sflag:s0] =	ssyncadd.remote.s32 $0x1  }
0xc5: {  	_ =	sfence.sel $0xFFFF  }
0xc6: {  	[dreg:$0x0] =	wrdreg $0xFFFFFFFF;
	(pc) =	sbr.abs _section_cstart, $3  }
0xc7: {  	[dreg:$0x1] =	wrdreg $0xFFFFFFFF  }
0xc8: {  	_ =	task.clear_ibuf [dreg:s8], $0x2FFFF;
	_ =	strace $0x9FFFFFFF  }
0xc9: {  	(tm) =	ssettm $0x7FFFFFFF  }
tec
execute0_lowered:
.L_overlay_start_1:
0x0: {  	(tag) =	ssettag $0x1  }
0x1: {  	s8 =	rddreg [dreg:$0x0]  }
0x2: {  	s2 =	rddreg [dreg:$0x1]  }
0x3: {  	s0 =	stileid.u32;
	s1 =	srdreg.scid  }
0x4: {  	s3 =	rddreg [dreg:$0x2];
	s9 =	simm.s32 $0x1;
	s10 =	simm.s32 $0x3  }
0x5: {  	s13 =	simm.s32 $0x0;
	s4 =	sand.u32 $0x1, s1;
	s5 =	sshll.u32 s0, $0x1  }
0x6: {  	s12 =	simm.s32 $0x0;
	s1 =	rddreg [dreg:$0x3];
	s6 =	sor.u32 s5, s4  }
0x7: {  	_ =	strace $0x80000056;
	s8 =	sadd.s32 $0x9C000, s8;
	s4 =	smul.u32 $0x280, s6  }
0x8: {  	s5 =	simm.s32 $0x1;
	p0 =	slt.u32 s6, $0x9;
	s6 =	simm.s32 $0x5000  }
.Ltmp0:
0x9: {  	s6 =	simm.s32 @!p0 $0x0;
	s7 =	ssub.s32 $0x6400, s4;
	(pc) =	sbr.rel .LBB2_1-.Ltmp0, $4  }
0xa: {  	s9 =	simm.s32 @!p0 $0x0;
	p0 =	sne.s32 s7, s6;
	s7 =	simm.s32 $0x1  }
0xb: {  	[sflag:s5] =	ssyncpa.u1 $0x0;
	s6 =	simm.s32 $0x2;
	s7 =	simm.s32 @!p0 $0x0  }
0xc: {  	s11 =	smov.u32 s4;
	[sflag:s6] =	ssyncpa.u1 $0x0;
	s7 =	sadd.s32 s9, s7  }
0xd: {  	vm0 =	vmmov $0xffff;
	[sflag:s10] =	ssyncpa.u1 $0x0;
	s10 =	simm.s32 $0x0;
	s9 =	sadd.s32 $0x1, s7  }
.LBB2_4:
0xe: {  	v3 =	vshrl.u32 v0, $0x4;
	v4 =	vshrl.u32 v0, $0x8;
	v1 =	vor.u32 v1, v2  }
0xf: {  	v62 =	vshll.u32 v0, $0x12;
	v60 =	vand.u32 $0xF, v3;
	v61 =	vand.u32 $0x3FFF, v4  }
0x10: {  	v0 =	vand.u32 $0x3C0000, v62;
	v2 =	vsel vm1, $0xFFFFFFFF, v60;
	v3 =	vsel vm1, $0xFFFFFFFF, v61  }
0x11: {  	v0 =	vsel vm1, $0xFFFC0000, v0;
	v63 =	vand.u32 $0x7F, v3;
	v5 =	vshll.u32 v2, $0xE  }
0x12: {  	v3 =	vshll.u32 v3, $0x3;
	v5 =	vand.u32 $0xFFFE0000, v5;
	v0 =	vor.u32 v0, v63  }
0x13: {  	v2 =	vshll.u32 v2, $0x7;
	v3 =	vand.u32 $0xFFFFFC00, v3;
	v0 =	vadd.s32 v5, v0  }
0x14: {  	v2 =	vand.u32 $0x380, v2;
	v0 =	vadd.s32 v3, v0  }
0x15: {  	v0 =	vor.u32 v2, v0;
	_ =	sdelay $0x1  }
0x16: {  	(ifvalue) =	ssetifvalue $0x7FFFFFFF;
	s15 =	sadd.s32 $0x10, s15  }
0x17: {  	[tilespmem:s15], [sflag:$0x1] =	stream.indirect_vreg.gather [hbm4b:s8+s10], $0x1, v1, vm0, $0x4038;
	[tilespmem:$0xA00] =	vst v63  }
0x18: {  	(ifvalue) =	ssetifvalue $0x7FFFFFFF;
	s15 =	sadd.s32 $0x10, s15  }
0x19: {  	[tilespmem:s15], [sflag:$0x1] =	stream.indirect_vreg.gather [hbm4b:s8+s10], $0x1, v0, vm0, $0x4038;
	[tilespmem:$0xA00] =	vst v63  }
0x1a: {  	_ =	swait.ge [sflag:s5], $0x280  }
0x1b: {  	s30 =	sshrl.u32 s13, $0x3;
	[sflag:s5] =	ssyncset.done $0x0  }
0x1c: {  	s31 =	sand.u32 $0x7, s13;
	s15 =	sadd.s32 s3, s30;
	[sflag:s5] =	ssyncadd.s32 $0xFFFFFD80  }
0x1d: {  	[hbm4b:s15+s31] =	stream.linear.scatter [tilespmem:s14], [sflag:$0x3], $0x280, $0x38;
	[tilespmem:$0xA00] =	vst v63  }
.LBB2_5:
0x1e: {  	s15 =	sadd.s32 $0x5000, s11  }
0x1f: {  	p1 =	sgt.s32 s15, $0x63FF  }
0x20: {  	s15 =	smov.u32 @p1 s4;
	p1 =	sne.s32 s12, s9  }
.Ltmp1:
0x21: {  	p0 =	slt.u32 s12, $0x2;
	(pc) =	sbr.rel @!p1 .LBB2_6-.Ltmp1, $4  }
0x22: {  	s14 =	simm.s32 @!p0 $0x3  }
0x23: {  	_ =	swait.ge @!p0 [sflag:s14], $0x280  }
0x24: {  	s16 =	sadd.s32 $0x1, s12;
	s13 =	smov.u32 s11;
	[sflag:s14] =	ssyncset.done @!p0 $0x0  }
0x25: {  	s12 =	smov.u32 s16;
	s11 =	smov.u32 s15;
	[sflag:s14] =	ssyncadd.s32 @!p0 $0xFFFFFD80  }
.LBB2_1:
0x26: {  	p0 =	sge.u32 s12, s7  }
0x27: {  	s14 =	sxor.u32 @!p0 $0x1, s12  }
0x28: {  	s14 =	smul.u32 @!p0 $0xA00, s14  }
0x29: {  	s31 =	sadd.s32 $0xFFFFFFFF, s12;
	s15 =	sshrl.u32 @!p0 s11, $0x3  }
0x2a: {  	s16 =	sand.u32 @!p0 $0x7, s11;
	s15 =	sadd.s32 @!p0 s2, s15;
	s14 =	sshra.s32 @!p0 s14, $0x2  }
0x2b: {  	[tilespmem:s14], [sflag:$0x2] =	stream.linear.gather @!p0 [hbm4b:s15+s16], $0x280, $0x38;
	[tilespmem:$0xA00] =	vst v63  }
0x2c: {  	p0 =	sge.u32 s31, s7  }
.Ltmp2:
0x2d: {  	_ = 	snop;
	(pc) =	sbr.rel @p0 .LBB2_5-.Ltmp2, $1  }
0x2e: {  	_ =	sdelay $0x3  }
0x2f: {  	s14 =	sand.u32 $0x1, s12  }
0x30: {  	_ =	swait.ge [sflag:s6], $0x280;
	p0 =	seq.s32 s14, $0x1;
	s14 =	simm.s32 $0x280  }
0x31: {  	[sflag:s6] =	ssyncset.done $0x0;
	s14 =	simm.s32 @!p0 $0x0  }
0x32: {  	[sflag:s6] =	ssyncadd.s32 $0xFFFFFD80;
	(ifvalue) =	ssetifvalue $0x7FFFFFFF;
	v0 =	vld.msk [tilespmem:s14+$0x0 ss:$0x1], $0xffff;
	_ =	sdelay $0x4  }
0x33: {  	s15 =	sadd.s32 $0x10, s14;
	vm1 =	veq.s32 v0, $0x80000000;
	v1 =	vshrl.u32 v0, $0x4;
	v2 =	vshrl.u32 v0, $0x8  }
0x34: {  	v3 =	vld.msk [tilespmem:s15+$0x0 ss:$0x1], $0xffff;
	v0 =	vshll.u32 v0, $0x12;
	v1 =	vand.u32 $0xF, v1;
	v2 =	vand.u32 $0x3FFF, v2  }
0x35: {  	v0 =	vand.u32 $0x3C0000, v0;
	v1 =	vsel vm1, $0xFFFFFFFF, v1;
	v2 =	vsel vm1, $0xFFFFFFFF, v2  }
0x36: {  	v0 =	vsel vm1, $0xFFFC0000, v0;
	v4 =	vand.u32 $0x7F, v2;
	v5 =	vshll.u32 v1, $0xE  }
0x37: {  	v2 =	vshll.u32 v2, $0x3;
	v5 =	vand.u32 $0xFFFE0000, v5;
	v0 =	vor.u32 v0, v4  }
0x38: {  	v1 =	vshll.u32 v1, $0x7;
	v2 =	vand.u32 $0xFFFFFC00, v2;
	v0 =	vadd.s32 v5, v0  }
0x39: {  	v62 =	vshrl.u32 v3, $0x8;
	v1 =	vand.u32 $0x380, v1;
	v0 =	vadd.s32 v2, v0  }
0x3a: {  	s15 =	sadd.s32 $0x10, s15;
	vm1 =	veq.s32 v3, $0x80000000;
	v2 =	vshrl.u32 v3, $0x4;
	v1 =	vor.u32 v1, v0  }
0x3b: {  	v4 =	vand.u32 $0x3FFF, v62;
	v3 =	vshll.u32 v3, $0x12;
	v0 =	vld.msk [tilespmem:s15+$0x0 ss:$0x1], $0xffff;
	v2 =	vand.u32 $0xF, v2  }
0x3c: {  	v4 =	vsel vm1, $0xFFFFFFFF, v4;
	v3 =	vand.u32 $0x3C0000, v3;
	v2 =	vsel vm1, $0xFFFFFFFF, v2  }
0x3d: {  	v63 =	vand.u32 $0x7F, v4;
	v3 =	vsel vm1, $0xFFFC0000, v3;
	v6 =	vshll.u32 v2, $0xE  }
0x3e: {  	s14 =	sor.u32 $0x500, s14;
	v4 =	vshll.u32 v4, $0x3;
	(ifvalue) =	ssetifvalue $0x7FFFFFFF;
	v3 =	vor.u32 v3, v63;
	v6 =	vand.u32 $0xFFFE0000, v6  }
0x3f: {  	v4 =	vand.u32 $0xFFFFFC00, v4;
	[tilespmem:s14], [sflag:$0x1] =	stream.indirect_vreg.gather [hbm4b:s8+s10], $0x1, v1, vm0, $0x4038;
	v1 =	vshll.u32 v2, $0x7;
	v2 =	vadd.s32 v6, v3;
	[tilespmem:$0xA00] =	vst v63  }
0x40: {  	s16 =	simm.s32 $0x20;
	s17 =	sadd.s32 $0x10, s15;
	s15 =	smov.u32 s14;
	vm1 =	veq.s32 v0, $0x80000000;
	v1 =	vand.u32 $0x380, v1;
	v2 =	vadd.s32 v4, v2  }
.LBB2_3:
0x41: {  	v3 =	vld.msk [tilespmem:s17+$0x0 ss:$0x1], $0xffff;
	v4 =	vshrl.u32 v0, $0x4;
	v5 =	vshrl.u32 v0, $0x8;
	v1 =	vor.u32 v1, v2;
	s16 =	sadd.s32 $0x10, s16  }
0x42: {  	v0 =	vshll.u32 v0, $0x12;
	v2 =	vand.u32 $0xF, v4;
	v4 =	vand.u32 $0x3FFF, v5;
	p0 =	slt.u32 s16, $0x270  }
.Ltmp3:
0x43: {  	v0 =	vand.u32 $0x3C0000, v0;
	v2 =	vsel vm1, $0xFFFFFFFF, v2;
	v4 =	vsel vm1, $0xFFFFFFFF, v4;
	(pc) =	sbr.rel @p0 .LBB2_3-.Ltmp3, $4  }
0x44: {  	v0 =	vsel vm1, $0xFFFC0000, v0;
	v5 =	vand.u32 $0x7F, v4;
	v6 =	vshll.u32 v2, $0xE  }
0x45: {  	s15 =	sadd.s32 $0x10, s15;
	v4 =	vshll.u32 v4, $0x3;
	v6 =	vand.u32 $0xFFFE0000, v6;
	v7 =	vor.u32 v0, v5;
	(ifvalue) =	ssetifvalue $0x7FFFFFFF  }
0x46: {  	v2 =	vshll.u32 v2, $0x7;
	v4 =	vand.u32 $0xFFFFFC00, v4;
	v5 =	vadd.s32 v6, v7;
	[tilespmem:s15], [sflag:$0x1] =	stream.indirect_vreg.gather [hbm4b:s8+s10], $0x1, v1, vm0, $0x4038;
	[tilespmem:$0xA00] =	vst v63  }
0x47: {  	s17 =	sadd.s32 $0x10, s17;
	vm1 =	veq.s32 v3, $0x80000000;
	v1 =	vand.u32 $0x380, v2;
	v0 =	vmovc v3;
	v2 =	vadd.s32 v4, v5  }
.Ltmp4:
0x48: {  	_ = 	snop;
	(pc) =	sbr.rel .LBB2_4-.Ltmp4, $1  }
0x49: {  	_ =	sdelay $0x3  }
.LBB2_6:
0x4a: {  	_ =	sfence.sel $0x180000  }
0x4b: {  	s2 =	simm.s32 $0x2;
	[bflag:$0x0] =	sbarrier.arrive $0xFFFF  }
0x4c: {  	s30 =	simm.s32 $0x3;
	[sflag:s2] =	ssyncpa.u1 $0x1  }
0x4d: {  	s31 =	simm.s32 $0x1;
	[sflag:s30] =	ssyncpa.u1 $0x1  }
0x4e: {  	[sflag:s31] =	ssyncpa.u1 $0x1  }
0x4f: {  	p0 =	sne.s32 s0, $0x0;
	_ =	strace $0x90000056  }
0x50: {  	s0 =	sadd.s32 @!p0 $0x100000, s1;
	[bflag:$0x2] =	sbarrier.arrive $0xFFFF  }
0x51: {  	[sflag:s0] =	ssyncadd.tile.s32 @!p0 $0x1;
	_ =	shalt  }
.Lfunc_end2:
_tile_overlayer_lowered:
.L_overlay_start_2:
0x52: {  	(tag) =	ssettag $0x2  }
0x53: {  	s0 =	rddreg [dreg:$0x0];
	s2 =	stileid.u32  }
0x54: {  	s1 =	rddreg [dreg:$0x1];
	p0 =	sne.s32 s2, $0x0  }
0x55: {  	s3 =	rddreg [dreg:$0x2];
	[bflag:$0x3] =	sbarrier.arrive $0xFFFF;
	s2 =	simm.s32 @!p0 $0x1C01  }
0x56: {  	[timem:s3], [sflag:s2] =	dma.local @!p0 [hbm:s0], s1  }
0x57: {  	s0 =	simm.s32 @!p0 $0x1  }
0x58: {  	_ =	swait.ge @!p0 [sflag:s0], s1  }
0x59: {  	s1 =	ssub.s32 @!p0 $0x0, s1;
	[sflag:s0] =	ssyncset.done @!p0 $0x0  }
0x5a: {  	[sflag:s0] =	ssyncadd.s32 @!p0 s1  }
0x5b: {  	[bflag:$0x3] =	sbarrier.arrive $0xFFFF  }
0x5c: {  	_ =	shalt  }

// kernel: kernel.6.cloned.1.call-start
scs
__scs_entry_jumppad:
0x0: {  	(pc) =	sbr.rel $0x88, $3  }
0x1: {  	(tag) =	ssettag $0x0;
	lr =	simm.s32 $0x1  }
0x2: {  	[smem:$0x3F9A] =	sst lr;
	_ =	strace $0xD0000000  }
0x3: {  	_ = 	snop  }
0x4: {  	_ = 	snop  }
0x5: {  	_ = 	snop  }
0x6: {  	_ = 	snop  }
0x7: {  	_ = 	snop  }
__scs_overlays_trampoline_lowered:
0x8: {  	[smem:$0x3FA9] =	sst s0  }
0x9: {  	[smem:$0x3FAA] =	sst s1  }
0xa: {  	[smem:$0x3FAB] =	sst s2  }
0xb: {  	[smem:$0x3FAC] =	sst s3  }
0xc: {  	[smem:$0x3FAD] =	sst s4  }
0xd: {  	[smem:$0x3FAE] =	sst s5  }
0xe: {  	[smem:$0x3FAF] =	sst s6  }
0xf: {  	[smem:$0x3FB0] =	sst s7  }
0x10: {  	[smem:$0x3FB1] =	sst s8  }
0x11: {  	[smem:$0x3FB2] =	sst s9;
	s0 =	simm.s32 @!p0 $0x0  }
0x12: {  	s1 =	sld [smem:$0x3F98];
	s0 =	simm.s32 @p0 $0x1  }
0x13: {  	[smem:$0x3FB3] =	sst s0;
	s0 =	simm.s32 @!p1 $0x0  }
0x14: {  	s2 =	sld [smem:$0x3F97];
	s0 =	simm.s32 @p1 $0x1  }
0x15: {  	[smem:$0x3FB4] =	sst s0;
	s0 =	simm.s32 @!p2 $0x0  }
0x16: {  	s3 =	sld [smem:$0x3FDB];
	s0 =	simm.s32 @p2 $0x1  }
0x17: {  	s4 =	simm.s32 $0x1BF5;
	[smem:$0x3FB6] =	sst s0  }
0x18: {  	s0 =	sld [smem:$0x3F99];
	_ =	swait.ge [sflag:s4], $0x0  }
0x19: {  	s7 =	sld [smem:$0x3F9A]  }
0x1a: {  	s8 =	sadd.s32 $0xFFFFE003, lr  }
0x1b: {  	s9 =	sadd.s32 $0xFFFFFEF7, lr;
	s5 =	simm.s32 $0xFFFFFFFF;
	p2 =	slt.u32 s8, $0xFFFFF086  }
0x1c: {  	p1 =	slt.u32 s9, $0xF7A;
	s5 =	simm.s32 @!p2 $0x0  }
0x1d: {  	s5 =	simm.s32 @p1 $0x1;
	p0 =	seq.s32 s7, s2  }
0x1e: {  	s7 =	smul.u32 @!p0 $0xF7A, s2;
	p2 =	seq.s32 @!p0 s5, $0x0  }
0x1f: {  	s9 =	smul.u32 $0xF7A, s1;
	s8 =	simm.s32 @!p0 $0x1BF5;
	p2 =	por !p2, p0  }
0x20: {  	[sflag:s8] =	ssyncset.s32 @!p0 $0xFFFFF086;
	s6 =	sadd.s32 @!p0 s3, s7;
	s7 =	simm.s32 @!p0 $0x108  }
0x21: {  	s3 =	sadd.s32 s3, s9;
	s6 =	sadd.s32 @!p0 $0x88, s6;
	s7 =	simm.s32 @p2 $0x1082  }
0x22: {  	[simem:s7], [sflag:s8] =	dma.local @!p0 [hbm:s6], $0xF7A  }
0x23: {  	s9 =	sor.u32 $0xD0000000, s2;
	s6 =	simm.s32 $0x108;
	_ =	swait.ge @!p0 [sflag:s8], $0x0  }
0x24: {  	s3 =	sadd.s32 $0x88, s3;
	s6 =	simm.s32 @!p1 $0x1082;
	[sflag:s4] =	ssyncset.s32 $0xFFFFF086  }
0x25: {  	[simem:s6], [sflag:s4] =	dma.local [hbm:s3], $0xF7A  }
0x26: {  	[smem:$0x3F9A] =	sst s1;
	(tag) =	ssettag s2;
	_ =	strace s9  }
0x27: {  	s1 =	sld [smem:$0x3FAA]  }
0x28: {  	s2 =	sld [smem:$0x3FAB]  }
0x29: {  	s4 =	sld [smem:$0x3FAD]  }
0x2a: {  	p0 =	seq.s32 s5, $0x0;
	s5 =	sld [smem:$0x3FAE]  }
0x2b: {  	s6 =	sld [smem:$0x3FAF]  }
0x2c: {  	s7 =	sld [smem:$0x3FB0]  }
0x2d: {  	s3 =	simm.s32 $0x108;
	s8 =	sld [smem:$0x3FB1]  }
0x2e: {  	s3 =	simm.s32 @!p0 $0x1082;
	s9 =	sld [smem:$0x3FB2]  }
0x2f: {  	lr =	sadd.s32 s0, s3;
	s0 =	sld [smem:$0x3FA9]  }
0x30: {  	s3 =	sld [smem:$0x3FAC]  }
0x31: {  	[smem:$0x3FB5] =	sst s10  }
0x32: {  	s10 =	sld [smem:$0x3FB3];
	_ =	sdelay $0x3  }
0x33: {  	p0 =	seq.s32 s10, $0x1;
	s10 =	sld [smem:$0x3FB5];
	_ =	sdelay $0x3  }
0x34: {  	[smem:$0x3FB5] =	sst s10  }
0x35: {  	s10 =	sld [smem:$0x3FB4];
	_ =	sdelay $0x3  }
0x36: {  	p1 =	seq.s32 s10, $0x1;
	s10 =	sld [smem:$0x3FB5];
	_ =	sdelay $0x3  }
0x37: {  	[smem:$0x3FB5] =	sst s10  }
0x38: {  	s10 =	sld [smem:$0x3FB6]  }
0x39: {  	_ = 	snop;
	(pc) =	sbr.ind lr, $3  }
0x3a: {  	_ = 	snop  }
0x3b: {  	_ = 	snop  }
0x3c: {  	p2 =	seq.s32 s10, $0x1;
	s10 =	sld [smem:$0x3FB5]  }
0x3d: {  	_ =	shalt  }
0x3e: {  	_ =	shalt  }
0x3f: {  	_ =	shalt  }
0x40: {  	_ =	shalt  }
0x41: {  	_ =	shalt  }
0x42: {  	_ =	shalt  }
0x43: {  	_ =	shalt  }
0x44: {  	_ =	shalt  }
0x45: {  	_ =	shalt  }
0x46: {  	_ =	shalt  }
0x47: {  	_ =	shalt  }
0x48: {  	_ =	shalt  }
0x49: {  	_ =	shalt  }
0x4a: {  	_ =	shalt  }
0x4b: {  	_ =	shalt  }
0x4c: {  	_ =	shalt  }
0x4d: {  	_ =	shalt  }
0x4e: {  	_ =	shalt  }
0x4f: {  	_ =	shalt  }
0x50: {  	_ =	shalt  }
0x51: {  	_ =	shalt  }
0x52: {  	_ =	shalt  }
0x53: {  	_ =	shalt  }
0x54: {  	_ =	shalt  }
0x55: {  	_ =	shalt  }
0x56: {  	_ =	shalt  }
0x57: {  	_ =	shalt  }
0x58: {  	_ =	shalt  }
0x59: {  	_ =	shalt  }
0x5a: {  	_ =	shalt  }
0x5b: {  	_ =	shalt  }
0x5c: {  	_ =	shalt  }
0x5d: {  	_ =	shalt  }
0x5e: {  	_ =	shalt  }
0x5f: {  	_ =	shalt  }
0x60: {  	_ =	shalt  }
0x61: {  	_ =	shalt  }
0x62: {  	_ =	shalt  }
0x63: {  	_ =	shalt  }
0x64: {  	_ =	shalt  }
0x65: {  	_ =	shalt  }
0x66: {  	_ =	shalt  }
0x67: {  	_ =	shalt  }
0x68: {  	_ =	shalt  }
0x69: {  	_ =	shalt  }
0x6a: {  	_ =	shalt  }
0x6b: {  	_ =	shalt  }
0x6c: {  	_ =	shalt  }
0x6d: {  	_ =	shalt  }
0x6e: {  	_ =	shalt  }
0x6f: {  	_ =	shalt  }
0x70: {  	_ =	shalt  }
0x71: {  	_ =	shalt  }
0x72: {  	_ =	shalt  }
0x73: {  	_ =	shalt  }
0x74: {  	_ =	shalt  }
0x75: {  	_ =	shalt  }
0x76: {  	_ =	shalt  }
0x77: {  	_ =	shalt  }
0x78: {  	_ =	shalt  }
0x79: {  	_ =	shalt  }
0x7a: {  	_ =	shalt  }
0x7b: {  	_ =	shalt  }
0x7c: {  	_ =	shalt  }
0x7d: {  	_ =	shalt  }
0x7e: {  	_ =	shalt  }
0x7f: {  	_ =	shalt  }
0x80: {  	_ =	shalt  }
0x81: {  	_ =	shalt  }
0x82: {  	_ =	shalt  }
0x83: {  	_ =	shalt  }
0x84: {  	_ =	shalt  }
0x85: {  	_ =	shalt  }
0x86: {  	_ =	shalt  }
0x87: {  	_ =	shalt  }
.Lfunc_end0:
.L_simem_size_0:
called_computation.5_lowered:
.L_overlay_start_0:
0x88: {  	s2 =	sld [smem:$0x3FD9]  }
0x89: {  	s3 =	sld [smem:$0x3FFE];
	_ =	sdelay $0x1  }
0x8a: {  	s1 =	srdreg.scid  }
0x8b: {  	s0 =	sand.u32 $0x1, s1  }
0x8c: {  	s14 =	sshll.u32 s0, $0xA;
	s2 =	sadd.s32 s3, s2  }
0x8d: {  	s2 =	sadd.s32 s2, s14  }
0x8e: {  	[smem:$0x3FC1] =	sst s2  }
0x8f: {  	_ = 	snop  }
0x90: {  	s2 =	sld [smem:$0x3FD0];
	_ =	sdelay $0x2  }
0x91: {  	s15 =	simm.s32 $0xA;
	s4 =	simm.s32 $0x10  }
0x92: {  	[smem:s4], [sflag:s15] =	dma.local [hbm:s2], $0x1  }
0x93: {  	_ =	swait.eq [sflag:s15], $0x1  }
0x94: {  	[sflag:s15] =	ssyncset.done $0x0  }
0x95: {  	[sflag:s15] =	ssyncadd.s32 $0xFFFFFFFF  }
0x96: {  	s16 =	sld [smem:$0x16];
	(tm) =	ssettm $0x1  }
0x97: {  	s17 =	sld [smem:$0x3FFB];
	_ =	sdelay $0x3  }
0x98: {  	_ =	strace s17  }
0x99: {  	s3 =	sld [smem:$0x3FFC];
	_ =	sdelay $0x3  }
0x9a: {  	_ =	strace s3  }
0x9b: {  	s3 =	sld [smem:$0x3FFD];
	_ =	sdelay $0x3  }
0x9c: {  	_ =	strace s3  }
0x9d: {  	_ =	strace $0x8FFFFFFF  }
0x9e: {  	s18 =	sld [smem:$0x3FDB];
	_ =	sdelay $0x1  }
0x9f: {  	s19 =	simm.s32 $_scs_section_size  }
0xa0: {  	s5 =	simm.s32 $_size__tile_overlayer_lowered;
	s6 =	simm.s32 $_tile_overlayer_lowered  }
0xa1: {  	s22 =	simm.s32 $0x1BFF;
	s21 =	sshll.u32 s6, $0x1;
	s3 =	sadd.s32 s19, s18  }
0xa2: {  	s7 =	simm.s32 $0x0;
	s20 =	sshll.u32 s5, $0x1;
	s5 =	sadd.s32 s21, s3  }
0xa3: {  	[timem:s7], [sflag:s22] =	dma.local [hbm:s5], s20  }
0xa4: {  	_ =	swait.ge [sflag:s22], s20  }
0xa5: {  	s4 =	ssub.s32 $0x0, s20;
	[sflag:s22] =	ssyncset.done $0x0  }
0xa6: {  	[sflag:s22] =	ssyncadd.s32 s4;
	_ =	sdelay $0x1  }
0xa7: {  	s23 =	simm.s32 $0x1B8B  }
0xa8: {  	_ =	swait.ge [sflag:s23], $0x1  }
0xa9: {  	[sflag:s23] =	ssyncset.done $0x0  }
0xaa: {  	s25 =	simm.s32 $0x1B8E;
	s24 =	sld [smem:$0x3FFE];
	[sflag:s23] =	ssyncadd.s32 $0xFFFFFFFF  }
0xab: {  	s26 =	simm.s32 $execute0_lowered;
	[smem:$0x3FD2] =	sst s25  }
0xac: {  	s5 =	sshll.u32 s26, $0x1;
	_ =	strace $0x80000046;
	[dreg:$0x1] =	wrdreg $0xFFFFFFFF  }
0xad: {  	s28 =	simm.s32 $_size_execute0_lowered;
	s3 =	sadd.s32 s3, s5;
	[dreg:$0x0] =	wrdreg $0x0  }
0xae: {  	s5 =	sshll.u32 s28, $0x1;
	[dreg:$0x2] =	wrdreg s3  }
0xaf: {  	[dreg:$0x3] =	wrdreg s5  }
0xb0: {  	[dreg:$0x4] =	wrdreg $0xC0  }
0xb1: {  	_ =	task [dreg:s7], $0x5FFFF  }
0xb2: {  	[dreg:$0x1] =	wrdreg $0xFFFFFFFF  }
0xb3: {  	[dreg:$0x0] =	wrdreg $0x60  }
0xb4: {  	[dreg:$0x2] =	wrdreg s24  }
0xb5: {  	[dreg:$0x3] =	wrdreg s16  }
0xb6: {  	[dreg:$0x4] =	wrdreg $0x9  }
0xb7: {  	_ =	task.clear_ibuf [dreg:s7], $0x5FFFF;
	_ =	strace $0x90000046  }
0xb8: {  	s29 =	simm.s32 $0x9;
	_ =	strace $0x80000048  }
0xb9: {  	_ =	swait.ge [sflag:s29], $0x1  }
0xba: {  	[sflag:s29] =	ssyncadd.s32 $0xFFFFFFFF  }
0xbb: {  	_ =	strace $0x90000048  }
0xbc: {  	_ =	sfence  }
0xbd: {  	s30 =	sld [smem:$0x0];
	_ =	sdelay $0x2  }
0xbe: {  	s31 =	sshll.u32 s1, $0xD;
	s1 =	sshrl.u32 s1, $0x2  }
0xbf: {  	s3 =	sand.u32 $0x4000, s31;
	s1 =	sadd.s32 s1, s30  }
0xc0: {  	s0 =	sor.u32 s3, s0;
	s1 =	sshll.u32 s1, $0x11  }
0xc1: {  	s0 =	sor.u32 s1, s0  }
0xc2: {  	s0 =	sadd.s32 $0x8F2B, s0  }
0xc3: {  	[sflag:s0] =	ssyncadd.remote.s32 $0x1  }
0xc4: {  	_ =	sfence.sel $0xFFFF  }
0xc5: {  	[dreg:$0x0] =	wrdreg $0xFFFFFFFF;
	(pc) =	sbr.abs _section_cstart, $3  }
0xc6: {  	[dreg:$0x1] =	wrdreg $0xFFFFFFFF  }
0xc7: {  	_ =	task.clear_ibuf [dreg:s7], $0x2FFFF;
	_ =	strace $0x9FFFFFFF  }
0xc8: {  	(tm) =	ssettm $0x7FFFFFFF  }
0xc9: {  	_ =	shalt  }
tec
execute0_lowered:
.L_overlay_start_1:
0x0: {  	(tag) =	ssettag $0x1  }
0x1: {  	s7 =	rddreg [dreg:$0x0]  }
0x2: {  	s1 =	rddreg [dreg:$0x1]  }
0x3: {  	s0 =	rddreg [dreg:$0x2];
	s2 =	simm.s32 $0x0;
	s3 =	srdreg.scid  }
0x4: {  	s12 =	simm.s32 $0x3;
	s13 =	simm.s32 $0x4000;
	s14 =	simm.s32 $0x1  }
0x5: {  	s15 =	simm.s32 $0x400;
	s16 =	simm.s32 $0x4080;
	s17 =	simm.s32 $0x4200  }
0x6: {  	s18 =	simm.s32 $0x2;
	[smem:$0x7FF] =	sst s2;
	s4 =	sadd.s32 $0x9C00, s7  }
.Ltmp0:
0x7: {  	s5 =	sadd.s32 $0x5400, s7;
	s8 =	sand.u32 $0x1, s3;
	(pc) =	sbr.rel .LBB2_1-.Ltmp0, $4  }
0x8: {  	s6 =	sadd.s32 $0x51C00, s7;
	s3 =	stileid.u32;
	s9 =	ssub.s32 $0x2, s8  }
0x9: {  	s7 =	sadd.s32 $0x52E00, s7;
	_ =	strace $0x80000047;
	s10 =	sshrl.u32 s9, $0x1  }
0xa: {  	s11 =	sshll.u32 s3, $0x7;
	s8 =	sshll.u32 s8, $0x4;
	s10 =	ssub.s32 s9, s10  }
0xb: {  	v0 =	vimm.f32 $-Inf;
	v1 =	vimm.s32 $0x40000000;
	s9 =	sand.u32 $0x380, s11;
	s11 =	simm.s32 $0x80;
	s10 =	smax.u32 s10, $0x1  }
.LBB2_11:
0xc: {  	s2 =	sadd.s32 $0x1, s2  }
0xd: {  	p0 =	sne.s32 s2, s10  }
.Ltmp1:
0xe: {  	_ = 	snop;
	(pc) =	sbr.rel @!p0 .LBB2_12-.Ltmp1, $1  }
0xf: {  	_ =	sdelay $0x3  }
.LBB2_1:
.Ltmp2:
0x10: {  	(pc) =	sbr.rel .LBB2_2-.Ltmp2, $2  }
0x11: {  	_ =	sdelay $0x2  }
0x12: {  	s19 =	simm.s32 $0x0  }
.LBB2_9:
0x13: {  	s20 =	sshll.u32 s20, $0xB  }
0x14: {  	s20 =	sor.u32 s9, s20  }
0x15: {  	s20 =	sshrl.u32 s20, $0x3  }
0x16: {  	s21 =	sadd.s32 s6, s20  }
0x17: {  	[hbm4b:s21+s11] =	stream.strided.scatter [tilespmem:s16], [sflag:$0x3], $0x100, s15, s11, $0x38;
	[tilespmem:$0x4780] =	vst v63  }
0x18: {  	_ =	swait.ge [sflag:s12], $0x100  }
0x19: {  	[sflag:s12] =	ssyncset.done $0x0  }
0x1a: {  	s20 =	sadd.s32 s7, s20;
	[sflag:s12] =	ssyncadd.s32 $0xFFFFFF00  }
0x1b: {  	[hbm4b:s20+s11] =	stream.strided.scatter [tilespmem:s17], [sflag:$0x2], $0x100, s15, s11, $0x38;
	[tilespmem:$0x4780] =	vst v63  }
0x1c: {  	_ =	swait.ge [sflag:s18], $0x100  }
0x1d: {  	[sflag:s18] =	ssyncset.done $0x0  }
0x1e: {  	[sflag:s18] =	ssyncadd.s32 $0xFFFFFF00  }
.LBB2_10:
0x1f: {  	s19 =	sadd.s32 $0x1, s19  }
0x20: {  	p0 =	sne.s32 s19, $0x5  }
.Ltmp3:
0x21: {  	_ = 	snop;
	(pc) =	sbr.rel @!p0 .LBB2_11-.Ltmp3, $1  }
0x22: {  	_ =	sdelay $0x3  }
.LBB2_2:
0x23: {  	s20 =	sshll.u32 s19, $0x5  }
0x24: {  	s20 =	sor.u32 s8, s20  }
0x25: {  	p0 =	sgt.u32 s20, $0x8F  }
.Ltmp4:
0x26: {  	_ = 	snop;
	(pc) =	sbr.rel @p0 .LBB2_10-.Ltmp4, $1  }
0x27: {  	_ =	sdelay $0x3  }
0x28: {  	s23 =	sor.u32 s3, s20  }
0x29: {  	s20 =	sshrl.u32 s23, $0x3  }
0x2a: {  	s21 =	sshll.u32 s20, $0x11  }
0x2b: {  	s21 =	sor.u32 s9, s21  }
0x2c: {  	s22 =	simm.s32 $0x0;
	s21 =	sshrl.u32 s21, $0x3  }
0x2d: {  	s23 =	sshll.u32 s23, $0x7;
	s24 =	sadd.s32 s4, s21;
	s21 =	simm.s32 $0x400  }
0x2e: {  	[tilespmem:s22], [sflag:$0x1] =	stream.strided.gather [hbm4b:s24+s11], $0x4000, s21, s11, $0x38;
	[tilespmem:$0x4780] =	vst v63  }
0x2f: {  	s30 =	sadd.s32 s5, s23;
	s23 =	simm.s32 $0x4380;
	s31 =	sshll.u32 s20, $0xA  }
0x30: {  	[tilespmem:s23], [sflag:$0x3] =	stream.linear.gather [hbm4b:s30+s22], $0x400, $0x38;
	[tilespmem:$0x4780] =	vst v63  }
0x31: {  	s24 =	sor.u32 s9, s31;
	_ =	swait.ge [sflag:s12], $0x400  }
0x32: {  	s24 =	sshrl.u32 s24, $0x3;
	[sflag:s12] =	ssyncset.done $0x0  }
0x33: {  	s24 =	sadd.s32 s1, s24;
	[sflag:s12] =	ssyncadd.s32 $0xFFFFFC00  }
0x34: {  	[tilespmem:s13], [sflag:$0x3] =	stream.linear.gather [hbm4b:s24+s22], $0x80, $0x38;
	[tilespmem:$0x4780] =	vst v63  }
0x35: {  	_ =	swait.ge [sflag:s12], $0x80  }
0x36: {  	[sflag:s12] =	ssyncset.done $0x0  }
0x37: {  	[sflag:s12] =	ssyncadd.s32 $0xFFFFFF80  }
0x38: {  	v2 =	vld.msk [tilespmem:$0x4000 ss:$0x0], $0xffff;
	[tilespmem:$0x4080] =	vst v0  }
0x39: {  	[tilespmem:$0x4200] =	vst v1  }
0x3a: {  	[tilespmem:$0x4090] =	vst v0  }
0x3b: {  	[tilespmem:$0x4210] =	vst v1  }
0x3c: {  	[tilespmem:$0x40A0] =	vst v0  }
0x3d: {  	[tilespmem:$0x4220] =	vst v1  }
0x3e: {  	[tilespmem:$0x40B0] =	vst v0  }
0x3f: {  	[tilespmem:$0x4230] =	vst v1  }
0x40: {  	[tilespmem:$0x40C0] =	vst v0  }
0x41: {  	[tilespmem:$0x4240] =	vst v1  }
0x42: {  	[tilespmem:$0x40D0] =	vst v0  }
0x43: {  	[tilespmem:$0x4250] =	vst v1  }
0x44: {  	[tilespmem:$0x40E0] =	vst v0  }
0x45: {  	[tilespmem:$0x4260] =	vst v1  }
0x46: {  	[tilespmem:$0x40F0] =	vst v0  }
0x47: {  	[tilespmem:$0x4270] =	vst v1  }
0x48: {  	[tilespmem:$0x4100] =	vst v0  }
0x49: {  	[tilespmem:$0x4280] =	vst v1  }
0x4a: {  	[tilespmem:$0x4110] =	vst v0  }
0x4b: {  	[tilespmem:$0x4290] =	vst v1  }
0x4c: {  	[tilespmem:$0x4120] =	vst v0  }
0x4d: {  	[tilespmem:$0x42A0] =	vst v1  }
0x4e: {  	[tilespmem:$0x4130] =	vst v0  }
0x4f: {  	[tilespmem:$0x42B0] =	vst v1  }
0x50: {  	[tilespmem:$0x4140] =	vst v0  }
0x51: {  	[tilespmem:$0x42C0] =	vst v1  }
0x52: {  	[tilespmem:$0x4150] =	vst v0  }
0x53: {  	[tilespmem:$0x42D0] =	vst v1  }
0x54: {  	[tilespmem:$0x4160] =	vst v0  }
0x55: {  	[tilespmem:$0x42E0] =	vst v1  }
0x56: {  	[tilespmem:$0x4170] =	vst v0  }
0x57: {  	[tilespmem:$0x42F0] =	vst v1  }
.Ltmp5:
0x58: {  	[tilespmem:$0x4180] =	vst v0;
	(pc) =	sbr.rel .LBB2_4-.Ltmp5, $4  }
0x59: {  	[smem:$0x0] =	sst s22;
	[tilespmem:$0x4300] =	vst v1  }
0x5a: {  	_ =	swait.ge [sflag:s14], $0x4000  }
0x5b: {  	[sflag:s14] =	ssyncset.done $0x0  }
0x5c: {  	s29 =	simm.s32 $0x0;
	s24 =	simm.s32 $0x0;
	[sflag:s14] =	ssyncadd.s32 $0xFFFFC000  }
.LBB2_8:
0x5d: {  	s24 =	sadd.s32 $0x1, s24  }
0x5e: {  	p0 =	sne.s32 s24, $0x8  }
.Ltmp6:
0x5f: {  	_ = 	snop;
	(pc) =	sbr.rel @!p0 .LBB2_9-.Ltmp6, $2  }
0x60: {  	_ =	sdelay $0x2  }
0x61: {  	s22 =	sadd.s32 $0x10, s22;
	s23 =	sadd.s32 $0x80, s23;
	s21 =	sadd.s32 $0x10, s21  }
.LBB2_4:
.Ltmp7:
0x62: {  	(pc) =	sbr.rel .LBB2_5-.Ltmp7, $2  }
0x63: {  	_ =	sdelay $0x2  }
0x64: {  	s25 =	smov.u32 s21;
	s26 =	smov.u32 s23;
	s28 =	simm.s32 $0x0  }
.LBB2_7:
0x65: {  	s28 =	sadd.s32 $0x800, s28  }
0x66: {  	p0 =	sne.s32 s28, $0x4000  }
.Ltmp8:
0x67: {  	_ = 	snop;
	(pc) =	sbr.rel @!p0 .LBB2_8-.Ltmp8, $2  }
0x68: {  	_ =	sdelay $0x2  }
0x69: {  	s26 =	sadd.s32 $0x10, s26;
	s25 =	sadd.s32 $0x800, s25  }
.LBB2_5:
0x6a: {  	v3 =	vld [tilespmem:s26+$0x0];
	_ =	sdelay $0x4  }
0x6b: {  	v4 =	vxor.u32 $0x80000000, v3  }
0x6c: {  	(xrf0) =	vmax.scan.msk.u32 $0xffff, v4;
	_ =	sdelay $0x5  }
0x6d: {  	v4, _, _ =	vpop (xrf0)  }
0x6e: {  	(v2sf) =	vpush v4, $0xF;
	_ =	sdelay $0xe  }
0x6f: {  	s30 =	spop (v2sf)  }
0x70: {  	p0 =	seq.s32 s30, $0x80000000  }
.Ltmp9:
0x71: {  	_ = 	snop;
	(pc) =	sbr.rel @p0 .LBB2_7-.Ltmp9, $1  }
0x72: {  	_ =	sdelay $0x3  }
0x73: {  	(v2sf) =	vpush v3, $0x0;
	_ =	sdelay $0xe  }
0x74: {  	s30 =	spop (v2sf)  }
0x75: {  	p1 =	seq.s32 s30, $0x0  }
0x76: {  	v4 =	vld @!p1 [tilespmem:s25+$0xFFFFFC00];
	_ =	sdelay $0x2  }
0x77: {  	p0 =	sgt.s32 @!p1 s29, $0x100  }
0x78: {  	p0 =	por p0, p1  }
0x79: {  	v7 =	vimm.s32 @!p1 $0x0;
	s30 =	sadd.s32 @!p0 s28, s22;
	v6 =	vlaneseq.u32 @!p0;
	vm0 =	vge.f32 @!p1 v4, v2  }
0x7a: {  	v5 =	vmov @!p0 s30;
	v6 =	vmul.u32 @!p0 $0x80, v6;
	v7 =	vsel @!p1 vm0, $0x1, v7  }
0x7b: {  	v8 =	vshll.u32 @!p0 v5, $0x7;
	(xrf0) =	vadd.scan.msk.s32 @!p1 $0xffff, v7  }
0x7c: {  	v6 =	vor.u32 @!p0 v6, v8  }
0x7d: {  	v5 =	vshrl.u32 @!p0 v5, $0x7;
	v6 =	vand.u32 @!p0 $0x3F80, v6  }
0x7e: {  	v5 =	vor.u32 @!p0 v6, v5  }
0x7f: {  	vm0 =	vge.f32 @!p0 v4, v2;
	v5 =	vor.u32 @!p0 $0x80000000, v5  }
0x80: {  	v5 =	vnsel @!p0 vm0, $0xC0000000, v5  }
0x81: {  	(xrf1) =	vsort.ascd.msk.u32 @!p0 $0xffff, v5, v4;
	v4, _, _ =	vpop @!p1 (xrf0)  }
0x82: {  	(v2sf) =	vpush @!p1 v4, $0xF  }
0x83: {  	(v2sf) =	vpush v3, $0x1;
	_ =	sdelay $0xb  }
0x84: {  	v4, v5, _ =	vpop @!p0 (xrf1)  }
0x85: {  	v4 =	vxor.u32 @!p0 $0x80000000, v4  }
0x86: {  	vm0 =	vlt.s32 @!p0 v4, $0x40000000;
	s30 =	spop @!p1 (v2sf)  }
0x87: {  	[tilespmem:s29+$0x4200] =	vst @!p0 v4;
	v5 =	vnsel @!p0 vm0, $0xFF800000, v5;
	s31 =	spop (v2sf)  }
0x88: {  	[tilespmem:s29+$0x4080] =	vst @!p0 v5;
	p0 =	seq.s32 s31, $0x0  }
0x89: {  	v4 =	vld @!p0 [tilespmem:s25+$0xFFFFFC80]  }
0x8a: {  	s30 =	sadd.s32 @!p1 s29, s30  }
0x8b: {  	[smem:$0x0] =	sst @!p1 s30;
	s30 =	smov.u32 @p1 s29  }
0x8c: {  	p1 =	sgt.s32 @!p0 s30, $0x100  }
0x8d: {  	s29 =	sadd.s32 @!p0 s28, s22;
	p1 =	por p1, p0  }
0x8e: {  	v7 =	vimm.s32 @!p0 $0x0;
	s29 =	sadd.s32 @!p0 $0x80, s29;
	v6 =	vlaneseq.u32 @!p1;
	vm0 =	vge.f32 @!p0 v4, v2  }
0x8f: {  	v5 =	vmov @!p1 s29;
	v6 =	vmul.u32 @!p1 $0x80, v6;
	v7 =	vsel @!p0 vm0, $0x1, v7  }
0x90: {  	v8 =	vshll.u32 @!p1 v5, $0x7;
	(xrf0) =	vadd.scan.msk.s32 @!p0 $0xffff, v7  }
0x91: {  	v6 =	vor.u32 @!p1 v6, v8  }
0x92: {  	v5 =	vshrl.u32 @!p1 v5, $0x7;
	v6 =	vand.u32 @!p1 $0x3F80, v6  }
0x93: {  	v5 =	vor.u32 @!p1 v6, v5  }
0x94: {  	vm0 =	vge.f32 @!p1 v4, v2;
	v5 =	vor.u32 @!p1 $0x80000000, v5  }
0x95: {  	v5 =	vnsel @!p1 vm0, $0xC0000000, v5  }
0x96: {  	(xrf1) =	vsort.ascd.msk.u32 @!p1 $0xffff, v5, v4;
	v4, _, _ =	vpop @!p0 (xrf0)  }
0x97: {  	(v2sf) =	vpush @!p0 v4, $0xF  }
0x98: {  	(v2sf) =	vpush v3, $0x2;
	_ =	sdelay $0xb  }
0x99: {  	v4, v5, _ =	vpop @!p1 (xrf1)  }
0x9a: {  	v4 =	vxor.u32 @!p1 $0x80000000, v4  }
0x9b: {  	vm0 =	vlt.s32 @!p1 v4, $0x40000000;
	s29 =	spop @!p0 (v2sf)  }
0x9c: {  	[tilespmem:s30+$0x4200] =	vst @!p1 v4;
	v5 =	vnsel @!p1 vm0, $0xFF800000, v5;
	s31 =	spop (v2sf)  }
0x9d: {  	[tilespmem:s30+$0x4080] =	vst @!p1 v5;
	p1 =	seq.s32 s31, $0x0  }
0x9e: {  	v4 =	vld @!p1 [tilespmem:s25+$0xFFFFFD00]  }
0x9f: {  	s29 =	sadd.s32 @!p0 s30, s29  }
0xa0: {  	[smem:$0x0] =	sst @!p0 s29;
	s29 =	smov.u32 @p0 s30  }
0xa1: {  	p0 =	sgt.s32 @!p1 s29, $0x100  }
0xa2: {  	s30 =	sadd.s32 @!p1 s28, s22;
	p0 =	por p0, p1  }
0xa3: {  	v7 =	vimm.s32 @!p1 $0x0;
	s30 =	sadd.s32 @!p1 $0x100, s30;
	v6 =	vlaneseq.u32 @!p0;
	vm0 =	vge.f32 @!p1 v4, v2  }
0xa4: {  	v5 =	vmov @!p0 s30;
	v6 =	vmul.u32 @!p0 $0x80, v6;
	v7 =	vsel @!p1 vm0, $0x1, v7  }
0xa5: {  	v8 =	vshll.u32 @!p0 v5, $0x7;
	(xrf0) =	vadd.scan.msk.s32 @!p1 $0xffff, v7  }
0xa6: {  	v6 =	vor.u32 @!p0 v6, v8  }
0xa7: {  	v5 =	vshrl.u32 @!p0 v5, $0x7;
	v6 =	vand.u32 @!p0 $0x3F80, v6  }
0xa8: {  	v5 =	vor.u32 @!p0 v6, v5  }
0xa9: {  	vm0 =	vge.f32 @!p0 v4, v2;
	v5 =	vor.u32 @!p0 $0x80000000, v5  }
0xaa: {  	v5 =	vnsel @!p0 vm0, $0xC0000000, v5  }
0xab: {  	(xrf1) =	vsort.ascd.msk.u32 @!p0 $0xffff, v5, v4;
	v4, _, _ =	vpop @!p1 (xrf0)  }
0xac: {  	(v2sf) =	vpush @!p1 v4, $0xF  }
0xad: {  	(v2sf) =	vpush v3, $0x3;
	_ =	sdelay $0xb  }
0xae: {  	v4, v5, _ =	vpop @!p0 (xrf1)  }
0xaf: {  	v4 =	vxor.u32 @!p0 $0x80000000, v4  }
0xb0: {  	vm0 =	vlt.s32 @!p0 v4, $0x40000000;
	s30 =	spop @!p1 (v2sf)  }
0xb1: {  	[tilespmem:s29+$0x4200] =	vst @!p0 v4;
	v5 =	vnsel @!p0 vm0, $0xFF800000, v5;
	s31 =	spop (v2sf)  }
0xb2: {  	[tilespmem:s29+$0x4080] =	vst @!p0 v5;
	p0 =	seq.s32 s31, $0x0  }
0xb3: {  	v4 =	vld @!p0 [tilespmem:s25+$0xFFFFFD80]  }
0xb4: {  	s30 =	sadd.s32 @!p1 s29, s30  }
0xb5: {  	[smem:$0x0] =	sst @!p1 s30;
	s30 =	smov.u32 @p1 s29  }
0xb6: {  	p1 =	sgt.s32 @!p0 s30, $0x100  }
0xb7: {  	s29 =	sadd.s32 @!p0 s28, s22;
	p1 =	por p1, p0  }
0xb8: {  	v7 =	vimm.s32 @!p0 $0x0;
	s29 =	sadd.s32 @!p0 $0x180, s29;
	v6 =	vlaneseq.u32 @!p1;
	vm0 =	vge.f32 @!p0 v4, v2  }
0xb9: {  	v5 =	vmov @!p1 s29;
	v6 =	vmul.u32 @!p1 $0x80, v6;
	v7 =	vsel @!p0 vm0, $0x1, v7  }
0xba: {  	v8 =	vshll.u32 @!p1 v5, $0x7;
	(xrf0) =	vadd.scan.msk.s32 @!p0 $0xffff, v7  }
0xbb: {  	v6 =	vor.u32 @!p1 v6, v8  }
0xbc: {  	v5 =	vshrl.u32 @!p1 v5, $0x7;
	v6 =	vand.u32 @!p1 $0x3F80, v6  }
0xbd: {  	v5 =	vor.u32 @!p1 v6, v5  }
0xbe: {  	vm0 =	vge.f32 @!p1 v4, v2;
	v5 =	vor.u32 @!p1 $0x80000000, v5  }
0xbf: {  	v5 =	vnsel @!p1 vm0, $0xC0000000, v5  }
0xc0: {  	(xrf1) =	vsort.ascd.msk.u32 @!p1 $0xffff, v5, v4;
	v4, _, _ =	vpop @!p0 (xrf0)  }
0xc1: {  	(v2sf) =	vpush @!p0 v4, $0xF  }
0xc2: {  	(v2sf) =	vpush v3, $0x4;
	_ =	sdelay $0xb  }
0xc3: {  	v4, v5, _ =	vpop @!p1 (xrf1)  }
0xc4: {  	v4 =	vxor.u32 @!p1 $0x80000000, v4  }
0xc5: {  	vm0 =	vlt.s32 @!p1 v4, $0x40000000;
	s29 =	spop @!p0 (v2sf)  }
0xc6: {  	[tilespmem:s30+$0x4200] =	vst @!p1 v4;
	v5 =	vnsel @!p1 vm0, $0xFF800000, v5;
	s31 =	spop (v2sf)  }
0xc7: {  	[tilespmem:s30+$0x4080] =	vst @!p1 v5;
	p1 =	seq.s32 s31, $0x0  }
0xc8: {  	v4 =	vld @!p1 [tilespmem:s25+$0xFFFFFE00]  }
0xc9: {  	s29 =	sadd.s32 @!p0 s30, s29  }
0xca: {  	[smem:$0x0] =	sst @!p0 s29;
	s29 =	smov.u32 @p0 s30  }
0xcb: {  	p0 =	sgt.s32 @!p1 s29, $0x100  }
0xcc: {  	s30 =	sadd.s32 @!p1 s28, s22;
	p0 =	por p0, p1  }
0xcd: {  	v7 =	vimm.s32 @!p1 $0x0;
	s30 =	sadd.s32 @!p1 $0x200, s30;
	v6 =	vlaneseq.u32 @!p0;
	vm0 =	vge.f32 @!p1 v4, v2  }
0xce: {  	v5 =	vmov @!p0 s30;
	v6 =	vmul.u32 @!p0 $0x80, v6;
	v7 =	vsel @!p1 vm0, $0x1, v7  }
0xcf: {  	v8 =	vshll.u32 @!p0 v5, $0x7;
	(xrf0) =	vadd.scan.msk.s32 @!p1 $0xffff, v7  }
0xd0: {  	v6 =	vor.u32 @!p0 v6, v8  }
0xd1: {  	v5 =	vshrl.u32 @!p0 v5, $0x7;
	v6 =	vand.u32 @!p0 $0x3F80, v6  }
0xd2: {  	v5 =	vor.u32 @!p0 v6, v5  }
0xd3: {  	vm0 =	vge.f32 @!p0 v4, v2;
	v5 =	vor.u32 @!p0 $0x80000000, v5  }
0xd4: {  	v5 =	vnsel @!p0 vm0, $0xC0000000, v5  }
0xd5: {  	(xrf1) =	vsort.ascd.msk.u32 @!p0 $0xffff, v5, v4;
	v4, _, _ =	vpop @!p1 (xrf0)  }
0xd6: {  	(v2sf) =	vpush @!p1 v4, $0xF  }
0xd7: {  	(v2sf) =	vpush v3, $0x5;
	_ =	sdelay $0xb  }
0xd8: {  	v4, v5, _ =	vpop @!p0 (xrf1)  }
0xd9: {  	v4 =	vxor.u32 @!p0 $0x80000000, v4  }
0xda: {  	vm0 =	vlt.s32 @!p0 v4, $0x40000000;
	s30 =	spop @!p1 (v2sf)  }
0xdb: {  	[tilespmem:s29+$0x4200] =	vst @!p0 v4;
	v5 =	vnsel @!p0 vm0, $0xFF800000, v5;
	s31 =	spop (v2sf)  }
0xdc: {  	[tilespmem:s29+$0x4080] =	vst @!p0 v5;
	p0 =	seq.s32 s31, $0x0  }
0xdd: {  	v4 =	vld @!p0 [tilespmem:s25+$0xFFFFFE80]  }
0xde: {  	s30 =	sadd.s32 @!p1 s29, s30  }
0xdf: {  	[smem:$0x0] =	sst @!p1 s30;
	s30 =	smov.u32 @p1 s29  }
0xe0: {  	p1 =	sgt.s32 @!p0 s30, $0x100  }
0xe1: {  	s29 =	sadd.s32 @!p0 s28, s22;
	p1 =	por p1, p0  }
0xe2: {  	v7 =	vimm.s32 @!p0 $0x0;
	s29 =	sadd.s32 @!p0 $0x280, s29;
	v6 =	vlaneseq.u32 @!p1;
	vm0 =	vge.f32 @!p0 v4, v2  }
0xe3: {  	v5 =	vmov @!p1 s29;
	v6 =	vmul.u32 @!p1 $0x80, v6;
	v7 =	vsel @!p0 vm0, $0x1, v7  }
0xe4: {  	v8 =	vshll.u32 @!p1 v5, $0x7;
	(xrf0) =	vadd.scan.msk.s32 @!p0 $0xffff, v7  }
0xe5: {  	v6 =	vor.u32 @!p1 v6, v8  }
0xe6: {  	v5 =	vshrl.u32 @!p1 v5, $0x7;
	v6 =	vand.u32 @!p1 $0x3F80, v6  }
0xe7: {  	v5 =	vor.u32 @!p1 v6, v5  }
0xe8: {  	vm0 =	vge.f32 @!p1 v4, v2;
	v5 =	vor.u32 @!p1 $0x80000000, v5  }
0xe9: {  	v5 =	vnsel @!p1 vm0, $0xC0000000, v5  }
0xea: {  	(xrf1) =	vsort.ascd.msk.u32 @!p1 $0xffff, v5, v4;
	v4, _, _ =	vpop @!p0 (xrf0)  }
0xeb: {  	(v2sf) =	vpush @!p0 v4, $0xF  }
0xec: {  	(v2sf) =	vpush v3, $0x6;
	_ =	sdelay $0xb  }
0xed: {  	v4, v5, _ =	vpop @!p1 (xrf1)  }
0xee: {  	v4 =	vxor.u32 @!p1 $0x80000000, v4  }
0xef: {  	vm0 =	vlt.s32 @!p1 v4, $0x40000000;
	s29 =	spop @!p0 (v2sf)  }
0xf0: {  	[tilespmem:s30+$0x4200] =	vst @!p1 v4;
	v5 =	vnsel @!p1 vm0, $0xFF800000, v5;
	s31 =	spop (v2sf)  }
0xf1: {  	[tilespmem:s30+$0x4080] =	vst @!p1 v5;
	p1 =	seq.s32 s31, $0x0  }
0xf2: {  	v4 =	vld @!p1 [tilespmem:s25+$0xFFFFFF00]  }
0xf3: {  	s29 =	sadd.s32 @!p0 s30, s29  }
0xf4: {  	[smem:$0x0] =	sst @!p0 s29;
	s29 =	smov.u32 @p0 s30  }
0xf5: {  	p0 =	sgt.s32 @!p1 s29, $0x100  }
0xf6: {  	s30 =	sadd.s32 @!p1 s28, s22;
	p0 =	por p0, p1  }
0xf7: {  	v7 =	vimm.s32 @!p1 $0x0;
	s30 =	sadd.s32 @!p1 $0x300, s30;
	v6 =	vlaneseq.u32 @!p0;
	vm0 =	vge.f32 @!p1 v4, v2  }
0xf8: {  	v5 =	vmov @!p0 s30;
	v6 =	vmul.u32 @!p0 $0x80, v6;
	v7 =	vsel @!p1 vm0, $0x1, v7  }
0xf9: {  	v8 =	vshll.u32 @!p0 v5, $0x7;
	(xrf0) =	vadd.scan.msk.s32 @!p1 $0xffff, v7  }
0xfa: {  	v6 =	vor.u32 @!p0 v6, v8  }
0xfb: {  	v5 =	vshrl.u32 @!p0 v5, $0x7;
	v6 =	vand.u32 @!p0 $0x3F80, v6  }
0xfc: {  	v5 =	vor.u32 @!p0 v6, v5  }
0xfd: {  	vm0 =	vge.f32 @!p0 v4, v2;
	v5 =	vor.u32 @!p0 $0x80000000, v5  }
0xfe: {  	v5 =	vnsel @!p0 vm0, $0xC0000000, v5  }
0xff: {  	(xrf1) =	vsort.ascd.msk.u32 @!p0 $0xffff, v5, v4;
	v4, _, _ =	vpop @!p1 (xrf0)  }
0x100: {  	(v2sf) =	vpush @!p1 v4, $0xF  }
0x101: {  	(v2sf) =	vpush v3, $0x7;
	_ =	sdelay $0xb  }
0x102: {  	v4, v5, _ =	vpop @!p0 (xrf1)  }
0x103: {  	v4 =	vxor.u32 @!p0 $0x80000000, v4  }
0x104: {  	vm0 =	vlt.s32 @!p0 v4, $0x40000000;
	s30 =	spop @!p1 (v2sf)  }
0x105: {  	[tilespmem:s29+$0x4200] =	vst @!p0 v4;
	v5 =	vnsel @!p0 vm0, $0xFF800000, v5;
	s31 =	spop (v2sf)  }
0x106: {  	[tilespmem:s29+$0x4080] =	vst @!p0 v5;
	p0 =	seq.s32 s31, $0x0  }
0x107: {  	v4 =	vld @!p0 [tilespmem:s25+$0xFFFFFF80]  }
0x108: {  	s30 =	sadd.s32 @!p1 s29, s30  }
0x109: {  	[smem:$0x0] =	sst @!p1 s30;
	s30 =	smov.u32 @p1 s29  }
0x10a: {  	p1 =	sgt.s32 @!p0 s30, $0x100  }
0x10b: {  	s29 =	sadd.s32 @!p0 s28, s22;
	p1 =	por p1, p0  }
0x10c: {  	v7 =	vimm.s32 @!p0 $0x0;
	s29 =	sadd.s32 @!p0 $0x380, s29;
	v6 =	vlaneseq.u32 @!p1;
	vm0 =	vge.f32 @!p0 v4, v2  }
0x10d: {  	v5 =	vmov @!p1 s29;
	v6 =	vmul.u32 @!p1 $0x80, v6;
	v7 =	vsel @!p0 vm0, $0x1, v7  }
0x10e: {  	v8 =	vshll.u32 @!p1 v5, $0x7;
	(xrf0) =	vadd.scan.msk.s32 @!p0 $0xffff, v7  }
0x10f: {  	v6 =	vor.u32 @!p1 v6, v8  }
0x110: {  	v5 =	vshrl.u32 @!p1 v5, $0x7;
	v6 =	vand.u32 @!p1 $0x3F80, v6  }
0x111: {  	v5 =	vor.u32 @!p1 v6, v5  }
0x112: {  	vm0 =	vge.f32 @!p1 v4, v2;
	v5 =	vor.u32 @!p1 $0x80000000, v5  }
0x113: {  	v5 =	vnsel @!p1 vm0, $0xC0000000, v5  }
0x114: {  	(xrf1) =	vsort.ascd.msk.u32 @!p1 $0xffff, v5, v4;
	v4, _, _ =	vpop @!p0 (xrf0)  }
0x115: {  	(v2sf) =	vpush @!p0 v4, $0xF  }
0x116: {  	(v2sf) =	vpush v3, $0x8;
	_ =	sdelay $0xb  }
0x117: {  	v4, v5, _ =	vpop @!p1 (xrf1)  }
0x118: {  	v4 =	vxor.u32 @!p1 $0x80000000, v4  }
0x119: {  	vm0 =	vlt.s32 @!p1 v4, $0x40000000;
	s29 =	spop @!p0 (v2sf)  }
0x11a: {  	[tilespmem:s30+$0x4200] =	vst @!p1 v4;
	v5 =	vnsel @!p1 vm0, $0xFF800000, v5;
	s31 =	spop (v2sf)  }
0x11b: {  	[tilespmem:s30+$0x4080] =	vst @!p1 v5;
	p1 =	seq.s32 s31, $0x0  }
0x11c: {  	v4 =	vld @!p1 [tilespmem:s25+$0x0]  }
0x11d: {  	s29 =	sadd.s32 @!p0 s30, s29  }
0x11e: {  	[smem:$0x0] =	sst @!p0 s29;
	s29 =	smov.u32 @p0 s30  }
0x11f: {  	p0 =	sgt.s32 @!p1 s29, $0x100  }
0x120: {  	s30 =	sadd.s32 @!p1 s28, s22;
	p0 =	por p0, p1  }
0x121: {  	v7 =	vimm.s32 @!p1 $0x0;
	s30 =	sadd.s32 @!p1 $0x400, s30;
	v6 =	vlaneseq.u32 @!p0;
	vm0 =	vge.f32 @!p1 v4, v2  }
0x122: {  	v5 =	vmov @!p0 s30;
	v6 =	vmul.u32 @!p0 $0x80, v6;
	v7 =	vsel @!p1 vm0, $0x1, v7  }
0x123: {  	v8 =	vshll.u32 @!p0 v5, $0x7;
	(xrf0) =	vadd.scan.msk.s32 @!p1 $0xffff, v7  }
0x124: {  	v6 =	vor.u32 @!p0 v6, v8  }
0x125: {  	v5 =	vshrl.u32 @!p0 v5, $0x7;
	v6 =	vand.u32 @!p0 $0x3F80, v6  }
0x126: {  	v5 =	vor.u32 @!p0 v6, v5  }
0x127: {  	vm0 =	vge.f32 @!p0 v4, v2;
	v5 =	vor.u32 @!p0 $0x80000000, v5  }
0x128: {  	v5 =	vnsel @!p0 vm0, $0xC0000000, v5  }
0x129: {  	(xrf1) =	vsort.ascd.msk.u32 @!p0 $0xffff, v5, v4;
	v4, _, _ =	vpop @!p1 (xrf0)  }
0x12a: {  	(v2sf) =	vpush @!p1 v4, $0xF  }
0x12b: {  	(v2sf) =	vpush v3, $0x9;
	_ =	sdelay $0xb  }
0x12c: {  	v4, v5, _ =	vpop @!p0 (xrf1)  }
0x12d: {  	v4 =	vxor.u32 @!p0 $0x80000000, v4  }
0x12e: {  	vm0 =	vlt.s32 @!p0 v4, $0x40000000;
	s30 =	spop @!p1 (v2sf)  }
0x12f: {  	[tilespmem:s29+$0x4200] =	vst @!p0 v4;
	v5 =	vnsel @!p0 vm0, $0xFF800000, v5;
	s31 =	spop (v2sf)  }
0x130: {  	[tilespmem:s29+$0x4080] =	vst @!p0 v5;
	p0 =	seq.s32 s31, $0x0  }
0x131: {  	v4 =	vld @!p0 [tilespmem:s25+$0x80]  }
0x132: {  	s30 =	sadd.s32 @!p1 s29, s30  }
0x133: {  	[smem:$0x0] =	sst @!p1 s30;
	s30 =	smov.u32 @p1 s29  }
0x134: {  	p1 =	sgt.s32 @!p0 s30, $0x100  }
0x135: {  	s29 =	sadd.s32 @!p0 s28, s22;
	p1 =	por p1, p0  }
0x136: {  	v7 =	vimm.s32 @!p0 $0x0;
	s29 =	sadd.s32 @!p0 $0x480, s29;
	v6 =	vlaneseq.u32 @!p1;
	vm0 =	vge.f32 @!p0 v4, v2  }
0x137: {  	v5 =	vmov @!p1 s29;
	v6 =	vmul.u32 @!p1 $0x80, v6;
	v7 =	vsel @!p0 vm0, $0x1, v7  }
0x138: {  	v8 =	vshll.u32 @!p1 v5, $0x7;
	(xrf0) =	vadd.scan.msk.s32 @!p0 $0xffff, v7  }
0x139: {  	v6 =	vor.u32 @!p1 v6, v8  }
0x13a: {  	v5 =	vshrl.u32 @!p1 v5, $0x7;
	v6 =	vand.u32 @!p1 $0x3F80, v6  }
0x13b: {  	v5 =	vor.u32 @!p1 v6, v5  }
0x13c: {  	vm0 =	vge.f32 @!p1 v4, v2;
	v5 =	vor.u32 @!p1 $0x80000000, v5  }
0x13d: {  	v5 =	vnsel @!p1 vm0, $0xC0000000, v5  }
0x13e: {  	(xrf1) =	vsort.ascd.msk.u32 @!p1 $0xffff, v5, v4;
	v4, _, _ =	vpop @!p0 (xrf0)  }
0x13f: {  	(v2sf) =	vpush @!p0 v4, $0xF  }
0x140: {  	(v2sf) =	vpush v3, $0xA;
	_ =	sdelay $0xb  }
0x141: {  	v4, v5, _ =	vpop @!p1 (xrf1)  }
0x142: {  	v4 =	vxor.u32 @!p1 $0x80000000, v4  }
0x143: {  	vm0 =	vlt.s32 @!p1 v4, $0x40000000;
	s29 =	spop @!p0 (v2sf)  }
0x144: {  	[tilespmem:s30+$0x4200] =	vst @!p1 v4;
	v5 =	vnsel @!p1 vm0, $0xFF800000, v5;
	s31 =	spop (v2sf)  }
0x145: {  	[tilespmem:s30+$0x4080] =	vst @!p1 v5;
	p1 =	seq.s32 s31, $0x0  }
0x146: {  	v4 =	vld @!p1 [tilespmem:s25+$0x100]  }
0x147: {  	s29 =	sadd.s32 @!p0 s30, s29  }
0x148: {  	[smem:$0x0] =	sst @!p0 s29;
	s29 =	smov.u32 @p0 s30  }
0x149: {  	p0 =	sgt.s32 @!p1 s29, $0x100  }
0x14a: {  	s30 =	sadd.s32 @!p1 s28, s22;
	p0 =	por p0, p1  }
0x14b: {  	v7 =	vimm.s32 @!p1 $0x0;
	s30 =	sadd.s32 @!p1 $0x500, s30;
	v6 =	vlaneseq.u32 @!p0;
	vm0 =	vge.f32 @!p1 v4, v2  }
0x14c: {  	v5 =	vmov @!p0 s30;
	v6 =	vmul.u32 @!p0 $0x80, v6;
	v7 =	vsel @!p1 vm0, $0x1, v7  }
0x14d: {  	v8 =	vshll.u32 @!p0 v5, $0x7;
	(xrf0) =	vadd.scan.msk.s32 @!p1 $0xffff, v7  }
0x14e: {  	v6 =	vor.u32 @!p0 v6, v8  }
0x14f: {  	v5 =	vshrl.u32 @!p0 v5, $0x7;
	v6 =	vand.u32 @!p0 $0x3F80, v6  }
0x150: {  	v5 =	vor.u32 @!p0 v6, v5  }
0x151: {  	vm0 =	vge.f32 @!p0 v4, v2;
	v5 =	vor.u32 @!p0 $0x80000000, v5  }
0x152: {  	v5 =	vnsel @!p0 vm0, $0xC0000000, v5  }
0x153: {  	(xrf1) =	vsort.ascd.msk.u32 @!p0 $0xffff, v5, v4;
	v4, _, _ =	vpop @!p1 (xrf0)  }
0x154: {  	(v2sf) =	vpush @!p1 v4, $0xF  }
0x155: {  	(v2sf) =	vpush v3, $0xB;
	_ =	sdelay $0xb  }
0x156: {  	v4, v5, _ =	vpop @!p0 (xrf1)  }
0x157: {  	v4 =	vxor.u32 @!p0 $0x80000000, v4  }
0x158: {  	vm0 =	vlt.s32 @!p0 v4, $0x40000000;
	s30 =	spop @!p1 (v2sf)  }
0x159: {  	[tilespmem:s29+$0x4200] =	vst @!p0 v4;
	v5 =	vnsel @!p0 vm0, $0xFF800000, v5;
	s31 =	spop (v2sf)  }
0x15a: {  	[tilespmem:s29+$0x4080] =	vst @!p0 v5;
	p0 =	seq.s32 s31, $0x0  }
0x15b: {  	v4 =	vld @!p0 [tilespmem:s25+$0x180]  }
0x15c: {  	s30 =	sadd.s32 @!p1 s29, s30  }
0x15d: {  	[smem:$0x0] =	sst @!p1 s30;
	s30 =	smov.u32 @p1 s29  }
0x15e: {  	p1 =	sgt.s32 @!p0 s30, $0x100  }
0x15f: {  	s29 =	sadd.s32 @!p0 s28, s22;
	p1 =	por p1, p0  }
0x160: {  	v7 =	vimm.s32 @!p0 $0x0;
	s29 =	sadd.s32 @!p0 $0x580, s29;
	v6 =	vlaneseq.u32 @!p1;
	vm0 =	vge.f32 @!p0 v4, v2  }
0x161: {  	v5 =	vmov @!p1 s29;
	v6 =	vmul.u32 @!p1 $0x80, v6;
	v7 =	vsel @!p0 vm0, $0x1, v7  }
0x162: {  	v8 =	vshll.u32 @!p1 v5, $0x7;
	(xrf0) =	vadd.scan.msk.s32 @!p0 $0xffff, v7  }
0x163: {  	v6 =	vor.u32 @!p1 v6, v8  }
0x164: {  	v5 =	vshrl.u32 @!p1 v5, $0x7;
	v6 =	vand.u32 @!p1 $0x3F80, v6  }
0x165: {  	v5 =	vor.u32 @!p1 v6, v5  }
0x166: {  	vm0 =	vge.f32 @!p1 v4, v2;
	v5 =	vor.u32 @!p1 $0x80000000, v5  }
0x167: {  	v5 =	vnsel @!p1 vm0, $0xC0000000, v5  }
0x168: {  	(xrf1) =	vsort.ascd.msk.u32 @!p1 $0xffff, v5, v4;
	v4, _, _ =	vpop @!p0 (xrf0)  }
0x169: {  	(v2sf) =	vpush @!p0 v4, $0xF  }
0x16a: {  	(v2sf) =	vpush v3, $0xC;
	_ =	sdelay $0xb  }
0x16b: {  	v4, v5, _ =	vpop @!p1 (xrf1)  }
0x16c: {  	v4 =	vxor.u32 @!p1 $0x80000000, v4  }
0x16d: {  	vm0 =	vlt.s32 @!p1 v4, $0x40000000;
	s29 =	spop @!p0 (v2sf)  }
0x16e: {  	[tilespmem:s30+$0x4200] =	vst @!p1 v4;
	v5 =	vnsel @!p1 vm0, $0xFF800000, v5;
	s31 =	spop (v2sf)  }
0x16f: {  	[tilespmem:s30+$0x4080] =	vst @!p1 v5;
	p1 =	seq.s32 s31, $0x0  }
0x170: {  	v4 =	vld @!p1 [tilespmem:s25+$0x200]  }
0x171: {  	s29 =	sadd.s32 @!p0 s30, s29  }
0x172: {  	[smem:$0x0] =	sst @!p0 s29;
	s29 =	smov.u32 @p0 s30  }
0x173: {  	p0 =	sgt.s32 @!p1 s29, $0x100  }
0x174: {  	s30 =	sadd.s32 @!p1 s28, s22;
	p0 =	por p0, p1  }
0x175: {  	v7 =	vimm.s32 @!p1 $0x0;
	s30 =	sadd.s32 @!p1 $0x600, s30;
	v6 =	vlaneseq.u32 @!p0;
	vm0 =	vge.f32 @!p1 v4, v2  }
0x176: {  	v5 =	vmov @!p0 s30;
	v6 =	vmul.u32 @!p0 $0x80, v6;
	v7 =	vsel @!p1 vm0, $0x1, v7  }
0x177: {  	v8 =	vshll.u32 @!p0 v5, $0x7;
	(xrf0) =	vadd.scan.msk.s32 @!p1 $0xffff, v7  }
0x178: {  	v6 =	vor.u32 @!p0 v6, v8  }
0x179: {  	v5 =	vshrl.u32 @!p0 v5, $0x7;
	v6 =	vand.u32 @!p0 $0x3F80, v6  }
0x17a: {  	v5 =	vor.u32 @!p0 v6, v5  }
0x17b: {  	vm0 =	vge.f32 @!p0 v4, v2;
	v5 =	vor.u32 @!p0 $0x80000000, v5  }
0x17c: {  	v5 =	vnsel @!p0 vm0, $0xC0000000, v5  }
0x17d: {  	(xrf1) =	vsort.ascd.msk.u32 @!p0 $0xffff, v5, v4;
	v4, _, _ =	vpop @!p1 (xrf0)  }
0x17e: {  	(v2sf) =	vpush @!p1 v4, $0xF  }
0x17f: {  	(v2sf) =	vpush v3, $0xD;
	_ =	sdelay $0xb  }
0x180: {  	v4, v5, _ =	vpop @!p0 (xrf1)  }
0x181: {  	v4 =	vxor.u32 @!p0 $0x80000000, v4  }
0x182: {  	vm0 =	vlt.s32 @!p0 v4, $0x40000000;
	s30 =	spop @!p1 (v2sf)  }
0x183: {  	[tilespmem:s29+$0x4200] =	vst @!p0 v4;
	v5 =	vnsel @!p0 vm0, $0xFF800000, v5;
	s31 =	spop (v2sf)  }
0x184: {  	[tilespmem:s29+$0x4080] =	vst @!p0 v5;
	p0 =	seq.s32 s31, $0x0  }
0x185: {  	v4 =	vld @!p0 [tilespmem:s25+$0x280]  }
0x186: {  	s30 =	sadd.s32 @!p1 s29, s30  }
0x187: {  	[smem:$0x0] =	sst @!p1 s30;
	s30 =	smov.u32 @p1 s29  }
0x188: {  	p1 =	sgt.s32 @!p0 s30, $0x100  }
0x189: {  	s29 =	sadd.s32 @!p0 s28, s22;
	p1 =	por p1, p0  }
0x18a: {  	v7 =	vimm.s32 @!p0 $0x0;
	s29 =	sadd.s32 @!p0 $0x680, s29;
	v6 =	vlaneseq.u32 @!p1;
	vm0 =	vge.f32 @!p0 v4, v2  }
0x18b: {  	v5 =	vmov @!p1 s29;
	v6 =	vmul.u32 @!p1 $0x80, v6;
	v7 =	vsel @!p0 vm0, $0x1, v7  }
0x18c: {  	v8 =	vshll.u32 @!p1 v5, $0x7;
	(xrf0) =	vadd.scan.msk.s32 @!p0 $0xffff, v7  }
0x18d: {  	v6 =	vor.u32 @!p1 v6, v8  }
0x18e: {  	v5 =	vshrl.u32 @!p1 v5, $0x7;
	v6 =	vand.u32 @!p1 $0x3F80, v6  }
0x18f: {  	v5 =	vor.u32 @!p1 v6, v5  }
0x190: {  	vm0 =	vge.f32 @!p1 v4, v2;
	v5 =	vor.u32 @!p1 $0x80000000, v5  }
0x191: {  	v5 =	vnsel @!p1 vm0, $0xC0000000, v5  }
0x192: {  	(xrf1) =	vsort.ascd.msk.u32 @!p1 $0xffff, v5, v4;
	v4, _, _ =	vpop @!p0 (xrf0)  }
0x193: {  	(v2sf) =	vpush @!p0 v4, $0xF  }
0x194: {  	(v2sf) =	vpush v3, $0xE;
	_ =	sdelay $0xb  }
0x195: {  	v4, v5, _ =	vpop @!p1 (xrf1)  }
0x196: {  	v4 =	vxor.u32 @!p1 $0x80000000, v4  }
0x197: {  	vm0 =	vlt.s32 @!p1 v4, $0x40000000;
	s29 =	spop @!p0 (v2sf)  }
0x198: {  	[tilespmem:s30+$0x4200] =	vst @!p1 v4;
	v5 =	vnsel @!p1 vm0, $0xFF800000, v5;
	s31 =	spop (v2sf)  }
0x199: {  	[tilespmem:s30+$0x4080] =	vst @!p1 v5;
	p1 =	seq.s32 s31, $0x0  }
0x19a: {  	v4 =	vld @!p1 [tilespmem:s25+$0x300]  }
0x19b: {  	s29 =	sadd.s32 @!p0 s30, s29  }
0x19c: {  	[smem:$0x0] =	sst @!p0 s29;
	s29 =	smov.u32 @p0 s30  }
0x19d: {  	p0 =	sgt.s32 @!p1 s29, $0x100  }
0x19e: {  	s30 =	sadd.s32 @!p1 s28, s22;
	p2 =	por p0, p1  }
0x19f: {  	v7 =	vimm.s32 @!p1 $0x0;
	s30 =	sadd.s32 @!p1 $0x700, s30;
	v6 =	vlaneseq.u32 @!p2;
	vm0 =	vge.f32 @!p1 v4, v2  }
0x1a0: {  	v5 =	vmov @!p2 s30;
	v6 =	vmul.u32 @!p2 $0x80, v6;
	v7 =	vsel @!p1 vm0, $0x1, v7  }
0x1a1: {  	v8 =	vshll.u32 @!p2 v5, $0x7;
	(xrf0) =	vadd.scan.msk.s32 @!p1 $0xffff, v7  }
0x1a2: {  	v6 =	vor.u32 @!p2 v6, v8  }
0x1a3: {  	v5 =	vshrl.u32 @!p2 v5, $0x7;
	v6 =	vand.u32 @!p2 $0x3F80, v6  }
0x1a4: {  	v5 =	vor.u32 @!p2 v6, v5  }
0x1a5: {  	vm0 =	vge.f32 @!p2 v4, v2;
	v5 =	vor.u32 @!p2 $0x80000000, v5  }
0x1a6: {  	v5 =	vnsel @!p2 vm0, $0xC0000000, v5  }
0x1a7: {  	(xrf1) =	vsort.ascd.msk.u32 @!p2 $0xffff, v5, v4;
	v4, _, _ =	vpop @!p1 (xrf0)  }
0x1a8: {  	(v2sf) =	vpush @!p1 v4, $0xF  }
0x1a9: {  	(v2sf) =	vpush v3, $0xF;
	_ =	sdelay $0xb  }
0x1aa: {  	v3, v4, _ =	vpop @!p2 (xrf1)  }
0x1ab: {  	v3 =	vxor.u32 @!p2 $0x80000000, v3  }
0x1ac: {  	vm0 =	vlt.s32 @!p2 v3, $0x40000000;
	s30 =	spop @!p1 (v2sf)  }
0x1ad: {  	[tilespmem:s29+$0x4200] =	vst @!p2 v3;
	v4 =	vnsel @!p2 vm0, $0xFF800000, v4;
	s31 =	spop (v2sf)  }
0x1ae: {  	[tilespmem:s29+$0x4080] =	vst @!p2 v4;
	p0 =	seq.s32 s31, $0x0  }
0x1af: {  	v3 =	vld @!p0 [tilespmem:s25+$0x380]  }
0x1b0: {  	s30 =	sadd.s32 @!p1 s29, s30  }
0x1b1: {  	[smem:$0x0] =	sst @!p1 s30;
	s30 =	smov.u32 @p1 s29  }
0x1b2: {  	p1 =	sgt.s32 @!p0 s30, $0x100  }
0x1b3: {  	s29 =	sadd.s32 @!p0 s28, s22;
	p1 =	por p1, p0  }
0x1b4: {  	v5 =	vimm.s32 @!p0 $0x0;
	s29 =	sadd.s32 @!p0 $0x780, s29;
	v4 =	vlaneseq.u32 @!p1;
	vm0 =	vge.f32 @!p0 v3, v2  }
0x1b5: {  	v6 =	vmov @!p1 s29;
	v4 =	vmul.u32 @!p1 $0x80, v4;
	v5 =	vsel @!p0 vm0, $0x1, v5  }
0x1b6: {  	v7 =	vshll.u32 @!p1 v6, $0x7;
	(xrf0) =	vadd.scan.msk.s32 @!p0 $0xffff, v5  }
0x1b7: {  	v4 =	vor.u32 @!p1 v4, v7  }
0x1b8: {  	v4 =	vand.u32 @!p1 $0x3F80, v4;
	v5 =	vshrl.u32 @!p1 v6, $0x7  }
0x1b9: {  	v4 =	vor.u32 @!p1 v4, v5  }
0x1ba: {  	vm0 =	vge.f32 @!p1 v3, v2;
	v4 =	vor.u32 @!p1 $0x80000000, v4  }
0x1bb: {  	v4 =	vnsel @!p1 vm0, $0xC0000000, v4  }
0x1bc: {  	(xrf1) =	vsort.ascd.msk.u32 @!p1 $0xffff, v4, v3;
	v3, _, _ =	vpop @!p0 (xrf0)  }
0x1bd: {  	(v2sf) =	vpush @!p0 v3, $0xF;
	_ =	sdelay $0xc  }
.Ltmp10:
0x1be: {  	v3, v4, _ =	vpop @!p1 (xrf1);
	(pc) =	sbr.rel .LBB2_7-.Ltmp10, $4  }
0x1bf: {  	v3 =	vxor.u32 @!p1 $0x80000000, v3  }
0x1c0: {  	vm0 =	vlt.s32 @!p1 v3, $0x40000000;
	s29 =	spop @!p0 (v2sf)  }
0x1c1: {  	[tilespmem:s30+$0x4200] =	vst @!p1 v3;
	v4 =	vnsel @!p1 vm0, $0xFF800000, v4;
	s29 =	sadd.s32 @!p0 s30, s29  }
0x1c2: {  	[tilespmem:s30+$0x4080] =	vst @!p1 v4;
	[smem:$0x0] =	sst @!p0 s29;
	s29 =	smov.u32 @p0 s30  }
.LBB2_12:
0x1c3: {  	_ =	sfence.sel $0x180000  }
0x1c4: {  	[bflag:$0x0] =	sbarrier.arrive $0xFFFF  }
0x1c5: {  	p0 =	sne.s32 s3, $0x0;
	_ =	strace $0x90000047  }
0x1c6: {  	s0 =	sadd.s32 @!p0 $0x100000, s0;
	[bflag:$0x2] =	sbarrier.arrive $0xFFFF  }
0x1c7: {  	[sflag:s0] =	ssyncadd.tile.s32 @!p0 $0x1;
	_ =	shalt  }
.Lfunc_end2:
_tile_overlayer_lowered:
.L_overlay_start_2:
0x1c8: {  	(tag) =	ssettag $0x2  }
0x1c9: {  	s0 =	rddreg [dreg:$0x0];
	s2 =	stileid.u32  }
0x1ca: {  	s1 =	rddreg [dreg:$0x1];
	p0 =	sne.s32 s2, $0x0  }
0x1cb: {  	s3 =	rddreg [dreg:$0x2];
	[bflag:$0x3] =	sbarrier.arrive $0xFFFF;
	s2 =	simm.s32 @!p0 $0x1C02  }
0x1cc: {  	[timem:s3], [sflag:s2] =	dma.local @!p0 [hbm:s0], s1  }
0x1cd: {  	s0 =	simm.s32 @!p0 $0x2  }
0x1ce: {  	_ =	swait.ge @!p0 [sflag:s0], s1  }
0x1cf: {  	s1 =	ssub.s32 @!p0 $0x0, s1;
	[sflag:s0] =	ssyncset.done @!p0 $0x0  }
0x1d0: {  	[sflag:s0] =	ssyncadd.s32 @!p0 s1  }
0x1d1: {  	[bflag:$0x3] =	sbarrier.arrive $0xFFFF  }
0x1d2: {  	_ =	shalt  }

</sc_bundles>
